<compile_context>
chip_gen: v7x
topology: tpu7x:2x2x1
jax: 0.10.2.dev20260603
libtpu: 0.0.44.dev20260713+nightly
codegen_flags: <defaults>
</compile_context>

<pallas_src>
import functools

import jax
import jax.numpy as jnp
from jax import lax
from jax.experimental import pallas as pl
from jax.experimental.pallas import tpu as pltpu
from jax.experimental.pallas import tpu_sc as plsc

N = 10000
E = 320000
D = 128
H = 64
C = 40
C_PAD = 48

N_PAD = 10240
ROWS_PER_TILE = 640
NW = 32
CHUNK = 128
NCHUNK = 81
RING = 4
E_PAD = NW * NCHUNK * CHUNK

RB = 256
GRID = N_PAD // RB

_MESH = plsc.VectorSubcoreMesh(core_axis_name="c", subcore_axis_name="s")
_SC_PARAMS = pltpu.CompilerParams(use_tc_tiling_on_sc=False)



def _fill(buf, rows, width, value):
    def body(i, _):
        for k in range(width // 16):
            buf[i, pl.ds(16 * k, 16)] = jnp.full((16,), value, jnp.float32)
        return 0
    lax.fori_loop(0, rows, body, 0)


@functools.partial(
    pl.kernel,
    out_type=jax.ShapeDtypeStruct((2, N_PAD, 16), jnp.float32),
    mesh=_MESH,
    compiler_params=_SC_PARAMS,
    scratch_types=[
        pltpu.VMEM((NCHUNK, CHUNK), jnp.int32),
        pltpu.VMEM((CHUNK, 16), jnp.float32),
        pltpu.VMEM((CHUNK, 16), jnp.float32),
        pltpu.VMEM_SHARED((N_PAD, 16), jnp.float32),
        pltpu.SemaphoreType.DMA,
    ],
)
def _sc_degree(dst_hbm, out_hbm, dst_v, ones_v, zbuf_v, acc, sem):
    c = lax.axis_index("c")
    s = lax.axis_index("s")
    w = s * 2 + c
    _fill(ones_v, CHUNK, 16, 1.0)
    _fill(zbuf_v, CHUNK, 16, 0.0)
    base = s * ROWS_PER_TILE
    for t in range(ROWS_PER_TILE // CHUNK):
        pltpu.sync_copy(zbuf_v, acc.at[pl.ds(base + t * CHUNK, CHUNK)])
    plsc.subcore_barrier()
    pltpu.sync_copy(dst_hbm.at[w], dst_v)

    def step(j, _):
        pltpu.async_copy(ones_v, acc.at[dst_v.at[j]], sem, add=True)
        return 0
    lax.fori_loop(0, NCHUNK, step, 0)

    def drain(j, _):
        pltpu.make_async_copy(ones_v, acc.at[dst_v.at[j]], sem).wait()
        return 0
    lax.fori_loop(0, NCHUNK, drain, 0)
    plsc.subcore_barrier()
    for t in range(ROWS_PER_TILE // CHUNK):
        pltpu.sync_copy(acc.at[pl.ds(base + t * CHUNK, CHUNK)], zbuf_v)
        pltpu.sync_copy(zbuf_v, out_hbm.at[c, pl.ds(base + t * CHUNK, CHUNK)])


def _make_sc_agg(feat):
    @functools.partial(
        pl.kernel,
        out_type=jax.ShapeDtypeStruct((2, N_PAD, feat), jnp.float32),
        mesh=_MESH,
        compiler_params=_SC_PARAMS,
        scratch_types=[
            pltpu.VMEM((NCHUNK, CHUNK), jnp.int32),
            pltpu.VMEM((NCHUNK, CHUNK), jnp.int32),
            pltpu.VMEM((RING * CHUNK, feat), jnp.float32),
            pltpu.VMEM_SHARED((N_PAD, feat), jnp.float32),
        ] + [pltpu.SemaphoreType.DMA] * (2 * RING),
    )
    def agg(hs_hbm, src_hbm, dst_hbm, out_hbm, src_v, dst_v, bufs, acc, *sems):
        gsems, ssems = sems[:RING], sems[RING:]
        c = lax.axis_index("c")
        s = lax.axis_index("s")
        w = s * 2 + c

        def buf(b):
            return bufs.at[pl.ds(b * CHUNK, CHUNK)]

        _fill(bufs, CHUNK, feat, 0.0)
        base = s * ROWS_PER_TILE
        for t in range(ROWS_PER_TILE // CHUNK):
            pltpu.sync_copy(buf(0), acc.at[pl.ds(base + t * CHUNK, CHUNK)])
        plsc.subcore_barrier()
        pltpu.sync_copy(src_hbm.at[w], src_v)
        pltpu.sync_copy(dst_hbm.at[w], dst_v)

        def gather(j, b):
            pltpu.async_copy(hs_hbm.at[src_v.at[j]], buf(b), gsems[b])

        def gwait(j, b):
            pltpu.make_async_copy(hs_hbm.at[src_v.at[j]], buf(b), gsems[b]).wait()

        def scatter(j, b):
            pltpu.async_copy(buf(b), acc.at[dst_v.at[j]], ssems[b], add=True)

        def swait(j, b):
            pltpu.make_async_copy(buf(b), acc.at[dst_v.at[j]], ssems[b]).wait()

        def step(j, k, prefetch, wait_prior):
            if wait_prior:
                swait(j - 2, (k + 2) % RING)
            if prefetch:
                gather(j + 2, (k + 2) % RING)
            gwait(j, k)
            scatter(j, k)

        gather(0, 0)
        gather(1, 1)
        step(0, 0, True, False)
        step(1, 1, True, False)

        def group(t, _):
            j = 4 * t + 2
            for k in range(4):
                step(j + k, (2 + k) % RING, True, True)
            return 0
        lax.fori_loop(0, (NCHUNK - 5) // 4, group, 0)

        for j in range(NCHUNK - 3, NCHUNK):
            step(j, j % RING, j + 2 < NCHUNK, True)
        swait(NCHUNK - 2, (NCHUNK - 2) % RING)
        swait(NCHUNK - 1, (NCHUNK - 1) % RING)
        plsc.subcore_barrier()
        for t in range(ROWS_PER_TILE // CHUNK):
            pltpu.sync_copy(acc.at[pl.ds(base + t * CHUNK, CHUNK)], buf(0))
            pltpu.sync_copy(buf(0), out_hbm.at[c, pl.ds(base + t * CHUNK, CHUNK)])
    return agg


_sc_agg64 = _make_sc_agg(H)
_sc_agg48 = _make_sc_agg(C_PAD)



def _tc1a_body(x_ref, w1_ref, h1_ref):
    h1_ref[...] = jnp.dot(x_ref[...], w1_ref[...],
                          preferred_element_type=jnp.float32)


def _tc1b_body(deg_ref, h1_ref, hs1_ref, dinv_ref):
    degs = deg_ref[0] + deg_ref[1]
    deg = degs[:, 0:1]
    dinv = jnp.where(deg > 0, lax.rsqrt(deg), 0.0)
    hs1_ref[...] = h1_ref[...] * dinv
    dinv_ref[...] = dinv


def _tc2_body(p_ref, dinv_ref, b1_ref, w2_ref, hs2_ref):
    dinv = dinv_ref[...]
    z = (p_ref[0] + p_ref[1]) * dinv + b1_ref[...]
    r = jnp.maximum(z, 0.0)
    h2 = jnp.dot(r, w2_ref[...], preferred_element_type=jnp.float32)
    hs2_ref[...] = h2 * dinv


def _tc3_body(p_ref, dinv_ref, b2_ref, lp_ref, z_ref):
    z = (p_ref[0] + p_ref[1]) * dinv_ref[...] + b2_ref[...]
    col = lax.broadcasted_iota(jnp.int32, (RB, C_PAD), 1)
    valid = col < C
    zm = jnp.where(valid, z, -jnp.inf)
    m = jnp.max(zm, axis=1, keepdims=True)
    e = jnp.where(valid, jnp.exp(z - m), 0.0)
    ssum = jnp.sum(e, axis=1, keepdims=True)
    lp_ref[...] = z - m - jnp.log(ssum)
    z_ref[...] = z


_tc1a = pl.pallas_call(
    _tc1a_body,
    grid=(GRID,),
    in_specs=[
        pl.BlockSpec((RB, D), lambda i: (i, 0)),
        pl.BlockSpec((D, H), lambda i: (0, 0)),
    ],
    out_specs=pl.BlockSpec((RB, H), lambda i: (i, 0)),
    out_shape=jax.ShapeDtypeStruct((N_PAD, H), jnp.float32),
)

_tc1b = pl.pallas_call(
    _tc1b_body,
    grid=(GRID,),
    in_specs=[
        pl.BlockSpec((2, RB, 16), lambda i: (0, i, 0)),
        pl.BlockSpec((RB, H), lambda i: (i, 0)),
    ],
    out_specs=[
        pl.BlockSpec((RB, H), lambda i: (i, 0)),
        pl.BlockSpec((RB, 1), lambda i: (i, 0)),
    ],
    out_shape=[
        jax.ShapeDtypeStruct((N_PAD, H), jnp.float32),
        jax.ShapeDtypeStruct((N_PAD, 1), jnp.float32),
    ],
)

_tc2 = pl.pallas_call(
    _tc2_body,
    grid=(GRID,),
    in_specs=[
        pl.BlockSpec((2, RB, H), lambda i: (0, i, 0)),
        pl.BlockSpec((RB, 1), lambda i: (i, 0)),
        pl.BlockSpec((1, H), lambda i: (0, 0)),
        pl.BlockSpec((H, C_PAD), lambda i: (0, 0)),
    ],
    out_specs=pl.BlockSpec((RB, C_PAD), lambda i: (i, 0)),
    out_shape=jax.ShapeDtypeStruct((N_PAD, C_PAD), jnp.float32),
)

_tc3 = pl.pallas_call(
    _tc3_body,
    grid=(GRID,),
    in_specs=[
        pl.BlockSpec((2, RB, C_PAD), lambda i: (0, i, 0)),
        pl.BlockSpec((RB, 1), lambda i: (i, 0)),
        pl.BlockSpec((1, C_PAD), lambda i: (0, 0)),
    ],
    out_specs=[
        pl.BlockSpec((RB, C_PAD), lambda i: (i, 0)),
        pl.BlockSpec((RB, C_PAD), lambda i: (i, 0)),
    ],
    out_shape=[
        jax.ShapeDtypeStruct((N_PAD, C_PAD), jnp.float32),
        jax.ShapeDtypeStruct((N_PAD, C_PAD), jnp.float32),
    ],
)



def kernel(x, edge_index, W1, b1, W2, b2):
    loop = jnp.arange(N, dtype=jnp.int32)
    fill = N + jnp.arange(E_PAD - E - N, dtype=jnp.int32) % (N_PAD - N)
    src = jnp.concatenate([edge_index[0], loop, fill]).reshape(NW, NCHUNK, CHUNK)
    dst = jnp.concatenate([edge_index[1], loop, fill]).reshape(NW, NCHUNK, CHUNK)

    xp = jnp.pad(x, ((0, N_PAD - N), (0, 0)))
    w2p = jnp.pad(W2, ((0, 0), (0, C_PAD - C)))
    b1r = b1.reshape(1, H)
    b2r = jnp.pad(b2, (0, C_PAD - C)).reshape(1, C_PAD)

    deg_parts = _sc_degree(dst)
    h1 = _tc1a(xp, W1)
    hs1, dinv = _tc1b(deg_parts, h1)
    agg1 = _sc_agg64(hs1, src, dst)
    hs2 = _tc2(agg1, dinv, b1r, w2p)
    agg2 = _sc_agg48(hs2, src, dst)
    lp, z = _tc3(agg2, dinv, b2r)

    return (lp[:N, :C], z[:N, :C], jnp.float32(0.0))

# --- scband reference (transcript-rebuilt; emitter-appended) ---
"""Pipeline reference for scband-net-68298569941027 (READ-ONLY COPY).

The authoritative reference and input builder live on the scoring server;
editing this copy changes nothing except your own understanding.
"""

import jax, jax.numpy as jnp
import numpy as np

N = 10000
E = 320000
D = 128
H = 64
C = 40


def setup_inputs(seed: int = 0) -> dict:
    key = jax.random.key(seed)
    k1, k2, k3, k4, k5, k6 = jax.random.split(key, 6)
    x = jax.random.normal(k1, (N, D), dtype=jnp.float32)
    edge_index = jax.random.randint(k2, (2, E), 0, N, dtype=jnp.int32)
    W1 = jax.random.normal(k3, (D, H), dtype=jnp.float32) * (1.0 / np.sqrt(D))
    b1 = jnp.zeros((H,), dtype=jnp.float32)
    W2 = jax.random.normal(k4, (H, C), dtype=jnp.float32) * (1.0 / np.sqrt(H))
    b2 = jnp.zeros((C,), dtype=jnp.float32)
    return {"x": x, "edge_index": edge_index, "W1": W1, "b1": b1, "W2": W2, "b2": b2}


def _gcn_conv(x, edge_index, W, b):
    # GCNConv: add self-loops, symmetric normalization, aggregate, linear.
    n = x.shape[0]
    loop = jnp.arange(n, dtype=edge_index.dtype)
    src = jnp.concatenate([edge_index[0], loop])
    dst = jnp.concatenate([edge_index[1], loop])
    deg = jnp.zeros((n,), dtype=x.dtype).at[dst].add(1.0)
    dinv = jnp.where(deg > 0, deg ** -0.5, 0.0)
    norm = dinv[src] * dinv[dst]
    h = x @ W
    msg = jnp.take(h, src, axis=0) * norm[:, None]
    out = jnp.zeros((n, W.shape[1]), dtype=x.dtype).at[dst].add(msg)
    return out + b


def reference(x, edge_index, W1, b1, W2, b2):
    h = _gcn_conv(x, edge_index, W1, b1)
    h = jax.nn.relu(h)
    # F.dropout at inference treated as identity (deterministic reference)
    x_out = _gcn_conv(h, edge_index, W2, b2)
    log_probs = jax.nn.log_softmax(x_out, axis=1)
    err = jnp.float32(0.0)
    return (log_probs, x_out, err)

if __name__ == "__main__":
    import jax
    _d = setup_inputs()
    print(jax.jit(kernel)(*tuple(_d.values())))

</pallas_src>

<mosaic_0001>
#map = affine_map<(d0, d1) -> (0, 0, 0)>
module attributes {stable_mosaic.version = 14 : i64} {
  func.func @_sc_degree(%arg0: i32, %arg1: i32, %arg2: memref<32x81x128xi32, #tpu.memory_space<hbm>>, %arg3: memref<2x10240x16xf32, #tpu.memory_space<hbm>>, %arg4: memref<81x128xi32, #tpu.memory_space<vmem>>, %arg5: memref<128x16xf32, #tpu.memory_space<vmem>>, %arg6: memref<128x16xf32, #tpu.memory_space<vmem>>, %arg7: memref<10240x16xf32, #tpu.memory_space<vmem_shared>>, %arg8: memref<!tpu.dma_semaphore, #tpu.memory_space<semaphore_mem>>) attributes {dimension_semantics = [#tpu.dimension_semantics<core_parallel>, #tpu.dimension_semantics<subcore_parallel>], iteration_bounds = array<i64: 2, 16>, scalar_prefetch = 0 : i64, scratch_operands = 5 : i64, tpu.core_type = #tpu.core_type<sc_vector_subcore>, window_params = [{transform_indices = #map}, {transform_indices = #map}]} {
    %mul3A = arith.constant 2 : i32
    %mul3A_0 = arith.muli %arg1, %mul3A : i32
    %add3A = arith.addi %mul3A_0, %arg0 : i32
    %scan3A = arith.constant 0 : i32
    %scan3A_1 = arith.constant 0 : i32
    %scan3A_2 = arith.constant 128 : i32
    %scan3A_3 = arith.addi %scan3A_1, %scan3A_2 : i32
    %scan3A_4 = arith.constant 1 : i32
    %scan3A_5 = scf.for %scan3A_61 = %scan3A_1 to %scan3A_3 step %scan3A_4 iter_args(%scan3A_62 = %scan3A) -> (i32)  : i32 {
      %broadcast_in_dim3A = arith.constant 1.000000e+00 : f32
      %broadcast_in_dim3A_63 = vector.broadcast %broadcast_in_dim3A : f32 to vector<16xf32>
      %swap3A = arith.index_cast %scan3A_61 : i32 to index
      %swap3A_64 = arith.constant 0 : index
      %swap3A_65 = tpu.vector_load %arg5[%swap3A, %swap3A_64] {strides = array<i32>} : memref<128x16xf32, #tpu.memory_space<vmem>>, vector<1x16xf32>,
      %swap3A_66 = vector.shape_cast %swap3A_65 : vector<1x16xf32> to vector<16xf32>
      %swap3A_67 = vector.shape_cast %broadcast_in_dim3A_63 : vector<16xf32> to vector<1x16xf32>
      tpu.vector_store %arg5[%swap3A, %swap3A_64], %swap3A_67 {strides = array<i32>} : memref<128x16xf32, #tpu.memory_space<vmem>>, vector<1x16xf32>,
      %scan3A_68 = arith.constant 0 : i32
      scf.yield %scan3A_68 : i32
    }
    %scan3A_6 = arith.constant 128 : i32
    %scan3A_7 = arith.constant 0 : i32
    %scan3A_8 = arith.constant 0 : i32
    %scan3A_9 = arith.constant 128 : i32
    %scan3A_10 = arith.addi %scan3A_8, %scan3A_9 : i32
    %scan3A_11 = arith.constant 1 : i32
    %scan3A_12 = scf.for %scan3A_61 = %scan3A_8 to %scan3A_10 step %scan3A_11 iter_args(%scan3A_62 = %scan3A_7) -> (i32)  : i32 {
      %broadcast_in_dim3A = arith.constant 0.000000e+00 : f32
      %broadcast_in_dim3A_63 = vector.broadcast %broadcast_in_dim3A : f32 to vector<16xf32>
      %swap3A = arith.index_cast %scan3A_61 : i32 to index
      %swap3A_64 = arith.constant 0 : index
      %swap3A_65 = tpu.vector_load %arg6[%swap3A, %swap3A_64] {strides = array<i32>} : memref<128x16xf32, #tpu.memory_space<vmem>>, vector<1x16xf32>,
      %swap3A_66 = vector.shape_cast %swap3A_65 : vector<1x16xf32> to vector<16xf32>
      %swap3A_67 = vector.shape_cast %broadcast_in_dim3A_63 : vector<16xf32> to vector<1x16xf32>
      tpu.vector_store %arg6[%swap3A, %swap3A_64], %swap3A_67 {strides = array<i32>} : memref<128x16xf32, #tpu.memory_space<vmem>>, vector<1x16xf32>,
      %scan3A_68 = arith.constant 0 : i32
      scf.yield %scan3A_68 : i32
    }
    %scan3A_13 = arith.constant 128 : i32
    %mul3A_14 = arith.constant 640 : i32
    %mul3A_15 = arith.muli %arg1, %mul3A_14 : i32
    %add3A_16 = arith.constant 0 : i32
    %add3A_17 = arith.addi %mul3A_15, %add3A_16 : i32
    "tpu.region"() ({
      %run_scoped3A = tpu.sem_alloc : memref<!tpu.dma_semaphore, #tpu.memory_space<semaphore_mem>>
      %dma_start3A = arith.constant 0 : i32
      %dma_start3A_61 = tpu.memref_slice %arg7[%add3A_17, %dma_start3A] : memref<10240x16xf32, #tpu.memory_space<vmem_shared>> -> memref<128x16xf32, #tpu.memory_space<vmem_shared>>
      %dma_start3A_62 = arith.constant 0 : i32
      %dma_start3A_63 = tpu.memref_slice %arg7[%add3A_17, %dma_start3A_62] : memref<10240x16xf32, #tpu.memory_space<vmem_shared>> -> memref<128x16xf32, #tpu.memory_space<vmem_shared>>
      tpu.enqueue_dma source(%arg6 : memref<128x16xf32, #tpu.memory_space<vmem>>) target(%dma_start3A_63 : memref<128x16xf32, #tpu.memory_space<vmem_shared>>) target_semaphore(%run_scoped3A : memref<!tpu.dma_semaphore, #tpu.memory_space<semaphore_mem>>)
      %dma_wait3A = arith.constant 0 : i32
      %dma_wait3A_64 = tpu.memref_slice %arg7[%add3A_17, %dma_wait3A] : memref<10240x16xf32, #tpu.memory_space<vmem_shared>> -> memref<128x16xf32, #tpu.memory_space<vmem_shared>>
      %dma_wait3A_65 = arith.constant 0 : i32
      %dma_wait3A_66 = tpu.memref_slice %arg7[%add3A_17, %dma_wait3A_65] : memref<10240x16xf32, #tpu.memory_space<vmem_shared>> -> memref<128x16xf32, #tpu.memory_space<vmem_shared>>
      tpu.wait_dma2 semaphore(%run_scoped3A : memref<!tpu.dma_semaphore, #tpu.memory_space<semaphore_mem>>) src(%arg6 : memref<128x16xf32, #tpu.memory_space<vmem>>) dst(%dma_wait3A_66 : memref<128x16xf32, #tpu.memory_space<vmem_shared>>)
      tpu.yield
    }) : () -> ()
    %add3A_18 = arith.constant 128 : i32
    %add3A_19 = arith.addi %mul3A_15, %add3A_18 : i32
    "tpu.region"() ({
      %run_scoped3A = tpu.sem_alloc : memref<!tpu.dma_semaphore, #tpu.memory_space<semaphore_mem>>
      %dma_start3A = arith.constant 0 : i32
      %dma_start3A_61 = tpu.memref_slice %arg7[%add3A_19, %dma_start3A] : memref<10240x16xf32, #tpu.memory_space<vmem_shared>> -> memref<128x16xf32, #tpu.memory_space<vmem_shared>>
      %dma_start3A_62 = arith.constant 0 : i32
      %dma_start3A_63 = tpu.memref_slice %arg7[%add3A_19, %dma_start3A_62] : memref<10240x16xf32, #tpu.memory_space<vmem_shared>> -> memref<128x16xf32, #tpu.memory_space<vmem_shared>>
      tpu.enqueue_dma source(%arg6 : memref<128x16xf32, #tpu.memory_space<vmem>>) target(%dma_start3A_63 : memref<128x16xf32, #tpu.memory_space<vmem_shared>>) target_semaphore(%run_scoped3A : memref<!tpu.dma_semaphore, #tpu.memory_space<semaphore_mem>>)
      %dma_wait3A = arith.constant 0 : i32
      %dma_wait3A_64 = tpu.memref_slice %arg7[%add3A_19, %dma_wait3A] : memref<10240x16xf32, #tpu.memory_space<vmem_shared>> -> memref<128x16xf32, #tpu.memory_space<vmem_shared>>
      %dma_wait3A_65 = arith.constant 0 : i32
      %dma_wait3A_66 = tpu.memref_slice %arg7[%add3A_19, %dma_wait3A_65] : memref<10240x16xf32, #tpu.memory_space<vmem_shared>> -> memref<128x16xf32, #tpu.memory_space<vmem_shared>>
      tpu.wait_dma2 semaphore(%run_scoped3A : memref<!tpu.dma_semaphore, #tpu.memory_space<semaphore_mem>>) src(%arg6 : memref<128x16xf32, #tpu.memory_space<vmem>>) dst(%dma_wait3A_66 : memref<128x16xf32, #tpu.memory_space<vmem_shared>>)
      tpu.yield
    }) : () -> ()
    %add3A_20 = arith.constant 256 : i32
    %add3A_21 = arith.addi %mul3A_15, %add3A_20 : i32
    "tpu.region"() ({
      %run_scoped3A = tpu.sem_alloc : memref<!tpu.dma_semaphore, #tpu.memory_space<semaphore_mem>>
      %dma_start3A = arith.constant 0 : i32
      %dma_start3A_61 = tpu.memref_slice %arg7[%add3A_21, %dma_start3A] : memref<10240x16xf32, #tpu.memory_space<vmem_shared>> -> memref<128x16xf32, #tpu.memory_space<vmem_shared>>
      %dma_start3A_62 = arith.constant 0 : i32
      %dma_start3A_63 = tpu.memref_slice %arg7[%add3A_21, %dma_start3A_62] : memref<10240x16xf32, #tpu.memory_space<vmem_shared>> -> memref<128x16xf32, #tpu.memory_space<vmem_shared>>
      tpu.enqueue_dma source(%arg6 : memref<128x16xf32, #tpu.memory_space<vmem>>) target(%dma_start3A_63 : memref<128x16xf32, #tpu.memory_space<vmem_shared>>) target_semaphore(%run_scoped3A : memref<!tpu.dma_semaphore, #tpu.memory_space<semaphore_mem>>)
      %dma_wait3A = arith.constant 0 : i32
      %dma_wait3A_64 = tpu.memref_slice %arg7[%add3A_21, %dma_wait3A] : memref<10240x16xf32, #tpu.memory_space<vmem_shared>> -> memref<128x16xf32, #tpu.memory_space<vmem_shared>>
      %dma_wait3A_65 = arith.constant 0 : i32
      %dma_wait3A_66 = tpu.memref_slice %arg7[%add3A_21, %dma_wait3A_65] : memref<10240x16xf32, #tpu.memory_space<vmem_shared>> -> memref<128x16xf32, #tpu.memory_space<vmem_shared>>
      tpu.wait_dma2 semaphore(%run_scoped3A : memref<!tpu.dma_semaphore, #tpu.memory_space<semaphore_mem>>) src(%arg6 : memref<128x16xf32, #tpu.memory_space<vmem>>) dst(%dma_wait3A_66 : memref<128x16xf32, #tpu.memory_space<vmem_shared>>)
      tpu.yield
    }) : () -> ()
    %add3A_22 = arith.constant 384 : i32
    %add3A_23 = arith.addi %mul3A_15, %add3A_22 : i32
    "tpu.region"() ({
      %run_scoped3A = tpu.sem_alloc : memref<!tpu.dma_semaphore, #tpu.memory_space<semaphore_mem>>
      %dma_start3A = arith.constant 0 : i32
      %dma_start3A_61 = tpu.memref_slice %arg7[%add3A_23, %dma_start3A] : memref<10240x16xf32, #tpu.memory_space<vmem_shared>> -> memref<128x16xf32, #tpu.memory_space<vmem_shared>>
      %dma_start3A_62 = arith.constant 0 : i32
      %dma_start3A_63 = tpu.memref_slice %arg7[%add3A_23, %dma_start3A_62] : memref<10240x16xf32, #tpu.memory_space<vmem_shared>> -> memref<128x16xf32, #tpu.memory_space<vmem_shared>>
      tpu.enqueue_dma source(%arg6 : memref<128x16xf32, #tpu.memory_space<vmem>>) target(%dma_start3A_63 : memref<128x16xf32, #tpu.memory_space<vmem_shared>>) target_semaphore(%run_scoped3A : memref<!tpu.dma_semaphore, #tpu.memory_space<semaphore_mem>>)
      %dma_wait3A = arith.constant 0 : i32
      %dma_wait3A_64 = tpu.memref_slice %arg7[%add3A_23, %dma_wait3A] : memref<10240x16xf32, #tpu.memory_space<vmem_shared>> -> memref<128x16xf32, #tpu.memory_space<vmem_shared>>
      %dma_wait3A_65 = arith.constant 0 : i32
      %dma_wait3A_66 = tpu.memref_slice %arg7[%add3A_23, %dma_wait3A_65] : memref<10240x16xf32, #tpu.memory_space<vmem_shared>> -> memref<128x16xf32, #tpu.memory_space<vmem_shared>>
      tpu.wait_dma2 semaphore(%run_scoped3A : memref<!tpu.dma_semaphore, #tpu.memory_space<semaphore_mem>>) src(%arg6 : memref<128x16xf32, #tpu.memory_space<vmem>>) dst(%dma_wait3A_66 : memref<128x16xf32, #tpu.memory_space<vmem_shared>>)
      tpu.yield
    }) : () -> ()
    %add3A_24 = arith.constant 512 : i32
    %add3A_25 = arith.addi %mul3A_15, %add3A_24 : i32
    "tpu.region"() ({
      %run_scoped3A = tpu.sem_alloc : memref<!tpu.dma_semaphore, #tpu.memory_space<semaphore_mem>>
      %dma_start3A = arith.constant 0 : i32
      %dma_start3A_61 = tpu.memref_slice %arg7[%add3A_25, %dma_start3A] : memref<10240x16xf32, #tpu.memory_space<vmem_shared>> -> memref<128x16xf32, #tpu.memory_space<vmem_shared>>
      %dma_start3A_62 = arith.constant 0 : i32
      %dma_start3A_63 = tpu.memref_slice %arg7[%add3A_25, %dma_start3A_62] : memref<10240x16xf32, #tpu.memory_space<vmem_shared>> -> memref<128x16xf32, #tpu.memory_space<vmem_shared>>
      tpu.enqueue_dma source(%arg6 : memref<128x16xf32, #tpu.memory_space<vmem>>) target(%dma_start3A_63 : memref<128x16xf32, #tpu.memory_space<vmem_shared>>) target_semaphore(%run_scoped3A : memref<!tpu.dma_semaphore, #tpu.memory_space<semaphore_mem>>)
      %dma_wait3A = arith.constant 0 : i32
      %dma_wait3A_64 = tpu.memref_slice %arg7[%add3A_25, %dma_wait3A] : memref<10240x16xf32, #tpu.memory_space<vmem_shared>> -> memref<128x16xf32, #tpu.memory_space<vmem_shared>>
      %dma_wait3A_65 = arith.constant 0 : i32
      %dma_wait3A_66 = tpu.memref_slice %arg7[%add3A_25, %dma_wait3A_65] : memref<10240x16xf32, #tpu.memory_space<vmem_shared>> -> memref<128x16xf32, #tpu.memory_space<vmem_shared>>
      tpu.wait_dma2 semaphore(%run_scoped3A : memref<!tpu.dma_semaphore, #tpu.memory_space<semaphore_mem>>) src(%arg6 : memref<128x16xf32, #tpu.memory_space<vmem>>) dst(%dma_wait3A_66 : memref<128x16xf32, #tpu.memory_space<vmem_shared>>)
      tpu.yield
    }) : () -> ()
    %barrier3A = arith.constant 0 : index
    tpu.barrier barrier_id(%barrier3A)
    "tpu.region"() ({
      %run_scoped3A = tpu.sem_alloc : memref<!tpu.dma_semaphore, #tpu.memory_space<semaphore_mem>>
      %dma_start3A = arith.constant 0 : i32
      %dma_start3A_61 = arith.constant 0 : i32
      %dma_start3A_62 = tpu.memref_slice %arg2[%add3A, %dma_start3A, %dma_start3A_61] : memref<32x81x128xi32, #tpu.memory_space<hbm>> -> memref<1x81x128xi32, #tpu.memory_space<hbm>>
      %dma_start3A_63 = tpu.memref_squeeze %dma_start3A_62 : memref<1x81x128xi32, #tpu.memory_space<hbm>> -> memref<81x128xi32, #tpu.memory_space<hbm>>
      %dma_start3A_64 = arith.constant 0 : i32
      %dma_start3A_65 = arith.constant 0 : i32
      %dma_start3A_66 = tpu.memref_slice %arg2[%add3A, %dma_start3A_64, %dma_start3A_65] : memref<32x81x128xi32, #tpu.memory_space<hbm>> -> memref<1x81x128xi32, #tpu.memory_space<hbm>>
      %dma_start3A_67 = tpu.memref_squeeze %dma_start3A_66 : memref<1x81x128xi32, #tpu.memory_space<hbm>> -> memref<81x128xi32, #tpu.memory_space<hbm>>
      tpu.enqueue_dma source(%dma_start3A_67 : memref<81x128xi32, #tpu.memory_space<hbm>>) target(%arg4 : memref<81x128xi32, #tpu.memory_space<vmem>>) target_semaphore(%run_scoped3A : memref<!tpu.dma_semaphore, #tpu.memory_space<semaphore_mem>>)
      %dma_wait3A = arith.constant 0 : i32
      %dma_wait3A_68 = arith.constant 0 : i32
      %dma_wait3A_69 = tpu.memref_slice %arg2[%add3A, %dma_wait3A, %dma_wait3A_68] : memref<32x81x128xi32, #tpu.memory_space<hbm>> -> memref<1x81x128xi32, #tpu.memory_space<hbm>>
      %dma_wait3A_70 = tpu.memref_squeeze %dma_wait3A_69 : memref<1x81x128xi32, #tpu.memory_space<hbm>> -> memref<81x128xi32, #tpu.memory_space<hbm>>
      %dma_wait3A_71 = arith.constant 0 : i32
      %dma_wait3A_72 = arith.constant 0 : i32
      %dma_wait3A_73 = tpu.memref_slice %arg2[%add3A, %dma_wait3A_71, %dma_wait3A_72] : memref<32x81x128xi32, #tpu.memory_space<hbm>> -> memref<1x81x128xi32, #tpu.memory_space<hbm>>
      %dma_wait3A_74 = tpu.memref_squeeze %dma_wait3A_73 : memref<1x81x128xi32, #tpu.memory_space<hbm>> -> memref<81x128xi32, #tpu.memory_space<hbm>>
      tpu.wait_dma2 semaphore(%run_scoped3A : memref<!tpu.dma_semaphore, #tpu.memory_space<semaphore_mem>>) src(%dma_wait3A_74 : memref<81x128xi32, #tpu.memory_space<hbm>>) dst(%arg4 : memref<81x128xi32, #tpu.memory_space<vmem>>)
      tpu.yield
    }) : () -> ()
    %scan3A_26 = arith.constant 0 : i32
    %scan3A_27 = arith.constant 0 : i32
    %scan3A_28 = arith.constant 81 : i32
    %scan3A_29 = arith.addi %scan3A_27, %scan3A_28 : i32
    %scan3A_30 = arith.constant 1 : i32
    %scan3A_31 = scf.for %scan3A_61 = %scan3A_27 to %scan3A_29 step %scan3A_30 iter_args(%scan3A_62 = %scan3A_26) -> (i32)  : i32 {
      %dma_start3A = arith.constant 0 : i32
      %dma_start3A_63 = tpu.memref_slice %arg4[%scan3A_61, %dma_start3A] : memref<81x128xi32, #tpu.memory_space<vmem>> -> memref<1x128xi32, #tpu.memory_space<vmem>>
      %dma_start3A_64 = tpu.memref_squeeze %dma_start3A_63 : memref<1x128xi32, #tpu.memory_space<vmem>> -> memref<128xi32, #tpu.memory_space<vmem>>
      %dma_start3A_65 = arith.constant 0 : i32
      %dma_start3A_66 = arith.constant 0 : i32
      %dma_start3A_67 = tpu.memref_slice %arg7[%dma_start3A_65, %dma_start3A_66] : memref<10240x16xf32, #tpu.memory_space<vmem_shared>> -> memref<10240x16xf32, #tpu.memory_space<vmem_shared>>
      tpu.enqueue_indirect_dma source(%arg5 : memref<128x16xf32, #tpu.memory_space<vmem>>) target(%dma_start3A_67 : memref<10240x16xf32, #tpu.memory_space<vmem_shared>>) offsets(%dma_start3A_64 : memref<128xi32, #tpu.memory_space<vmem>>) semaphore(%arg8 : memref<!tpu.dma_semaphore, #tpu.memory_space<semaphore_mem>>) {add = true}
      %scan3A_68 = arith.constant 0 : i32
      scf.yield %scan3A_68 : i32
    }
    %scan3A_32 = arith.constant 81 : i32
    %scan3A_33 = arith.constant 0 : i32
    %scan3A_34 = arith.constant 0 : i32
    %scan3A_35 = arith.constant 81 : i32
    %scan3A_36 = arith.addi %scan3A_34, %scan3A_35 : i32
    %scan3A_37 = arith.constant 1 : i32
    %scan3A_38 = scf.for %scan3A_61 = %scan3A_34 to %scan3A_36 step %scan3A_37 iter_args(%scan3A_62 = %scan3A_33) -> (i32)  : i32 {
      %dma_wait3A = arith.constant 0 : i32
      %dma_wait3A_63 = tpu.memref_slice %arg4[%scan3A_61, %dma_wait3A] : memref<81x128xi32, #tpu.memory_space<vmem>> -> memref<1x128xi32, #tpu.memory_space<vmem>>
      %dma_wait3A_64 = tpu.memref_squeeze %dma_wait3A_63 : memref<1x128xi32, #tpu.memory_space<vmem>> -> memref<128xi32, #tpu.memory_space<vmem>>
      %dma_wait3A_65 = arith.constant 0 : i32
      %dma_wait3A_66 = arith.constant 0 : i32
      %dma_wait3A_67 = tpu.memref_slice %arg7[%dma_wait3A_65, %dma_wait3A_66] : memref<10240x16xf32, #tpu.memory_space<vmem_shared>> -> memref<10240x16xf32, #tpu.memory_space<vmem_shared>>
      tpu.wait_indirect_dma semaphore(%arg8 : memref<!tpu.dma_semaphore, #tpu.memory_space<semaphore_mem>>) src(%arg5 : memref<128x16xf32, #tpu.memory_space<vmem>>) dst(%dma_wait3A_67 : memref<10240x16xf32, #tpu.memory_space<vmem_shared>>)
      %scan3A_68 = arith.constant 0 : i32
      scf.yield %scan3A_68 : i32
    }
    %scan3A_39 = arith.constant 81 : i32
    %barrier3A_40 = arith.constant 0 : index
    tpu.barrier barrier_id(%barrier3A_40)
    %add3A_41 = arith.constant 0 : i32
    %add3A_42 = arith.addi %mul3A_15, %add3A_41 : i32
    "tpu.region"() ({
      %run_scoped3A = tpu.sem_alloc : memref<!tpu.dma_semaphore, #tpu.memory_space<semaphore_mem>>
      %dma_start3A = arith.constant 0 : i32
      %dma_start3A_61 = tpu.memref_slice %arg7[%add3A_42, %dma_start3A] : memref<10240x16xf32, #tpu.memory_space<vmem_shared>> -> memref<128x16xf32, #tpu.memory_space<vmem_shared>>
      %dma_start3A_62 = arith.constant 0 : i32
      %dma_start3A_63 = tpu.memref_slice %arg7[%add3A_42, %dma_start3A_62] : memref<10240x16xf32, #tpu.memory_space<vmem_shared>> -> memref<128x16xf32, #tpu.memory_space<vmem_shared>>
      tpu.enqueue_dma source(%dma_start3A_63 : memref<128x16xf32, #tpu.memory_space<vmem_shared>>) target(%arg6 : memref<128x16xf32, #tpu.memory_space<vmem>>) target_semaphore(%run_scoped3A : memref<!tpu.dma_semaphore, #tpu.memory_space<semaphore_mem>>)
      %dma_wait3A = arith.constant 0 : i32
      %dma_wait3A_64 = tpu.memref_slice %arg7[%add3A_42, %dma_wait3A] : memref<10240x16xf32, #tpu.memory_space<vmem_shared>> -> memref<128x16xf32, #tpu.memory_space<vmem_shared>>
      %dma_wait3A_65 = arith.constant 0 : i32
      %dma_wait3A_66 = tpu.memref_slice %arg7[%add3A_42, %dma_wait3A_65] : memref<10240x16xf32, #tpu.memory_space<vmem_shared>> -> memref<128x16xf32, #tpu.memory_space<vmem_shared>>
      tpu.wait_dma2 semaphore(%run_scoped3A : memref<!tpu.dma_semaphore, #tpu.memory_space<semaphore_mem>>) src(%dma_wait3A_66 : memref<128x16xf32, #tpu.memory_space<vmem_shared>>) dst(%arg6 : memref<128x16xf32, #tpu.memory_space<vmem>>)
      tpu.yield
    }) : () -> ()
    %add3A_43 = arith.constant 0 : i32
    %add3A_44 = arith.addi %mul3A_15, %add3A_43 : i32
    "tpu.region"() ({
      %run_scoped3A = tpu.sem_alloc : memref<!tpu.dma_semaphore, #tpu.memory_space<semaphore_mem>>
      %dma_start3A = arith.constant 0 : i32
      %dma_start3A_61 = tpu.memref_slice %arg3[%arg0, %add3A_44, %dma_start3A] : memref<2x10240x16xf32, #tpu.memory_space<hbm>> -> memref<1x128x16xf32, #tpu.memory_space<hbm>>
      %dma_start3A_62 = tpu.memref_squeeze %dma_start3A_61 : memref<1x128x16xf32, #tpu.memory_space<hbm>> -> memref<128x16xf32, #tpu.memory_space<hbm>>
      %dma_start3A_63 = arith.constant 0 : i32
      %dma_start3A_64 = tpu.memref_slice %arg3[%arg0, %add3A_44, %dma_start3A_63] : memref<2x10240x16xf32, #tpu.memory_space<hbm>> -> memref<1x128x16xf32, #tpu.memory_space<hbm>>
      %dma_start3A_65 = tpu.memref_squeeze %dma_start3A_64 : memref<1x128x16xf32, #tpu.memory_space<hbm>> -> memref<128x16xf32, #tpu.memory_space<hbm>>
      tpu.enqueue_dma source(%arg6 : memref<128x16xf32, #tpu.memory_space<vmem>>) target(%dma_start3A_65 : memref<128x16xf32, #tpu.memory_space<hbm>>) target_semaphore(%run_scoped3A : memref<!tpu.dma_semaphore, #tpu.memory_space<semaphore_mem>>)
      %dma_wait3A = arith.constant 0 : i32
      %dma_wait3A_66 = tpu.memref_slice %arg3[%arg0, %add3A_44, %dma_wait3A] : memref<2x10240x16xf32, #tpu.memory_space<hbm>> -> memref<1x128x16xf32, #tpu.memory_space<hbm>>
      %dma_wait3A_67 = tpu.memref_squeeze %dma_wait3A_66 : memref<1x128x16xf32, #tpu.memory_space<hbm>> -> memref<128x16xf32, #tpu.memory_space<hbm>>
      %dma_wait3A_68 = arith.constant 0 : i32
      %dma_wait3A_69 = tpu.memref_slice %arg3[%arg0, %add3A_44, %dma_wait3A_68] : memref<2x10240x16xf32, #tpu.memory_space<hbm>> -> memref<1x128x16xf32, #tpu.memory_space<hbm>>
      %dma_wait3A_70 = tpu.memref_squeeze %dma_wait3A_69 : memref<1x128x16xf32, #tpu.memory_space<hbm>> -> memref<128x16xf32, #tpu.memory_space<hbm>>
      tpu.wait_dma2 semaphore(%run_scoped3A : memref<!tpu.dma_semaphore, #tpu.memory_space<semaphore_mem>>) src(%arg6 : memref<128x16xf32, #tpu.memory_space<vmem>>) dst(%dma_wait3A_70 : memref<128x16xf32, #tpu.memory_space<hbm>>)
      tpu.yield
    }) : () -> ()
    %add3A_45 = arith.constant 128 : i32
    %add3A_46 = arith.addi %mul3A_15, %add3A_45 : i32
    "tpu.region"() ({
      %run_scoped3A = tpu.sem_alloc : memref<!tpu.dma_semaphore, #tpu.memory_space<semaphore_mem>>
      %dma_start3A = arith.constant 0 : i32
      %dma_start3A_61 = tpu.memref_slice %arg7[%add3A_46, %dma_start3A] : memref<10240x16xf32, #tpu.memory_space<vmem_shared>> -> memref<128x16xf32, #tpu.memory_space<vmem_shared>>
      %dma_start3A_62 = arith.constant 0 : i32
      %dma_start3A_63 = tpu.memref_slice %arg7[%add3A_46, %dma_start3A_62] : memref<10240x16xf32, #tpu.memory_space<vmem_shared>> -> memref<128x16xf32, #tpu.memory_space<vmem_shared>>
      tpu.enqueue_dma source(%dma_start3A_63 : memref<128x16xf32, #tpu.memory_space<vmem_shared>>) target(%arg6 : memref<128x16xf32, #tpu.memory_space<vmem>>) target_semaphore(%run_scoped3A : memref<!tpu.dma_semaphore, #tpu.memory_space<semaphore_mem>>)
      %dma_wait3A = arith.constant 0 : i32
      %dma_wait3A_64 = tpu.memref_slice %arg7[%add3A_46, %dma_wait3A] : memref<10240x16xf32, #tpu.memory_space<vmem_shared>> -> memref<128x16xf32, #tpu.memory_space<vmem_shared>>
      %dma_wait3A_65 = arith.constant 0 : i32
      %dma_wait3A_66 = tpu.memref_slice %arg7[%add3A_46, %dma_wait3A_65] : memref<10240x16xf32, #tpu.memory_space<vmem_shared>> -> memref<128x16xf32, #tpu.memory_space<vmem_shared>>
      tpu.wait_dma2 semaphore(%run_scoped3A : memref<!tpu.dma_semaphore, #tpu.memory_space<semaphore_mem>>) src(%dma_wait3A_66 : memref<128x16xf32, #tpu.memory_space<vmem_shared>>) dst(%arg6 : memref<128x16xf32, #tpu.memory_space<vmem>>)
      tpu.yield
    }) : () -> ()
    %add3A_47 = arith.constant 128 : i32
    %add3A_48 = arith.addi %mul3A_15, %add3A_47 : i32
    "tpu.region"() ({
      %run_scoped3A = tpu.sem_alloc : memref<!tpu.dma_semaphore, #tpu.memory_space<semaphore_mem>>
      %dma_start3A = arith.constant 0 : i32
      %dma_start3A_61 = tpu.memref_slice %arg3[%arg0, %add3A_48, %dma_start3A] : memref<2x10240x16xf32, #tpu.memory_space<hbm>> -> memref<1x128x16xf32, #tpu.memory_space<hbm>>
      %dma_start3A_62 = tpu.memref_squeeze %dma_start3A_61 : memref<1x128x16xf32, #tpu.memory_space<hbm>> -> memref<128x16xf32, #tpu.memory_space<hbm>>
      %dma_start3A_63 = arith.constant 0 : i32
      %dma_start3A_64 = tpu.memref_slice %arg3[%arg0, %add3A_48, %dma_start3A_63] : memref<2x10240x16xf32, #tpu.memory_space<hbm>> -> memref<1x128x16xf32, #tpu.memory_space<hbm>>
      %dma_start3A_65 = tpu.memref_squeeze %dma_start3A_64 : memref<1x128x16xf32, #tpu.memory_space<hbm>> -> memref<128x16xf32, #tpu.memory_space<hbm>>
      tpu.enqueue_dma source(%arg6 : memref<128x16xf32, #tpu.memory_space<vmem>>) target(%dma_start3A_65 : memref<128x16xf32, #tpu.memory_space<hbm>>) target_semaphore(%run_scoped3A : memref<!tpu.dma_semaphore, #tpu.memory_space<semaphore_mem>>)
      %dma_wait3A = arith.constant 0 : i32
      %dma_wait3A_66 = tpu.memref_slice %arg3[%arg0, %add3A_48, %dma_wait3A] : memref<2x10240x16xf32, #tpu.memory_space<hbm>> -> memref<1x128x16xf32, #tpu.memory_space<hbm>>
      %dma_wait3A_67 = tpu.memref_squeeze %dma_wait3A_66 : memref<1x128x16xf32, #tpu.memory_space<hbm>> -> memref<128x16xf32, #tpu.memory_space<hbm>>
      %dma_wait3A_68 = arith.constant 0 : i32
      %dma_wait3A_69 = tpu.memref_slice %arg3[%arg0, %add3A_48, %dma_wait3A_68] : memref<2x10240x16xf32, #tpu.memory_space<hbm>> -> memref<1x128x16xf32, #tpu.memory_space<hbm>>
      %dma_wait3A_70 = tpu.memref_squeeze %dma_wait3A_69 : memref<1x128x16xf32, #tpu.memory_space<hbm>> -> memref<128x16xf32, #tpu.memory_space<hbm>>
      tpu.wait_dma2 semaphore(%run_scoped3A : memref<!tpu.dma_semaphore, #tpu.memory_space<semaphore_mem>>) src(%arg6 : memref<128x16xf32, #tpu.memory_space<vmem>>) dst(%dma_wait3A_70 : memref<128x16xf32, #tpu.memory_space<hbm>>)
      tpu.yield
    }) : () -> ()
    %add3A_49 = arith.constant 256 : i32
    %add3A_50 = arith.addi %mul3A_15, %add3A_49 : i32
    "tpu.region"() ({
      %run_scoped3A = tpu.sem_alloc : memref<!tpu.dma_semaphore, #tpu.memory_space<semaphore_mem>>
      %dma_start3A = arith.constant 0 : i32
      %dma_start3A_61 = tpu.memref_slice %arg7[%add3A_50, %dma_start3A] : memref<10240x16xf32, #tpu.memory_space<vmem_shared>> -> memref<128x16xf32, #tpu.memory_space<vmem_shared>>
      %dma_start3A_62 = arith.constant 0 : i32
      %dma_start3A_63 = tpu.memref_slice %arg7[%add3A_50, %dma_start3A_62] : memref<10240x16xf32, #tpu.memory_space<vmem_shared>> -> memref<128x16xf32, #tpu.memory_space<vmem_shared>>
      tpu.enqueue_dma source(%dma_start3A_63 : memref<128x16xf32, #tpu.memory_space<vmem_shared>>) target(%arg6 : memref<128x16xf32, #tpu.memory_space<vmem>>) target_semaphore(%run_scoped3A : memref<!tpu.dma_semaphore, #tpu.memory_space<semaphore_mem>>)
      %dma_wait3A = arith.constant 0 : i32
      %dma_wait3A_64 = tpu.memref_slice %arg7[%add3A_50, %dma_wait3A] : memref<10240x16xf32, #tpu.memory_space<vmem_shared>> -> memref<128x16xf32, #tpu.memory_space<vmem_shared>>
      %dma_wait3A_65 = arith.constant 0 : i32
      %dma_wait3A_66 = tpu.memref_slice %arg7[%add3A_50, %dma_wait3A_65] : memref<10240x16xf32, #tpu.memory_space<vmem_shared>> -> memref<128x16xf32, #tpu.memory_space<vmem_shared>>
      tpu.wait_dma2 semaphore(%run_scoped3A : memref<!tpu.dma_semaphore, #tpu.memory_space<semaphore_mem>>) src(%dma_wait3A_66 : memref<128x16xf32, #tpu.memory_space<vmem_shared>>) dst(%arg6 : memref<128x16xf32, #tpu.memory_space<vmem>>)
      tpu.yield
    }) : () -> ()
    %add3A_51 = arith.constant 256 : i32
    %add3A_52 = arith.addi %mul3A_15, %add3A_51 : i32
    "tpu.region"() ({
      %run_scoped3A = tpu.sem_alloc : memref<!tpu.dma_semaphore, #tpu.memory_space<semaphore_mem>>
      %dma_start3A = arith.constant 0 : i32
      %dma_start3A_61 = tpu.memref_slice %arg3[%arg0, %add3A_52, %dma_start3A] : memref<2x10240x16xf32, #tpu.memory_space<hbm>> -> memref<1x128x16xf32, #tpu.memory_space<hbm>>
      %dma_start3A_62 = tpu.memref_squeeze %dma_start3A_61 : memref<1x128x16xf32, #tpu.memory_space<hbm>> -> memref<128x16xf32, #tpu.memory_space<hbm>>
      %dma_start3A_63 = arith.constant 0 : i32
      %dma_start3A_64 = tpu.memref_slice %arg3[%arg0, %add3A_52, %dma_start3A_63] : memref<2x10240x16xf32, #tpu.memory_space<hbm>> -> memref<1x128x16xf32, #tpu.memory_space<hbm>>
      %dma_start3A_65 = tpu.memref_squeeze %dma_start3A_64 : memref<1x128x16xf32, #tpu.memory_space<hbm>> -> memref<128x16xf32, #tpu.memory_space<hbm>>
      tpu.enqueue_dma source(%arg6 : memref<128x16xf32, #tpu.memory_space<vmem>>) target(%dma_start3A_65 : memref<128x16xf32, #tpu.memory_space<hbm>>) target_semaphore(%run_scoped3A : memref<!tpu.dma_semaphore, #tpu.memory_space<semaphore_mem>>)
      %dma_wait3A = arith.constant 0 : i32
      %dma_wait3A_66 = tpu.memref_slice %arg3[%arg0, %add3A_52, %dma_wait3A] : memref<2x10240x16xf32, #tpu.memory_space<hbm>> -> memref<1x128x16xf32, #tpu.memory_space<hbm>>
      %dma_wait3A_67 = tpu.memref_squeeze %dma_wait3A_66 : memref<1x128x16xf32, #tpu.memory_space<hbm>> -> memref<128x16xf32, #tpu.memory_space<hbm>>
      %dma_wait3A_68 = arith.constant 0 : i32
      %dma_wait3A_69 = tpu.memref_slice %arg3[%arg0, %add3A_52, %dma_wait3A_68] : memref<2x10240x16xf32, #tpu.memory_space<hbm>> -> memref<1x128x16xf32, #tpu.memory_space<hbm>>
      %dma_wait3A_70 = tpu.memref_squeeze %dma_wait3A_69 : memref<1x128x16xf32, #tpu.memory_space<hbm>> -> memref<128x16xf32, #tpu.memory_space<hbm>>
      tpu.wait_dma2 semaphore(%run_scoped3A : memref<!tpu.dma_semaphore, #tpu.memory_space<semaphore_mem>>) src(%arg6 : memref<128x16xf32, #tpu.memory_space<vmem>>) dst(%dma_wait3A_70 : memref<128x16xf32, #tpu.memory_space<hbm>>)
      tpu.yield
    }) : () -> ()
    %add3A_53 = arith.constant 384 : i32
    %add3A_54 = arith.addi %mul3A_15, %add3A_53 : i32
    "tpu.region"() ({
      %run_scoped3A = tpu.sem_alloc : memref<!tpu.dma_semaphore, #tpu.memory_space<semaphore_mem>>
      %dma_start3A = arith.constant 0 : i32
      %dma_start3A_61 = tpu.memref_slice %arg7[%add3A_54, %dma_start3A] : memref<10240x16xf32, #tpu.memory_space<vmem_shared>> -> memref<128x16xf32, #tpu.memory_space<vmem_shared>>
      %dma_start3A_62 = arith.constant 0 : i32
      %dma_start3A_63 = tpu.memref_slice %arg7[%add3A_54, %dma_start3A_62] : memref<10240x16xf32, #tpu.memory_space<vmem_shared>> -> memref<128x16xf32, #tpu.memory_space<vmem_shared>>
      tpu.enqueue_dma source(%dma_start3A_63 : memref<128x16xf32, #tpu.memory_space<vmem_shared>>) target(%arg6 : memref<128x16xf32, #tpu.memory_space<vmem>>) target_semaphore(%run_scoped3A : memref<!tpu.dma_semaphore, #tpu.memory_space<semaphore_mem>>)
      %dma_wait3A = arith.constant 0 : i32
      %dma_wait3A_64 = tpu.memref_slice %arg7[%add3A_54, %dma_wait3A] : memref<10240x16xf32, #tpu.memory_space<vmem_shared>> -> memref<128x16xf32, #tpu.memory_space<vmem_shared>>
      %dma_wait3A_65 = arith.constant 0 : i32
      %dma_wait3A_66 = tpu.memref_slice %arg7[%add3A_54, %dma_wait3A_65] : memref<10240x16xf32, #tpu.memory_space<vmem_shared>> -> memref<128x16xf32, #tpu.memory_space<vmem_shared>>
      tpu.wait_dma2 semaphore(%run_scoped3A : memref<!tpu.dma_semaphore, #tpu.memory_space<semaphore_mem>>) src(%dma_wait3A_66 : memref<128x16xf32, #tpu.memory_space<vmem_shared>>) dst(%arg6 : memref<128x16xf32, #tpu.memory_space<vmem>>)
      tpu.yield
    }) : () -> ()
    %add3A_55 = arith.constant 384 : i32
    %add3A_56 = arith.addi %mul3A_15, %add3A_55 : i32
    "tpu.region"() ({
      %run_scoped3A = tpu.sem_alloc : memref<!tpu.dma_semaphore, #tpu.memory_space<semaphore_mem>>
      %dma_start3A = arith.constant 0 : i32
      %dma_start3A_61 = tpu.memref_slice %arg3[%arg0, %add3A_56, %dma_start3A] : memref<2x10240x16xf32, #tpu.memory_space<hbm>> -> memref<1x128x16xf32, #tpu.memory_space<hbm>>
      %dma_start3A_62 = tpu.memref_squeeze %dma_start3A_61 : memref<1x128x16xf32, #tpu.memory_space<hbm>> -> memref<128x16xf32, #tpu.memory_space<hbm>>
      %dma_start3A_63 = arith.constant 0 : i32
      %dma_start3A_64 = tpu.memref_slice %arg3[%arg0, %add3A_56, %dma_start3A_63] : memref<2x10240x16xf32, #tpu.memory_space<hbm>> -> memref<1x128x16xf32, #tpu.memory_space<hbm>>
      %dma_start3A_65 = tpu.memref_squeeze %dma_start3A_64 : memref<1x128x16xf32, #tpu.memory_space<hbm>> -> memref<128x16xf32, #tpu.memory_space<hbm>>
      tpu.enqueue_dma source(%arg6 : memref<128x16xf32, #tpu.memory_space<vmem>>) target(%dma_start3A_65 : memref<128x16xf32, #tpu.memory_space<hbm>>) target_semaphore(%run_scoped3A : memref<!tpu.dma_semaphore, #tpu.memory_space<semaphore_mem>>)
      %dma_wait3A = arith.constant 0 : i32
      %dma_wait3A_66 = tpu.memref_slice %arg3[%arg0, %add3A_56, %dma_wait3A] : memref<2x10240x16xf32, #tpu.memory_space<hbm>> -> memref<1x128x16xf32, #tpu.memory_space<hbm>>
      %dma_wait3A_67 = tpu.memref_squeeze %dma_wait3A_66 : memref<1x128x16xf32, #tpu.memory_space<hbm>> -> memref<128x16xf32, #tpu.memory_space<hbm>>
      %dma_wait3A_68 = arith.constant 0 : i32
      %dma_wait3A_69 = tpu.memref_slice %arg3[%arg0, %add3A_56, %dma_wait3A_68] : memref<2x10240x16xf32, #tpu.memory_space<hbm>> -> memref<1x128x16xf32, #tpu.memory_space<hbm>>
      %dma_wait3A_70 = tpu.memref_squeeze %dma_wait3A_69 : memref<1x128x16xf32, #tpu.memory_space<hbm>> -> memref<128x16xf32, #tpu.memory_space<hbm>>
      tpu.wait_dma2 semaphore(%run_scoped3A : memref<!tpu.dma_semaphore, #tpu.memory_space<semaphore_mem>>) src(%arg6 : memref<128x16xf32, #tpu.memory_space<vmem>>) dst(%dma_wait3A_70 : memref<128x16xf32, #tpu.memory_space<hbm>>)
      tpu.yield
    }) : () -> ()
    %add3A_57 = arith.constant 512 : i32
    %add3A_58 = arith.addi %mul3A_15, %add3A_57 : i32
    "tpu.region"() ({
      %run_scoped3A = tpu.sem_alloc : memref<!tpu.dma_semaphore, #tpu.memory_space<semaphore_mem>>
      %dma_start3A = arith.constant 0 : i32
      %dma_start3A_61 = tpu.memref_slice %arg7[%add3A_58, %dma_start3A] : memref<10240x16xf32, #tpu.memory_space<vmem_shared>> -> memref<128x16xf32, #tpu.memory_space<vmem_shared>>
      %dma_start3A_62 = arith.constant 0 : i32
      %dma_start3A_63 = tpu.memref_slice %arg7[%add3A_58, %dma_start3A_62] : memref<10240x16xf32, #tpu.memory_space<vmem_shared>> -> memref<128x16xf32, #tpu.memory_space<vmem_shared>>
      tpu.enqueue_dma source(%dma_start3A_63 : memref<128x16xf32, #tpu.memory_space<vmem_shared>>) target(%arg6 : memref<128x16xf32, #tpu.memory_space<vmem>>) target_semaphore(%run_scoped3A : memref<!tpu.dma_semaphore, #tpu.memory_space<semaphore_mem>>)
      %dma_wait3A = arith.constant 0 : i32
      %dma_wait3A_64 = tpu.memref_slice %arg7[%add3A_58, %dma_wait3A] : memref<10240x16xf32, #tpu.memory_space<vmem_shared>> -> memref<128x16xf32, #tpu.memory_space<vmem_shared>>
      %dma_wait3A_65 = arith.constant 0 : i32
      %dma_wait3A_66 = tpu.memref_slice %arg7[%add3A_58, %dma_wait3A_65] : memref<10240x16xf32, #tpu.memory_space<vmem_shared>> -> memref<128x16xf32, #tpu.memory_space<vmem_shared>>
      tpu.wait_dma2 semaphore(%run_scoped3A : memref<!tpu.dma_semaphore, #tpu.memory_space<semaphore_mem>>) src(%dma_wait3A_66 : memref<128x16xf32, #tpu.memory_space<vmem_shared>>) dst(%arg6 : memref<128x16xf32, #tpu.memory_space<vmem>>)
      tpu.yield
    }) : () -> ()
    %add3A_59 = arith.constant 512 : i32
    %add3A_60 = arith.addi %mul3A_15, %add3A_59 : i32
    "tpu.region"() ({
      %run_scoped3A = tpu.sem_alloc : memref<!tpu.dma_semaphore, #tpu.memory_space<semaphore_mem>>
      %dma_start3A = arith.constant 0 : i32
      %dma_start3A_61 = tpu.memref_slice %arg3[%arg0, %add3A_60, %dma_start3A] : memref<2x10240x16xf32, #tpu.memory_space<hbm>> -> memref<1x128x16xf32, #tpu.memory_space<hbm>>
      %dma_start3A_62 = tpu.memref_squeeze %dma_start3A_61 : memref<1x128x16xf32, #tpu.memory_space<hbm>> -> memref<128x16xf32, #tpu.memory_space<hbm>>
      %dma_start3A_63 = arith.constant 0 : i32
      %dma_start3A_64 = tpu.memref_slice %arg3[%arg0, %add3A_60, %dma_start3A_63] : memref<2x10240x16xf32, #tpu.memory_space<hbm>> -> memref<1x128x16xf32, #tpu.memory_space<hbm>>
      %dma_start3A_65 = tpu.memref_squeeze %dma_start3A_64 : memref<1x128x16xf32, #tpu.memory_space<hbm>> -> memref<128x16xf32, #tpu.memory_space<hbm>>
      tpu.enqueue_dma source(%arg6 : memref<128x16xf32, #tpu.memory_space<vmem>>) target(%dma_start3A_65 : memref<128x16xf32, #tpu.memory_space<hbm>>) target_semaphore(%run_scoped3A : memref<!tpu.dma_semaphore, #tpu.memory_space<semaphore_mem>>)
      %dma_wait3A = arith.constant 0 : i32
      %dma_wait3A_66 = tpu.memref_slice %arg3[%arg0, %add3A_60, %dma_wait3A] : memref<2x10240x16xf32, #tpu.memory_space<hbm>> -> memref<1x128x16xf32, #tpu.memory_space<hbm>>
      %dma_wait3A_67 = tpu.memref_squeeze %dma_wait3A_66 : memref<1x128x16xf32, #tpu.memory_space<hbm>> -> memref<128x16xf32, #tpu.memory_space<hbm>>
      %dma_wait3A_68 = arith.constant 0 : i32
      %dma_wait3A_69 = tpu.memref_slice %arg3[%arg0, %add3A_60, %dma_wait3A_68] : memref<2x10240x16xf32, #tpu.memory_space<hbm>> -> memref<1x128x16xf32, #tpu.memory_space<hbm>>
      %dma_wait3A_70 = tpu.memref_squeeze %dma_wait3A_69 : memref<1x128x16xf32, #tpu.memory_space<hbm>> -> memref<128x16xf32, #tpu.memory_space<hbm>>
      tpu.wait_dma2 semaphore(%run_scoped3A : memref<!tpu.dma_semaphore, #tpu.memory_space<semaphore_mem>>) src(%arg6 : memref<128x16xf32, #tpu.memory_space<vmem>>) dst(%dma_wait3A_70 : memref<128x16xf32, #tpu.memory_space<hbm>>)
      tpu.yield
    }) : () -> ()
    return
  }
}

#map = affine_map<(d0, d1) -> (0, 0)>
#map1 = affine_map<(d0, d1) -> (0, 0, 0)>
module attributes {stable_mosaic.version = 14 : i64} {
  func.func @agg(%arg0: i32, %arg1: i32, %arg2: memref<10240x64xf32, #tpu.memory_space<hbm>>, %arg3: memref<32x81x128xi32, #tpu.memory_space<hbm>>, %arg4: memref<32x81x128xi32, #tpu.memory_space<hbm>>, %arg5: memref<2x10240x64xf32, #tpu.memory_space<hbm>>, %arg6: memref<81x128xi32, #tpu.memory_space<vmem>>, %arg7: memref<81x128xi32, #tpu.memory_space<vmem>>, %arg8: memref<512x64xf32, #tpu.memory_space<vmem>>, %arg9: memref<10240x64xf32, #tpu.memory_space<vmem_shared>>, %arg10: memref<!tpu.dma_semaphore, #tpu.memory_space<semaphore_mem>>, %arg11: memref<!tpu.dma_semaphore, #tpu.memory_space<semaphore_mem>>, %arg12: memref<!tpu.dma_semaphore, #tpu.memory_space<semaphore_mem>>, %arg13: memref<!tpu.dma_semaphore, #tpu.memory_space<semaphore_mem>>, %arg14: memref<!tpu.dma_semaphore, #tpu.memory_space<semaphore_mem>>, %arg15: memref<!tpu.dma_semaphore, #tpu.memory_space<semaphore_mem>>, %arg16: memref<!tpu.dma_semaphore, #tpu.memory_space<semaphore_mem>>, %arg17: memref<!tpu.dma_semaphore, #tpu.memory_space<semaphore_mem>>) attributes {dimension_semantics = [#tpu.dimension_semantics<core_parallel>, #tpu.dimension_semantics<subcore_parallel>], iteration_bounds = array<i64: 2, 16>, scalar_prefetch = 0 : i64, scratch_operands = 12 : i64, tpu.core_type = #tpu.core_type<sc_vector_subcore>, window_params = [{transform_indices = #map}, {transform_indices = #map1}, {transform_indices = #map1}, {transform_indices = #map1}]} {
    %mul3A = arith.constant 2 : i32
    %mul3A_0 = arith.muli %arg1, %mul3A : i32
    %add3A = arith.addi %mul3A_0, %arg0 : i32
    %scan3A = arith.constant 0 : i32
    %scan3A_1 = arith.constant 0 : i32
    %scan3A_2 = arith.constant 128 : i32
    %scan3A_3 = arith.addi %scan3A_1, %scan3A_2 : i32
    %scan3A_4 = arith.constant 1 : i32
    %scan3A_5 = scf.for %scan3A_245 = %scan3A_1 to %scan3A_3 step %scan3A_4 iter_args(%scan3A_246 = %scan3A) -> (i32)  : i32 {
      %broadcast_in_dim3A = arith.constant 0.000000e+00 : f32
      %broadcast_in_dim3A_247 = vector.broadcast %broadcast_in_dim3A : f32 to vector<16xf32>
      %swap3A = arith.index_cast %scan3A_245 : i32 to index
      %swap3A_248 = arith.constant 0 : index
      %swap3A_249 = tpu.vector_load %arg8[%swap3A, %swap3A_248] {strides = array<i32>} : memref<512x64xf32, #tpu.memory_space<vmem>>, vector<1x16xf32>,
      %swap3A_250 = vector.shape_cast %swap3A_249 : vector<1x16xf32> to vector<16xf32>
      %swap3A_251 = vector.shape_cast %broadcast_in_dim3A_247 : vector<16xf32> to vector<1x16xf32>
      tpu.vector_store %arg8[%swap3A, %swap3A_248], %swap3A_251 {strides = array<i32>} : memref<512x64xf32, #tpu.memory_space<vmem>>, vector<1x16xf32>,
      %broadcast_in_dim3A_252 = arith.constant 0.000000e+00 : f32
      %broadcast_in_dim3A_253 = vector.broadcast %broadcast_in_dim3A_252 : f32 to vector<16xf32>
      %swap3A_254 = arith.index_cast %scan3A_245 : i32 to index
      %swap3A_255 = arith.constant 16 : index
      %swap3A_256 = tpu.vector_load %arg8[%swap3A_254, %swap3A_255] {strides = array<i32>} : memref<512x64xf32, #tpu.memory_space<vmem>>, vector<1x16xf32>,
      %swap3A_257 = vector.shape_cast %swap3A_256 : vector<1x16xf32> to vector<16xf32>
      %swap3A_258 = vector.shape_cast %broadcast_in_dim3A_253 : vector<16xf32> to vector<1x16xf32>
      tpu.vector_store %arg8[%swap3A_254, %swap3A_255], %swap3A_258 {strides = array<i32>} : memref<512x64xf32, #tpu.memory_space<vmem>>, vector<1x16xf32>,
      %broadcast_in_dim3A_259 = arith.constant 0.000000e+00 : f32
      %broadcast_in_dim3A_260 = vector.broadcast %broadcast_in_dim3A_259 : f32 to vector<16xf32>
      %swap3A_261 = arith.index_cast %scan3A_245 : i32 to index
      %swap3A_262 = arith.constant 32 : index
      %swap3A_263 = tpu.vector_load %arg8[%swap3A_261, %swap3A_262] {strides = array<i32>} : memref<512x64xf32, #tpu.memory_space<vmem>>, vector<1x16xf32>,
      %swap3A_264 = vector.shape_cast %swap3A_263 : vector<1x16xf32> to vector<16xf32>
      %swap3A_265 = vector.shape_cast %broadcast_in_dim3A_260 : vector<16xf32> to vector<1x16xf32>
      tpu.vector_store %arg8[%swap3A_261, %swap3A_262], %swap3A_265 {strides = array<i32>} : memref<512x64xf32, #tpu.memory_space<vmem>>, vector<1x16xf32>,
      %broadcast_in_dim3A_266 = arith.constant 0.000000e+00 : f32
      %broadcast_in_dim3A_267 = vector.broadcast %broadcast_in_dim3A_266 : f32 to vector<16xf32>
      %swap3A_268 = arith.index_cast %scan3A_245 : i32 to index
      %swap3A_269 = arith.constant 48 : index
      %swap3A_270 = tpu.vector_load %arg8[%swap3A_268, %swap3A_269] {strides = array<i32>} : memref<512x64xf32, #tpu.memory_space<vmem>>, vector<1x16xf32>,
      %swap3A_271 = vector.shape_cast %swap3A_270 : vector<1x16xf32> to vector<16xf32>
      %swap3A_272 = vector.shape_cast %broadcast_in_dim3A_267 : vector<16xf32> to vector<1x16xf32>
      tpu.vector_store %arg8[%swap3A_268, %swap3A_269], %swap3A_272 {strides = array<i32>} : memref<512x64xf32, #tpu.memory_space<vmem>>, vector<1x16xf32>,
      %scan3A_273 = arith.constant 0 : i32
      scf.yield %scan3A_273 : i32
    }
    %scan3A_6 = arith.constant 128 : i32
    %mul3A_7 = arith.constant 640 : i32
    %mul3A_8 = arith.muli %arg1, %mul3A_7 : i32
    %add3A_9 = arith.constant 0 : i32
    %add3A_10 = arith.addi %mul3A_8, %add3A_9 : i32
    "tpu.region"() ({
      %run_scoped3A = tpu.sem_alloc : memref<!tpu.dma_semaphore, #tpu.memory_space<semaphore_mem>>
      %dma_start3A_245 = arith.constant 0 : i32
      %dma_start3A_246 = arith.constant 0 : i32
      %dma_start3A_247 = tpu.memref_slice %arg8[%dma_start3A_245, %dma_start3A_246] : memref<512x64xf32, #tpu.memory_space<vmem>> -> memref<128x64xf32, #tpu.memory_space<vmem>>
      %dma_start3A_248 = arith.constant 0 : i32
      %dma_start3A_249 = tpu.memref_slice %arg9[%add3A_10, %dma_start3A_248] : memref<10240x64xf32, #tpu.memory_space<vmem_shared>> -> memref<128x64xf32, #tpu.memory_space<vmem_shared>>
      %dma_start3A_250 = arith.constant 0 : i32
      %dma_start3A_251 = tpu.memref_slice %arg9[%add3A_10, %dma_start3A_250] : memref<10240x64xf32, #tpu.memory_space<vmem_shared>> -> memref<128x64xf32, #tpu.memory_space<vmem_shared>>
      %dma_start3A_252 = arith.constant 0 : i32
      %dma_start3A_253 = arith.constant 0 : i32
      %dma_start3A_254 = tpu.memref_slice %arg8[%dma_start3A_252, %dma_start3A_253] : memref<512x64xf32, #tpu.memory_space<vmem>> -> memref<128x64xf32, #tpu.memory_space<vmem>>
      tpu.enqueue_dma source(%dma_start3A_254 : memref<128x64xf32, #tpu.memory_space<vmem>>) target(%dma_start3A_251 : memref<128x64xf32, #tpu.memory_space<vmem_shared>>) target_semaphore(%run_scoped3A : memref<!tpu.dma_semaphore, #tpu.memory_space<semaphore_mem>>)
      %dma_wait3A_255 = arith.constant 0 : i32
      %dma_wait3A_256 = arith.constant 0 : i32
      %dma_wait3A_257 = tpu.memref_slice %arg8[%dma_wait3A_255, %dma_wait3A_256] : memref<512x64xf32, #tpu.memory_space<vmem>> -> memref<128x64xf32, #tpu.memory_space<vmem>>
      %dma_wait3A_258 = arith.constant 0 : i32
      %dma_wait3A_259 = tpu.memref_slice %arg9[%add3A_10, %dma_wait3A_258] : memref<10240x64xf32, #tpu.memory_space<vmem_shared>> -> memref<128x64xf32, #tpu.memory_space<vmem_shared>>
      %dma_wait3A_260 = arith.constant 0 : i32
      %dma_wait3A_261 = tpu.memref_slice %arg9[%add3A_10, %dma_wait3A_260] : memref<10240x64xf32, #tpu.memory_space<vmem_shared>> -> memref<128x64xf32, #tpu.memory_space<vmem_shared>>
      %dma_wait3A_262 = arith.constant 0 : i32
      %dma_wait3A_263 = arith.constant 0 : i32
      %dma_wait3A_264 = tpu.memref_slice %arg8[%dma_wait3A_262, %dma_wait3A_263] : memref<512x64xf32, #tpu.memory_space<vmem>> -> memref<128x64xf32, #tpu.memory_space<vmem>>
      tpu.wait_dma2 semaphore(%run_scoped3A : memref<!tpu.dma_semaphore, #tpu.memory_space<semaphore_mem>>) src(%dma_wait3A_264 : memref<128x64xf32, #tpu.memory_space<vmem>>) dst(%dma_wait3A_261 : memref<128x64xf32, #tpu.memory_space<vmem_shared>>)
      tpu.yield
    }) : () -> ()
    %add3A_11 = arith.constant 128 : i32
    %add3A_12 = arith.addi %mul3A_8, %add3A_11 : i32
    "tpu.region"() ({
      %run_scoped3A = tpu.sem_alloc : memref<!tpu.dma_semaphore, #tpu.memory_space<semaphore_mem>>
      %dma_start3A_245 = arith.constant 0 : i32
      %dma_start3A_246 = arith.constant 0 : i32
      %dma_start3A_247 = tpu.memref_slice %arg8[%dma_start3A_245, %dma_start3A_246] : memref<512x64xf32, #tpu.memory_space<vmem>> -> memref<128x64xf32, #tpu.memory_space<vmem>>
      %dma_start3A_248 = arith.constant 0 : i32
      %dma_start3A_249 = tpu.memref_slice %arg9[%add3A_12, %dma_start3A_248] : memref<10240x64xf32, #tpu.memory_space<vmem_shared>> -> memref<128x64xf32, #tpu.memory_space<vmem_shared>>
      %dma_start3A_250 = arith.constant 0 : i32
      %dma_start3A_251 = tpu.memref_slice %arg9[%add3A_12, %dma_start3A_250] : memref<10240x64xf32, #tpu.memory_space<vmem_shared>> -> memref<128x64xf32, #tpu.memory_space<vmem_shared>>
      %dma_start3A_252 = arith.constant 0 : i32
      %dma_start3A_253 = arith.constant 0 : i32
      %dma_start3A_254 = tpu.memref_slice %arg8[%dma_start3A_252, %dma_start3A_253] : memref<512x64xf32, #tpu.memory_space<vmem>> -> memref<128x64xf32, #tpu.memory_space<vmem>>
      tpu.enqueue_dma source(%dma_start3A_254 : memref<128x64xf32, #tpu.memory_space<vmem>>) target(%dma_start3A_251 : memref<128x64xf32, #tpu.memory_space<vmem_shared>>) target_semaphore(%run_scoped3A : memref<!tpu.dma_semaphore, #tpu.memory_space<semaphore_mem>>)
      %dma_wait3A_255 = arith.constant 0 : i32
      %dma_wait3A_256 = arith.constant 0 : i32
      %dma_wait3A_257 = tpu.memref_slice %arg8[%dma_wait3A_255, %dma_wait3A_256] : memref<512x64xf32, #tpu.memory_space<vmem>> -> memref<128x64xf32, #tpu.memory_space<vmem>>
      %dma_wait3A_258 = arith.constant 0 : i32
      %dma_wait3A_259 = tpu.memref_slice %arg9[%add3A_12, %dma_wait3A_258] : memref<10240x64xf32, #tpu.memory_space<vmem_shared>> -> memref<128x64xf32, #tpu.memory_space<vmem_shared>>
      %dma_wait3A_260 = arith.constant 0 : i32
      %dma_wait3A_261 = tpu.memref_slice %arg9[%add3A_12, %dma_wait3A_260] : memref<10240x64xf32, #tpu.memory_space<vmem_shared>> -> memref<128x64xf32, #tpu.memory_space<vmem_shared>>
      %dma_wait3A_262 = arith.constant 0 : i32
      %dma_wait3A_263 = arith.constant 0 : i32
      %dma_wait3A_264 = tpu.memref_slice %arg8[%dma_wait3A_262, %dma_wait3A_263] : memref<512x64xf32, #tpu.memory_space<vmem>> -> memref<128x64xf32, #tpu.memory_space<vmem>>
      tpu.wait_dma2 semaphore(%run_scoped3A : memref<!tpu.dma_semaphore, #tpu.memory_space<semaphore_mem>>) src(%dma_wait3A_264 : memref<128x64xf32, #tpu.memory_space<vmem>>) dst(%dma_wait3A_261 : memref<128x64xf32, #tpu.memory_space<vmem_shared>>)
      tpu.yield
    }) : () -> ()
    %add3A_13 = arith.constant 256 : i32
    %add3A_14 = arith.addi %mul3A_8, %add3A_13 : i32
    "tpu.region"() ({
      %run_scoped3A = tpu.sem_alloc : memref<!tpu.dma_semaphore, #tpu.memory_space<semaphore_mem>>
      %dma_start3A_245 = arith.constant 0 : i32
      %dma_start3A_246 = arith.constant 0 : i32
      %dma_start3A_247 = tpu.memref_slice %arg8[%dma_start3A_245, %dma_start3A_246] : memref<512x64xf32, #tpu.memory_space<vmem>> -> memref<128x64xf32, #tpu.memory_space<vmem>>
      %dma_start3A_248 = arith.constant 0 : i32
      %dma_start3A_249 = tpu.memref_slice %arg9[%add3A_14, %dma_start3A_248] : memref<10240x64xf32, #tpu.memory_space<vmem_shared>> -> memref<128x64xf32, #tpu.memory_space<vmem_shared>>
      %dma_start3A_250 = arith.constant 0 : i32
      %dma_start3A_251 = tpu.memref_slice %arg9[%add3A_14, %dma_start3A_250] : memref<10240x64xf32, #tpu.memory_space<vmem_shared>> -> memref<128x64xf32, #tpu.memory_space<vmem_shared>>
      %dma_start3A_252 = arith.constant 0 : i32
      %dma_start3A_253 = arith.constant 0 : i32
      %dma_start3A_254 = tpu.memref_slice %arg8[%dma_start3A_252, %dma_start3A_253] : memref<512x64xf32, #tpu.memory_space<vmem>> -> memref<128x64xf32, #tpu.memory_space<vmem>>
      tpu.enqueue_dma source(%dma_start3A_254 : memref<128x64xf32, #tpu.memory_space<vmem>>) target(%dma_start3A_251 : memref<128x64xf32, #tpu.memory_space<vmem_shared>>) target_semaphore(%run_scoped3A : memref<!tpu.dma_semaphore, #tpu.memory_space<semaphore_mem>>)
      %dma_wait3A_255 = arith.constant 0 : i32
      %dma_wait3A_256 = arith.constant 0 : i32
      %dma_wait3A_257 = tpu.memref_slice %arg8[%dma_wait3A_255, %dma_wait3A_256] : memref<512x64xf32, #tpu.memory_space<vmem>> -> memref<128x64xf32, #tpu.memory_space<vmem>>
      %dma_wait3A_258 = arith.constant 0 : i32
      %dma_wait3A_259 = tpu.memref_slice %arg9[%add3A_14, %dma_wait3A_258] : memref<10240x64xf32, #tpu.memory_space<vmem_shared>> -> memref<128x64xf32, #tpu.memory_space<vmem_shared>>
      %dma_wait3A_260 = arith.constant 0 : i32
      %dma_wait3A_261 = tpu.memref_slice %arg9[%add3A_14, %dma_wait3A_260] : memref<10240x64xf32, #tpu.memory_space<vmem_shared>> -> memref<128x64xf32, #tpu.memory_space<vmem_shared>>
      %dma_wait3A_262 = arith.constant 0 : i32
      %dma_wait3A_263 = arith.constant 0 : i32
      %dma_wait3A_264 = tpu.memref_slice %arg8[%dma_wait3A_262, %dma_wait3A_263] : memref<512x64xf32, #tpu.memory_space<vmem>> -> memref<128x64xf32, #tpu.memory_space<vmem>>
      tpu.wait_dma2 semaphore(%run_scoped3A : memref<!tpu.dma_semaphore, #tpu.memory_space<semaphore_mem>>) src(%dma_wait3A_264 : memref<128x64xf32, #tpu.memory_space<vmem>>) dst(%dma_wait3A_261 : memref<128x64xf32, #tpu.memory_space<vmem_shared>>)
      tpu.yield
    }) : () -> ()
    %add3A_15 = arith.constant 384 : i32
    %add3A_16 = arith.addi %mul3A_8, %add3A_15 : i32
    "tpu.region"() ({
      %run_scoped3A = tpu.sem_alloc : memref<!tpu.dma_semaphore, #tpu.memory_space<semaphore_mem>>
      %dma_start3A_245 = arith.constant 0 : i32
      %dma_start3A_246 = arith.constant 0 : i32
      %dma_start3A_247 = tpu.memref_slice %arg8[%dma_start3A_245, %dma_start3A_246] : memref<512x64xf32, #tpu.memory_space<vmem>> -> memref<128x64xf32, #tpu.memory_space<vmem>>
      %dma_start3A_248 = arith.constant 0 : i32
      %dma_start3A_249 = tpu.memref_slice %arg9[%add3A_16, %dma_start3A_248] : memref<10240x64xf32, #tpu.memory_space<vmem_shared>> -> memref<128x64xf32, #tpu.memory_space<vmem_shared>>
      %dma_start3A_250 = arith.constant 0 : i32
      %dma_start3A_251 = tpu.memref_slice %arg9[%add3A_16, %dma_start3A_250] : memref<10240x64xf32, #tpu.memory_space<vmem_shared>> -> memref<128x64xf32, #tpu.memory_space<vmem_shared>>
      %dma_start3A_252 = arith.constant 0 : i32
      %dma_start3A_253 = arith.constant 0 : i32
      %dma_start3A_254 = tpu.memref_slice %arg8[%dma_start3A_252, %dma_start3A_253] : memref<512x64xf32, #tpu.memory_space<vmem>> -> memref<128x64xf32, #tpu.memory_space<vmem>>
      tpu.enqueue_dma source(%dma_start3A_254 : memref<128x64xf32, #tpu.memory_space<vmem>>) target(%dma_start3A_251 : memref<128x64xf32, #tpu.memory_space<vmem_shared>>) target_semaphore(%run_scoped3A : memref<!tpu.dma_semaphore, #tpu.memory_space<semaphore_mem>>)
      %dma_wait3A_255 = arith.constant 0 : i32
      %dma_wait3A_256 = arith.constant 0 : i32
      %dma_wait3A_257 = tpu.memref_slice %arg8[%dma_wait3A_255, %dma_wait3A_256] : memref<512x64xf32, #tpu.memory_space<vmem>> -> memref<128x64xf32, #tpu.memory_space<vmem>>
      %dma_wait3A_258 = arith.constant 0 : i32
      %dma_wait3A_259 = tpu.memref_slice %arg9[%add3A_16, %dma_wait3A_258] : memref<10240x64xf32, #tpu.memory_space<vmem_shared>> -> memref<128x64xf32, #tpu.memory_space<vmem_shared>>
      %dma_wait3A_260 = arith.constant 0 : i32
      %dma_wait3A_261 = tpu.memref_slice %arg9[%add3A_16, %dma_wait3A_260] : memref<10240x64xf32, #tpu.memory_space<vmem_shared>> -> memref<128x64xf32, #tpu.memory_space<vmem_shared>>
      %dma_wait3A_262 = arith.constant 0 : i32
      %dma_wait3A_263 = arith.constant 0 : i32
      %dma_wait3A_264 = tpu.memref_slice %arg8[%dma_wait3A_262, %dma_wait3A_263] : memref<512x64xf32, #tpu.memory_space<vmem>> -> memref<128x64xf32, #tpu.memory_space<vmem>>
      tpu.wait_dma2 semaphore(%run_scoped3A : memref<!tpu.dma_semaphore, #tpu.memory_space<semaphore_mem>>) src(%dma_wait3A_264 : memref<128x64xf32, #tpu.memory_space<vmem>>) dst(%dma_wait3A_261 : memref<128x64xf32, #tpu.memory_space<vmem_shared>>)
      tpu.yield
    }) : () -> ()
    %add3A_17 = arith.constant 512 : i32
    %add3A_18 = arith.addi %mul3A_8, %add3A_17 : i32
    "tpu.region"() ({
      %run_scoped3A = tpu.sem_alloc : memref<!tpu.dma_semaphore, #tpu.memory_space<semaphore_mem>>
      %dma_start3A_245 = arith.constant 0 : i32
      %dma_start3A_246 = arith.constant 0 : i32
      %dma_start3A_247 = tpu.memref_slice %arg8[%dma_start3A_245, %dma_start3A_246] : memref<512x64xf32, #tpu.memory_space<vmem>> -> memref<128x64xf32, #tpu.memory_space<vmem>>
      %dma_start3A_248 = arith.constant 0 : i32
      %dma_start3A_249 = tpu.memref_slice %arg9[%add3A_18, %dma_start3A_248] : memref<10240x64xf32, #tpu.memory_space<vmem_shared>> -> memref<128x64xf32, #tpu.memory_space<vmem_shared>>
      %dma_start3A_250 = arith.constant 0 : i32
      %dma_start3A_251 = tpu.memref_slice %arg9[%add3A_18, %dma_start3A_250] : memref<10240x64xf32, #tpu.memory_space<vmem_shared>> -> memref<128x64xf32, #tpu.memory_space<vmem_shared>>
      %dma_start3A_252 = arith.constant 0 : i32
      %dma_start3A_253 = arith.constant 0 : i32
      %dma_start3A_254 = tpu.memref_slice %arg8[%dma_start3A_252, %dma_start3A_253] : memref<512x64xf32, #tpu.memory_space<vmem>> -> memref<128x64xf32, #tpu.memory_space<vmem>>
      tpu.enqueue_dma source(%dma_start3A_254 : memref<128x64xf32, #tpu.memory_space<vmem>>) target(%dma_start3A_251 : memref<128x64xf32, #tpu.memory_space<vmem_shared>>) target_semaphore(%run_scoped3A : memref<!tpu.dma_semaphore, #tpu.memory_space<semaphore_mem>>)
      %dma_wait3A_255 = arith.constant 0 : i32
      %dma_wait3A_256 = arith.constant 0 : i32
      %dma_wait3A_257 = tpu.memref_slice %arg8[%dma_wait3A_255, %dma_wait3A_256] : memref<512x64xf32, #tpu.memory_space<vmem>> -> memref<128x64xf32, #tpu.memory_space<vmem>>
      %dma_wait3A_258 = arith.constant 0 : i32
      %dma_wait3A_259 = tpu.memref_slice %arg9[%add3A_18, %dma_wait3A_258] : memref<10240x64xf32, #tpu.memory_space<vmem_shared>> -> memref<128x64xf32, #tpu.memory_space<vmem_shared>>
      %dma_wait3A_260 = arith.constant 0 : i32
      %dma_wait3A_261 = tpu.memref_slice %arg9[%add3A_18, %dma_wait3A_260] : memref<10240x64xf32, #tpu.memory_space<vmem_shared>> -> memref<128x64xf32, #tpu.memory_space<vmem_shared>>
      %dma_wait3A_262 = arith.constant 0 : i32
      %dma_wait3A_263 = arith.constant 0 : i32
      %dma_wait3A_264 = tpu.memref_slice %arg8[%dma_wait3A_262, %dma_wait3A_263] : memref<512x64xf32, #tpu.memory_space<vmem>> -> memref<128x64xf32, #tpu.memory_space<vmem>>
      tpu.wait_dma2 semaphore(%run_scoped3A : memref<!tpu.dma_semaphore, #tpu.memory_space<semaphore_mem>>) src(%dma_wait3A_264 : memref<128x64xf32, #tpu.memory_space<vmem>>) dst(%dma_wait3A_261 : memref<128x64xf32, #tpu.memory_space<vmem_shared>>)
      tpu.yield
    }) : () -> ()
    %barrier3A = arith.constant 0 : index
    tpu.barrier barrier_id(%barrier3A)
    "tpu.region"() ({
      %run_scoped3A = tpu.sem_alloc : memref<!tpu.dma_semaphore, #tpu.memory_space<semaphore_mem>>
      %dma_start3A_245 = arith.constant 0 : i32
      %dma_start3A_246 = arith.constant 0 : i32
      %dma_start3A_247 = tpu.memref_slice %arg3[%add3A, %dma_start3A_245, %dma_start3A_246] : memref<32x81x128xi32, #tpu.memory_space<hbm>> -> memref<1x81x128xi32, #tpu.memory_space<hbm>>
      %dma_start3A_248 = tpu.memref_squeeze %dma_start3A_247 : memref<1x81x128xi32, #tpu.memory_space<hbm>> -> memref<81x128xi32, #tpu.memory_space<hbm>>
      %dma_start3A_249 = arith.constant 0 : i32
      %dma_start3A_250 = arith.constant 0 : i32
      %dma_start3A_251 = tpu.memref_slice %arg3[%add3A, %dma_start3A_249, %dma_start3A_250] : memref<32x81x128xi32, #tpu.memory_space<hbm>> -> memref<1x81x128xi32, #tpu.memory_space<hbm>>
      %dma_start3A_252 = tpu.memref_squeeze %dma_start3A_251 : memref<1x81x128xi32, #tpu.memory_space<hbm>> -> memref<81x128xi32, #tpu.memory_space<hbm>>
      tpu.enqueue_dma source(%dma_start3A_252 : memref<81x128xi32, #tpu.memory_space<hbm>>) target(%arg6 : memref<81x128xi32, #tpu.memory_space<vmem>>) target_semaphore(%run_scoped3A : memref<!tpu.dma_semaphore, #tpu.memory_space<semaphore_mem>>)
      %dma_wait3A_253 = arith.constant 0 : i32
      %dma_wait3A_254 = arith.constant 0 : i32
      %dma_wait3A_255 = tpu.memref_slice %arg3[%add3A, %dma_wait3A_253, %dma_wait3A_254] : memref<32x81x128xi32, #tpu.memory_space<hbm>> -> memref<1x81x128xi32, #tpu.memory_space<hbm>>
      %dma_wait3A_256 = tpu.memref_squeeze %dma_wait3A_255 : memref<1x81x128xi32, #tpu.memory_space<hbm>> -> memref<81x128xi32, #tpu.memory_space<hbm>>
      %dma_wait3A_257 = arith.constant 0 : i32
      %dma_wait3A_258 = arith.constant 0 : i32
      %dma_wait3A_259 = tpu.memref_slice %arg3[%add3A, %dma_wait3A_257, %dma_wait3A_258] : memref<32x81x128xi32, #tpu.memory_space<hbm>> -> memref<1x81x128xi32, #tpu.memory_space<hbm>>
      %dma_wait3A_260 = tpu.memref_squeeze %dma_wait3A_259 : memref<1x81x128xi32, #tpu.memory_space<hbm>> -> memref<81x128xi32, #tpu.memory_space<hbm>>
      tpu.wait_dma2 semaphore(%run_scoped3A : memref<!tpu.dma_semaphore, #tpu.memory_space<semaphore_mem>>) src(%dma_wait3A_260 : memref<81x128xi32, #tpu.memory_space<hbm>>) dst(%arg6 : memref<81x128xi32, #tpu.memory_space<vmem>>)
      tpu.yield
    }) : () -> ()
    "tpu.region"() ({
      %run_scoped3A = tpu.sem_alloc : memref<!tpu.dma_semaphore, #tpu.memory_space<semaphore_mem>>
      %dma_start3A_245 = arith.constant 0 : i32
      %dma_start3A_246 = arith.constant 0 : i32
      %dma_start3A_247 = tpu.memref_slice %arg4[%add3A, %dma_start3A_245, %dma_start3A_246] : memref<32x81x128xi32, #tpu.memory_space<hbm>> -> memref<1x81x128xi32, #tpu.memory_space<hbm>>
      %dma_start3A_248 = tpu.memref_squeeze %dma_start3A_247 : memref<1x81x128xi32, #tpu.memory_space<hbm>> -> memref<81x128xi32, #tpu.memory_space<hbm>>
      %dma_start3A_249 = arith.constant 0 : i32
      %dma_start3A_250 = arith.constant 0 : i32
      %dma_start3A_251 = tpu.memref_slice %arg4[%add3A, %dma_start3A_249, %dma_start3A_250] : memref<32x81x128xi32, #tpu.memory_space<hbm>> -> memref<1x81x128xi32, #tpu.memory_space<hbm>>
      %dma_start3A_252 = tpu.memref_squeeze %dma_start3A_251 : memref<1x81x128xi32, #tpu.memory_space<hbm>> -> memref<81x128xi32, #tpu.memory_space<hbm>>
      tpu.enqueue_dma source(%dma_start3A_252 : memref<81x128xi32, #tpu.memory_space<hbm>>) target(%arg7 : memref<81x128xi32, #tpu.memory_space<vmem>>) target_semaphore(%run_scoped3A : memref<!tpu.dma_semaphore, #tpu.memory_space<semaphore_mem>>)
      %dma_wait3A_253 = arith.constant 0 : i32
      %dma_wait3A_254 = arith.constant 0 : i32
      %dma_wait3A_255 = tpu.memref_slice %arg4[%add3A, %dma_wait3A_253, %dma_wait3A_254] : memref<32x81x128xi32, #tpu.memory_space<hbm>> -> memref<1x81x128xi32, #tpu.memory_space<hbm>>
      %dma_wait3A_256 = tpu.memref_squeeze %dma_wait3A_255 : memref<1x81x128xi32, #tpu.memory_space<hbm>> -> memref<81x128xi32, #tpu.memory_space<hbm>>
      %dma_wait3A_257 = arith.constant 0 : i32
      %dma_wait3A_258 = arith.constant 0 : i32
      %dma_wait3A_259 = tpu.memref_slice %arg4[%add3A, %dma_wait3A_257, %dma_wait3A_258] : memref<32x81x128xi32, #tpu.memory_space<hbm>> -> memref<1x81x128xi32, #tpu.memory_space<hbm>>
      %dma_wait3A_260 = tpu.memref_squeeze %dma_wait3A_259 : memref<1x81x128xi32, #tpu.memory_space<hbm>> -> memref<81x128xi32, #tpu.memory_space<hbm>>
      tpu.wait_dma2 semaphore(%run_scoped3A : memref<!tpu.dma_semaphore, #tpu.memory_space<semaphore_mem>>) src(%dma_wait3A_260 : memref<81x128xi32, #tpu.memory_space<hbm>>) dst(%arg7 : memref<81x128xi32, #tpu.memory_space<vmem>>)
      tpu.yield
    }) : () -> ()
    %dma_start3A = arith.constant 0 : i32
    %dma_start3A_19 = arith.constant 0 : i32
    %dma_start3A_20 = arith.constant 0 : i32
    %dma_start3A_21 = tpu.memref_slice %arg8[%dma_start3A_19, %dma_start3A_20] : memref<512x64xf32, #tpu.memory_space<vmem>> -> memref<128x64xf32, #tpu.memory_space<vmem>>
    %dma_start3A_22 = arith.constant 0 : i32
    %dma_start3A_23 = tpu.memref_slice %arg6[%dma_start3A, %dma_start3A_22] : memref<81x128xi32, #tpu.memory_space<vmem>> -> memref<1x128xi32, #tpu.memory_space<vmem>>
    %dma_start3A_24 = tpu.memref_squeeze %dma_start3A_23 : memref<1x128xi32, #tpu.memory_space<vmem>> -> memref<128xi32, #tpu.memory_space<vmem>>
    %dma_start3A_25 = arith.constant 0 : i32
    %dma_start3A_26 = arith.constant 0 : i32
    %dma_start3A_27 = tpu.memref_slice %arg2[%dma_start3A_25, %dma_start3A_26] : memref<10240x64xf32, #tpu.memory_space<hbm>> -> memref<10240x64xf32, #tpu.memory_space<hbm>>
    tpu.enqueue_indirect_dma source(%dma_start3A_27 : memref<10240x64xf32, #tpu.memory_space<hbm>>) target(%dma_start3A_21 : memref<128x64xf32, #tpu.memory_space<vmem>>) offsets(%dma_start3A_24 : memref<128xi32, #tpu.memory_space<vmem>>) semaphore(%arg10 : memref<!tpu.dma_semaphore, #tpu.memory_space<semaphore_mem>>)
    %dma_start3A_28 = arith.constant 1 : i32
    %dma_start3A_29 = arith.constant 128 : i32
    %dma_start3A_30 = arith.constant 0 : i32
    %dma_start3A_31 = tpu.memref_slice %arg8[%dma_start3A_29, %dma_start3A_30] : memref<512x64xf32, #tpu.memory_space<vmem>> -> memref<128x64xf32, #tpu.memory_space<vmem>>
    %dma_start3A_32 = arith.constant 0 : i32
    %dma_start3A_33 = tpu.memref_slice %arg6[%dma_start3A_28, %dma_start3A_32] : memref<81x128xi32, #tpu.memory_space<vmem>> -> memref<1x128xi32, #tpu.memory_space<vmem>>
    %dma_start3A_34 = tpu.memref_squeeze %dma_start3A_33 : memref<1x128xi32, #tpu.memory_space<vmem>> -> memref<128xi32, #tpu.memory_space<vmem>>
    %dma_start3A_35 = arith.constant 0 : i32
    %dma_start3A_36 = arith.constant 0 : i32
    %dma_start3A_37 = tpu.memref_slice %arg2[%dma_start3A_35, %dma_start3A_36] : memref<10240x64xf32, #tpu.memory_space<hbm>> -> memref<10240x64xf32, #tpu.memory_space<hbm>>
    tpu.enqueue_indirect_dma source(%dma_start3A_37 : memref<10240x64xf32, #tpu.memory_space<hbm>>) target(%dma_start3A_31 : memref<128x64xf32, #tpu.memory_space<vmem>>) offsets(%dma_start3A_34 : memref<128xi32, #tpu.memory_space<vmem>>) semaphore(%arg11 : memref<!tpu.dma_semaphore, #tpu.memory_space<semaphore_mem>>)
    %dma_start3A_38 = arith.constant 2 : i32
    %dma_start3A_39 = arith.constant 256 : i32
    %dma_start3A_40 = arith.constant 0 : i32
    %dma_start3A_41 = tpu.memref_slice %arg8[%dma_start3A_39, %dma_start3A_40] : memref<512x64xf32, #tpu.memory_space<vmem>> -> memref<128x64xf32, #tpu.memory_space<vmem>>
    %dma_start3A_42 = arith.constant 0 : i32
    %dma_start3A_43 = tpu.memref_slice %arg6[%dma_start3A_38, %dma_start3A_42] : memref<81x128xi32, #tpu.memory_space<vmem>> -> memref<1x128xi32, #tpu.memory_space<vmem>>
    %dma_start3A_44 = tpu.memref_squeeze %dma_start3A_43 : memref<1x128xi32, #tpu.memory_space<vmem>> -> memref<128xi32, #tpu.memory_space<vmem>>
    %dma_start3A_45 = arith.constant 0 : i32
    %dma_start3A_46 = arith.constant 0 : i32
    %dma_start3A_47 = tpu.memref_slice %arg2[%dma_start3A_45, %dma_start3A_46] : memref<10240x64xf32, #tpu.memory_space<hbm>> -> memref<10240x64xf32, #tpu.memory_space<hbm>>
    tpu.enqueue_indirect_dma source(%dma_start3A_47 : memref<10240x64xf32, #tpu.memory_space<hbm>>) target(%dma_start3A_41 : memref<128x64xf32, #tpu.memory_space<vmem>>) offsets(%dma_start3A_44 : memref<128xi32, #tpu.memory_space<vmem>>) semaphore(%arg12 : memref<!tpu.dma_semaphore, #tpu.memory_space<semaphore_mem>>)
    %dma_wait3A = arith.constant 0 : i32
    %dma_wait3A_48 = arith.constant 0 : i32
    %dma_wait3A_49 = arith.constant 0 : i32
    %dma_wait3A_50 = tpu.memref_slice %arg8[%dma_wait3A_48, %dma_wait3A_49] : memref<512x64xf32, #tpu.memory_space<vmem>> -> memref<128x64xf32, #tpu.memory_space<vmem>>
    %dma_wait3A_51 = arith.constant 0 : i32
    %dma_wait3A_52 = tpu.memref_slice %arg6[%dma_wait3A, %dma_wait3A_51] : memref<81x128xi32, #tpu.memory_space<vmem>> -> memref<1x128xi32, #tpu.memory_space<vmem>>
    %dma_wait3A_53 = tpu.memref_squeeze %dma_wait3A_52 : memref<1x128xi32, #tpu.memory_space<vmem>> -> memref<128xi32, #tpu.memory_space<vmem>>
    %dma_wait3A_54 = arith.constant 0 : i32
    %dma_wait3A_55 = arith.constant 0 : i32
    %dma_wait3A_56 = tpu.memref_slice %arg2[%dma_wait3A_54, %dma_wait3A_55] : memref<10240x64xf32, #tpu.memory_space<hbm>> -> memref<10240x64xf32, #tpu.memory_space<hbm>>
    tpu.wait_indirect_dma semaphore(%arg10 : memref<!tpu.dma_semaphore, #tpu.memory_space<semaphore_mem>>) src(%dma_wait3A_56 : memref<10240x64xf32, #tpu.memory_space<hbm>>) dst(%dma_wait3A_50 : memref<128x64xf32, #tpu.memory_space<vmem>>)
    %dma_start3A_57 = arith.constant 0 : i32
    %dma_start3A_58 = arith.constant 0 : i32
    %dma_start3A_59 = arith.constant 0 : i32
    %dma_start3A_60 = tpu.memref_slice %arg8[%dma_start3A_58, %dma_start3A_59] : memref<512x64xf32, #tpu.memory_space<vmem>> -> memref<128x64xf32, #tpu.memory_space<vmem>>
    %dma_start3A_61 = arith.constant 0 : i32
    %dma_start3A_62 = tpu.memref_slice %arg7[%dma_start3A_57, %dma_start3A_61] : memref<81x128xi32, #tpu.memory_space<vmem>> -> memref<1x128xi32, #tpu.memory_space<vmem>>
    %dma_start3A_63 = tpu.memref_squeeze %dma_start3A_62 : memref<1x128xi32, #tpu.memory_space<vmem>> -> memref<128xi32, #tpu.memory_space<vmem>>
    %dma_start3A_64 = arith.constant 0 : i32
    %dma_start3A_65 = arith.constant 0 : i32
    %dma_start3A_66 = tpu.memref_slice %arg9[%dma_start3A_64, %dma_start3A_65] : memref<10240x64xf32, #tpu.memory_space<vmem_shared>> -> memref<10240x64xf32, #tpu.memory_space<vmem_shared>>
    tpu.enqueue_indirect_dma source(%dma_start3A_60 : memref<128x64xf32, #tpu.memory_space<vmem>>) target(%dma_start3A_66 : memref<10240x64xf32, #tpu.memory_space<vmem_shared>>) offsets(%dma_start3A_63 : memref<128xi32, #tpu.memory_space<vmem>>) semaphore(%arg14 : memref<!tpu.dma_semaphore, #tpu.memory_space<semaphore_mem>>) {add = true}
    %dma_start3A_67 = arith.constant 3 : i32
    %dma_start3A_68 = arith.constant 384 : i32
    %dma_start3A_69 = arith.constant 0 : i32
    %dma_start3A_70 = tpu.memref_slice %arg8[%dma_start3A_68, %dma_start3A_69] : memref<512x64xf32, #tpu.memory_space<vmem>> -> memref<128x64xf32, #tpu.memory_space<vmem>>
    %dma_start3A_71 = arith.constant 0 : i32
    %dma_start3A_72 = tpu.memref_slice %arg6[%dma_start3A_67, %dma_start3A_71] : memref<81x128xi32, #tpu.memory_space<vmem>> -> memref<1x128xi32, #tpu.memory_space<vmem>>
    %dma_start3A_73 = tpu.memref_squeeze %dma_start3A_72 : memref<1x128xi32, #tpu.memory_space<vmem>> -> memref<128xi32, #tpu.memory_space<vmem>>
    %dma_start3A_74 = arith.constant 0 : i32
    %dma_start3A_75 = arith.constant 0 : i32
    %dma_start3A_76 = tpu.memref_slice %arg2[%dma_start3A_74, %dma_start3A_75] : memref<10240x64xf32, #tpu.memory_space<hbm>> -> memref<10240x64xf32, #tpu.memory_space<hbm>>
    tpu.enqueue_indirect_dma source(%dma_start3A_76 : memref<10240x64xf32, #tpu.memory_space<hbm>>) target(%dma_start3A_70 : memref<128x64xf32, #tpu.memory_space<vmem>>) offsets(%dma_start3A_73 : memref<128xi32, #tpu.memory_space<vmem>>) semaphore(%arg13 : memref<!tpu.dma_semaphore, #tpu.memory_space<semaphore_mem>>)
    %dma_wait3A_77 = arith.constant 1 : i32
    %dma_wait3A_78 = arith.constant 128 : i32
    %dma_wait3A_79 = arith.constant 0 : i32
    %dma_wait3A_80 = tpu.memref_slice %arg8[%dma_wait3A_78, %dma_wait3A_79] : memref<512x64xf32, #tpu.memory_space<vmem>> -> memref<128x64xf32, #tpu.memory_space<vmem>>
    %dma_wait3A_81 = arith.constant 0 : i32
    %dma_wait3A_82 = tpu.memref_slice %arg6[%dma_wait3A_77, %dma_wait3A_81] : memref<81x128xi32, #tpu.memory_space<vmem>> -> memref<1x128xi32, #tpu.memory_space<vmem>>
    %dma_wait3A_83 = tpu.memref_squeeze %dma_wait3A_82 : memref<1x128xi32, #tpu.memory_space<vmem>> -> memref<128xi32, #tpu.memory_space<vmem>>
    %dma_wait3A_84 = arith.constant 0 : i32
    %dma_wait3A_85 = arith.constant 0 : i32
    %dma_wait3A_86 = tpu.memref_slice %arg2[%dma_wait3A_84, %dma_wait3A_85] : memref<10240x64xf32, #tpu.memory_space<hbm>> -> memref<10240x64xf32, #tpu.memory_space<hbm>>
    tpu.wait_indirect_dma semaphore(%arg11 : memref<!tpu.dma_semaphore, #tpu.memory_space<semaphore_mem>>) src(%dma_wait3A_86 : memref<10240x64xf32, #tpu.memory_space<hbm>>) dst(%dma_wait3A_80 : memref<128x64xf32, #tpu.memory_space<vmem>>)
    %dma_start3A_87 = arith.constant 1 : i32
    %dma_start3A_88 = arith.constant 128 : i32
    %dma_start3A_89 = arith.constant 0 : i32
    %dma_start3A_90 = tpu.memref_slice %arg8[%dma_start3A_88, %dma_start3A_89] : memref<512x64xf32, #tpu.memory_space<vmem>> -> memref<128x64xf32, #tpu.memory_space<vmem>>
    %dma_start3A_91 = arith.constant 0 : i32
    %dma_start3A_92 = tpu.memref_slice %arg7[%dma_start3A_87, %dma_start3A_91] : memref<81x128xi32, #tpu.memory_space<vmem>> -> memref<1x128xi32, #tpu.memory_space<vmem>>
    %dma_start3A_93 = tpu.memref_squeeze %dma_start3A_92 : memref<1x128xi32, #tpu.memory_space<vmem>> -> memref<128xi32, #tpu.memory_space<vmem>>
    %dma_start3A_94 = arith.constant 0 : i32
    %dma_start3A_95 = arith.constant 0 : i32
    %dma_start3A_96 = tpu.memref_slice %arg9[%dma_start3A_94, %dma_start3A_95] : memref<10240x64xf32, #tpu.memory_space<vmem_shared>> -> memref<10240x64xf32, #tpu.memory_space<vmem_shared>>
    tpu.enqueue_indirect_dma source(%dma_start3A_90 : memref<128x64xf32, #tpu.memory_space<vmem>>) target(%dma_start3A_96 : memref<10240x64xf32, #tpu.memory_space<vmem_shared>>) offsets(%dma_start3A_93 : memref<128xi32, #tpu.memory_space<vmem>>) semaphore(%arg15 : memref<!tpu.dma_semaphore, #tpu.memory_space<semaphore_mem>>) {add = true}
    %scan3A_97 = arith.constant 0 : i32
    %scan3A_98 = arith.constant 0 : i32
    %scan3A_99 = arith.constant 19 : i32
    %scan3A_100 = arith.addi %scan3A_98, %scan3A_99 : i32
    %scan3A_101 = arith.constant 1 : i32
    %scan3A_102 = scf.for %scan3A_245 = %scan3A_98 to %scan3A_100 step %scan3A_101 iter_args(%scan3A_246 = %scan3A_97) -> (i32)  : i32 {
      %mul3A_247 = arith.constant 4 : i32
      %mul3A_248 = arith.muli %mul3A_247, %scan3A_245 : i32
      %add3A_249 = arith.constant 2 : i32
      %add3A_250 = arith.addi %mul3A_248, %add3A_249 : i32
      %add3A_251 = arith.constant 0 : i32
      %add3A_252 = arith.addi %add3A_250, %add3A_251 : i32
      %sub3A = arith.constant 2 : i32
      %sub3A_253 = arith.subi %add3A_252, %sub3A : i32
      %dma_wait3A_254 = arith.constant 0 : i32
      %dma_wait3A_255 = arith.constant 0 : i32
      %dma_wait3A_256 = tpu.memref_slice %arg8[%dma_wait3A_254, %dma_wait3A_255] : memref<512x64xf32, #tpu.memory_space<vmem>> -> memref<128x64xf32, #tpu.memory_space<vmem>>
      %dma_wait3A_257 = arith.constant 0 : i32
      %dma_wait3A_258 = tpu.memref_slice %arg7[%sub3A_253, %dma_wait3A_257] : memref<81x128xi32, #tpu.memory_space<vmem>> -> memref<1x128xi32, #tpu.memory_space<vmem>>
      %dma_wait3A_259 = tpu.memref_squeeze %dma_wait3A_258 : memref<1x128xi32, #tpu.memory_space<vmem>> -> memref<128xi32, #tpu.memory_space<vmem>>
      %dma_wait3A_260 = arith.constant 0 : i32
      %dma_wait3A_261 = arith.constant 0 : i32
      %dma_wait3A_262 = tpu.memref_slice %arg9[%dma_wait3A_260, %dma_wait3A_261] : memref<10240x64xf32, #tpu.memory_space<vmem_shared>> -> memref<10240x64xf32, #tpu.memory_space<vmem_shared>>
      tpu.wait_indirect_dma semaphore(%arg14 : memref<!tpu.dma_semaphore, #tpu.memory_space<semaphore_mem>>) src(%dma_wait3A_256 : memref<128x64xf32, #tpu.memory_space<vmem>>) dst(%dma_wait3A_262 : memref<10240x64xf32, #tpu.memory_space<vmem_shared>>)
      %add3A_263 = arith.constant 2 : i32
      %add3A_264 = arith.addi %add3A_252, %add3A_263 : i32
      %dma_start3A_265 = arith.constant 0 : i32
      %dma_start3A_266 = arith.constant 0 : i32
      %dma_start3A_267 = tpu.memref_slice %arg8[%dma_start3A_265, %dma_start3A_266] : memref<512x64xf32, #tpu.memory_space<vmem>> -> memref<128x64xf32, #tpu.memory_space<vmem>>
      %dma_start3A_268 = arith.constant 0 : i32
      %dma_start3A_269 = tpu.memref_slice %arg6[%add3A_264, %dma_start3A_268] : memref<81x128xi32, #tpu.memory_space<vmem>> -> memref<1x128xi32, #tpu.memory_space<vmem>>
      %dma_start3A_270 = tpu.memref_squeeze %dma_start3A_269 : memref<1x128xi32, #tpu.memory_space<vmem>> -> memref<128xi32, #tpu.memory_space<vmem>>
      %dma_start3A_271 = arith.constant 0 : i32
      %dma_start3A_272 = arith.constant 0 : i32
      %dma_start3A_273 = tpu.memref_slice %arg2[%dma_start3A_271, %dma_start3A_272] : memref<10240x64xf32, #tpu.memory_space<hbm>> -> memref<10240x64xf32, #tpu.memory_space<hbm>>
      tpu.enqueue_indirect_dma source(%dma_start3A_273 : memref<10240x64xf32, #tpu.memory_space<hbm>>) target(%dma_start3A_267 : memref<128x64xf32, #tpu.memory_space<vmem>>) offsets(%dma_start3A_270 : memref<128xi32, #tpu.memory_space<vmem>>) semaphore(%arg10 : memref<!tpu.dma_semaphore, #tpu.memory_space<semaphore_mem>>)
      %dma_wait3A_274 = arith.constant 256 : i32
      %dma_wait3A_275 = arith.constant 0 : i32
      %dma_wait3A_276 = tpu.memref_slice %arg8[%dma_wait3A_274, %dma_wait3A_275] : memref<512x64xf32, #tpu.memory_space<vmem>> -> memref<128x64xf32, #tpu.memory_space<vmem>>
      %dma_wait3A_277 = arith.constant 0 : i32
      %dma_wait3A_278 = tpu.memref_slice %arg6[%add3A_252, %dma_wait3A_277] : memref<81x128xi32, #tpu.memory_space<vmem>> -> memref<1x128xi32, #tpu.memory_space<vmem>>
      %dma_wait3A_279 = tpu.memref_squeeze %dma_wait3A_278 : memref<1x128xi32, #tpu.memory_space<vmem>> -> memref<128xi32, #tpu.memory_space<vmem>>
      %dma_wait3A_280 = arith.constant 0 : i32
      %dma_wait3A_281 = arith.constant 0 : i32
      %dma_wait3A_282 = tpu.memref_slice %arg2[%dma_wait3A_280, %dma_wait3A_281] : memref<10240x64xf32, #tpu.memory_space<hbm>> -> memref<10240x64xf32, #tpu.memory_space<hbm>>
      tpu.wait_indirect_dma semaphore(%arg12 : memref<!tpu.dma_semaphore, #tpu.memory_space<semaphore_mem>>) src(%dma_wait3A_282 : memref<10240x64xf32, #tpu.memory_space<hbm>>) dst(%dma_wait3A_276 : memref<128x64xf32, #tpu.memory_space<vmem>>)
      %dma_start3A_283 = arith.constant 256 : i32
      %dma_start3A_284 = arith.constant 0 : i32
      %dma_start3A_285 = tpu.memref_slice %arg8[%dma_start3A_283, %dma_start3A_284] : memref<512x64xf32, #tpu.memory_space<vmem>> -> memref<128x64xf32, #tpu.memory_space<vmem>>
      %dma_start3A_286 = arith.constant 0 : i32
      %dma_start3A_287 = tpu.memref_slice %arg7[%add3A_252, %dma_start3A_286] : memref<81x128xi32, #tpu.memory_space<vmem>> -> memref<1x128xi32, #tpu.memory_space<vmem>>
      %dma_start3A_288 = tpu.memref_squeeze %dma_start3A_287 : memref<1x128xi32, #tpu.memory_space<vmem>> -> memref<128xi32, #tpu.memory_space<vmem>>
      %dma_start3A_289 = arith.constant 0 : i32
      %dma_start3A_290 = arith.constant 0 : i32
      %dma_start3A_291 = tpu.memref_slice %arg9[%dma_start3A_289, %dma_start3A_290] : memref<10240x64xf32, #tpu.memory_space<vmem_shared>> -> memref<10240x64xf32, #tpu.memory_space<vmem_shared>>
      tpu.enqueue_indirect_dma source(%dma_start3A_285 : memref<128x64xf32, #tpu.memory_space<vmem>>) target(%dma_start3A_291 : memref<10240x64xf32, #tpu.memory_space<vmem_shared>>) offsets(%dma_start3A_288 : memref<128xi32, #tpu.memory_space<vmem>>) semaphore(%arg16 : memref<!tpu.dma_semaphore, #tpu.memory_space<semaphore_mem>>) {add = true}
      %add3A_292 = arith.constant 1 : i32
      %add3A_293 = arith.addi %add3A_250, %add3A_292 : i32
      %sub3A_294 = arith.constant 2 : i32
      %sub3A_295 = arith.subi %add3A_293, %sub3A_294 : i32
      %dma_wait3A_296 = arith.constant 128 : i32
      %dma_wait3A_297 = arith.constant 0 : i32
      %dma_wait3A_298 = tpu.memref_slice %arg8[%dma_wait3A_296, %dma_wait3A_297] : memref<512x64xf32, #tpu.memory_space<vmem>> -> memref<128x64xf32, #tpu.memory_space<vmem>>
      %dma_wait3A_299 = arith.constant 0 : i32
      %dma_wait3A_300 = tpu.memref_slice %arg7[%sub3A_295, %dma_wait3A_299] : memref<81x128xi32, #tpu.memory_space<vmem>> -> memref<1x128xi32, #tpu.memory_space<vmem>>
      %dma_wait3A_301 = tpu.memref_squeeze %dma_wait3A_300 : memref<1x128xi32, #tpu.memory_space<vmem>> -> memref<128xi32, #tpu.memory_space<vmem>>
      %dma_wait3A_302 = arith.constant 0 : i32
      %dma_wait3A_303 = arith.constant 0 : i32
      %dma_wait3A_304 = tpu.memref_slice %arg9[%dma_wait3A_302, %dma_wait3A_303] : memref<10240x64xf32, #tpu.memory_space<vmem_shared>> -> memref<10240x64xf32, #tpu.memory_space<vmem_shared>>
      tpu.wait_indirect_dma semaphore(%arg15 : memref<!tpu.dma_semaphore, #tpu.memory_space<semaphore_mem>>) src(%dma_wait3A_298 : memref<128x64xf32, #tpu.memory_space<vmem>>) dst(%dma_wait3A_304 : memref<10240x64xf32, #tpu.memory_space<vmem_shared>>)
      %add3A_305 = arith.constant 2 : i32
      %add3A_306 = arith.addi %add3A_293, %add3A_305 : i32
      %dma_start3A_307 = arith.constant 128 : i32
      %dma_start3A_308 = arith.constant 0 : i32
      %dma_start3A_309 = tpu.memref_slice %arg8[%dma_start3A_307, %dma_start3A_308] : memref<512x64xf32, #tpu.memory_space<vmem>> -> memref<128x64xf32, #tpu.memory_space<vmem>>
      %dma_start3A_310 = arith.constant 0 : i32
      %dma_start3A_311 = tpu.memref_slice %arg6[%add3A_306, %dma_start3A_310] : memref<81x128xi32, #tpu.memory_space<vmem>> -> memref<1x128xi32, #tpu.memory_space<vmem>>
      %dma_start3A_312 = tpu.memref_squeeze %dma_start3A_311 : memref<1x128xi32, #tpu.memory_space<vmem>> -> memref<128xi32, #tpu.memory_space<vmem>>
      %dma_start3A_313 = arith.constant 0 : i32
      %dma_start3A_314 = arith.constant 0 : i32
      %dma_start3A_315 = tpu.memref_slice %arg2[%dma_start3A_313, %dma_start3A_314] : memref<10240x64xf32, #tpu.memory_space<hbm>> -> memref<10240x64xf32, #tpu.memory_space<hbm>>
      tpu.enqueue_indirect_dma source(%dma_start3A_315 : memref<10240x64xf32, #tpu.memory_space<hbm>>) target(%dma_start3A_309 : memref<128x64xf32, #tpu.memory_space<vmem>>) offsets(%dma_start3A_312 : memref<128xi32, #tpu.memory_space<vmem>>) semaphore(%arg11 : memref<!tpu.dma_semaphore, #tpu.memory_space<semaphore_mem>>)
      %dma_wait3A_316 = arith.constant 384 : i32
      %dma_wait3A_317 = arith.constant 0 : i32
      %dma_wait3A_318 = tpu.memref_slice %arg8[%dma_wait3A_316, %dma_wait3A_317] : memref<512x64xf32, #tpu.memory_space<vmem>> -> memref<128x64xf32, #tpu.memory_space<vmem>>
      %dma_wait3A_319 = arith.constant 0 : i32
      %dma_wait3A_320 = tpu.memref_slice %arg6[%add3A_293, %dma_wait3A_319] : memref<81x128xi32, #tpu.memory_space<vmem>> -> memref<1x128xi32, #tpu.memory_space<vmem>>
      %dma_wait3A_321 = tpu.memref_squeeze %dma_wait3A_320 : memref<1x128xi32, #tpu.memory_space<vmem>> -> memref<128xi32, #tpu.memory_space<vmem>>
      %dma_wait3A_322 = arith.constant 0 : i32
      %dma_wait3A_323 = arith.constant 0 : i32
      %dma_wait3A_324 = tpu.memref_slice %arg2[%dma_wait3A_322, %dma_wait3A_323] : memref<10240x64xf32, #tpu.memory_space<hbm>> -> memref<10240x64xf32, #tpu.memory_space<hbm>>
      tpu.wait_indirect_dma semaphore(%arg13 : memref<!tpu.dma_semaphore, #tpu.memory_space<semaphore_mem>>) src(%dma_wait3A_324 : memref<10240x64xf32, #tpu.memory_space<hbm>>) dst(%dma_wait3A_318 : memref<128x64xf32, #tpu.memory_space<vmem>>)
      %dma_start3A_325 = arith.constant 384 : i32
      %dma_start3A_326 = arith.constant 0 : i32
      %dma_start3A_327 = tpu.memref_slice %arg8[%dma_start3A_325, %dma_start3A_326] : memref<512x64xf32, #tpu.memory_space<vmem>> -> memref<128x64xf32, #tpu.memory_space<vmem>>
      %dma_start3A_328 = arith.constant 0 : i32
      %dma_start3A_329 = tpu.memref_slice %arg7[%add3A_293, %dma_start3A_328] : memref<81x128xi32, #tpu.memory_space<vmem>> -> memref<1x128xi32, #tpu.memory_space<vmem>>
      %dma_start3A_330 = tpu.memref_squeeze %dma_start3A_329 : memref<1x128xi32, #tpu.memory_space<vmem>> -> memref<128xi32, #tpu.memory_space<vmem>>
      %dma_start3A_331 = arith.constant 0 : i32
      %dma_start3A_332 = arith.constant 0 : i32
      %dma_start3A_333 = tpu.memref_slice %arg9[%dma_start3A_331, %dma_start3A_332] : memref<10240x64xf32, #tpu.memory_space<vmem_shared>> -> memref<10240x64xf32, #tpu.memory_space<vmem_shared>>
      tpu.enqueue_indirect_dma source(%dma_start3A_327 : memref<128x64xf32, #tpu.memory_space<vmem>>) target(%dma_start3A_333 : memref<10240x64xf32, #tpu.memory_space<vmem_shared>>) offsets(%dma_start3A_330 : memref<128xi32, #tpu.memory_space<vmem>>) semaphore(%arg17 : memref<!tpu.dma_semaphore, #tpu.memory_space<semaphore_mem>>) {add = true}
      %add3A_334 = arith.constant 2 : i32
      %add3A_335 = arith.addi %add3A_250, %add3A_334 : i32
      %sub3A_336 = arith.constant 2 : i32
      %sub3A_337 = arith.subi %add3A_335, %sub3A_336 : i32
      %dma_wait3A_338 = arith.constant 256 : i32
      %dma_wait3A_339 = arith.constant 0 : i32
      %dma_wait3A_340 = tpu.memref_slice %arg8[%dma_wait3A_338, %dma_wait3A_339] : memref<512x64xf32, #tpu.memory_space<vmem>> -> memref<128x64xf32, #tpu.memory_space<vmem>>
      %dma_wait3A_341 = arith.constant 0 : i32
      %dma_wait3A_342 = tpu.memref_slice %arg7[%sub3A_337, %dma_wait3A_341] : memref<81x128xi32, #tpu.memory_space<vmem>> -> memref<1x128xi32, #tpu.memory_space<vmem>>
      %dma_wait3A_343 = tpu.memref_squeeze %dma_wait3A_342 : memref<1x128xi32, #tpu.memory_space<vmem>> -> memref<128xi32, #tpu.memory_space<vmem>>
      %dma_wait3A_344 = arith.constant 0 : i32
      %dma_wait3A_345 = arith.constant 0 : i32
      %dma_wait3A_346 = tpu.memref_slice %arg9[%dma_wait3A_344, %dma_wait3A_345] : memref<10240x64xf32, #tpu.memory_space<vmem_shared>> -> memref<10240x64xf32, #tpu.memory_space<vmem_shared>>
      tpu.wait_indirect_dma semaphore(%arg16 : memref<!tpu.dma_semaphore, #tpu.memory_space<semaphore_mem>>) src(%dma_wait3A_340 : memref<128x64xf32, #tpu.memory_space<vmem>>) dst(%dma_wait3A_346 : memref<10240x64xf32, #tpu.memory_space<vmem_shared>>)
      %add3A_347 = arith.constant 2 : i32
      %add3A_348 = arith.addi %add3A_335, %add3A_347 : i32
      %dma_start3A_349 = arith.constant 256 : i32
      %dma_start3A_350 = arith.constant 0 : i32
      %dma_start3A_351 = tpu.memref_slice %arg8[%dma_start3A_349, %dma_start3A_350] : memref<512x64xf32, #tpu.memory_space<vmem>> -> memref<128x64xf32, #tpu.memory_space<vmem>>
      %dma_start3A_352 = arith.constant 0 : i32
      %dma_start3A_353 = tpu.memref_slice %arg6[%add3A_348, %dma_start3A_352] : memref<81x128xi32, #tpu.memory_space<vmem>> -> memref<1x128xi32, #tpu.memory_space<vmem>>
      %dma_start3A_354 = tpu.memref_squeeze %dma_start3A_353 : memref<1x128xi32, #tpu.memory_space<vmem>> -> memref<128xi32, #tpu.memory_space<vmem>>
      %dma_start3A_355 = arith.constant 0 : i32
      %dma_start3A_356 = arith.constant 0 : i32
      %dma_start3A_357 = tpu.memref_slice %arg2[%dma_start3A_355, %dma_start3A_356] : memref<10240x64xf32, #tpu.memory_space<hbm>> -> memref<10240x64xf32, #tpu.memory_space<hbm>>
      tpu.enqueue_indirect_dma source(%dma_start3A_357 : memref<10240x64xf32, #tpu.memory_space<hbm>>) target(%dma_start3A_351 : memref<128x64xf32, #tpu.memory_space<vmem>>) offsets(%dma_start3A_354 : memref<128xi32, #tpu.memory_space<vmem>>) semaphore(%arg12 : memref<!tpu.dma_semaphore, #tpu.memory_space<semaphore_mem>>)
      %dma_wait3A_358 = arith.constant 0 : i32
      %dma_wait3A_359 = arith.constant 0 : i32
      %dma_wait3A_360 = tpu.memref_slice %arg8[%dma_wait3A_358, %dma_wait3A_359] : memref<512x64xf32, #tpu.memory_space<vmem>> -> memref<128x64xf32, #tpu.memory_space<vmem>>
      %dma_wait3A_361 = arith.constant 0 : i32
      %dma_wait3A_362 = tpu.memref_slice %arg6[%add3A_335, %dma_wait3A_361] : memref<81x128xi32, #tpu.memory_space<vmem>> -> memref<1x128xi32, #tpu.memory_space<vmem>>
      %dma_wait3A_363 = tpu.memref_squeeze %dma_wait3A_362 : memref<1x128xi32, #tpu.memory_space<vmem>> -> memref<128xi32, #tpu.memory_space<vmem>>
      %dma_wait3A_364 = arith.constant 0 : i32
      %dma_wait3A_365 = arith.constant 0 : i32
      %dma_wait3A_366 = tpu.memref_slice %arg2[%dma_wait3A_364, %dma_wait3A_365] : memref<10240x64xf32, #tpu.memory_space<hbm>> -> memref<10240x64xf32, #tpu.memory_space<hbm>>
      tpu.wait_indirect_dma semaphore(%arg10 : memref<!tpu.dma_semaphore, #tpu.memory_space<semaphore_mem>>) src(%dma_wait3A_366 : memref<10240x64xf32, #tpu.memory_space<hbm>>) dst(%dma_wait3A_360 : memref<128x64xf32, #tpu.memory_space<vmem>>)
      %dma_start3A_367 = arith.constant 0 : i32
      %dma_start3A_368 = arith.constant 0 : i32
      %dma_start3A_369 = tpu.memref_slice %arg8[%dma_start3A_367, %dma_start3A_368] : memref<512x64xf32, #tpu.memory_space<vmem>> -> memref<128x64xf32, #tpu.memory_space<vmem>>
      %dma_start3A_370 = arith.constant 0 : i32
      %dma_start3A_371 = tpu.memref_slice %arg7[%add3A_335, %dma_start3A_370] : memref<81x128xi32, #tpu.memory_space<vmem>> -> memref<1x128xi32, #tpu.memory_space<vmem>>
      %dma_start3A_372 = tpu.memref_squeeze %dma_start3A_371 : memref<1x128xi32, #tpu.memory_space<vmem>> -> memref<128xi32, #tpu.memory_space<vmem>>
      %dma_start3A_373 = arith.constant 0 : i32
      %dma_start3A_374 = arith.constant 0 : i32
      %dma_start3A_375 = tpu.memref_slice %arg9[%dma_start3A_373, %dma_start3A_374] : memref<10240x64xf32, #tpu.memory_space<vmem_shared>> -> memref<10240x64xf32, #tpu.memory_space<vmem_shared>>
      tpu.enqueue_indirect_dma source(%dma_start3A_369 : memref<128x64xf32, #tpu.memory_space<vmem>>) target(%dma_start3A_375 : memref<10240x64xf32, #tpu.memory_space<vmem_shared>>) offsets(%dma_start3A_372 : memref<128xi32, #tpu.memory_space<vmem>>) semaphore(%arg14 : memref<!tpu.dma_semaphore, #tpu.memory_space<semaphore_mem>>) {add = true}
      %add3A_376 = arith.constant 3 : i32
      %add3A_377 = arith.addi %add3A_250, %add3A_376 : i32
      %sub3A_378 = arith.constant 2 : i32
      %sub3A_379 = arith.subi %add3A_377, %sub3A_378 : i32
      %dma_wait3A_380 = arith.constant 384 : i32
      %dma_wait3A_381 = arith.constant 0 : i32
      %dma_wait3A_382 = tpu.memref_slice %arg8[%dma_wait3A_380, %dma_wait3A_381] : memref<512x64xf32, #tpu.memory_space<vmem>> -> memref<128x64xf32, #tpu.memory_space<vmem>>
      %dma_wait3A_383 = arith.constant 0 : i32
      %dma_wait3A_384 = tpu.memref_slice %arg7[%sub3A_379, %dma_wait3A_383] : memref<81x128xi32, #tpu.memory_space<vmem>> -> memref<1x128xi32, #tpu.memory_space<vmem>>
      %dma_wait3A_385 = tpu.memref_squeeze %dma_wait3A_384 : memref<1x128xi32, #tpu.memory_space<vmem>> -> memref<128xi32, #tpu.memory_space<vmem>>
      %dma_wait3A_386 = arith.constant 0 : i32
      %dma_wait3A_387 = arith.constant 0 : i32
      %dma_wait3A_388 = tpu.memref_slice %arg9[%dma_wait3A_386, %dma_wait3A_387] : memref<10240x64xf32, #tpu.memory_space<vmem_shared>> -> memref<10240x64xf32, #tpu.memory_space<vmem_shared>>
      tpu.wait_indirect_dma semaphore(%arg17 : memref<!tpu.dma_semaphore, #tpu.memory_space<semaphore_mem>>) src(%dma_wait3A_382 : memref<128x64xf32, #tpu.memory_space<vmem>>) dst(%dma_wait3A_388 : memref<10240x64xf32, #tpu.memory_space<vmem_shared>>)
      %add3A_389 = arith.constant 2 : i32
      %add3A_390 = arith.addi %add3A_377, %add3A_389 : i32
      %dma_start3A_391 = arith.constant 384 : i32
      %dma_start3A_392 = arith.constant 0 : i32
      %dma_start3A_393 = tpu.memref_slice %arg8[%dma_start3A_391, %dma_start3A_392] : memref<512x64xf32, #tpu.memory_space<vmem>> -> memref<128x64xf32, #tpu.memory_space<vmem>>
      %dma_start3A_394 = arith.constant 0 : i32
      %dma_start3A_395 = tpu.memref_slice %arg6[%add3A_390, %dma_start3A_394] : memref<81x128xi32, #tpu.memory_space<vmem>> -> memref<1x128xi32, #tpu.memory_space<vmem>>
      %dma_start3A_396 = tpu.memref_squeeze %dma_start3A_395 : memref<1x128xi32, #tpu.memory_space<vmem>> -> memref<128xi32, #tpu.memory_space<vmem>>
      %dma_start3A_397 = arith.constant 0 : i32
      %dma_start3A_398 = arith.constant 0 : i32
      %dma_start3A_399 = tpu.memref_slice %arg2[%dma_start3A_397, %dma_start3A_398] : memref<10240x64xf32, #tpu.memory_space<hbm>> -> memref<10240x64xf32, #tpu.memory_space<hbm>>
      tpu.enqueue_indirect_dma source(%dma_start3A_399 : memref<10240x64xf32, #tpu.memory_space<hbm>>) target(%dma_start3A_393 : memref<128x64xf32, #tpu.memory_space<vmem>>) offsets(%dma_start3A_396 : memref<128xi32, #tpu.memory_space<vmem>>) semaphore(%arg13 : memref<!tpu.dma_semaphore, #tpu.memory_space<semaphore_mem>>)
      %dma_wait3A_400 = arith.constant 128 : i32
      %dma_wait3A_401 = arith.constant 0 : i32
      %dma_wait3A_402 = tpu.memref_slice %arg8[%dma_wait3A_400, %dma_wait3A_401] : memref<512x64xf32, #tpu.memory_space<vmem>> -> memref<128x64xf32, #tpu.memory_space<vmem>>
      %dma_wait3A_403 = arith.constant 0 : i32
      %dma_wait3A_404 = tpu.memref_slice %arg6[%add3A_377, %dma_wait3A_403] : memref<81x128xi32, #tpu.memory_space<vmem>> -> memref<1x128xi32, #tpu.memory_space<vmem>>
      %dma_wait3A_405 = tpu.memref_squeeze %dma_wait3A_404 : memref<1x128xi32, #tpu.memory_space<vmem>> -> memref<128xi32, #tpu.memory_space<vmem>>
      %dma_wait3A_406 = arith.constant 0 : i32
      %dma_wait3A_407 = arith.constant 0 : i32
      %dma_wait3A_408 = tpu.memref_slice %arg2[%dma_wait3A_406, %dma_wait3A_407] : memref<10240x64xf32, #tpu.memory_space<hbm>> -> memref<10240x64xf32, #tpu.memory_space<hbm>>
      tpu.wait_indirect_dma semaphore(%arg11 : memref<!tpu.dma_semaphore, #tpu.memory_space<semaphore_mem>>) src(%dma_wait3A_408 : memref<10240x64xf32, #tpu.memory_space<hbm>>) dst(%dma_wait3A_402 : memref<128x64xf32, #tpu.memory_space<vmem>>)
      %dma_start3A_409 = arith.constant 128 : i32
      %dma_start3A_410 = arith.constant 0 : i32
      %dma_start3A_411 = tpu.memref_slice %arg8[%dma_start3A_409, %dma_start3A_410] : memref<512x64xf32, #tpu.memory_space<vmem>> -> memref<128x64xf32, #tpu.memory_space<vmem>>
      %dma_start3A_412 = arith.constant 0 : i32
      %dma_start3A_413 = tpu.memref_slice %arg7[%add3A_377, %dma_start3A_412] : memref<81x128xi32, #tpu.memory_space<vmem>> -> memref<1x128xi32, #tpu.memory_space<vmem>>
      %dma_start3A_414 = tpu.memref_squeeze %dma_start3A_413 : memref<1x128xi32, #tpu.memory_space<vmem>> -> memref<128xi32, #tpu.memory_space<vmem>>
      %dma_start3A_415 = arith.constant 0 : i32
      %dma_start3A_416 = arith.constant 0 : i32
      %dma_start3A_417 = tpu.memref_slice %arg9[%dma_start3A_415, %dma_start3A_416] : memref<10240x64xf32, #tpu.memory_space<vmem_shared>> -> memref<10240x64xf32, #tpu.memory_space<vmem_shared>>
      tpu.enqueue_indirect_dma source(%dma_start3A_411 : memref<128x64xf32, #tpu.memory_space<vmem>>) target(%dma_start3A_417 : memref<10240x64xf32, #tpu.memory_space<vmem_shared>>) offsets(%dma_start3A_414 : memref<128xi32, #tpu.memory_space<vmem>>) semaphore(%arg15 : memref<!tpu.dma_semaphore, #tpu.memory_space<semaphore_mem>>) {add = true}
      %scan3A_418 = arith.constant 0 : i32
      scf.yield %scan3A_418 : i32
    }
    %scan3A_103 = arith.constant 19 : i32
    %dma_wait3A_104 = arith.constant 76 : i32
    %dma_wait3A_105 = arith.constant 0 : i32
    %dma_wait3A_106 = arith.constant 0 : i32
    %dma_wait3A_107 = tpu.memref_slice %arg8[%dma_wait3A_105, %dma_wait3A_106] : memref<512x64xf32, #tpu.memory_space<vmem>> -> memref<128x64xf32, #tpu.memory_space<vmem>>
    %dma_wait3A_108 = arith.constant 0 : i32
    %dma_wait3A_109 = tpu.memref_slice %arg7[%dma_wait3A_104, %dma_wait3A_108] : memref<81x128xi32, #tpu.memory_space<vmem>> -> memref<1x128xi32, #tpu.memory_space<vmem>>
    %dma_wait3A_110 = tpu.memref_squeeze %dma_wait3A_109 : memref<1x128xi32, #tpu.memory_space<vmem>> -> memref<128xi32, #tpu.memory_space<vmem>>
    %dma_wait3A_111 = arith.constant 0 : i32
    %dma_wait3A_112 = arith.constant 0 : i32
    %dma_wait3A_113 = tpu.memref_slice %arg9[%dma_wait3A_111, %dma_wait3A_112] : memref<10240x64xf32, #tpu.memory_space<vmem_shared>> -> memref<10240x64xf32, #tpu.memory_space<vmem_shared>>
    tpu.wait_indirect_dma semaphore(%arg14 : memref<!tpu.dma_semaphore, #tpu.memory_space<semaphore_mem>>) src(%dma_wait3A_107 : memref<128x64xf32, #tpu.memory_space<vmem>>) dst(%dma_wait3A_113 : memref<10240x64xf32, #tpu.memory_space<vmem_shared>>)
    %dma_start3A_114 = arith.constant 80 : i32
    %dma_start3A_115 = arith.constant 0 : i32
    %dma_start3A_116 = arith.constant 0 : i32
    %dma_start3A_117 = tpu.memref_slice %arg8[%dma_start3A_115, %dma_start3A_116] : memref<512x64xf32, #tpu.memory_space<vmem>> -> memref<128x64xf32, #tpu.memory_space<vmem>>
    %dma_start3A_118 = arith.constant 0 : i32
    %dma_start3A_119 = tpu.memref_slice %arg6[%dma_start3A_114, %dma_start3A_118] : memref<81x128xi32, #tpu.memory_space<vmem>> -> memref<1x128xi32, #tpu.memory_space<vmem>>
    %dma_start3A_120 = tpu.memref_squeeze %dma_start3A_119 : memref<1x128xi32, #tpu.memory_space<vmem>> -> memref<128xi32, #tpu.memory_space<vmem>>
    %dma_start3A_121 = arith.constant 0 : i32
    %dma_start3A_122 = arith.constant 0 : i32
    %dma_start3A_123 = tpu.memref_slice %arg2[%dma_start3A_121, %dma_start3A_122] : memref<10240x64xf32, #tpu.memory_space<hbm>> -> memref<10240x64xf32, #tpu.memory_space<hbm>>
    tpu.enqueue_indirect_dma source(%dma_start3A_123 : memref<10240x64xf32, #tpu.memory_space<hbm>>) target(%dma_start3A_117 : memref<128x64xf32, #tpu.memory_space<vmem>>) offsets(%dma_start3A_120 : memref<128xi32, #tpu.memory_space<vmem>>) semaphore(%arg10 : memref<!tpu.dma_semaphore, #tpu.memory_space<semaphore_mem>>)
    %dma_wait3A_124 = arith.constant 78 : i32
    %dma_wait3A_125 = arith.constant 256 : i32
    %dma_wait3A_126 = arith.constant 0 : i32
    %dma_wait3A_127 = tpu.memref_slice %arg8[%dma_wait3A_125, %dma_wait3A_126] : memref<512x64xf32, #tpu.memory_space<vmem>> -> memref<128x64xf32, #tpu.memory_space<vmem>>
    %dma_wait3A_128 = arith.constant 0 : i32
    %dma_wait3A_129 = tpu.memref_slice %arg6[%dma_wait3A_124, %dma_wait3A_128] : memref<81x128xi32, #tpu.memory_space<vmem>> -> memref<1x128xi32, #tpu.memory_space<vmem>>
    %dma_wait3A_130 = tpu.memref_squeeze %dma_wait3A_129 : memref<1x128xi32, #tpu.memory_space<vmem>> -> memref<128xi32, #tpu.memory_space<vmem>>
    %dma_wait3A_131 = arith.constant 0 : i32
    %dma_wait3A_132 = arith.constant 0 : i32
    %dma_wait3A_133 = tpu.memref_slice %arg2[%dma_wait3A_131, %dma_wait3A_132] : memref<10240x64xf32, #tpu.memory_space<hbm>> -> memref<10240x64xf32, #tpu.memory_space<hbm>>
    tpu.wait_indirect_dma semaphore(%arg12 : memref<!tpu.dma_semaphore, #tpu.memory_space<semaphore_mem>>) src(%dma_wait3A_133 : memref<10240x64xf32, #tpu.memory_space<hbm>>) dst(%dma_wait3A_127 : memref<128x64xf32, #tpu.memory_space<vmem>>)
    %dma_start3A_134 = arith.constant 78 : i32
    %dma_start3A_135 = arith.constant 256 : i32
    %dma_start3A_136 = arith.constant 0 : i32
    %dma_start3A_137 = tpu.memref_slice %arg8[%dma_start3A_135, %dma_start3A_136] : memref<512x64xf32, #tpu.memory_space<vmem>> -> memref<128x64xf32, #tpu.memory_space<vmem>>
    %dma_start3A_138 = arith.constant 0 : i32
    %dma_start3A_139 = tpu.memref_slice %arg7[%dma_start3A_134, %dma_start3A_138] : memref<81x128xi32, #tpu.memory_space<vmem>> -> memref<1x128xi32, #tpu.memory_space<vmem>>
    %dma_start3A_140 = tpu.memref_squeeze %dma_start3A_139 : memref<1x128xi32, #tpu.memory_space<vmem>> -> memref<128xi32, #tpu.memory_space<vmem>>
    %dma_start3A_141 = arith.constant 0 : i32
    %dma_start3A_142 = arith.constant 0 : i32
    %dma_start3A_143 = tpu.memref_slice %arg9[%dma_start3A_141, %dma_start3A_142] : memref<10240x64xf32, #tpu.memory_space<vmem_shared>> -> memref<10240x64xf32, #tpu.memory_space<vmem_shared>>
    tpu.enqueue_indirect_dma source(%dma_start3A_137 : memref<128x64xf32, #tpu.memory_space<vmem>>) target(%dma_start3A_143 : memref<10240x64xf32, #tpu.memory_space<vmem_shared>>) offsets(%dma_start3A_140 : memref<128xi32, #tpu.memory_space<vmem>>) semaphore(%arg16 : memref<!tpu.dma_semaphore, #tpu.memory_space<semaphore_mem>>) {add = true}
    %dma_wait3A_144 = arith.constant 77 : i32
    %dma_wait3A_145 = arith.constant 128 : i32
    %dma_wait3A_146 = arith.constant 0 : i32
    %dma_wait3A_147 = tpu.memref_slice %arg8[%dma_wait3A_145, %dma_wait3A_146] : memref<512x64xf32, #tpu.memory_space<vmem>> -> memref<128x64xf32, #tpu.memory_space<vmem>>
    %dma_wait3A_148 = arith.constant 0 : i32
    %dma_wait3A_149 = tpu.memref_slice %arg7[%dma_wait3A_144, %dma_wait3A_148] : memref<81x128xi32, #tpu.memory_space<vmem>> -> memref<1x128xi32, #tpu.memory_space<vmem>>
    %dma_wait3A_150 = tpu.memref_squeeze %dma_wait3A_149 : memref<1x128xi32, #tpu.memory_space<vmem>> -> memref<128xi32, #tpu.memory_space<vmem>>
    %dma_wait3A_151 = arith.constant 0 : i32
    %dma_wait3A_152 = arith.constant 0 : i32
    %dma_wait3A_153 = tpu.memref_slice %arg9[%dma_wait3A_151, %dma_wait3A_152] : memref<10240x64xf32, #tpu.memory_space<vmem_shared>> -> memref<10240x64xf32, #tpu.memory_space<vmem_shared>>
    tpu.wait_indirect_dma semaphore(%arg15 : memref<!tpu.dma_semaphore, #tpu.memory_space<semaphore_mem>>) src(%dma_wait3A_147 : memref<128x64xf32, #tpu.memory_space<vmem>>) dst(%dma_wait3A_153 : memref<10240x64xf32, #tpu.memory_space<vmem_shared>>)
    %dma_wait3A_154 = arith.constant 79 : i32
    %dma_wait3A_155 = arith.constant 384 : i32
    %dma_wait3A_156 = arith.constant 0 : i32
    %dma_wait3A_157 = tpu.memref_slice %arg8[%dma_wait3A_155, %dma_wait3A_156] : memref<512x64xf32, #tpu.memory_space<vmem>> -> memref<128x64xf32, #tpu.memory_space<vmem>>
    %dma_wait3A_158 = arith.constant 0 : i32
    %dma_wait3A_159 = tpu.memref_slice %arg6[%dma_wait3A_154, %dma_wait3A_158] : memref<81x128xi32, #tpu.memory_space<vmem>> -> memref<1x128xi32, #tpu.memory_space<vmem>>
    %dma_wait3A_160 = tpu.memref_squeeze %dma_wait3A_159 : memref<1x128xi32, #tpu.memory_space<vmem>> -> memref<128xi32, #tpu.memory_space<vmem>>
    %dma_wait3A_161 = arith.constant 0 : i32
    %dma_wait3A_162 = arith.constant 0 : i32
    %dma_wait3A_163 = tpu.memref_slice %arg2[%dma_wait3A_161, %dma_wait3A_162] : memref<10240x64xf32, #tpu.memory_space<hbm>> -> memref<10240x64xf32, #tpu.memory_space<hbm>>
    tpu.wait_indirect_dma semaphore(%arg13 : memref<!tpu.dma_semaphore, #tpu.memory_space<semaphore_mem>>) src(%dma_wait3A_163 : memref<10240x64xf32, #tpu.memory_space<hbm>>) dst(%dma_wait3A_157 : memref<128x64xf32, #tpu.memory_space<vmem>>)
    %dma_start3A_164 = arith.constant 79 : i32
    %dma_start3A_165 = arith.constant 384 : i32
    %dma_start3A_166 = arith.constant 0 : i32
    %dma_start3A_167 = tpu.memref_slice %arg8[%dma_start3A_165, %dma_start3A_166] : memref<512x64xf32, #tpu.memory_space<vmem>> -> memref<128x64xf32, #tpu.memory_space<vmem>>
    %dma_start3A_168 = arith.constant 0 : i32
    %dma_start3A_169 = tpu.memref_slice %arg7[%dma_start3A_164, %dma_start3A_168] : memref<81x128xi32, #tpu.memory_space<vmem>> -> memref<1x128xi32, #tpu.memory_space<vmem>>
    %dma_start3A_170 = tpu.memref_squeeze %dma_start3A_169 : memref<1x128xi32, #tpu.memory_space<vmem>> -> memref<128xi32, #tpu.memory_space<vmem>>
    %dma_start3A_171 = arith.constant 0 : i32
    %dma_start3A_172 = arith.constant 0 : i32
    %dma_start3A_173 = tpu.memref_slice %arg9[%dma_start3A_171, %dma_start3A_172] : memref<10240x64xf32, #tpu.memory_space<vmem_shared>> -> memref<10240x64xf32, #tpu.memory_space<vmem_shared>>
    tpu.enqueue_indirect_dma source(%dma_start3A_167 : memref<128x64xf32, #tpu.memory_space<vmem>>) target(%dma_start3A_173 : memref<10240x64xf32, #tpu.memory_space<vmem_shared>>) offsets(%dma_start3A_170 : memref<128xi32, #tpu.memory_space<vmem>>) semaphore(%arg17 : memref<!tpu.dma_semaphore, #tpu.memory_space<semaphore_mem>>) {add = true}
    %dma_wait3A_174 = arith.constant 78 : i32
    %dma_wait3A_175 = arith.constant 256 : i32
    %dma_wait3A_176 = arith.constant 0 : i32
    %dma_wait3A_177 = tpu.memref_slice %arg8[%dma_wait3A_175, %dma_wait3A_176] : memref<512x64xf32, #tpu.memory_space<vmem>> -> memref<128x64xf32, #tpu.memory_space<vmem>>
    %dma_wait3A_178 = arith.constant 0 : i32
    %dma_wait3A_179 = tpu.memref_slice %arg7[%dma_wait3A_174, %dma_wait3A_178] : memref<81x128xi32, #tpu.memory_space<vmem>> -> memref<1x128xi32, #tpu.memory_space<vmem>>
    %dma_wait3A_180 = tpu.memref_squeeze %dma_wait3A_179 : memref<1x128xi32, #tpu.memory_space<vmem>> -> memref<128xi32, #tpu.memory_space<vmem>>
    %dma_wait3A_181 = arith.constant 0 : i32
    %dma_wait3A_182 = arith.constant 0 : i32
    %dma_wait3A_183 = tpu.memref_slice %arg9[%dma_wait3A_181, %dma_wait3A_182] : memref<10240x64xf32, #tpu.memory_space<vmem_shared>> -> memref<10240x64xf32, #tpu.memory_space<vmem_shared>>
    tpu.wait_indirect_dma semaphore(%arg16 : memref<!tpu.dma_semaphore, #tpu.memory_space<semaphore_mem>>) src(%dma_wait3A_177 : memref<128x64xf32, #tpu.memory_space<vmem>>) dst(%dma_wait3A_183 : memref<10240x64xf32, #tpu.memory_space<vmem_shared>>)
    %dma_wait3A_184 = arith.constant 80 : i32
    %dma_wait3A_185 = arith.constant 0 : i32
    %dma_wait3A_186 = arith.constant 0 : i32
    %dma_wait3A_187 = tpu.memref_slice %arg8[%dma_wait3A_185, %dma_wait3A_186] : memref<512x64xf32, #tpu.memory_space<vmem>> -> memref<128x64xf32, #tpu.memory_space<vmem>>
    %dma_wait3A_188 = arith.constant 0 : i32
    %dma_wait3A_189 = tpu.memref_slice %arg6[%dma_wait3A_184, %dma_wait3A_188] : memref<81x128xi32, #tpu.memory_space<vmem>> -> memref<1x128xi32, #tpu.memory_space<vmem>>
    %dma_wait3A_190 = tpu.memref_squeeze %dma_wait3A_189 : memref<1x128xi32, #tpu.memory_space<vmem>> -> memref<128xi32, #tpu.memory_space<vmem>>
    %dma_wait3A_191 = arith.constant 0 : i32
    %dma_wait3A_192 = arith.constant 0 : i32
    %dma_wait3A_193 = tpu.memref_slice %arg2[%dma_wait3A_191, %dma_wait3A_192] : memref<10240x64xf32, #tpu.memory_space<hbm>> -> memref<10240x64xf32, #tpu.memory_space<hbm>>
    tpu.wait_indirect_dma semaphore(%arg10 : memref<!tpu.dma_semaphore, #tpu.memory_space<semaphore_mem>>) src(%dma_wait3A_193 : memref<10240x64xf32, #tpu.memory_space<hbm>>) dst(%dma_wait3A_187 : memref<128x64xf32, #tpu.memory_space<vmem>>)
    %dma_start3A_194 = arith.constant 80 : i32
    %dma_start3A_195 = arith.constant 0 : i32
    %dma_start3A_196 = arith.constant 0 : i32
    %dma_start3A_197 = tpu.memref_slice %arg8[%dma_start3A_195, %dma_start3A_196] : memref<512x64xf32, #tpu.memory_space<vmem>> -> memref<128x64xf32, #tpu.memory_space<vmem>>
    %dma_start3A_198 = arith.constant 0 : i32
    %dma_start3A_199 = tpu.memref_slice %arg7[%dma_start3A_194, %dma_start3A_198] : memref<81x128xi32, #tpu.memory_space<vmem>> -> memref<1x128xi32, #tpu.memory_space<vmem>>
    %dma_start3A_200 = tpu.memref_squeeze %dma_start3A_199 : memref<1x128xi32, #tpu.memory_space<vmem>> -> memref<128xi32, #tpu.memory_space<vmem>>
    %dma_start3A_201 = arith.constant 0 : i32
    %dma_start3A_202 = arith.constant 0 : i32
    %dma_start3A_203 = tpu.memref_slice %arg9[%dma_start3A_201, %dma_start3A_202] : memref<10240x64xf32, #tpu.memory_space<vmem_shared>> -> memref<10240x64xf32, #tpu.memory_space<vmem_shared>>
    tpu.enqueue_indirect_dma source(%dma_start3A_197 : memref<128x64xf32, #tpu.memory_space<vmem>>) target(%dma_start3A_203 : memref<10240x64xf32, #tpu.memory_space<vmem_shared>>) offsets(%dma_start3A_200 : memref<128xi32, #tpu.memory_space<vmem>>) semaphore(%arg14 : memref<!tpu.dma_semaphore, #tpu.memory_space<semaphore_mem>>) {add = true}
    %dma_wait3A_204 = arith.constant 79 : i32
    %dma_wait3A_205 = arith.constant 384 : i32
    %dma_wait3A_206 = arith.constant 0 : i32
    %dma_wait3A_207 = tpu.memref_slice %arg8[%dma_wait3A_205, %dma_wait3A_206] : memref<512x64xf32, #tpu.memory_space<vmem>> -> memref<128x64xf32, #tpu.memory_space<vmem>>
    %dma_wait3A_208 = arith.constant 0 : i32
    %dma_wait3A_209 = tpu.memref_slice %arg7[%dma_wait3A_204, %dma_wait3A_208] : memref<81x128xi32, #tpu.memory_space<vmem>> -> memref<1x128xi32, #tpu.memory_space<vmem>>
    %dma_wait3A_210 = tpu.memref_squeeze %dma_wait3A_209 : memref<1x128xi32, #tpu.memory_space<vmem>> -> memref<128xi32, #tpu.memory_space<vmem>>
    %dma_wait3A_211 = arith.constant 0 : i32
    %dma_wait3A_212 = arith.constant 0 : i32
    %dma_wait3A_213 = tpu.memref_slice %arg9[%dma_wait3A_211, %dma_wait3A_212] : memref<10240x64xf32, #tpu.memory_space<vmem_shared>> -> memref<10240x64xf32, #tpu.memory_space<vmem_shared>>
    tpu.wait_indirect_dma semaphore(%arg17 : memref<!tpu.dma_semaphore, #tpu.memory_space<semaphore_mem>>) src(%dma_wait3A_207 : memref<128x64xf32, #tpu.memory_space<vmem>>) dst(%dma_wait3A_213 : memref<10240x64xf32, #tpu.memory_space<vmem_shared>>)
    %dma_wait3A_214 = arith.constant 80 : i32
    %dma_wait3A_215 = arith.constant 0 : i32
    %dma_wait3A_216 = arith.constant 0 : i32
    %dma_wait3A_217 = tpu.memref_slice %arg8[%dma_wait3A_215, %dma_wait3A_216] : memref<512x64xf32, #tpu.memory_space<vmem>> -> memref<128x64xf32, #tpu.memory_space<vmem>>
    %dma_wait3A_218 = arith.constant 0 : i32
    %dma_wait3A_219 = tpu.memref_slice %arg7[%dma_wait3A_214, %dma_wait3A_218] : memref<81x128xi32, #tpu.memory_space<vmem>> -> memref<1x128xi32, #tpu.memory_space<vmem>>
    %dma_wait3A_220 = tpu.memref_squeeze %dma_wait3A_219 : memref<1x128xi32, #tpu.memory_space<vmem>> -> memref<128xi32, #tpu.memory_space<vmem>>
    %dma_wait3A_221 = arith.constant 0 : i32
    %dma_wait3A_222 = arith.constant 0 : i32
    %dma_wait3A_223 = tpu.memref_slice %arg9[%dma_wait3A_221, %dma_wait3A_222] : memref<10240x64xf32, #tpu.memory_space<vmem_shared>> -> memref<10240x64xf32, #tpu.memory_space<vmem_shared>>
    tpu.wait_indirect_dma semaphore(%arg14 : memref<!tpu.dma_semaphore, #tpu.memory_space<semaphore_mem>>) src(%dma_wait3A_217 : memref<128x64xf32, #tpu.memory_space<vmem>>) dst(%dma_wait3A_223 : memref<10240x64xf32, #tpu.memory_space<vmem_shared>>)
    %barrier3A_224 = arith.constant 0 : index
    tpu.barrier barrier_id(%barrier3A_224)
    %add3A_225 = arith.constant 0 : i32
    %add3A_226 = arith.addi %mul3A_8, %add3A_225 : i32
    "tpu.region"() ({
      %run_scoped3A = tpu.sem_alloc : memref<!tpu.dma_semaphore, #tpu.memory_space<semaphore_mem>>
      %dma_start3A_245 = arith.constant 0 : i32
      %dma_start3A_246 = arith.constant 0 : i32
      %dma_start3A_247 = tpu.memref_slice %arg8[%dma_start3A_245, %dma_start3A_246] : memref<512x64xf32, #tpu.memory_space<vmem>> -> memref<128x64xf32, #tpu.memory_space<vmem>>
      %dma_start3A_248 = arith.constant 0 : i32
      %dma_start3A_249 = tpu.memref_slice %arg9[%add3A_226, %dma_start3A_248] : memref<10240x64xf32, #tpu.memory_space<vmem_shared>> -> memref<128x64xf32, #tpu.memory_space<vmem_shared>>
      %dma_start3A_250 = arith.constant 0 : i32
      %dma_start3A_251 = arith.constant 0 : i32
      %dma_start3A_252 = tpu.memref_slice %arg8[%dma_start3A_250, %dma_start3A_251] : memref<512x64xf32, #tpu.memory_space<vmem>> -> memref<128x64xf32, #tpu.memory_space<vmem>>
      %dma_start3A_253 = arith.constant 0 : i32
      %dma_start3A_254 = tpu.memref_slice %arg9[%add3A_226, %dma_start3A_253] : memref<10240x64xf32, #tpu.memory_space<vmem_shared>> -> memref<128x64xf32, #tpu.memory_space<vmem_shared>>
      tpu.enqueue_dma source(%dma_start3A_254 : memref<128x64xf32, #tpu.memory_space<vmem_shared>>) target(%dma_start3A_252 : memref<128x64xf32, #tpu.memory_space<vmem>>) target_semaphore(%run_scoped3A : memref<!tpu.dma_semaphore, #tpu.memory_space<semaphore_mem>>)
      %dma_wait3A_255 = arith.constant 0 : i32
      %dma_wait3A_256 = arith.constant 0 : i32
      %dma_wait3A_257 = tpu.memref_slice %arg8[%dma_wait3A_255, %dma_wait3A_256] : memref<512x64xf32, #tpu.memory_space<vmem>> -> memref<128x64xf32, #tpu.memory_space<vmem>>
      %dma_wait3A_258 = arith.constant 0 : i32
      %dma_wait3A_259 = tpu.memref_slice %arg9[%add3A_226, %dma_wait3A_258] : memref<10240x64xf32, #tpu.memory_space<vmem_shared>> -> memref<128x64xf32, #tpu.memory_space<vmem_shared>>
      %dma_wait3A_260 = arith.constant 0 : i32
      %dma_wait3A_261 = arith.constant 0 : i32
      %dma_wait3A_262 = tpu.memref_slice %arg8[%dma_wait3A_260, %dma_wait3A_261] : memref<512x64xf32, #tpu.memory_space<vmem>> -> memref<128x64xf32, #tpu.memory_space<vmem>>
      %dma_wait3A_263 = arith.constant 0 : i32
      %dma_wait3A_264 = tpu.memref_slice %arg9[%add3A_226, %dma_wait3A_263] : memref<10240x64xf32, #tpu.memory_space<vmem_shared>> -> memref<128x64xf32, #tpu.memory_space<vmem_shared>>
      tpu.wait_dma2 semaphore(%run_scoped3A : memref<!tpu.dma_semaphore, #tpu.memory_space<semaphore_mem>>) src(%dma_wait3A_264 : memref<128x64xf32, #tpu.memory_space<vmem_shared>>) dst(%dma_wait3A_262 : memref<128x64xf32, #tpu.memory_space<vmem>>)
      tpu.yield
    }) : () -> ()
    %add3A_227 = arith.constant 0 : i32
    %add3A_228 = arith.addi %mul3A_8, %add3A_227 : i32
    "tpu.region"() ({
      %run_scoped3A = tpu.sem_alloc : memref<!tpu.dma_semaphore, #tpu.memory_space<semaphore_mem>>
      %dma_start3A_245 = arith.constant 0 : i32
      %dma_start3A_246 = arith.constant 0 : i32
      %dma_start3A_247 = tpu.memref_slice %arg8[%dma_start3A_245, %dma_start3A_246] : memref<512x64xf32, #tpu.memory_space<vmem>> -> memref<128x64xf32, #tpu.memory_space<vmem>>
      %dma_start3A_248 = arith.constant 0 : i32
      %dma_start3A_249 = tpu.memref_slice %arg5[%arg0, %add3A_228, %dma_start3A_248] : memref<2x10240x64xf32, #tpu.memory_space<hbm>> -> memref<1x128x64xf32, #tpu.memory_space<hbm>>
      %dma_start3A_250 = tpu.memref_squeeze %dma_start3A_249 : memref<1x128x64xf32, #tpu.memory_space<hbm>> -> memref<128x64xf32, #tpu.memory_space<hbm>>
      %dma_start3A_251 = arith.constant 0 : i32
      %dma_start3A_252 = tpu.memref_slice %arg5[%arg0, %add3A_228, %dma_start3A_251] : memref<2x10240x64xf32, #tpu.memory_space<hbm>> -> memref<1x128x64xf32, #tpu.memory_space<hbm>>
      %dma_start3A_253 = tpu.memref_squeeze %dma_start3A_252 : memref<1x128x64xf32, #tpu.memory_space<hbm>> -> memref<128x64xf32, #tpu.memory_space<hbm>>
      %dma_start3A_254 = arith.constant 0 : i32
      %dma_start3A_255 = arith.constant 0 : i32
      %dma_start3A_256 = tpu.memref_slice %arg8[%dma_start3A_254, %dma_start3A_255] : memref<512x64xf32, #tpu.memory_space<vmem>> -> memref<128x64xf32, #tpu.memory_space<vmem>>
      tpu.enqueue_dma source(%dma_start3A_256 : memref<128x64xf32, #tpu.memory_space<vmem>>) target(%dma_start3A_253 : memref<128x64xf32, #tpu.memory_space<hbm>>) target_semaphore(%run_scoped3A : memref<!tpu.dma_semaphore, #tpu.memory_space<semaphore_mem>>)
      %dma_wait3A_257 = arith.constant 0 : i32
      %dma_wait3A_258 = arith.constant 0 : i32
      %dma_wait3A_259 = tpu.memref_slice %arg8[%dma_wait3A_257, %dma_wait3A_258] : memref<512x64xf32, #tpu.memory_space<vmem>> -> memref<128x64xf32, #tpu.memory_space<vmem>>
      %dma_wait3A_260 = arith.constant 0 : i32
      %dma_wait3A_261 = tpu.memref_slice %arg5[%arg0, %add3A_228, %dma_wait3A_260] : memref<2x10240x64xf32, #tpu.memory_space<hbm>> -> memref<1x128x64xf32, #tpu.memory_space<hbm>>
      %dma_wait3A_262 = tpu.memref_squeeze %dma_wait3A_261 : memref<1x128x64xf32, #tpu.memory_space<hbm>> -> memref<128x64xf32, #tpu.memory_space<hbm>>
      %dma_wait3A_263 = arith.constant 0 : i32
      %dma_wait3A_264 = tpu.memref_slice %arg5[%arg0, %add3A_228, %dma_wait3A_263] : memref<2x10240x64xf32, #tpu.memory_space<hbm>> -> memref<1x128x64xf32, #tpu.memory_space<hbm>>
      %dma_wait3A_265 = tpu.memref_squeeze %dma_wait3A_264 : memref<1x128x64xf32, #tpu.memory_space<hbm>> -> memref<128x64xf32, #tpu.memory_space<hbm>>
      %dma_wait3A_266 = arith.constant 0 : i32
      %dma_wait3A_267 = arith.constant 0 : i32
      %dma_wait3A_268 = tpu.memref_slice %arg8[%dma_wait3A_266, %dma_wait3A_267] : memref<512x64xf32, #tpu.memory_space<vmem>> -> memref<128x64xf32, #tpu.memory_space<vmem>>
      tpu.wait_dma2 semaphore(%run_scoped3A : memref<!tpu.dma_semaphore, #tpu.memory_space<semaphore_mem>>) src(%dma_wait3A_268 : memref<128x64xf32, #tpu.memory_space<vmem>>) dst(%dma_wait3A_265 : memref<128x64xf32, #tpu.memory_space<hbm>>)
      tpu.yield
    }) : () -> ()
    %add3A_229 = arith.constant 128 : i32
    %add3A_230 = arith.addi %mul3A_8, %add3A_229 : i32
    "tpu.region"() ({
      %run_scoped3A = tpu.sem_alloc : memref<!tpu.dma_semaphore, #tpu.memory_space<semaphore_mem>>
      %dma_start3A_245 = arith.constant 0 : i32
      %dma_start3A_246 = arith.constant 0 : i32
      %dma_start3A_247 = tpu.memref_slice %arg8[%dma_start3A_245, %dma_start3A_246] : memref<512x64xf32, #tpu.memory_space<vmem>> -> memref<128x64xf32, #tpu.memory_space<vmem>>
      %dma_start3A_248 = arith.constant 0 : i32
      %dma_start3A_249 = tpu.memref_slice %arg9[%add3A_230, %dma_start3A_248] : memref<10240x64xf32, #tpu.memory_space<vmem_shared>> -> memref<128x64xf32, #tpu.memory_space<vmem_shared>>
      %dma_start3A_250 = arith.constant 0 : i32
      %dma_start3A_251 = arith.constant 0 : i32
      %dma_start3A_252 = tpu.memref_slice %arg8[%dma_start3A_250, %dma_start3A_251] : memref<512x64xf32, #tpu.memory_space<vmem>> -> memref<128x64xf32, #tpu.memory_space<vmem>>
      %dma_start3A_253 = arith.constant 0 : i32
      %dma_start3A_254 = tpu.memref_slice %arg9[%add3A_230, %dma_start3A_253] : memref<10240x64xf32, #tpu.memory_space<vmem_shared>> -> memref<128x64xf32, #tpu.memory_space<vmem_shared>>
      tpu.enqueue_dma source(%dma_start3A_254 : memref<128x64xf32, #tpu.memory_space<vmem_shared>>) target(%dma_start3A_252 : memref<128x64xf32, #tpu.memory_space<vmem>>) target_semaphore(%run_scoped3A : memref<!tpu.dma_semaphore, #tpu.memory_space<semaphore_mem>>)
      %dma_wait3A_255 = arith.constant 0 : i32
      %dma_wait3A_256 = arith.constant 0 : i32
      %dma_wait3A_257 = tpu.memref_slice %arg8[%dma_wait3A_255, %dma_wait3A_256] : memref<512x64xf32, #tpu.memory_space<vmem>> -> memref<128x64xf32, #tpu.memory_space<vmem>>
      %dma_wait3A_258 = arith.constant 0 : i32
      %dma_wait3A_259 = tpu.memref_slice %arg9[%add3A_230, %dma_wait3A_258] : memref<10240x64xf32, #tpu.memory_space<vmem_shared>> -> memref<128x64xf32, #tpu.memory_space<vmem_shared>>
      %dma_wait3A_260 = arith.constant 0 : i32
      %dma_wait3A_261 = arith.constant 0 : i32
      %dma_wait3A_262 = tpu.memref_slice %arg8[%dma_wait3A_260, %dma_wait3A_261] : memref<512x64xf32, #tpu.memory_space<vmem>> -> memref<128x64xf32, #tpu.memory_space<vmem>>
      %dma_wait3A_263 = arith.constant 0 : i32
      %dma_wait3A_264 = tpu.memref_slice %arg9[%add3A_230, %dma_wait3A_263] : memref<10240x64xf32, #tpu.memory_space<vmem_shared>> -> memref<128x64xf32, #tpu.memory_space<vmem_shared>>
      tpu.wait_dma2 semaphore(%run_scoped3A : memref<!tpu.dma_semaphore, #tpu.memory_space<semaphore_mem>>) src(%dma_wait3A_264 : memref<128x64xf32, #tpu.memory_space<vmem_shared>>) dst(%dma_wait3A_262 : memref<128x64xf32, #tpu.memory_space<vmem>>)
      tpu.yield
    }) : () -> ()
    %add3A_231 = arith.constant 128 : i32
    %add3A_232 = arith.addi %mul3A_8, %add3A_231 : i32
    "tpu.region"() ({
      %run_scoped3A = tpu.sem_alloc : memref<!tpu.dma_semaphore, #tpu.memory_space<semaphore_mem>>
      %dma_start3A_245 = arith.constant 0 : i32
      %dma_start3A_246 = arith.constant 0 : i32
      %dma_start3A_247 = tpu.memref_slice %arg8[%dma_start3A_245, %dma_start3A_246] : memref<512x64xf32, #tpu.memory_space<vmem>> -> memref<128x64xf32, #tpu.memory_space<vmem>>
      %dma_start3A_248 = arith.constant 0 : i32
      %dma_start3A_249 = tpu.memref_slice %arg5[%arg0, %add3A_232, %dma_start3A_248] : memref<2x10240x64xf32, #tpu.memory_space<hbm>> -> memref<1x128x64xf32, #tpu.memory_space<hbm>>
      %dma_start3A_250 = tpu.memref_squeeze %dma_start3A_249 : memref<1x128x64xf32, #tpu.memory_space<hbm>> -> memref<128x64xf32, #tpu.memory_space<hbm>>
      %dma_start3A_251 = arith.constant 0 : i32
      %dma_start3A_252 = tpu.memref_slice %arg5[%arg0, %add3A_232, %dma_start3A_251] : memref<2x10240x64xf32, #tpu.memory_space<hbm>> -> memref<1x128x64xf32, #tpu.memory_space<hbm>>
      %dma_start3A_253 = tpu.memref_squeeze %dma_start3A_252 : memref<1x128x64xf32, #tpu.memory_space<hbm>> -> memref<128x64xf32, #tpu.memory_space<hbm>>
      %dma_start3A_254 = arith.constant 0 : i32
      %dma_start3A_255 = arith.constant 0 : i32
      %dma_start3A_256 = tpu.memref_slice %arg8[%dma_start3A_254, %dma_start3A_255] : memref<512x64xf32, #tpu.memory_space<vmem>> -> memref<128x64xf32, #tpu.memory_space<vmem>>
      tpu.enqueue_dma source(%dma_start3A_256 : memref<128x64xf32, #tpu.memory_space<vmem>>) target(%dma_start3A_253 : memref<128x64xf32, #tpu.memory_space<hbm>>) target_semaphore(%run_scoped3A : memref<!tpu.dma_semaphore, #tpu.memory_space<semaphore_mem>>)
      %dma_wait3A_257 = arith.constant 0 : i32
      %dma_wait3A_258 = arith.constant 0 : i32
      %dma_wait3A_259 = tpu.memref_slice %arg8[%dma_wait3A_257, %dma_wait3A_258] : memref<512x64xf32, #tpu.memory_space<vmem>> -> memref<128x64xf32, #tpu.memory_space<vmem>>
      %dma_wait3A_260 = arith.constant 0 : i32
      %dma_wait3A_261 = tpu.memref_slice %arg5[%arg0, %add3A_232, %dma_wait3A_260] : memref<2x10240x64xf32, #tpu.memory_space<hbm>> -> memref<1x128x64xf32, #tpu.memory_space<hbm>>
      %dma_wait3A_262 = tpu.memref_squeeze %dma_wait3A_261 : memref<1x128x64xf32, #tpu.memory_space<hbm>> -> memref<128x64xf32, #tpu.memory_space<hbm>>
      %dma_wait3A_263 = arith.constant 0 : i32
      %dma_wait3A_264 = tpu.memref_slice %arg5[%arg0, %add3A_232, %dma_wait3A_263] : memref<2x10240x64xf32, #tpu.memory_space<hbm>> -> memref<1x128x64xf32, #tpu.memory_space<hbm>>
      %dma_wait3A_265 = tpu.memref_squeeze %dma_wait3A_264 : memref<1x128x64xf32, #tpu.memory_space<hbm>> -> memref<128x64xf32, #tpu.memory_space<hbm>>
      %dma_wait3A_266 = arith.constant 0 : i32
      %dma_wait3A_267 = arith.constant 0 : i32
      %dma_wait3A_268 = tpu.memref_slice %arg8[%dma_wait3A_266, %dma_wait3A_267] : memref<512x64xf32, #tpu.memory_space<vmem>> -> memref<128x64xf32, #tpu.memory_space<vmem>>
      tpu.wait_dma2 semaphore(%run_scoped3A : memref<!tpu.dma_semaphore, #tpu.memory_space<semaphore_mem>>) src(%dma_wait3A_268 : memref<128x64xf32, #tpu.memory_space<vmem>>) dst(%dma_wait3A_265 : memref<128x64xf32, #tpu.memory_space<hbm>>)
      tpu.yield
    }) : () -> ()
    %add3A_233 = arith.constant 256 : i32
    %add3A_234 = arith.addi %mul3A_8, %add3A_233 : i32
    "tpu.region"() ({
      %run_scoped3A = tpu.sem_alloc : memref<!tpu.dma_semaphore, #tpu.memory_space<semaphore_mem>>
      %dma_start3A_245 = arith.constant 0 : i32
      %dma_start3A_246 = arith.constant 0 : i32
      %dma_start3A_247 = tpu.memref_slice %arg8[%dma_start3A_245, %dma_start3A_246] : memref<512x64xf32, #tpu.memory_space<vmem>> -> memref<128x64xf32, #tpu.memory_space<vmem>>
      %dma_start3A_248 = arith.constant 0 : i32
      %dma_start3A_249 = tpu.memref_slice %arg9[%add3A_234, %dma_start3A_248] : memref<10240x64xf32, #tpu.memory_space<vmem_shared>> -> memref<128x64xf32, #tpu.memory_space<vmem_shared>>
      %dma_start3A_250 = arith.constant 0 : i32
      %dma_start3A_251 = arith.constant 0 : i32
      %dma_start3A_252 = tpu.memref_slice %arg8[%dma_start3A_250, %dma_start3A_251] : memref<512x64xf32, #tpu.memory_space<vmem>> -> memref<128x64xf32, #tpu.memory_space<vmem>>
      %dma_start3A_253 = arith.constant 0 : i32
      %dma_start3A_254 = tpu.memref_slice %arg9[%add3A_234, %dma_start3A_253] : memref<10240x64xf32, #tpu.memory_space<vmem_shared>> -> memref<128x64xf32, #tpu.memory_space<vmem_shared>>
      tpu.enqueue_dma source(%dma_start3A_254 : memref<128x64xf32, #tpu.memory_space<vmem_shared>>) target(%dma_start3A_252 : memref<128x64xf32, #tpu.memory_space<vmem>>) target_semaphore(%run_scoped3A : memref<!tpu.dma_semaphore, #tpu.memory_space<semaphore_mem>>)
      %dma_wait3A_255 = arith.constant 0 : i32
      %dma_wait3A_256 = arith.constant 0 : i32
      %dma_wait3A_257 = tpu.memref_slice %arg8[%dma_wait3A_255, %dma_wait3A_256] : memref<512x64xf32, #tpu.memory_space<vmem>> -> memref<128x64xf32, #tpu.memory_space<vmem>>
      %dma_wait3A_258 = arith.constant 0 : i32
      %dma_wait3A_259 = tpu.memref_slice %arg9[%add3A_234, %dma_wait3A_258] : memref<10240x64xf32, #tpu.memory_space<vmem_shared>> -> memref<128x64xf32, #tpu.memory_space<vmem_shared>>
      %dma_wait3A_260 = arith.constant 0 : i32
      %dma_wait3A_261 = arith.constant 0 : i32
      %dma_wait3A_262 = tpu.memref_slice %arg8[%dma_wait3A_260, %dma_wait3A_261] : memref<512x64xf32, #tpu.memory_space<vmem>> -> memref<128x64xf32, #tpu.memory_space<vmem>>
      %dma_wait3A_263 = arith.constant 0 : i32
      %dma_wait3A_264 = tpu.memref_slice %arg9[%add3A_234, %dma_wait3A_263] : memref<10240x64xf32, #tpu.memory_space<vmem_shared>> -> memref<128x64xf32, #tpu.memory_space<vmem_shared>>
      tpu.wait_dma2 semaphore(%run_scoped3A : memref<!tpu.dma_semaphore, #tpu.memory_space<semaphore_mem>>) src(%dma_wait3A_264 : memref<128x64xf32, #tpu.memory_space<vmem_shared>>) dst(%dma_wait3A_262 : memref<128x64xf32, #tpu.memory_space<vmem>>)
      tpu.yield
    }) : () -> ()
    %add3A_235 = arith.constant 256 : i32
    %add3A_236 = arith.addi %mul3A_8, %add3A_235 : i32
    "tpu.region"() ({
      %run_scoped3A = tpu.sem_alloc : memref<!tpu.dma_semaphore, #tpu.memory_space<semaphore_mem>>
      %dma_start3A_245 = arith.constant 0 : i32
      %dma_start3A_246 = arith.constant 0 : i32
      %dma_start3A_247 = tpu.memref_slice %arg8[%dma_start3A_245, %dma_start3A_246] : memref<512x64xf32, #tpu.memory_space<vmem>> -> memref<128x64xf32, #tpu.memory_space<vmem>>
      %dma_start3A_248 = arith.constant 0 : i32
      %dma_start3A_249 = tpu.memref_slice %arg5[%arg0, %add3A_236, %dma_start3A_248] : memref<2x10240x64xf32, #tpu.memory_space<hbm>> -> memref<1x128x64xf32, #tpu.memory_space<hbm>>
      %dma_start3A_250 = tpu.memref_squeeze %dma_start3A_249 : memref<1x128x64xf32, #tpu.memory_space<hbm>> -> memref<128x64xf32, #tpu.memory_space<hbm>>
      %dma_start3A_251 = arith.constant 0 : i32
      %dma_start3A_252 = tpu.memref_slice %arg5[%arg0, %add3A_236, %dma_start3A_251] : memref<2x10240x64xf32, #tpu.memory_space<hbm>> -> memref<1x128x64xf32, #tpu.memory_space<hbm>>
      %dma_start3A_253 = tpu.memref_squeeze %dma_start3A_252 : memref<1x128x64xf32, #tpu.memory_space<hbm>> -> memref<128x64xf32, #tpu.memory_space<hbm>>
      %dma_start3A_254 = arith.constant 0 : i32
      %dma_start3A_255 = arith.constant 0 : i32
      %dma_start3A_256 = tpu.memref_slice %arg8[%dma_start3A_254, %dma_start3A_255] : memref<512x64xf32, #tpu.memory_space<vmem>> -> memref<128x64xf32, #tpu.memory_space<vmem>>
      tpu.enqueue_dma source(%dma_start3A_256 : memref<128x64xf32, #tpu.memory_space<vmem>>) target(%dma_start3A_253 : memref<128x64xf32, #tpu.memory_space<hbm>>) target_semaphore(%run_scoped3A : memref<!tpu.dma_semaphore, #tpu.memory_space<semaphore_mem>>)
      %dma_wait3A_257 = arith.constant 0 : i32
      %dma_wait3A_258 = arith.constant 0 : i32
      %dma_wait3A_259 = tpu.memref_slice %arg8[%dma_wait3A_257, %dma_wait3A_258] : memref<512x64xf32, #tpu.memory_space<vmem>> -> memref<128x64xf32, #tpu.memory_space<vmem>>
      %dma_wait3A_260 = arith.constant 0 : i32
      %dma_wait3A_261 = tpu.memref_slice %arg5[%arg0, %add3A_236, %dma_wait3A_260] : memref<2x10240x64xf32, #tpu.memory_space<hbm>> -> memref<1x128x64xf32, #tpu.memory_space<hbm>>
      %dma_wait3A_262 = tpu.memref_squeeze %dma_wait3A_261 : memref<1x128x64xf32, #tpu.memory_space<hbm>> -> memref<128x64xf32, #tpu.memory_space<hbm>>
      %dma_wait3A_263 = arith.constant 0 : i32
      %dma_wait3A_264 = tpu.memref_slice %arg5[%arg0, %add3A_236, %dma_wait3A_263] : memref<2x10240x64xf32, #tpu.memory_space<hbm>> -> memref<1x128x64xf32, #tpu.memory_space<hbm>>
      %dma_wait3A_265 = tpu.memref_squeeze %dma_wait3A_264 : memref<1x128x64xf32, #tpu.memory_space<hbm>> -> memref<128x64xf32, #tpu.memory_space<hbm>>
      %dma_wait3A_266 = arith.constant 0 : i32
      %dma_wait3A_267 = arith.constant 0 : i32
      %dma_wait3A_268 = tpu.memref_slice %arg8[%dma_wait3A_266, %dma_wait3A_267] : memref<512x64xf32, #tpu.memory_space<vmem>> -> memref<128x64xf32, #tpu.memory_space<vmem>>
      tpu.wait_dma2 semaphore(%run_scoped3A : memref<!tpu.dma_semaphore, #tpu.memory_space<semaphore_mem>>) src(%dma_wait3A_268 : memref<128x64xf32, #tpu.memory_space<vmem>>) dst(%dma_wait3A_265 : memref<128x64xf32, #tpu.memory_space<hbm>>)
      tpu.yield
    }) : () -> ()
    %add3A_237 = arith.constant 384 : i32
    %add3A_238 = arith.addi %mul3A_8, %add3A_237 : i32
    "tpu.region"() ({
      %run_scoped3A = tpu.sem_alloc : memref<!tpu.dma_semaphore, #tpu.memory_space<semaphore_mem>>
      %dma_start3A_245 = arith.constant 0 : i32
      %dma_start3A_246 = arith.constant 0 : i32
      %dma_start3A_247 = tpu.memref_slice %arg8[%dma_start3A_245, %dma_start3A_246] : memref<512x64xf32, #tpu.memory_space<vmem>> -> memref<128x64xf32, #tpu.memory_space<vmem>>
      %dma_start3A_248 = arith.constant 0 : i32
      %dma_start3A_249 = tpu.memref_slice %arg9[%add3A_238, %dma_start3A_248] : memref<10240x64xf32, #tpu.memory_space<vmem_shared>> -> memref<128x64xf32, #tpu.memory_space<vmem_shared>>
      %dma_start3A_250 = arith.constant 0 : i32
      %dma_start3A_251 = arith.constant 0 : i32
      %dma_start3A_252 = tpu.memref_slice %arg8[%dma_start3A_250, %dma_start3A_251] : memref<512x64xf32, #tpu.memory_space<vmem>> -> memref<128x64xf32, #tpu.memory_space<vmem>>
      %dma_start3A_253 = arith.constant 0 : i32
      %dma_start3A_254 = tpu.memref_slice %arg9[%add3A_238, %dma_start3A_253] : memref<10240x64xf32, #tpu.memory_space<vmem_shared>> -> memref<128x64xf32, #tpu.memory_space<vmem_shared>>
      tpu.enqueue_dma source(%dma_start3A_254 : memref<128x64xf32, #tpu.memory_space<vmem_shared>>) target(%dma_start3A_252 : memref<128x64xf32, #tpu.memory_space<vmem>>) target_semaphore(%run_scoped3A : memref<!tpu.dma_semaphore, #tpu.memory_space<semaphore_mem>>)
      %dma_wait3A_255 = arith.constant 0 : i32
      %dma_wait3A_256 = arith.constant 0 : i32
      %dma_wait3A_257 = tpu.memref_slice %arg8[%dma_wait3A_255, %dma_wait3A_256] : memref<512x64xf32, #tpu.memory_space<vmem>> -> memref<128x64xf32, #tpu.memory_space<vmem>>
      %dma_wait3A_258 = arith.constant 0 : i32
      %dma_wait3A_259 = tpu.memref_slice %arg9[%add3A_238, %dma_wait3A_258] : memref<10240x64xf32, #tpu.memory_space<vmem_shared>> -> memref<128x64xf32, #tpu.memory_space<vmem_shared>>
      %dma_wait3A_260 = arith.constant 0 : i32
      %dma_wait3A_261 = arith.constant 0 : i32
      %dma_wait3A_262 = tpu.memref_slice %arg8[%dma_wait3A_260, %dma_wait3A_261] : memref<512x64xf32, #tpu.memory_space<vmem>> -> memref<128x64xf32, #tpu.memory_space<vmem>>
      %dma_wait3A_263 = arith.constant 0 : i32
      %dma_wait3A_264 = tpu.memref_slice %arg9[%add3A_238, %dma_wait3A_263] : memref<10240x64xf32, #tpu.memory_space<vmem_shared>> -> memref<128x64xf32, #tpu.memory_space<vmem_shared>>
      tpu.wait_dma2 semaphore(%run_scoped3A : memref<!tpu.dma_semaphore, #tpu.memory_space<semaphore_mem>>) src(%dma_wait3A_264 : memref<128x64xf32, #tpu.memory_space<vmem_shared>>) dst(%dma_wait3A_262 : memref<128x64xf32, #tpu.memory_space<vmem>>)
      tpu.yield
    }) : () -> ()
    %add3A_239 = arith.constant 384 : i32
    %add3A_240 = arith.addi %mul3A_8, %add3A_239 : i32
    "tpu.region"() ({
      %run_scoped3A = tpu.sem_alloc : memref<!tpu.dma_semaphore, #tpu.memory_space<semaphore_mem>>
      %dma_start3A_245 = arith.constant 0 : i32
      %dma_start3A_246 = arith.constant 0 : i32
      %dma_start3A_247 = tpu.memref_slice %arg8[%dma_start3A_245, %dma_start3A_246] : memref<512x64xf32, #tpu.memory_space<vmem>> -> memref<128x64xf32, #tpu.memory_space<vmem>>
      %dma_start3A_248 = arith.constant 0 : i32
      %dma_start3A_249 = tpu.memref_slice %arg5[%arg0, %add3A_240, %dma_start3A_248] : memref<2x10240x64xf32, #tpu.memory_space<hbm>> -> memref<1x128x64xf32, #tpu.memory_space<hbm>>
      %dma_start3A_250 = tpu.memref_squeeze %dma_start3A_249 : memref<1x128x64xf32, #tpu.memory_space<hbm>> -> memref<128x64xf32, #tpu.memory_space<hbm>>
      %dma_start3A_251 = arith.constant 0 : i32
      %dma_start3A_252 = tpu.memref_slice %arg5[%arg0, %add3A_240, %dma_start3A_251] : memref<2x10240x64xf32, #tpu.memory_space<hbm>> -> memref<1x128x64xf32, #tpu.memory_space<hbm>>
      %dma_start3A_253 = tpu.memref_squeeze %dma_start3A_252 : memref<1x128x64xf32, #tpu.memory_space<hbm>> -> memref<128x64xf32, #tpu.memory_space<hbm>>
      %dma_start3A_254 = arith.constant 0 : i32
      %dma_start3A_255 = arith.constant 0 : i32
      %dma_start3A_256 = tpu.memref_slice %arg8[%dma_start3A_254, %dma_start3A_255] : memref<512x64xf32, #tpu.memory_space<vmem>> -> memref<128x64xf32, #tpu.memory_space<vmem>>
      tpu.enqueue_dma source(%dma_start3A_256 : memref<128x64xf32, #tpu.memory_space<vmem>>) target(%dma_start3A_253 : memref<128x64xf32, #tpu.memory_space<hbm>>) target_semaphore(%run_scoped3A : memref<!tpu.dma_semaphore, #tpu.memory_space<semaphore_mem>>)
      %dma_wait3A_257 = arith.constant 0 : i32
      %dma_wait3A_258 = arith.constant 0 : i32
      %dma_wait3A_259 = tpu.memref_slice %arg8[%dma_wait3A_257, %dma_wait3A_258] : memref<512x64xf32, #tpu.memory_space<vmem>> -> memref<128x64xf32, #tpu.memory_space<vmem>>
      %dma_wait3A_260 = arith.constant 0 : i32
      %dma_wait3A_261 = tpu.memref_slice %arg5[%arg0, %add3A_240, %dma_wait3A_260] : memref<2x10240x64xf32, #tpu.memory_space<hbm>> -> memref<1x128x64xf32, #tpu.memory_space<hbm>>
      %dma_wait3A_262 = tpu.memref_squeeze %dma_wait3A_261 : memref<1x128x64xf32, #tpu.memory_space<hbm>> -> memref<128x64xf32, #tpu.memory_space<hbm>>
      %dma_wait3A_263 = arith.constant 0 : i32
      %dma_wait3A_264 = tpu.memref_slice %arg5[%arg0, %add3A_240, %dma_wait3A_263] : memref<2x10240x64xf32, #tpu.memory_space<hbm>> -> memref<1x128x64xf32, #tpu.memory_space<hbm>>
      %dma_wait3A_265 = tpu.memref_squeeze %dma_wait3A_264 : memref<1x128x64xf32, #tpu.memory_space<hbm>> -> memref<128x64xf32, #tpu.memory_space<hbm>>
      %dma_wait3A_266 = arith.constant 0 : i32
      %dma_wait3A_267 = arith.constant 0 : i32
      %dma_wait3A_268 = tpu.memref_slice %arg8[%dma_wait3A_266, %dma_wait3A_267] : memref<512x64xf32, #tpu.memory_space<vmem>> -> memref<128x64xf32, #tpu.memory_space<vmem>>
      tpu.wait_dma2 semaphore(%run_scoped3A : memref<!tpu.dma_semaphore, #tpu.memory_space<semaphore_mem>>) src(%dma_wait3A_268 : memref<128x64xf32, #tpu.memory_space<vmem>>) dst(%dma_wait3A_265 : memref<128x64xf32, #tpu.memory_space<hbm>>)
      tpu.yield
    }) : () -> ()
    %add3A_241 = arith.constant 512 : i32
    %add3A_242 = arith.addi %mul3A_8, %add3A_241 : i32
    "tpu.region"() ({
      %run_scoped3A = tpu.sem_alloc : memref<!tpu.dma_semaphore, #tpu.memory_space<semaphore_mem>>
      %dma_start3A_245 = arith.constant 0 : i32
      %dma_start3A_246 = arith.constant 0 : i32
      %dma_start3A_247 = tpu.memref_slice %arg8[%dma_start3A_245, %dma_start3A_246] : memref<512x64xf32, #tpu.memory_space<vmem>> -> memref<128x64xf32, #tpu.memory_space<vmem>>
      %dma_start3A_248 = arith.constant 0 : i32
      %dma_start3A_249 = tpu.memref_slice %arg9[%add3A_242, %dma_start3A_248] : memref<10240x64xf32, #tpu.memory_space<vmem_shared>> -> memref<128x64xf32, #tpu.memory_space<vmem_shared>>
      %dma_start3A_250 = arith.constant 0 : i32
      %dma_start3A_251 = arith.constant 0 : i32
      %dma_start3A_252 = tpu.memref_slice %arg8[%dma_start3A_250, %dma_start3A_251] : memref<512x64xf32, #tpu.memory_space<vmem>> -> memref<128x64xf32, #tpu.memory_space<vmem>>
      %dma_start3A_253 = arith.constant 0 : i32
      %dma_start3A_254 = tpu.memref_slice %arg9[%add3A_242, %dma_start3A_253] : memref<10240x64xf32, #tpu.memory_space<vmem_shared>> -> memref<128x64xf32, #tpu.memory_space<vmem_shared>>
      tpu.enqueue_dma source(%dma_start3A_254 : memref<128x64xf32, #tpu.memory_space<vmem_shared>>) target(%dma_start3A_252 : memref<128x64xf32, #tpu.memory_space<vmem>>) target_semaphore(%run_scoped3A : memref<!tpu.dma_semaphore, #tpu.memory_space<semaphore_mem>>)
      %dma_wait3A_255 = arith.constant 0 : i32
      %dma_wait3A_256 = arith.constant 0 : i32
      %dma_wait3A_257 = tpu.memref_slice %arg8[%dma_wait3A_255, %dma_wait3A_256] : memref<512x64xf32, #tpu.memory_space<vmem>> -> memref<128x64xf32, #tpu.memory_space<vmem>>
      %dma_wait3A_258 = arith.constant 0 : i32
      %dma_wait3A_259 = tpu.memref_slice %arg9[%add3A_242, %dma_wait3A_258] : memref<10240x64xf32, #tpu.memory_space<vmem_shared>> -> memref<128x64xf32, #tpu.memory_space<vmem_shared>>
      %dma_wait3A_260 = arith.constant 0 : i32
      %dma_wait3A_261 = arith.constant 0 : i32
      %dma_wait3A_262 = tpu.memref_slice %arg8[%dma_wait3A_260, %dma_wait3A_261] : memref<512x64xf32, #tpu.memory_space<vmem>> -> memref<128x64xf32, #tpu.memory_space<vmem>>
      %dma_wait3A_263 = arith.constant 0 : i32
      %dma_wait3A_264 = tpu.memref_slice %arg9[%add3A_242, %dma_wait3A_263] : memref<10240x64xf32, #tpu.memory_space<vmem_shared>> -> memref<128x64xf32, #tpu.memory_space<vmem_shared>>
      tpu.wait_dma2 semaphore(%run_scoped3A : memref<!tpu.dma_semaphore, #tpu.memory_space<semaphore_mem>>) src(%dma_wait3A_264 : memref<128x64xf32, #tpu.memory_space<vmem_shared>>) dst(%dma_wait3A_262 : memref<128x64xf32, #tpu.memory_space<vmem>>)
      tpu.yield
    }) : () -> ()
    %add3A_243 = arith.constant 512 : i32
    %add3A_244 = arith.addi %mul3A_8, %add3A_243 : i32
    "tpu.region"() ({
      %run_scoped3A = tpu.sem_alloc : memref<!tpu.dma_semaphore, #tpu.memory_space<semaphore_mem>>
      %dma_start3A_245 = arith.constant 0 : i32
      %dma_start3A_246 = arith.constant 0 : i32
      %dma_start3A_247 = tpu.memref_slice %arg8[%dma_start3A_245, %dma_start3A_246] : memref<512x64xf32, #tpu.memory_space<vmem>> -> memref<128x64xf32, #tpu.memory_space<vmem>>
      %dma_start3A_248 = arith.constant 0 : i32
      %dma_start3A_249 = tpu.memref_slice %arg5[%arg0, %add3A_244, %dma_start3A_248] : memref<2x10240x64xf32, #tpu.memory_space<hbm>> -> memref<1x128x64xf32, #tpu.memory_space<hbm>>
      %dma_start3A_250 = tpu.memref_squeeze %dma_start3A_249 : memref<1x128x64xf32, #tpu.memory_space<hbm>> -> memref<128x64xf32, #tpu.memory_space<hbm>>
      %dma_start3A_251 = arith.constant 0 : i32
      %dma_start3A_252 = tpu.memref_slice %arg5[%arg0, %add3A_244, %dma_start3A_251] : memref<2x10240x64xf32, #tpu.memory_space<hbm>> -> memref<1x128x64xf32, #tpu.memory_space<hbm>>
      %dma_start3A_253 = tpu.memref_squeeze %dma_start3A_252 : memref<1x128x64xf32, #tpu.memory_space<hbm>> -> memref<128x64xf32, #tpu.memory_space<hbm>>
      %dma_start3A_254 = arith.constant 0 : i32
      %dma_start3A_255 = arith.constant 0 : i32
      %dma_start3A_256 = tpu.memref_slice %arg8[%dma_start3A_254, %dma_start3A_255] : memref<512x64xf32, #tpu.memory_space<vmem>> -> memref<128x64xf32, #tpu.memory_space<vmem>>
      tpu.enqueue_dma source(%dma_start3A_256 : memref<128x64xf32, #tpu.memory_space<vmem>>) target(%dma_start3A_253 : memref<128x64xf32, #tpu.memory_space<hbm>>) target_semaphore(%run_scoped3A : memref<!tpu.dma_semaphore, #tpu.memory_space<semaphore_mem>>)
      %dma_wait3A_257 = arith.constant 0 : i32
      %dma_wait3A_258 = arith.constant 0 : i32
      %dma_wait3A_259 = tpu.memref_slice %arg8[%dma_wait3A_257, %dma_wait3A_258] : memref<512x64xf32, #tpu.memory_space<vmem>> -> memref<128x64xf32, #tpu.memory_space<vmem>>
      %dma_wait3A_260 = arith.constant 0 : i32
      %dma_wait3A_261 = tpu.memref_slice %arg5[%arg0, %add3A_244, %dma_wait3A_260] : memref<2x10240x64xf32, #tpu.memory_space<hbm>> -> memref<1x128x64xf32, #tpu.memory_space<hbm>>
      %dma_wait3A_262 = tpu.memref_squeeze %dma_wait3A_261 : memref<1x128x64xf32, #tpu.memory_space<hbm>> -> memref<128x64xf32, #tpu.memory_space<hbm>>
      %dma_wait3A_263 = arith.constant 0 : i32
      %dma_wait3A_264 = tpu.memref_slice %arg5[%arg0, %add3A_244, %dma_wait3A_263] : memref<2x10240x64xf32, #tpu.memory_space<hbm>> -> memref<1x128x64xf32, #tpu.memory_space<hbm>>
      %dma_wait3A_265 = tpu.memref_squeeze %dma_wait3A_264 : memref<1x128x64xf32, #tpu.memory_space<hbm>> -> memref<128x64xf32, #tpu.memory_space<hbm>>
      %dma_wait3A_266 = arith.constant 0 : i32
      %dma_wait3A_267 = arith.constant 0 : i32
      %dma_wait3A_268 = tpu.memref_slice %arg8[%dma_wait3A_266, %dma_wait3A_267] : memref<512x64xf32, #tpu.memory_space<vmem>> -> memref<128x64xf32, #tpu.memory_space<vmem>>
      tpu.wait_dma2 semaphore(%run_scoped3A : memref<!tpu.dma_semaphore, #tpu.memory_space<semaphore_mem>>) src(%dma_wait3A_268 : memref<128x64xf32, #tpu.memory_space<vmem>>) dst(%dma_wait3A_265 : memref<128x64xf32, #tpu.memory_space<hbm>>)
      tpu.yield
    }) : () -> ()
    return
  }
}

#map = affine_map<(d0, d1) -> (0, 0)>
#map1 = affine_map<(d0, d1) -> (0, 0, 0)>
module attributes {stable_mosaic.version = 14 : i64} {
  func.func @agg(%arg0: i32, %arg1: i32, %arg2: memref<10240x48xf32, #tpu.memory_space<hbm>>, %arg3: memref<32x81x128xi32, #tpu.memory_space<hbm>>, %arg4: memref<32x81x128xi32, #tpu.memory_space<hbm>>, %arg5: memref<2x10240x48xf32, #tpu.memory_space<hbm>>, %arg6: memref<81x128xi32, #tpu.memory_space<vmem>>, %arg7: memref<81x128xi32, #tpu.memory_space<vmem>>, %arg8: memref<512x48xf32, #tpu.memory_space<vmem>>, %arg9: memref<10240x48xf32, #tpu.memory_space<vmem_shared>>, %arg10: memref<!tpu.dma_semaphore, #tpu.memory_space<semaphore_mem>>, %arg11: memref<!tpu.dma_semaphore, #tpu.memory_space<semaphore_mem>>, %arg12: memref<!tpu.dma_semaphore, #tpu.memory_space<semaphore_mem>>, %arg13: memref<!tpu.dma_semaphore, #tpu.memory_space<semaphore_mem>>, %arg14: memref<!tpu.dma_semaphore, #tpu.memory_space<semaphore_mem>>, %arg15: memref<!tpu.dma_semaphore, #tpu.memory_space<semaphore_mem>>, %arg16: memref<!tpu.dma_semaphore, #tpu.memory_space<semaphore_mem>>, %arg17: memref<!tpu.dma_semaphore, #tpu.memory_space<semaphore_mem>>) attributes {dimension_semantics = [#tpu.dimension_semantics<core_parallel>, #tpu.dimension_semantics<subcore_parallel>], iteration_bounds = array<i64: 2, 16>, scalar_prefetch = 0 : i64, scratch_operands = 12 : i64, tpu.core_type = #tpu.core_type<sc_vector_subcore>, window_params = [{transform_indices = #map}, {transform_indices = #map1}, {transform_indices = #map1}, {transform_indices = #map1}]} {
    %mul3A = arith.constant 2 : i32
    %mul3A_0 = arith.muli %arg1, %mul3A : i32
    %add3A = arith.addi %mul3A_0, %arg0 : i32
    %scan3A = arith.constant 0 : i32
    %scan3A_1 = arith.constant 0 : i32
    %scan3A_2 = arith.constant 128 : i32
    %scan3A_3 = arith.addi %scan3A_1, %scan3A_2 : i32
    %scan3A_4 = arith.constant 1 : i32
    %scan3A_5 = scf.for %scan3A_245 = %scan3A_1 to %scan3A_3 step %scan3A_4 iter_args(%scan3A_246 = %scan3A) -> (i32)  : i32 {
      %broadcast_in_dim3A = arith.constant 0.000000e+00 : f32
      %broadcast_in_dim3A_247 = vector.broadcast %broadcast_in_dim3A : f32 to vector<16xf32>
      %swap3A = arith.index_cast %scan3A_245 : i32 to index
      %swap3A_248 = arith.constant 0 : index
      %swap3A_249 = tpu.vector_load %arg8[%swap3A, %swap3A_248] {strides = array<i32>} : memref<512x48xf32, #tpu.memory_space<vmem>>, vector<1x16xf32>,
      %swap3A_250 = vector.shape_cast %swap3A_249 : vector<1x16xf32> to vector<16xf32>
      %swap3A_251 = vector.shape_cast %broadcast_in_dim3A_247 : vector<16xf32> to vector<1x16xf32>
      tpu.vector_store %arg8[%swap3A, %swap3A_248], %swap3A_251 {strides = array<i32>} : memref<512x48xf32, #tpu.memory_space<vmem>>, vector<1x16xf32>,
      %broadcast_in_dim3A_252 = arith.constant 0.000000e+00 : f32
      %broadcast_in_dim3A_253 = vector.broadcast %broadcast_in_dim3A_252 : f32 to vector<16xf32>
      %swap3A_254 = arith.index_cast %scan3A_245 : i32 to index
      %swap3A_255 = arith.constant 16 : index
      %swap3A_256 = tpu.vector_load %arg8[%swap3A_254, %swap3A_255] {strides = array<i32>} : memref<512x48xf32, #tpu.memory_space<vmem>>, vector<1x16xf32>,
      %swap3A_257 = vector.shape_cast %swap3A_256 : vector<1x16xf32> to vector<16xf32>
      %swap3A_258 = vector.shape_cast %broadcast_in_dim3A_253 : vector<16xf32> to vector<1x16xf32>
      tpu.vector_store %arg8[%swap3A_254, %swap3A_255], %swap3A_258 {strides = array<i32>} : memref<512x48xf32, #tpu.memory_space<vmem>>, vector<1x16xf32>,
      %broadcast_in_dim3A_259 = arith.constant 0.000000e+00 : f32
      %broadcast_in_dim3A_260 = vector.broadcast %broadcast_in_dim3A_259 : f32 to vector<16xf32>
      %swap3A_261 = arith.index_cast %scan3A_245 : i32 to index
      %swap3A_262 = arith.constant 32 : index
      %swap3A_263 = tpu.vector_load %arg8[%swap3A_261, %swap3A_262] {strides = array<i32>} : memref<512x48xf32, #tpu.memory_space<vmem>>, vector<1x16xf32>,
      %swap3A_264 = vector.shape_cast %swap3A_263 : vector<1x16xf32> to vector<16xf32>
      %swap3A_265 = vector.shape_cast %broadcast_in_dim3A_260 : vector<16xf32> to vector<1x16xf32>
      tpu.vector_store %arg8[%swap3A_261, %swap3A_262], %swap3A_265 {strides = array<i32>} : memref<512x48xf32, #tpu.memory_space<vmem>>, vector<1x16xf32>,
      %scan3A_266 = arith.constant 0 : i32
      scf.yield %scan3A_266 : i32
    }
    %scan3A_6 = arith.constant 128 : i32
    %mul3A_7 = arith.constant 640 : i32
    %mul3A_8 = arith.muli %arg1, %mul3A_7 : i32
    %add3A_9 = arith.constant 0 : i32
    %add3A_10 = arith.addi %mul3A_8, %add3A_9 : i32
    "tpu.region"() ({
      %run_scoped3A = tpu.sem_alloc : memref<!tpu.dma_semaphore, #tpu.memory_space<semaphore_mem>>
      %dma_start3A_245 = arith.constant 0 : i32
      %dma_start3A_246 = arith.constant 0 : i32
      %dma_start3A_247 = tpu.memref_slice %arg8[%dma_start3A_245, %dma_start3A_246] : memref<512x48xf32, #tpu.memory_space<vmem>> -> memref<128x48xf32, #tpu.memory_space<vmem>>
      %dma_start3A_248 = arith.constant 0 : i32
      %dma_start3A_249 = tpu.memref_slice %arg9[%add3A_10, %dma_start3A_248] : memref<10240x48xf32, #tpu.memory_space<vmem_shared>> -> memref<128x48xf32, #tpu.memory_space<vmem_shared>>
      %dma_start3A_250 = arith.constant 0 : i32
      %dma_start3A_251 = tpu.memref_slice %arg9[%add3A_10, %dma_start3A_250] : memref<10240x48xf32, #tpu.memory_space<vmem_shared>> -> memref<128x48xf32, #tpu.memory_space<vmem_shared>>
      %dma_start3A_252 = arith.constant 0 : i32
      %dma_start3A_253 = arith.constant 0 : i32
      %dma_start3A_254 = tpu.memref_slice %arg8[%dma_start3A_252, %dma_start3A_253] : memref<512x48xf32, #tpu.memory_space<vmem>> -> memref<128x48xf32, #tpu.memory_space<vmem>>
      tpu.enqueue_dma source(%dma_start3A_254 : memref<128x48xf32, #tpu.memory_space<vmem>>) target(%dma_start3A_251 : memref<128x48xf32, #tpu.memory_space<vmem_shared>>) target_semaphore(%run_scoped3A : memref<!tpu.dma_semaphore, #tpu.memory_space<semaphore_mem>>)
      %dma_wait3A_255 = arith.constant 0 : i32
      %dma_wait3A_256 = arith.constant 0 : i32
      %dma_wait3A_257 = tpu.memref_slice %arg8[%dma_wait3A_255, %dma_wait3A_256] : memref<512x48xf32, #tpu.memory_space<vmem>> -> memref<128x48xf32, #tpu.memory_space<vmem>>
      %dma_wait3A_258 = arith.constant 0 : i32
      %dma_wait3A_259 = tpu.memref_slice %arg9[%add3A_10, %dma_wait3A_258] : memref<10240x48xf32, #tpu.memory_space<vmem_shared>> -> memref<128x48xf32, #tpu.memory_space<vmem_shared>>
      %dma_wait3A_260 = arith.constant 0 : i32
      %dma_wait3A_261 = tpu.memref_slice %arg9[%add3A_10, %dma_wait3A_260] : memref<10240x48xf32, #tpu.memory_space<vmem_shared>> -> memref<128x48xf32, #tpu.memory_space<vmem_shared>>
      %dma_wait3A_262 = arith.constant 0 : i32
      %dma_wait3A_263 = arith.constant 0 : i32
      %dma_wait3A_264 = tpu.memref_slice %arg8[%dma_wait3A_262, %dma_wait3A_263] : memref<512x48xf32, #tpu.memory_space<vmem>> -> memref<128x48xf32, #tpu.memory_space<vmem>>
      tpu.wait_dma2 semaphore(%run_scoped3A : memref<!tpu.dma_semaphore, #tpu.memory_space<semaphore_mem>>) src(%dma_wait3A_264 : memref<128x48xf32, #tpu.memory_space<vmem>>) dst(%dma_wait3A_261 : memref<128x48xf32, #tpu.memory_space<vmem_shared>>)
      tpu.yield
    }) : () -> ()
    %add3A_11 = arith.constant 128 : i32
    %add3A_12 = arith.addi %mul3A_8, %add3A_11 : i32
    "tpu.region"() ({
      %run_scoped3A = tpu.sem_alloc : memref<!tpu.dma_semaphore, #tpu.memory_space<semaphore_mem>>
      %dma_start3A_245 = arith.constant 0 : i32
      %dma_start3A_246 = arith.constant 0 : i32
      %dma_start3A_247 = tpu.memref_slice %arg8[%dma_start3A_245, %dma_start3A_246] : memref<512x48xf32, #tpu.memory_space<vmem>> -> memref<128x48xf32, #tpu.memory_space<vmem>>
      %dma_start3A_248 = arith.constant 0 : i32
      %dma_start3A_249 = tpu.memref_slice %arg9[%add3A_12, %dma_start3A_248] : memref<10240x48xf32, #tpu.memory_space<vmem_shared>> -> memref<128x48xf32, #tpu.memory_space<vmem_shared>>
      %dma_start3A_250 = arith.constant 0 : i32
      %dma_start3A_251 = tpu.memref_slice %arg9[%add3A_12, %dma_start3A_250] : memref<10240x48xf32, #tpu.memory_space<vmem_shared>> -> memref<128x48xf32, #tpu.memory_space<vmem_shared>>
      %dma_start3A_252 = arith.constant 0 : i32
      %dma_start3A_253 = arith.constant 0 : i32
      %dma_start3A_254 = tpu.memref_slice %arg8[%dma_start3A_252, %dma_start3A_253] : memref<512x48xf32, #tpu.memory_space<vmem>> -> memref<128x48xf32, #tpu.memory_space<vmem>>
      tpu.enqueue_dma source(%dma_start3A_254 : memref<128x48xf32, #tpu.memory_space<vmem>>) target(%dma_start3A_251 : memref<128x48xf32, #tpu.memory_space<vmem_shared>>) target_semaphore(%run_scoped3A : memref<!tpu.dma_semaphore, #tpu.memory_space<semaphore_mem>>)
      %dma_wait3A_255 = arith.constant 0 : i32
      %dma_wait3A_256 = arith.constant 0 : i32
      %dma_wait3A_257 = tpu.memref_slice %arg8[%dma_wait3A_255, %dma_wait3A_256] : memref<512x48xf32, #tpu.memory_space<vmem>> -> memref<128x48xf32, #tpu.memory_space<vmem>>
      %dma_wait3A_258 = arith.constant 0 : i32
      %dma_wait3A_259 = tpu.memref_slice %arg9[%add3A_12, %dma_wait3A_258] : memref<10240x48xf32, #tpu.memory_space<vmem_shared>> -> memref<128x48xf32, #tpu.memory_space<vmem_shared>>
      %dma_wait3A_260 = arith.constant 0 : i32
      %dma_wait3A_261 = tpu.memref_slice %arg9[%add3A_12, %dma_wait3A_260] : memref<10240x48xf32, #tpu.memory_space<vmem_shared>> -> memref<128x48xf32, #tpu.memory_space<vmem_shared>>
      %dma_wait3A_262 = arith.constant 0 : i32
      %dma_wait3A_263 = arith.constant 0 : i32
      %dma_wait3A_264 = tpu.memref_slice %arg8[%dma_wait3A_262, %dma_wait3A_263] : memref<512x48xf32, #tpu.memory_space<vmem>> -> memref<128x48xf32, #tpu.memory_space<vmem>>
      tpu.wait_dma2 semaphore(%run_scoped3A : memref<!tpu.dma_semaphore, #tpu.memory_space<semaphore_mem>>) src(%dma_wait3A_264 : memref<128x48xf32, #tpu.memory_space<vmem>>) dst(%dma_wait3A_261 : memref<128x48xf32, #tpu.memory_space<vmem_shared>>)
      tpu.yield
    }) : () -> ()
    %add3A_13 = arith.constant 256 : i32
    %add3A_14 = arith.addi %mul3A_8, %add3A_13 : i32
    "tpu.region"() ({
      %run_scoped3A = tpu.sem_alloc : memref<!tpu.dma_semaphore, #tpu.memory_space<semaphore_mem>>
      %dma_start3A_245 = arith.constant 0 : i32
      %dma_start3A_246 = arith.constant 0 : i32
      %dma_start3A_247 = tpu.memref_slice %arg8[%dma_start3A_245, %dma_start3A_246] : memref<512x48xf32, #tpu.memory_space<vmem>> -> memref<128x48xf32, #tpu.memory_space<vmem>>
      %dma_start3A_248 = arith.constant 0 : i32
      %dma_start3A_249 = tpu.memref_slice %arg9[%add3A_14, %dma_start3A_248] : memref<10240x48xf32, #tpu.memory_space<vmem_shared>> -> memref<128x48xf32, #tpu.memory_space<vmem_shared>>
      %dma_start3A_250 = arith.constant 0 : i32
      %dma_start3A_251 = tpu.memref_slice %arg9[%add3A_14, %dma_start3A_250] : memref<10240x48xf32, #tpu.memory_space<vmem_shared>> -> memref<128x48xf32, #tpu.memory_space<vmem_shared>>
      %dma_start3A_252 = arith.constant 0 : i32
      %dma_start3A_253 = arith.constant 0 : i32
      %dma_start3A_254 = tpu.memref_slice %arg8[%dma_start3A_252, %dma_start3A_253] : memref<512x48xf32, #tpu.memory_space<vmem>> -> memref<128x48xf32, #tpu.memory_space<vmem>>
      tpu.enqueue_dma source(%dma_start3A_254 : memref<128x48xf32, #tpu.memory_space<vmem>>) target(%dma_start3A_251 : memref<128x48xf32, #tpu.memory_space<vmem_shared>>) target_semaphore(%run_scoped3A : memref<!tpu.dma_semaphore, #tpu.memory_space<semaphore_mem>>)
      %dma_wait3A_255 = arith.constant 0 : i32
      %dma_wait3A_256 = arith.constant 0 : i32
      %dma_wait3A_257 = tpu.memref_slice %arg8[%dma_wait3A_255, %dma_wait3A_256] : memref<512x48xf32, #tpu.memory_space<vmem>> -> memref<128x48xf32, #tpu.memory_space<vmem>>
      %dma_wait3A_258 = arith.constant 0 : i32
      %dma_wait3A_259 = tpu.memref_slice %arg9[%add3A_14, %dma_wait3A_258] : memref<10240x48xf32, #tpu.memory_space<vmem_shared>> -> memref<128x48xf32, #tpu.memory_space<vmem_shared>>
      %dma_wait3A_260 = arith.constant 0 : i32
      %dma_wait3A_261 = tpu.memref_slice %arg9[%add3A_14, %dma_wait3A_260] : memref<10240x48xf32, #tpu.memory_space<vmem_shared>> -> memref<128x48xf32, #tpu.memory_space<vmem_shared>>
      %dma_wait3A_262 = arith.constant 0 : i32
      %dma_wait3A_263 = arith.constant 0 : i32
      %dma_wait3A_264 = tpu.memref_slice %arg8[%dma_wait3A_262, %dma_wait3A_263] : memref<512x48xf32, #tpu.memory_space<vmem>> -> memref<128x48xf32, #tpu.memory_space<vmem>>
      tpu.wait_dma2 semaphore(%run_scoped3A : memref<!tpu.dma_semaphore, #tpu.memory_space<semaphore_mem>>) src(%dma_wait3A_264 : memref<128x48xf32, #tpu.memory_space<vmem>>) dst(%dma_wait3A_261 : memref<128x48xf32, #tpu.memory_space<vmem_shared>>)
      tpu.yield
    }) : () -> ()
    %add3A_15 = arith.constant 384 : i32
    %add3A_16 = arith.addi %mul3A_8, %add3A_15 : i32
    "tpu.region"() ({
      %run_scoped3A = tpu.sem_alloc : memref<!tpu.dma_semaphore, #tpu.memory_space<semaphore_mem>>
      %dma_start3A_245 = arith.constant 0 : i32
      %dma_start3A_246 = arith.constant 0 : i32
      %dma_start3A_247 = tpu.memref_slice %arg8[%dma_start3A_245, %dma_start3A_246] : memref<512x48xf32, #tpu.memory_space<vmem>> -> memref<128x48xf32, #tpu.memory_space<vmem>>
      %dma_start3A_248 = arith.constant 0 : i32
      %dma_start3A_249 = tpu.memref_slice %arg9[%add3A_16, %dma_start3A_248] : memref<10240x48xf32, #tpu.memory_space<vmem_shared>> -> memref<128x48xf32, #tpu.memory_space<vmem_shared>>
      %dma_start3A_250 = arith.constant 0 : i32
      %dma_start3A_251 = tpu.memref_slice %arg9[%add3A_16, %dma_start3A_250] : memref<10240x48xf32, #tpu.memory_space<vmem_shared>> -> memref<128x48xf32, #tpu.memory_space<vmem_shared>>
      %dma_start3A_252 = arith.constant 0 : i32
      %dma_start3A_253 = arith.constant 0 : i32
      %dma_start3A_254 = tpu.memref_slice %arg8[%dma_start3A_252, %dma_start3A_253] : memref<512x48xf32, #tpu.memory_space<vmem>> -> memref<128x48xf32, #tpu.memory_space<vmem>>
      tpu.enqueue_dma source(%dma_start3A_254 : memref<128x48xf32, #tpu.memory_space<vmem>>) target(%dma_start3A_251 : memref<128x48xf32, #tpu.memory_space<vmem_shared>>) target_semaphore(%run_scoped3A : memref<!tpu.dma_semaphore, #tpu.memory_space<semaphore_mem>>)
      %dma_wait3A_255 = arith.constant 0 : i32
      %dma_wait3A_256 = arith.constant 0 : i32
      %dma_wait3A_257 = tpu.memref_slice %arg8[%dma_wait3A_255, %dma_wait3A_256] : memref<512x48xf32, #tpu.memory_space<vmem>> -> memref<128x48xf32, #tpu.memory_space<vmem>>
      %dma_wait3A_258 = arith.constant 0 : i32
      %dma_wait3A_259 = tpu.memref_slice %arg9[%add3A_16, %dma_wait3A_258] : memref<10240x48xf32, #tpu.memory_space<vmem_shared>> -> memref<128x48xf32, #tpu.memory_space<vmem_shared>>
      %dma_wait3A_260 = arith.constant 0 : i32
      %dma_wait3A_261 = tpu.memref_slice %arg9[%add3A_16, %dma_wait3A_260] : memref<10240x48xf32, #tpu.memory_space<vmem_shared>> -> memref<128x48xf32, #tpu.memory_space<vmem_shared>>
      %dma_wait3A_262 = arith.constant 0 : i32
      %dma_wait3A_263 = arith.constant 0 : i32
      %dma_wait3A_264 = tpu.memref_slice %arg8[%dma_wait3A_262, %dma_wait3A_263] : memref<512x48xf32, #tpu.memory_space<vmem>> -> memref<128x48xf32, #tpu.memory_space<vmem>>
      tpu.wait_dma2 semaphore(%run_scoped3A : memref<!tpu.dma_semaphore, #tpu.memory_space<semaphore_mem>>) src(%dma_wait3A_264 : memref<128x48xf32, #tpu.memory_space<vmem>>) dst(%dma_wait3A_261 : memref<128x48xf32, #tpu.memory_space<vmem_shared>>)
      tpu.yield
    }) : () -> ()
    %add3A_17 = arith.constant 512 : i32
    %add3A_18 = arith.addi %mul3A_8, %add3A_17 : i32
    "tpu.region"() ({
      %run_scoped3A = tpu.sem_alloc : memref<!tpu.dma_semaphore, #tpu.memory_space<semaphore_mem>>
      %dma_start3A_245 = arith.constant 0 : i32
      %dma_start3A_246 = arith.constant 0 : i32
      %dma_start3A_247 = tpu.memref_slice %arg8[%dma_start3A_245, %dma_start3A_246] : memref<512x48xf32, #tpu.memory_space<vmem>> -> memref<128x48xf32, #tpu.memory_space<vmem>>
      %dma_start3A_248 = arith.constant 0 : i32
      %dma_start3A_249 = tpu.memref_slice %arg9[%add3A_18, %dma_start3A_248] : memref<10240x48xf32, #tpu.memory_space<vmem_shared>> -> memref<128x48xf32, #tpu.memory_space<vmem_shared>>
      %dma_start3A_250 = arith.constant 0 : i32
      %dma_start3A_251 = tpu.memref_slice %arg9[%add3A_18, %dma_start3A_250] : memref<10240x48xf32, #tpu.memory_space<vmem_shared>> -> memref<128x48xf32, #tpu.memory_space<vmem_shared>>
      %dma_start3A_252 = arith.constant 0 : i32
      %dma_start3A_253 = arith.constant 0 : i32
      %dma_start3A_254 = tpu.memref_slice %arg8[%dma_start3A_252, %dma_start3A_253] : memref<512x48xf32, #tpu.memory_space<vmem>> -> memref<128x48xf32, #tpu.memory_space<vmem>>
      tpu.enqueue_dma source(%dma_start3A_254 : memref<128x48xf32, #tpu.memory_space<vmem>>) target(%dma_start3A_251 : memref<128x48xf32, #tpu.memory_space<vmem_shared>>) target_semaphore(%run_scoped3A : memref<!tpu.dma_semaphore, #tpu.memory_space<semaphore_mem>>)
      %dma_wait3A_255 = arith.constant 0 : i32
      %dma_wait3A_256 = arith.constant 0 : i32
      %dma_wait3A_257 = tpu.memref_slice %arg8[%dma_wait3A_255, %dma_wait3A_256] : memref<512x48xf32, #tpu.memory_space<vmem>> -> memref<128x48xf32, #tpu.memory_space<vmem>>
      %dma_wait3A_258 = arith.constant 0 : i32
      %dma_wait3A_259 = tpu.memref_slice %arg9[%add3A_18, %dma_wait3A_258] : memref<10240x48xf32, #tpu.memory_space<vmem_shared>> -> memref<128x48xf32, #tpu.memory_space<vmem_shared>>
      %dma_wait3A_260 = arith.constant 0 : i32
      %dma_wait3A_261 = tpu.memref_slice %arg9[%add3A_18, %dma_wait3A_260] : memref<10240x48xf32, #tpu.memory_space<vmem_shared>> -> memref<128x48xf32, #tpu.memory_space<vmem_shared>>
      %dma_wait3A_262 = arith.constant 0 : i32
      %dma_wait3A_263 = arith.constant 0 : i32
      %dma_wait3A_264 = tpu.memref_slice %arg8[%dma_wait3A_262, %dma_wait3A_263] : memref<512x48xf32, #tpu.memory_space<vmem>> -> memref<128x48xf32, #tpu.memory_space<vmem>>
      tpu.wait_dma2 semaphore(%run_scoped3A : memref<!tpu.dma_semaphore, #tpu.memory_space<semaphore_mem>>) src(%dma_wait3A_264 : memref<128x48xf32, #tpu.memory_space<vmem>>) dst(%dma_wait3A_261 : memref<128x48xf32, #tpu.memory_space<vmem_shared>>)
      tpu.yield
    }) : () -> ()
    %barrier3A = arith.constant 0 : index
    tpu.barrier barrier_id(%barrier3A)
    "tpu.region"() ({
      %run_scoped3A = tpu.sem_alloc : memref<!tpu.dma_semaphore, #tpu.memory_space<semaphore_mem>>
      %dma_start3A_245 = arith.constant 0 : i32
      %dma_start3A_246 = arith.constant 0 : i32
      %dma_start3A_247 = tpu.memref_slice %arg3[%add3A, %dma_start3A_245, %dma_start3A_246] : memref<32x81x128xi32, #tpu.memory_space<hbm>> -> memref<1x81x128xi32, #tpu.memory_space<hbm>>
      %dma_start3A_248 = tpu.memref_squeeze %dma_start3A_247 : memref<1x81x128xi32, #tpu.memory_space<hbm>> -> memref<81x128xi32, #tpu.memory_space<hbm>>
      %dma_start3A_249 = arith.constant 0 : i32
      %dma_start3A_250 = arith.constant 0 : i32
      %dma_start3A_251 = tpu.memref_slice %arg3[%add3A, %dma_start3A_249, %dma_start3A_250] : memref<32x81x128xi32, #tpu.memory_space<hbm>> -> memref<1x81x128xi32, #tpu.memory_space<hbm>>
      %dma_start3A_252 = tpu.memref_squeeze %dma_start3A_251 : memref<1x81x128xi32, #tpu.memory_space<hbm>> -> memref<81x128xi32, #tpu.memory_space<hbm>>
      tpu.enqueue_dma source(%dma_start3A_252 : memref<81x128xi32, #tpu.memory_space<hbm>>) target(%arg6 : memref<81x128xi32, #tpu.memory_space<vmem>>) target_semaphore(%run_scoped3A : memref<!tpu.dma_semaphore, #tpu.memory_space<semaphore_mem>>)
      %dma_wait3A_253 = arith.constant 0 : i32
      %dma_wait3A_254 = arith.constant 0 : i32
      %dma_wait3A_255 = tpu.memref_slice %arg3[%add3A, %dma_wait3A_253, %dma_wait3A_254] : memref<32x81x128xi32, #tpu.memory_space<hbm>> -> memref<1x81x128xi32, #tpu.memory_space<hbm>>
      %dma_wait3A_256 = tpu.memref_squeeze %dma_wait3A_255 : memref<1x81x128xi32, #tpu.memory_space<hbm>> -> memref<81x128xi32, #tpu.memory_space<hbm>>
      %dma_wait3A_257 = arith.constant 0 : i32
      %dma_wait3A_258 = arith.constant 0 : i32
      %dma_wait3A_259 = tpu.memref_slice %arg3[%add3A, %dma_wait3A_257, %dma_wait3A_258] : memref<32x81x128xi32, #tpu.memory_space<hbm>> -> memref<1x81x128xi32, #tpu.memory_space<hbm>>
      %dma_wait3A_260 = tpu.memref_squeeze %dma_wait3A_259 : memref<1x81x128xi32, #tpu.memory_space<hbm>> -> memref<81x128xi32, #tpu.memory_space<hbm>>
      tpu.wait_dma2 semaphore(%run_scoped3A : memref<!tpu.dma_semaphore, #tpu.memory_space<semaphore_mem>>) src(%dma_wait3A_260 : memref<81x128xi32, #tpu.memory_space<hbm>>) dst(%arg6 : memref<81x128xi32, #tpu.memory_space<vmem>>)
      tpu.yield
    }) : () -> ()
    "tpu.region"() ({
      %run_scoped3A = tpu.sem_alloc : memref<!tpu.dma_semaphore, #tpu.memory_space<semaphore_mem>>
      %dma_start3A_245 = arith.constant 0 : i32
      %dma_start3A_246 = arith.constant 0 : i32
      %dma_start3A_247 = tpu.memref_slice %arg4[%add3A, %dma_start3A_245, %dma_start3A_246] : memref<32x81x128xi32, #tpu.memory_space<hbm>> -> memref<1x81x128xi32, #tpu.memory_space<hbm>>
      %dma_start3A_248 = tpu.memref_squeeze %dma_start3A_247 : memref<1x81x128xi32, #tpu.memory_space<hbm>> -> memref<81x128xi32, #tpu.memory_space<hbm>>
      %dma_start3A_249 = arith.constant 0 : i32
      %dma_start3A_250 = arith.constant 0 : i32
      %dma_start3A_251 = tpu.memref_slice %arg4[%add3A, %dma_start3A_249, %dma_start3A_250] : memref<32x81x128xi32, #tpu.memory_space<hbm>> -> memref<1x81x128xi32, #tpu.memory_space<hbm>>
      %dma_start3A_252 = tpu.memref_squeeze %dma_start3A_251 : memref<1x81x128xi32, #tpu.memory_space<hbm>> -> memref<81x128xi32, #tpu.memory_space<hbm>>
      tpu.enqueue_dma source(%dma_start3A_252 : memref<81x128xi32, #tpu.memory_space<hbm>>) target(%arg7 : memref<81x128xi32, #tpu.memory_space<vmem>>) target_semaphore(%run_scoped3A : memref<!tpu.dma_semaphore, #tpu.memory_space<semaphore_mem>>)
      %dma_wait3A_253 = arith.constant 0 : i32
      %dma_wait3A_254 = arith.constant 0 : i32
      %dma_wait3A_255 = tpu.memref_slice %arg4[%add3A, %dma_wait3A_253, %dma_wait3A_254] : memref<32x81x128xi32, #tpu.memory_space<hbm>> -> memref<1x81x128xi32, #tpu.memory_space<hbm>>
      %dma_wait3A_256 = tpu.memref_squeeze %dma_wait3A_255 : memref<1x81x128xi32, #tpu.memory_space<hbm>> -> memref<81x128xi32, #tpu.memory_space<hbm>>
      %dma_wait3A_257 = arith.constant 0 : i32
      %dma_wait3A_258 = arith.constant 0 : i32
      %dma_wait3A_259 = tpu.memref_slice %arg4[%add3A, %dma_wait3A_257, %dma_wait3A_258] : memref<32x81x128xi32, #tpu.memory_space<hbm>> -> memref<1x81x128xi32, #tpu.memory_space<hbm>>
      %dma_wait3A_260 = tpu.memref_squeeze %dma_wait3A_259 : memref<1x81x128xi32, #tpu.memory_space<hbm>> -> memref<81x128xi32, #tpu.memory_space<hbm>>
      tpu.wait_dma2 semaphore(%run_scoped3A : memref<!tpu.dma_semaphore, #tpu.memory_space<semaphore_mem>>) src(%dma_wait3A_260 : memref<81x128xi32, #tpu.memory_space<hbm>>) dst(%arg7 : memref<81x128xi32, #tpu.memory_space<vmem>>)
      tpu.yield
    }) : () -> ()
    %dma_start3A = arith.constant 0 : i32
    %dma_start3A_19 = arith.constant 0 : i32
    %dma_start3A_20 = arith.constant 0 : i32
    %dma_start3A_21 = tpu.memref_slice %arg8[%dma_start3A_19, %dma_start3A_20] : memref<512x48xf32, #tpu.memory_space<vmem>> -> memref<128x48xf32, #tpu.memory_space<vmem>>
    %dma_start3A_22 = arith.constant 0 : i32
    %dma_start3A_23 = tpu.memref_slice %arg6[%dma_start3A, %dma_start3A_22] : memref<81x128xi32, #tpu.memory_space<vmem>> -> memref<1x128xi32, #tpu.memory_space<vmem>>
    %dma_start3A_24 = tpu.memref_squeeze %dma_start3A_23 : memref<1x128xi32, #tpu.memory_space<vmem>> -> memref<128xi32, #tpu.memory_space<vmem>>
    %dma_start3A_25 = arith.constant 0 : i32
    %dma_start3A_26 = arith.constant 0 : i32
    %dma_start3A_27 = tpu.memref_slice %arg2[%dma_start3A_25, %dma_start3A_26] : memref<10240x48xf32, #tpu.memory_space<hbm>> -> memref<10240x48xf32, #tpu.memory_space<hbm>>
    tpu.enqueue_indirect_dma source(%dma_start3A_27 : memref<10240x48xf32, #tpu.memory_space<hbm>>) target(%dma_start3A_21 : memref<128x48xf32, #tpu.memory_space<vmem>>) offsets(%dma_start3A_24 : memref<128xi32, #tpu.memory_space<vmem>>) semaphore(%arg10 : memref<!tpu.dma_semaphore, #tpu.memory_space<semaphore_mem>>)
    %dma_start3A_28 = arith.constant 1 : i32
    %dma_start3A_29 = arith.constant 128 : i32
    %dma_start3A_30 = arith.constant 0 : i32
    %dma_start3A_31 = tpu.memref_slice %arg8[%dma_start3A_29, %dma_start3A_30] : memref<512x48xf32, #tpu.memory_space<vmem>> -> memref<128x48xf32, #tpu.memory_space<vmem>>
    %dma_start3A_32 = arith.constant 0 : i32
    %dma_start3A_33 = tpu.memref_slice %arg6[%dma_start3A_28, %dma_start3A_32] : memref<81x128xi32, #tpu.memory_space<vmem>> -> memref<1x128xi32, #tpu.memory_space<vmem>>
    %dma_start3A_34 = tpu.memref_squeeze %dma_start3A_33 : memref<1x128xi32, #tpu.memory_space<vmem>> -> memref<128xi32, #tpu.memory_space<vmem>>
    %dma_start3A_35 = arith.constant 0 : i32
    %dma_start3A_36 = arith.constant 0 : i32
    %dma_start3A_37 = tpu.memref_slice %arg2[%dma_start3A_35, %dma_start3A_36] : memref<10240x48xf32, #tpu.memory_space<hbm>> -> memref<10240x48xf32, #tpu.memory_space<hbm>>
    tpu.enqueue_indirect_dma source(%dma_start3A_37 : memref<10240x48xf32, #tpu.memory_space<hbm>>) target(%dma_start3A_31 : memref<128x48xf32, #tpu.memory_space<vmem>>) offsets(%dma_start3A_34 : memref<128xi32, #tpu.memory_space<vmem>>) semaphore(%arg11 : memref<!tpu.dma_semaphore, #tpu.memory_space<semaphore_mem>>)
    %dma_start3A_38 = arith.constant 2 : i32
    %dma_start3A_39 = arith.constant 256 : i32
    %dma_start3A_40 = arith.constant 0 : i32
    %dma_start3A_41 = tpu.memref_slice %arg8[%dma_start3A_39, %dma_start3A_40] : memref<512x48xf32, #tpu.memory_space<vmem>> -> memref<128x48xf32, #tpu.memory_space<vmem>>
    %dma_start3A_42 = arith.constant 0 : i32
    %dma_start3A_43 = tpu.memref_slice %arg6[%dma_start3A_38, %dma_start3A_42] : memref<81x128xi32, #tpu.memory_space<vmem>> -> memref<1x128xi32, #tpu.memory_space<vmem>>
    %dma_start3A_44 = tpu.memref_squeeze %dma_start3A_43 : memref<1x128xi32, #tpu.memory_space<vmem>> -> memref<128xi32, #tpu.memory_space<vmem>>
    %dma_start3A_45 = arith.constant 0 : i32
    %dma_start3A_46 = arith.constant 0 : i32
    %dma_start3A_47 = tpu.memref_slice %arg2[%dma_start3A_45, %dma_start3A_46] : memref<10240x48xf32, #tpu.memory_space<hbm>> -> memref<10240x48xf32, #tpu.memory_space<hbm>>
    tpu.enqueue_indirect_dma source(%dma_start3A_47 : memref<10240x48xf32, #tpu.memory_space<hbm>>) target(%dma_start3A_41 : memref<128x48xf32, #tpu.memory_space<vmem>>) offsets(%dma_start3A_44 : memref<128xi32, #tpu.memory_space<vmem>>) semaphore(%arg12 : memref<!tpu.dma_semaphore, #tpu.memory_space<semaphore_mem>>)
    %dma_wait3A = arith.constant 0 : i32
    %dma_wait3A_48 = arith.constant 0 : i32
    %dma_wait3A_49 = arith.constant 0 : i32
    %dma_wait3A_50 = tpu.memref_slice %arg8[%dma_wait3A_48, %dma_wait3A_49] : memref<512x48xf32, #tpu.memory_space<vmem>> -> memref<128x48xf32, #tpu.memory_space<vmem>>
    %dma_wait3A_51 = arith.constant 0 : i32
    %dma_wait3A_52 = tpu.memref_slice %arg6[%dma_wait3A, %dma_wait3A_51] : memref<81x128xi32, #tpu.memory_space<vmem>> -> memref<1x128xi32, #tpu.memory_space<vmem>>
    %dma_wait3A_53 = tpu.memref_squeeze %dma_wait3A_52 : memref<1x128xi32, #tpu.memory_space<vmem>> -> memref<128xi32, #tpu.memory_space<vmem>>
    %dma_wait3A_54 = arith.constant 0 : i32
    %dma_wait3A_55 = arith.constant 0 : i32
    %dma_wait3A_56 = tpu.memref_slice %arg2[%dma_wait3A_54, %dma_wait3A_55] : memref<10240x48xf32, #tpu.memory_space<hbm>> -> memref<10240x48xf32, #tpu.memory_space<hbm>>
    tpu.wait_indirect_dma semaphore(%arg10 : memref<!tpu.dma_semaphore, #tpu.memory_space<semaphore_mem>>) src(%dma_wait3A_56 : memref<10240x48xf32, #tpu.memory_space<hbm>>) dst(%dma_wait3A_50 : memref<128x48xf32, #tpu.memory_space<vmem>>)
    %dma_start3A_57 = arith.constant 0 : i32
    %dma_start3A_58 = arith.constant 0 : i32
    %dma_start3A_59 = arith.constant 0 : i32
    %dma_start3A_60 = tpu.memref_slice %arg8[%dma_start3A_58, %dma_start3A_59] : memref<512x48xf32, #tpu.memory_space<vmem>> -> memref<128x48xf32, #tpu.memory_space<vmem>>
    %dma_start3A_61 = arith.constant 0 : i32
    %dma_start3A_62 = tpu.memref_slice %arg7[%dma_start3A_57, %dma_start3A_61] : memref<81x128xi32, #tpu.memory_space<vmem>> -> memref<1x128xi32, #tpu.memory_space<vmem>>
    %dma_start3A_63 = tpu.memref_squeeze %dma_start3A_62 : memref<1x128xi32, #tpu.memory_space<vmem>> -> memref<128xi32, #tpu.memory_space<vmem>>
    %dma_start3A_64 = arith.constant 0 : i32
    %dma_start3A_65 = arith.constant 0 : i32
    %dma_start3A_66 = tpu.memref_slice %arg9[%dma_start3A_64, %dma_start3A_65] : memref<10240x48xf32, #tpu.memory_space<vmem_shared>> -> memref<10240x48xf32, #tpu.memory_space<vmem_shared>>
    tpu.enqueue_indirect_dma source(%dma_start3A_60 : memref<128x48xf32, #tpu.memory_space<vmem>>) target(%dma_start3A_66 : memref<10240x48xf32, #tpu.memory_space<vmem_shared>>) offsets(%dma_start3A_63 : memref<128xi32, #tpu.memory_space<vmem>>) semaphore(%arg14 : memref<!tpu.dma_semaphore, #tpu.memory_space<semaphore_mem>>) {add = true}
    %dma_start3A_67 = arith.constant 3 : i32
    %dma_start3A_68 = arith.constant 384 : i32
    %dma_start3A_69 = arith.constant 0 : i32
    %dma_start3A_70 = tpu.memref_slice %arg8[%dma_start3A_68, %dma_start3A_69] : memref<512x48xf32, #tpu.memory_space<vmem>> -> memref<128x48xf32, #tpu.memory_space<vmem>>
    %dma_start3A_71 = arith.constant 0 : i32
    %dma_start3A_72 = tpu.memref_slice %arg6[%dma_start3A_67, %dma_start3A_71] : memref<81x128xi32, #tpu.memory_space<vmem>> -> memref<1x128xi32, #tpu.memory_space<vmem>>
    %dma_start3A_73 = tpu.memref_squeeze %dma_start3A_72 : memref<1x128xi32, #tpu.memory_space<vmem>> -> memref<128xi32, #tpu.memory_space<vmem>>
    %dma_start3A_74 = arith.constant 0 : i32
    %dma_start3A_75 = arith.constant 0 : i32
    %dma_start3A_76 = tpu.memref_slice %arg2[%dma_start3A_74, %dma_start3A_75] : memref<10240x48xf32, #tpu.memory_space<hbm>> -> memref<10240x48xf32, #tpu.memory_space<hbm>>
    tpu.enqueue_indirect_dma source(%dma_start3A_76 : memref<10240x48xf32, #tpu.memory_space<hbm>>) target(%dma_start3A_70 : memref<128x48xf32, #tpu.memory_space<vmem>>) offsets(%dma_start3A_73 : memref<128xi32, #tpu.memory_space<vmem>>) semaphore(%arg13 : memref<!tpu.dma_semaphore, #tpu.memory_space<semaphore_mem>>)
    %dma_wait3A_77 = arith.constant 1 : i32
    %dma_wait3A_78 = arith.constant 128 : i32
    %dma_wait3A_79 = arith.constant 0 : i32
    %dma_wait3A_80 = tpu.memref_slice %arg8[%dma_wait3A_78, %dma_wait3A_79] : memref<512x48xf32, #tpu.memory_space<vmem>> -> memref<128x48xf32, #tpu.memory_space<vmem>>
    %dma_wait3A_81 = arith.constant 0 : i32
    %dma_wait3A_82 = tpu.memref_slice %arg6[%dma_wait3A_77, %dma_wait3A_81] : memref<81x128xi32, #tpu.memory_space<vmem>> -> memref<1x128xi32, #tpu.memory_space<vmem>>
    %dma_wait3A_83 = tpu.memref_squeeze %dma_wait3A_82 : memref<1x128xi32, #tpu.memory_space<vmem>> -> memref<128xi32, #tpu.memory_space<vmem>>
    %dma_wait3A_84 = arith.constant 0 : i32
    %dma_wait3A_85 = arith.constant 0 : i32
    %dma_wait3A_86 = tpu.memref_slice %arg2[%dma_wait3A_84, %dma_wait3A_85] : memref<10240x48xf32, #tpu.memory_space<hbm>> -> memref<10240x48xf32, #tpu.memory_space<hbm>>
    tpu.wait_indirect_dma semaphore(%arg11 : memref<!tpu.dma_semaphore, #tpu.memory_space<semaphore_mem>>) src(%dma_wait3A_86 : memref<10240x48xf32, #tpu.memory_space<hbm>>) dst(%dma_wait3A_80 : memref<128x48xf32, #tpu.memory_space<vmem>>)
    %dma_start3A_87 = arith.constant 1 : i32
    %dma_start3A_88 = arith.constant 128 : i32
    %dma_start3A_89 = arith.constant 0 : i32
    %dma_start3A_90 = tpu.memref_slice %arg8[%dma_start3A_88, %dma_start3A_89] : memref<512x48xf32, #tpu.memory_space<vmem>> -> memref<128x48xf32, #tpu.memory_space<vmem>>
    %dma_start3A_91 = arith.constant 0 : i32
    %dma_start3A_92 = tpu.memref_slice %arg7[%dma_start3A_87, %dma_start3A_91] : memref<81x128xi32, #tpu.memory_space<vmem>> -> memref<1x128xi32, #tpu.memory_space<vmem>>
    %dma_start3A_93 = tpu.memref_squeeze %dma_start3A_92 : memref<1x128xi32, #tpu.memory_space<vmem>> -> memref<128xi32, #tpu.memory_space<vmem>>
    %dma_start3A_94 = arith.constant 0 : i32
    %dma_start3A_95 = arith.constant 0 : i32
    %dma_start3A_96 = tpu.memref_slice %arg9[%dma_start3A_94, %dma_start3A_95] : memref<10240x48xf32, #tpu.memory_space<vmem_shared>> -> memref<10240x48xf32, #tpu.memory_space<vmem_shared>>
    tpu.enqueue_indirect_dma source(%dma_start3A_90 : memref<128x48xf32, #tpu.memory_space<vmem>>) target(%dma_start3A_96 : memref<10240x48xf32, #tpu.memory_space<vmem_shared>>) offsets(%dma_start3A_93 : memref<128xi32, #tpu.memory_space<vmem>>) semaphore(%arg15 : memref<!tpu.dma_semaphore, #tpu.memory_space<semaphore_mem>>) {add = true}
    %scan3A_97 = arith.constant 0 : i32
    %scan3A_98 = arith.constant 0 : i32
    %scan3A_99 = arith.constant 19 : i32
    %scan3A_100 = arith.addi %scan3A_98, %scan3A_99 : i32
    %scan3A_101 = arith.constant 1 : i32
    %scan3A_102 = scf.for %scan3A_245 = %scan3A_98 to %scan3A_100 step %scan3A_101 iter_args(%scan3A_246 = %scan3A_97) -> (i32)  : i32 {
      %mul3A_247 = arith.constant 4 : i32
      %mul3A_248 = arith.muli %mul3A_247, %scan3A_245 : i32
      %add3A_249 = arith.constant 2 : i32
      %add3A_250 = arith.addi %mul3A_248, %add3A_249 : i32
      %add3A_251 = arith.constant 0 : i32
      %add3A_252 = arith.addi %add3A_250, %add3A_251 : i32
      %sub3A = arith.constant 2 : i32
      %sub3A_253 = arith.subi %add3A_252, %sub3A : i32
      %dma_wait3A_254 = arith.constant 0 : i32
      %dma_wait3A_255 = arith.constant 0 : i32
      %dma_wait3A_256 = tpu.memref_slice %arg8[%dma_wait3A_254, %dma_wait3A_255] : memref<512x48xf32, #tpu.memory_space<vmem>> -> memref<128x48xf32, #tpu.memory_space<vmem>>
      %dma_wait3A_257 = arith.constant 0 : i32
      %dma_wait3A_258 = tpu.memref_slice %arg7[%sub3A_253, %dma_wait3A_257] : memref<81x128xi32, #tpu.memory_space<vmem>> -> memref<1x128xi32, #tpu.memory_space<vmem>>
      %dma_wait3A_259 = tpu.memref_squeeze %dma_wait3A_258 : memref<1x128xi32, #tpu.memory_space<vmem>> -> memref<128xi32, #tpu.memory_space<vmem>>
      %dma_wait3A_260 = arith.constant 0 : i32
      %dma_wait3A_261 = arith.constant 0 : i32
      %dma_wait3A_262 = tpu.memref_slice %arg9[%dma_wait3A_260, %dma_wait3A_261] : memref<10240x48xf32, #tpu.memory_space<vmem_shared>> -> memref<10240x48xf32, #tpu.memory_space<vmem_shared>>
      tpu.wait_indirect_dma semaphore(%arg14 : memref<!tpu.dma_semaphore, #tpu.memory_space<semaphore_mem>>) src(%dma_wait3A_256 : memref<128x48xf32, #tpu.memory_space<vmem>>) dst(%dma_wait3A_262 : memref<10240x48xf32, #tpu.memory_space<vmem_shared>>)
      %add3A_263 = arith.constant 2 : i32
      %add3A_264 = arith.addi %add3A_252, %add3A_263 : i32
      %dma_start3A_265 = arith.constant 0 : i32
      %dma_start3A_266 = arith.constant 0 : i32
      %dma_start3A_267 = tpu.memref_slice %arg8[%dma_start3A_265, %dma_start3A_266] : memref<512x48xf32, #tpu.memory_space<vmem>> -> memref<128x48xf32, #tpu.memory_space<vmem>>
      %dma_start3A_268 = arith.constant 0 : i32
      %dma_start3A_269 = tpu.memref_slice %arg6[%add3A_264, %dma_start3A_268] : memref<81x128xi32, #tpu.memory_space<vmem>> -> memref<1x128xi32, #tpu.memory_space<vmem>>
      %dma_start3A_270 = tpu.memref_squeeze %dma_start3A_269 : memref<1x128xi32, #tpu.memory_space<vmem>> -> memref<128xi32, #tpu.memory_space<vmem>>
      %dma_start3A_271 = arith.constant 0 : i32
      %dma_start3A_272 = arith.constant 0 : i32
      %dma_start3A_273 = tpu.memref_slice %arg2[%dma_start3A_271, %dma_start3A_272] : memref<10240x48xf32, #tpu.memory_space<hbm>> -> memref<10240x48xf32, #tpu.memory_space<hbm>>
      tpu.enqueue_indirect_dma source(%dma_start3A_273 : memref<10240x48xf32, #tpu.memory_space<hbm>>) target(%dma_start3A_267 : memref<128x48xf32, #tpu.memory_space<vmem>>) offsets(%dma_start3A_270 : memref<128xi32, #tpu.memory_space<vmem>>) semaphore(%arg10 : memref<!tpu.dma_semaphore, #tpu.memory_space<semaphore_mem>>)
      %dma_wait3A_274 = arith.constant 256 : i32
      %dma_wait3A_275 = arith.constant 0 : i32
      %dma_wait3A_276 = tpu.memref_slice %arg8[%dma_wait3A_274, %dma_wait3A_275] : memref<512x48xf32, #tpu.memory_space<vmem>> -> memref<128x48xf32, #tpu.memory_space<vmem>>
      %dma_wait3A_277 = arith.constant 0 : i32
      %dma_wait3A_278 = tpu.memref_slice %arg6[%add3A_252, %dma_wait3A_277] : memref<81x128xi32, #tpu.memory_space<vmem>> -> memref<1x128xi32, #tpu.memory_space<vmem>>
      %dma_wait3A_279 = tpu.memref_squeeze %dma_wait3A_278 : memref<1x128xi32, #tpu.memory_space<vmem>> -> memref<128xi32, #tpu.memory_space<vmem>>
      %dma_wait3A_280 = arith.constant 0 : i32
      %dma_wait3A_281 = arith.constant 0 : i32
      %dma_wait3A_282 = tpu.memref_slice %arg2[%dma_wait3A_280, %dma_wait3A_281] : memref<10240x48xf32, #tpu.memory_space<hbm>> -> memref<10240x48xf32, #tpu.memory_space<hbm>>
      tpu.wait_indirect_dma semaphore(%arg12 : memref<!tpu.dma_semaphore, #tpu.memory_space<semaphore_mem>>) src(%dma_wait3A_282 : memref<10240x48xf32, #tpu.memory_space<hbm>>) dst(%dma_wait3A_276 : memref<128x48xf32, #tpu.memory_space<vmem>>)
      %dma_start3A_283 = arith.constant 256 : i32
      %dma_start3A_284 = arith.constant 0 : i32
      %dma_start3A_285 = tpu.memref_slice %arg8[%dma_start3A_283, %dma_start3A_284] : memref<512x48xf32, #tpu.memory_space<vmem>> -> memref<128x48xf32, #tpu.memory_space<vmem>>
      %dma_start3A_286 = arith.constant 0 : i32
      %dma_start3A_287 = tpu.memref_slice %arg7[%add3A_252, %dma_start3A_286] : memref<81x128xi32, #tpu.memory_space<vmem>> -> memref<1x128xi32, #tpu.memory_space<vmem>>
      %dma_start3A_288 = tpu.memref_squeeze %dma_start3A_287 : memref<1x128xi32, #tpu.memory_space<vmem>> -> memref<128xi32, #tpu.memory_space<vmem>>
      %dma_start3A_289 = arith.constant 0 : i32
      %dma_start3A_290 = arith.constant 0 : i32
      %dma_start3A_291 = tpu.memref_slice %arg9[%dma_start3A_289, %dma_start3A_290] : memref<10240x48xf32, #tpu.memory_space<vmem_shared>> -> memref<10240x48xf32, #tpu.memory_space<vmem_shared>>
      tpu.enqueue_indirect_dma source(%dma_start3A_285 : memref<128x48xf32, #tpu.memory_space<vmem>>) target(%dma_start3A_291 : memref<10240x48xf32, #tpu.memory_space<vmem_shared>>) offsets(%dma_start3A_288 : memref<128xi32, #tpu.memory_space<vmem>>) semaphore(%arg16 : memref<!tpu.dma_semaphore, #tpu.memory_space<semaphore_mem>>) {add = true}
      %add3A_292 = arith.constant 1 : i32
      %add3A_293 = arith.addi %add3A_250, %add3A_292 : i32
      %sub3A_294 = arith.constant 2 : i32
      %sub3A_295 = arith.subi %add3A_293, %sub3A_294 : i32
      %dma_wait3A_296 = arith.constant 128 : i32
      %dma_wait3A_297 = arith.constant 0 : i32
      %dma_wait3A_298 = tpu.memref_slice %arg8[%dma_wait3A_296, %dma_wait3A_297] : memref<512x48xf32, #tpu.memory_space<vmem>> -> memref<128x48xf32, #tpu.memory_space<vmem>>
      %dma_wait3A_299 = arith.constant 0 : i32
      %dma_wait3A_300 = tpu.memref_slice %arg7[%sub3A_295, %dma_wait3A_299] : memref<81x128xi32, #tpu.memory_space<vmem>> -> memref<1x128xi32, #tpu.memory_space<vmem>>
      %dma_wait3A_301 = tpu.memref_squeeze %dma_wait3A_300 : memref<1x128xi32, #tpu.memory_space<vmem>> -> memref<128xi32, #tpu.memory_space<vmem>>
      %dma_wait3A_302 = arith.constant 0 : i32
      %dma_wait3A_303 = arith.constant 0 : i32
      %dma_wait3A_304 = tpu.memref_slice %arg9[%dma_wait3A_302, %dma_wait3A_303] : memref<10240x48xf32, #tpu.memory_space<vmem_shared>> -> memref<10240x48xf32, #tpu.memory_space<vmem_shared>>
      tpu.wait_indirect_dma semaphore(%arg15 : memref<!tpu.dma_semaphore, #tpu.memory_space<semaphore_mem>>) src(%dma_wait3A_298 : memref<128x48xf32, #tpu.memory_space<vmem>>) dst(%dma_wait3A_304 : memref<10240x48xf32, #tpu.memory_space<vmem_shared>>)
      %add3A_305 = arith.constant 2 : i32
      %add3A_306 = arith.addi %add3A_293, %add3A_305 : i32
      %dma_start3A_307 = arith.constant 128 : i32
      %dma_start3A_308 = arith.constant 0 : i32
      %dma_start3A_309 = tpu.memref_slice %arg8[%dma_start3A_307, %dma_start3A_308] : memref<512x48xf32, #tpu.memory_space<vmem>> -> memref<128x48xf32, #tpu.memory_space<vmem>>
      %dma_start3A_310 = arith.constant 0 : i32
      %dma_start3A_311 = tpu.memref_slice %arg6[%add3A_306, %dma_start3A_310] : memref<81x128xi32, #tpu.memory_space<vmem>> -> memref<1x128xi32, #tpu.memory_space<vmem>>
      %dma_start3A_312 = tpu.memref_squeeze %dma_start3A_311 : memref<1x128xi32, #tpu.memory_space<vmem>> -> memref<128xi32, #tpu.memory_space<vmem>>
      %dma_start3A_313 = arith.constant 0 : i32
      %dma_start3A_314 = arith.constant 0 : i32
      %dma_start3A_315 = tpu.memref_slice %arg2[%dma_start3A_313, %dma_start3A_314] : memref<10240x48xf32, #tpu.memory_space<hbm>> -> memref<10240x48xf32, #tpu.memory_space<hbm>>
      tpu.enqueue_indirect_dma source(%dma_start3A_315 : memref<10240x48xf32, #tpu.memory_space<hbm>>) target(%dma_start3A_309 : memref<128x48xf32, #tpu.memory_space<vmem>>) offsets(%dma_start3A_312 : memref<128xi32, #tpu.memory_space<vmem>>) semaphore(%arg11 : memref<!tpu.dma_semaphore, #tpu.memory_space<semaphore_mem>>)
      %dma_wait3A_316 = arith.constant 384 : i32
      %dma_wait3A_317 = arith.constant 0 : i32
      %dma_wait3A_318 = tpu.memref_slice %arg8[%dma_wait3A_316, %dma_wait3A_317] : memref<512x48xf32, #tpu.memory_space<vmem>> -> memref<128x48xf32, #tpu.memory_space<vmem>>
      %dma_wait3A_319 = arith.constant 0 : i32
      %dma_wait3A_320 = tpu.memref_slice %arg6[%add3A_293, %dma_wait3A_319] : memref<81x128xi32, #tpu.memory_space<vmem>> -> memref<1x128xi32, #tpu.memory_space<vmem>>
      %dma_wait3A_321 = tpu.memref_squeeze %dma_wait3A_320 : memref<1x128xi32, #tpu.memory_space<vmem>> -> memref<128xi32, #tpu.memory_space<vmem>>
      %dma_wait3A_322 = arith.constant 0 : i32
      %dma_wait3A_323 = arith.constant 0 : i32
      %dma_wait3A_324 = tpu.memref_slice %arg2[%dma_wait3A_322, %dma_wait3A_323] : memref<10240x48xf32, #tpu.memory_space<hbm>> -> memref<10240x48xf32, #tpu.memory_space<hbm>>
      tpu.wait_indirect_dma semaphore(%arg13 : memref<!tpu.dma_semaphore, #tpu.memory_space<semaphore_mem>>) src(%dma_wait3A_324 : memref<10240x48xf32, #tpu.memory_space<hbm>>) dst(%dma_wait3A_318 : memref<128x48xf32, #tpu.memory_space<vmem>>)
      %dma_start3A_325 = arith.constant 384 : i32
      %dma_start3A_326 = arith.constant 0 : i32
      %dma_start3A_327 = tpu.memref_slice %arg8[%dma_start3A_325, %dma_start3A_326] : memref<512x48xf32, #tpu.memory_space<vmem>> -> memref<128x48xf32, #tpu.memory_space<vmem>>
      %dma_start3A_328 = arith.constant 0 : i32
      %dma_start3A_329 = tpu.memref_slice %arg7[%add3A_293, %dma_start3A_328] : memref<81x128xi32, #tpu.memory_space<vmem>> -> memref<1x128xi32, #tpu.memory_space<vmem>>
      %dma_start3A_330 = tpu.memref_squeeze %dma_start3A_329 : memref<1x128xi32, #tpu.memory_space<vmem>> -> memref<128xi32, #tpu.memory_space<vmem>>
      %dma_start3A_331 = arith.constant 0 : i32
      %dma_start3A_332 = arith.constant 0 : i32
      %dma_start3A_333 = tpu.memref_slice %arg9[%dma_start3A_331, %dma_start3A_332] : memref<10240x48xf32, #tpu.memory_space<vmem_shared>> -> memref<10240x48xf32, #tpu.memory_space<vmem_shared>>
      tpu.enqueue_indirect_dma source(%dma_start3A_327 : memref<128x48xf32, #tpu.memory_space<vmem>>) target(%dma_start3A_333 : memref<10240x48xf32, #tpu.memory_space<vmem_shared>>) offsets(%dma_start3A_330 : memref<128xi32, #tpu.memory_space<vmem>>) semaphore(%arg17 : memref<!tpu.dma_semaphore, #tpu.memory_space<semaphore_mem>>) {add = true}
      %add3A_334 = arith.constant 2 : i32
      %add3A_335 = arith.addi %add3A_250, %add3A_334 : i32
      %sub3A_336 = arith.constant 2 : i32
      %sub3A_337 = arith.subi %add3A_335, %sub3A_336 : i32
      %dma_wait3A_338 = arith.constant 256 : i32
      %dma_wait3A_339 = arith.constant 0 : i32
      %dma_wait3A_340 = tpu.memref_slice %arg8[%dma_wait3A_338, %dma_wait3A_339] : memref<512x48xf32, #tpu.memory_space<vmem>> -> memref<128x48xf32, #tpu.memory_space<vmem>>
      %dma_wait3A_341 = arith.constant 0 : i32
      %dma_wait3A_342 = tpu.memref_slice %arg7[%sub3A_337, %dma_wait3A_341] : memref<81x128xi32, #tpu.memory_space<vmem>> -> memref<1x128xi32, #tpu.memory_space<vmem>>
      %dma_wait3A_343 = tpu.memref_squeeze %dma_wait3A_342 : memref<1x128xi32, #tpu.memory_space<vmem>> -> memref<128xi32, #tpu.memory_space<vmem>>
      %dma_wait3A_344 = arith.constant 0 : i32
      %dma_wait3A_345 = arith.constant 0 : i32
      %dma_wait3A_346 = tpu.memref_slice %arg9[%dma_wait3A_344, %dma_wait3A_345] : memref<10240x48xf32, #tpu.memory_space<vmem_shared>> -> memref<10240x48xf32, #tpu.memory_space<vmem_shared>>
      tpu.wait_indirect_dma semaphore(%arg16 : memref<!tpu.dma_semaphore, #tpu.memory_space<semaphore_mem>>) src(%dma_wait3A_340 : memref<128x48xf32, #tpu.memory_space<vmem>>) dst(%dma_wait3A_346 : memref<10240x48xf32, #tpu.memory_space<vmem_shared>>)
      %add3A_347 = arith.constant 2 : i32
      %add3A_348 = arith.addi %add3A_335, %add3A_347 : i32
      %dma_start3A_349 = arith.constant 256 : i32
      %dma_start3A_350 = arith.constant 0 : i32
      %dma_start3A_351 = tpu.memref_slice %arg8[%dma_start3A_349, %dma_start3A_350] : memref<512x48xf32, #tpu.memory_space<vmem>> -> memref<128x48xf32, #tpu.memory_space<vmem>>
      %dma_start3A_352 = arith.constant 0 : i32
      %dma_start3A_353 = tpu.memref_slice %arg6[%add3A_348, %dma_start3A_352] : memref<81x128xi32, #tpu.memory_space<vmem>> -> memref<1x128xi32, #tpu.memory_space<vmem>>
      %dma_start3A_354 = tpu.memref_squeeze %dma_start3A_353 : memref<1x128xi32, #tpu.memory_space<vmem>> -> memref<128xi32, #tpu.memory_space<vmem>>
      %dma_start3A_355 = arith.constant 0 : i32
      %dma_start3A_356 = arith.constant 0 : i32
      %dma_start3A_357 = tpu.memref_slice %arg2[%dma_start3A_355, %dma_start3A_356] : memref<10240x48xf32, #tpu.memory_space<hbm>> -> memref<10240x48xf32, #tpu.memory_space<hbm>>
      tpu.enqueue_indirect_dma source(%dma_start3A_357 : memref<10240x48xf32, #tpu.memory_space<hbm>>) target(%dma_start3A_351 : memref<128x48xf32, #tpu.memory_space<vmem>>) offsets(%dma_start3A_354 : memref<128xi32, #tpu.memory_space<vmem>>) semaphore(%arg12 : memref<!tpu.dma_semaphore, #tpu.memory_space<semaphore_mem>>)
      %dma_wait3A_358 = arith.constant 0 : i32
      %dma_wait3A_359 = arith.constant 0 : i32
      %dma_wait3A_360 = tpu.memref_slice %arg8[%dma_wait3A_358, %dma_wait3A_359] : memref<512x48xf32, #tpu.memory_space<vmem>> -> memref<128x48xf32, #tpu.memory_space<vmem>>
      %dma_wait3A_361 = arith.constant 0 : i32
      %dma_wait3A_362 = tpu.memref_slice %arg6[%add3A_335, %dma_wait3A_361] : memref<81x128xi32, #tpu.memory_space<vmem>> -> memref<1x128xi32, #tpu.memory_space<vmem>>
      %dma_wait3A_363 = tpu.memref_squeeze %dma_wait3A_362 : memref<1x128xi32, #tpu.memory_space<vmem>> -> memref<128xi32, #tpu.memory_space<vmem>>
      %dma_wait3A_364 = arith.constant 0 : i32
      %dma_wait3A_365 = arith.constant 0 : i32
      %dma_wait3A_366 = tpu.memref_slice %arg2[%dma_wait3A_364, %dma_wait3A_365] : memref<10240x48xf32, #tpu.memory_space<hbm>> -> memref<10240x48xf32, #tpu.memory_space<hbm>>
      tpu.wait_indirect_dma semaphore(%arg10 : memref<!tpu.dma_semaphore, #tpu.memory_space<semaphore_mem>>) src(%dma_wait3A_366 : memref<10240x48xf32, #tpu.memory_space<hbm>>) dst(%dma_wait3A_360 : memref<128x48xf32, #tpu.memory_space<vmem>>)
      %dma_start3A_367 = arith.constant 0 : i32
      %dma_start3A_368 = arith.constant 0 : i32
      %dma_start3A_369 = tpu.memref_slice %arg8[%dma_start3A_367, %dma_start3A_368] : memref<512x48xf32, #tpu.memory_space<vmem>> -> memref<128x48xf32, #tpu.memory_space<vmem>>
      %dma_start3A_370 = arith.constant 0 : i32
      %dma_start3A_371 = tpu.memref_slice %arg7[%add3A_335, %dma_start3A_370] : memref<81x128xi32, #tpu.memory_space<vmem>> -> memref<1x128xi32, #tpu.memory_space<vmem>>
      %dma_start3A_372 = tpu.memref_squeeze %dma_start3A_371 : memref<1x128xi32, #tpu.memory_space<vmem>> -> memref<128xi32, #tpu.memory_space<vmem>>
      %dma_start3A_373 = arith.constant 0 : i32
      %dma_start3A_374 = arith.constant 0 : i32
      %dma_start3A_375 = tpu.memref_slice %arg9[%dma_start3A_373, %dma_start3A_374] : memref<10240x48xf32, #tpu.memory_space<vmem_shared>> -> memref<10240x48xf32, #tpu.memory_space<vmem_shared>>
      tpu.enqueue_indirect_dma source(%dma_start3A_369 : memref<128x48xf32, #tpu.memory_space<vmem>>) target(%dma_start3A_375 : memref<10240x48xf32, #tpu.memory_space<vmem_shared>>) offsets(%dma_start3A_372 : memref<128xi32, #tpu.memory_space<vmem>>) semaphore(%arg14 : memref<!tpu.dma_semaphore, #tpu.memory_space<semaphore_mem>>) {add = true}
      %add3A_376 = arith.constant 3 : i32
      %add3A_377 = arith.addi %add3A_250, %add3A_376 : i32
      %sub3A_378 = arith.constant 2 : i32
      %sub3A_379 = arith.subi %add3A_377, %sub3A_378 : i32
      %dma_wait3A_380 = arith.constant 384 : i32
      %dma_wait3A_381 = arith.constant 0 : i32
      %dma_wait3A_382 = tpu.memref_slice %arg8[%dma_wait3A_380, %dma_wait3A_381] : memref<512x48xf32, #tpu.memory_space<vmem>> -> memref<128x48xf32, #tpu.memory_space<vmem>>
      %dma_wait3A_383 = arith.constant 0 : i32
      %dma_wait3A_384 = tpu.memref_slice %arg7[%sub3A_379, %dma_wait3A_383] : memref<81x128xi32, #tpu.memory_space<vmem>> -> memref<1x128xi32, #tpu.memory_space<vmem>>
      %dma_wait3A_385 = tpu.memref_squeeze %dma_wait3A_384 : memref<1x128xi32, #tpu.memory_space<vmem>> -> memref<128xi32, #tpu.memory_space<vmem>>
      %dma_wait3A_386 = arith.constant 0 : i32
      %dma_wait3A_387 = arith.constant 0 : i32
      %dma_wait3A_388 = tpu.memref_slice %arg9[%dma_wait3A_386, %dma_wait3A_387] : memref<10240x48xf32, #tpu.memory_space<vmem_shared>> -> memref<10240x48xf32, #tpu.memory_space<vmem_shared>>
      tpu.wait_indirect_dma semaphore(%arg17 : memref<!tpu.dma_semaphore, #tpu.memory_space<semaphore_mem>>) src(%dma_wait3A_382 : memref<128x48xf32, #tpu.memory_space<vmem>>) dst(%dma_wait3A_388 : memref<10240x48xf32, #tpu.memory_space<vmem_shared>>)
      %add3A_389 = arith.constant 2 : i32
      %add3A_390 = arith.addi %add3A_377, %add3A_389 : i32
      %dma_start3A_391 = arith.constant 384 : i32
      %dma_start3A_392 = arith.constant 0 : i32
      %dma_start3A_393 = tpu.memref_slice %arg8[%dma_start3A_391, %dma_start3A_392] : memref<512x48xf32, #tpu.memory_space<vmem>> -> memref<128x48xf32, #tpu.memory_space<vmem>>
      %dma_start3A_394 = arith.constant 0 : i32
      %dma_start3A_395 = tpu.memref_slice %arg6[%add3A_390, %dma_start3A_394] : memref<81x128xi32, #tpu.memory_space<vmem>> -> memref<1x128xi32, #tpu.memory_space<vmem>>
      %dma_start3A_396 = tpu.memref_squeeze %dma_start3A_395 : memref<1x128xi32, #tpu.memory_space<vmem>> -> memref<128xi32, #tpu.memory_space<vmem>>
      %dma_start3A_397 = arith.constant 0 : i32
      %dma_start3A_398 = arith.constant 0 : i32
      %dma_start3A_399 = tpu.memref_slice %arg2[%dma_start3A_397, %dma_start3A_398] : memref<10240x48xf32, #tpu.memory_space<hbm>> -> memref<10240x48xf32, #tpu.memory_space<hbm>>
      tpu.enqueue_indirect_dma source(%dma_start3A_399 : memref<10240x48xf32, #tpu.memory_space<hbm>>) target(%dma_start3A_393 : memref<128x48xf32, #tpu.memory_space<vmem>>) offsets(%dma_start3A_396 : memref<128xi32, #tpu.memory_space<vmem>>) semaphore(%arg13 : memref<!tpu.dma_semaphore, #tpu.memory_space<semaphore_mem>>)
      %dma_wait3A_400 = arith.constant 128 : i32
      %dma_wait3A_401 = arith.constant 0 : i32
      %dma_wait3A_402 = tpu.memref_slice %arg8[%dma_wait3A_400, %dma_wait3A_401] : memref<512x48xf32, #tpu.memory_space<vmem>> -> memref<128x48xf32, #tpu.memory_space<vmem>>
      %dma_wait3A_403 = arith.constant 0 : i32
      %dma_wait3A_404 = tpu.memref_slice %arg6[%add3A_377, %dma_wait3A_403] : memref<81x128xi32, #tpu.memory_space<vmem>> -> memref<1x128xi32, #tpu.memory_space<vmem>>
      %dma_wait3A_405 = tpu.memref_squeeze %dma_wait3A_404 : memref<1x128xi32, #tpu.memory_space<vmem>> -> memref<128xi32, #tpu.memory_space<vmem>>
      %dma_wait3A_406 = arith.constant 0 : i32
      %dma_wait3A_407 = arith.constant 0 : i32
      %dma_wait3A_408 = tpu.memref_slice %arg2[%dma_wait3A_406, %dma_wait3A_407] : memref<10240x48xf32, #tpu.memory_space<hbm>> -> memref<10240x48xf32, #tpu.memory_space<hbm>>
      tpu.wait_indirect_dma semaphore(%arg11 : memref<!tpu.dma_semaphore, #tpu.memory_space<semaphore_mem>>) src(%dma_wait3A_408 : memref<10240x48xf32, #tpu.memory_space<hbm>>) dst(%dma_wait3A_402 : memref<128x48xf32, #tpu.memory_space<vmem>>)
      %dma_start3A_409 = arith.constant 128 : i32
      %dma_start3A_410 = arith.constant 0 : i32
      %dma_start3A_411 = tpu.memref_slice %arg8[%dma_start3A_409, %dma_start3A_410] : memref<512x48xf32, #tpu.memory_space<vmem>> -> memref<128x48xf32, #tpu.memory_space<vmem>>
      %dma_start3A_412 = arith.constant 0 : i32
      %dma_start3A_413 = tpu.memref_slice %arg7[%add3A_377, %dma_start3A_412] : memref<81x128xi32, #tpu.memory_space<vmem>> -> memref<1x128xi32, #tpu.memory_space<vmem>>
      %dma_start3A_414 = tpu.memref_squeeze %dma_start3A_413 : memref<1x128xi32, #tpu.memory_space<vmem>> -> memref<128xi32, #tpu.memory_space<vmem>>
      %dma_start3A_415 = arith.constant 0 : i32
      %dma_start3A_416 = arith.constant 0 : i32
      %dma_start3A_417 = tpu.memref_slice %arg9[%dma_start3A_415, %dma_start3A_416] : memref<10240x48xf32, #tpu.memory_space<vmem_shared>> -> memref<10240x48xf32, #tpu.memory_space<vmem_shared>>
      tpu.enqueue_indirect_dma source(%dma_start3A_411 : memref<128x48xf32, #tpu.memory_space<vmem>>) target(%dma_start3A_417 : memref<10240x48xf32, #tpu.memory_space<vmem_shared>>) offsets(%dma_start3A_414 : memref<128xi32, #tpu.memory_space<vmem>>) semaphore(%arg15 : memref<!tpu.dma_semaphore, #tpu.memory_space<semaphore_mem>>) {add = true}
      %scan3A_418 = arith.constant 0 : i32
      scf.yield %scan3A_418 : i32
    }
    %scan3A_103 = arith.constant 19 : i32
    %dma_wait3A_104 = arith.constant 76 : i32
    %dma_wait3A_105 = arith.constant 0 : i32
    %dma_wait3A_106 = arith.constant 0 : i32
    %dma_wait3A_107 = tpu.memref_slice %arg8[%dma_wait3A_105, %dma_wait3A_106] : memref<512x48xf32, #tpu.memory_space<vmem>> -> memref<128x48xf32, #tpu.memory_space<vmem>>
    %dma_wait3A_108 = arith.constant 0 : i32
    %dma_wait3A_109 = tpu.memref_slice %arg7[%dma_wait3A_104, %dma_wait3A_108] : memref<81x128xi32, #tpu.memory_space<vmem>> -> memref<1x128xi32, #tpu.memory_space<vmem>>
    %dma_wait3A_110 = tpu.memref_squeeze %dma_wait3A_109 : memref<1x128xi32, #tpu.memory_space<vmem>> -> memref<128xi32, #tpu.memory_space<vmem>>
    %dma_wait3A_111 = arith.constant 0 : i32
    %dma_wait3A_112 = arith.constant 0 : i32
    %dma_wait3A_113 = tpu.memref_slice %arg9[%dma_wait3A_111, %dma_wait3A_112] : memref<10240x48xf32, #tpu.memory_space<vmem_shared>> -> memref<10240x48xf32, #tpu.memory_space<vmem_shared>>
    tpu.wait_indirect_dma semaphore(%arg14 : memref<!tpu.dma_semaphore, #tpu.memory_space<semaphore_mem>>) src(%dma_wait3A_107 : memref<128x48xf32, #tpu.memory_space<vmem>>) dst(%dma_wait3A_113 : memref<10240x48xf32, #tpu.memory_space<vmem_shared>>)
    %dma_start3A_114 = arith.constant 80 : i32
    %dma_start3A_115 = arith.constant 0 : i32
    %dma_start3A_116 = arith.constant 0 : i32
    %dma_start3A_117 = tpu.memref_slice %arg8[%dma_start3A_115, %dma_start3A_116] : memref<512x48xf32, #tpu.memory_space<vmem>> -> memref<128x48xf32, #tpu.memory_space<vmem>>
    %dma_start3A_118 = arith.constant 0 : i32
    %dma_start3A_119 = tpu.memref_slice %arg6[%dma_start3A_114, %dma_start3A_118] : memref<81x128xi32, #tpu.memory_space<vmem>> -> memref<1x128xi32, #tpu.memory_space<vmem>>
    %dma_start3A_120 = tpu.memref_squeeze %dma_start3A_119 : memref<1x128xi32, #tpu.memory_space<vmem>> -> memref<128xi32, #tpu.memory_space<vmem>>
    %dma_start3A_121 = arith.constant 0 : i32
    %dma_start3A_122 = arith.constant 0 : i32
    %dma_start3A_123 = tpu.memref_slice %arg2[%dma_start3A_121, %dma_start3A_122] : memref<10240x48xf32, #tpu.memory_space<hbm>> -> memref<10240x48xf32, #tpu.memory_space<hbm>>
    tpu.enqueue_indirect_dma source(%dma_start3A_123 : memref<10240x48xf32, #tpu.memory_space<hbm>>) target(%dma_start3A_117 : memref<128x48xf32, #tpu.memory_space<vmem>>) offsets(%dma_start3A_120 : memref<128xi32, #tpu.memory_space<vmem>>) semaphore(%arg10 : memref<!tpu.dma_semaphore, #tpu.memory_space<semaphore_mem>>)
    %dma_wait3A_124 = arith.constant 78 : i32
    %dma_wait3A_125 = arith.constant 256 : i32
    %dma_wait3A_126 = arith.constant 0 : i32
    %dma_wait3A_127 = tpu.memref_slice %arg8[%dma_wait3A_125, %dma_wait3A_126] : memref<512x48xf32, #tpu.memory_space<vmem>> -> memref<128x48xf32, #tpu.memory_space<vmem>>
    %dma_wait3A_128 = arith.constant 0 : i32
    %dma_wait3A_129 = tpu.memref_slice %arg6[%dma_wait3A_124, %dma_wait3A_128] : memref<81x128xi32, #tpu.memory_space<vmem>> -> memref<1x128xi32, #tpu.memory_space<vmem>>
    %dma_wait3A_130 = tpu.memref_squeeze %dma_wait3A_129 : memref<1x128xi32, #tpu.memory_space<vmem>> -> memref<128xi32, #tpu.memory_space<vmem>>
    %dma_wait3A_131 = arith.constant 0 : i32
    %dma_wait3A_132 = arith.constant 0 : i32
    %dma_wait3A_133 = tpu.memref_slice %arg2[%dma_wait3A_131, %dma_wait3A_132] : memref<10240x48xf32, #tpu.memory_space<hbm>> -> memref<10240x48xf32, #tpu.memory_space<hbm>>
    tpu.wait_indirect_dma semaphore(%arg12 : memref<!tpu.dma_semaphore, #tpu.memory_space<semaphore_mem>>) src(%dma_wait3A_133 : memref<10240x48xf32, #tpu.memory_space<hbm>>) dst(%dma_wait3A_127 : memref<128x48xf32, #tpu.memory_space<vmem>>)
    %dma_start3A_134 = arith.constant 78 : i32
    %dma_start3A_135 = arith.constant 256 : i32
    %dma_start3A_136 = arith.constant 0 : i32
    %dma_start3A_137 = tpu.memref_slice %arg8[%dma_start3A_135, %dma_start3A_136] : memref<512x48xf32, #tpu.memory_space<vmem>> -> memref<128x48xf32, #tpu.memory_space<vmem>>
    %dma_start3A_138 = arith.constant 0 : i32
    %dma_start3A_139 = tpu.memref_slice %arg7[%dma_start3A_134, %dma_start3A_138] : memref<81x128xi32, #tpu.memory_space<vmem>> -> memref<1x128xi32, #tpu.memory_space<vmem>>
    %dma_start3A_140 = tpu.memref_squeeze %dma_start3A_139 : memref<1x128xi32, #tpu.memory_space<vmem>> -> memref<128xi32, #tpu.memory_space<vmem>>
    %dma_start3A_141 = arith.constant 0 : i32
    %dma_start3A_142 = arith.constant 0 : i32
    %dma_start3A_143 = tpu.memref_slice %arg9[%dma_start3A_141, %dma_start3A_142] : memref<10240x48xf32, #tpu.memory_space<vmem_shared>> -> memref<10240x48xf32, #tpu.memory_space<vmem_shared>>
    tpu.enqueue_indirect_dma source(%dma_start3A_137 : memref<128x48xf32, #tpu.memory_space<vmem>>) target(%dma_start3A_143 : memref<10240x48xf32, #tpu.memory_space<vmem_shared>>) offsets(%dma_start3A_140 : memref<128xi32, #tpu.memory_space<vmem>>) semaphore(%arg16 : memref<!tpu.dma_semaphore, #tpu.memory_space<semaphore_mem>>) {add = true}
    %dma_wait3A_144 = arith.constant 77 : i32
    %dma_wait3A_145 = arith.constant 128 : i32
    %dma_wait3A_146 = arith.constant 0 : i32
    %dma_wait3A_147 = tpu.memref_slice %arg8[%dma_wait3A_145, %dma_wait3A_146] : memref<512x48xf32, #tpu.memory_space<vmem>> -> memref<128x48xf32, #tpu.memory_space<vmem>>
    %dma_wait3A_148 = arith.constant 0 : i32
    %dma_wait3A_149 = tpu.memref_slice %arg7[%dma_wait3A_144, %dma_wait3A_148] : memref<81x128xi32, #tpu.memory_space<vmem>> -> memref<1x128xi32, #tpu.memory_space<vmem>>
    %dma_wait3A_150 = tpu.memref_squeeze %dma_wait3A_149 : memref<1x128xi32, #tpu.memory_space<vmem>> -> memref<128xi32, #tpu.memory_space<vmem>>
    %dma_wait3A_151 = arith.constant 0 : i32
    %dma_wait3A_152 = arith.constant 0 : i32
    %dma_wait3A_153 = tpu.memref_slice %arg9[%dma_wait3A_151, %dma_wait3A_152] : memref<10240x48xf32, #tpu.memory_space<vmem_shared>> -> memref<10240x48xf32, #tpu.memory_space<vmem_shared>>
    tpu.wait_indirect_dma semaphore(%arg15 : memref<!tpu.dma_semaphore, #tpu.memory_space<semaphore_mem>>) src(%dma_wait3A_147 : memref<128x48xf32, #tpu.memory_space<vmem>>) dst(%dma_wait3A_153 : memref<10240x48xf32, #tpu.memory_space<vmem_shared>>)
    %dma_wait3A_154 = arith.constant 79 : i32
    %dma_wait3A_155 = arith.constant 384 : i32
    %dma_wait3A_156 = arith.constant 0 : i32
    %dma_wait3A_157 = tpu.memref_slice %arg8[%dma_wait3A_155, %dma_wait3A_156] : memref<512x48xf32, #tpu.memory_space<vmem>> -> memref<128x48xf32, #tpu.memory_space<vmem>>
    %dma_wait3A_158 = arith.constant 0 : i32
    %dma_wait3A_159 = tpu.memref_slice %arg6[%dma_wait3A_154, %dma_wait3A_158] : memref<81x128xi32, #tpu.memory_space<vmem>> -> memref<1x128xi32, #tpu.memory_space<vmem>>
    %dma_wait3A_160 = tpu.memref_squeeze %dma_wait3A_159 : memref<1x128xi32, #tpu.memory_space<vmem>> -> memref<128xi32, #tpu.memory_space<vmem>>
    %dma_wait3A_161 = arith.constant 0 : i32
    %dma_wait3A_162 = arith.constant 0 : i32
    %dma_wait3A_163 = tpu.memref_slice %arg2[%dma_wait3A_161, %dma_wait3A_162] : memref<10240x48xf32, #tpu.memory_space<hbm>> -> memref<10240x48xf32, #tpu.memory_space<hbm>>
    tpu.wait_indirect_dma semaphore(%arg13 : memref<!tpu.dma_semaphore, #tpu.memory_space<semaphore_mem>>) src(%dma_wait3A_163 : memref<10240x48xf32, #tpu.memory_space<hbm>>) dst(%dma_wait3A_157 : memref<128x48xf32, #tpu.memory_space<vmem>>)
    %dma_start3A_164 = arith.constant 79 : i32
    %dma_start3A_165 = arith.constant 384 : i32
    %dma_start3A_166 = arith.constant 0 : i32
    %dma_start3A_167 = tpu.memref_slice %arg8[%dma_start3A_165, %dma_start3A_166] : memref<512x48xf32, #tpu.memory_space<vmem>> -> memref<128x48xf32, #tpu.memory_space<vmem>>
    %dma_start3A_168 = arith.constant 0 : i32
    %dma_start3A_169 = tpu.memref_slice %arg7[%dma_start3A_164, %dma_start3A_168] : memref<81x128xi32, #tpu.memory_space<vmem>> -> memref<1x128xi32, #tpu.memory_space<vmem>>
    %dma_start3A_170 = tpu.memref_squeeze %dma_start3A_169 : memref<1x128xi32, #tpu.memory_space<vmem>> -> memref<128xi32, #tpu.memory_space<vmem>>
    %dma_start3A_171 = arith.constant 0 : i32
    %dma_start3A_172 = arith.constant 0 : i32
    %dma_start3A_173 = tpu.memref_slice %arg9[%dma_start3A_171, %dma_start3A_172] : memref<10240x48xf32, #tpu.memory_space<vmem_shared>> -> memref<10240x48xf32, #tpu.memory_space<vmem_shared>>
    tpu.enqueue_indirect_dma source(%dma_start3A_167 : memref<128x48xf32, #tpu.memory_space<vmem>>) target(%dma_start3A_173 : memref<10240x48xf32, #tpu.memory_space<vmem_shared>>) offsets(%dma_start3A_170 : memref<128xi32, #tpu.memory_space<vmem>>) semaphore(%arg17 : memref<!tpu.dma_semaphore, #tpu.memory_space<semaphore_mem>>) {add = true}
    %dma_wait3A_174 = arith.constant 78 : i32
    %dma_wait3A_175 = arith.constant 256 : i32
    %dma_wait3A_176 = arith.constant 0 : i32
    %dma_wait3A_177 = tpu.memref_slice %arg8[%dma_wait3A_175, %dma_wait3A_176] : memref<512x48xf32, #tpu.memory_space<vmem>> -> memref<128x48xf32, #tpu.memory_space<vmem>>
    %dma_wait3A_178 = arith.constant 0 : i32
    %dma_wait3A_179 = tpu.memref_slice %arg7[%dma_wait3A_174, %dma_wait3A_178] : memref<81x128xi32, #tpu.memory_space<vmem>> -> memref<1x128xi32, #tpu.memory_space<vmem>>
    %dma_wait3A_180 = tpu.memref_squeeze %dma_wait3A_179 : memref<1x128xi32, #tpu.memory_space<vmem>> -> memref<128xi32, #tpu.memory_space<vmem>>
    %dma_wait3A_181 = arith.constant 0 : i32
    %dma_wait3A_182 = arith.constant 0 : i32
    %dma_wait3A_183 = tpu.memref_slice %arg9[%dma_wait3A_181, %dma_wait3A_182] : memref<10240x48xf32, #tpu.memory_space<vmem_shared>> -> memref<10240x48xf32, #tpu.memory_space<vmem_shared>>
    tpu.wait_indirect_dma semaphore(%arg16 : memref<!tpu.dma_semaphore, #tpu.memory_space<semaphore_mem>>) src(%dma_wait3A_177 : memref<128x48xf32, #tpu.memory_space<vmem>>) dst(%dma_wait3A_183 : memref<10240x48xf32, #tpu.memory_space<vmem_shared>>)
    %dma_wait3A_184 = arith.constant 80 : i32
    %dma_wait3A_185 = arith.constant 0 : i32
    %dma_wait3A_186 = arith.constant 0 : i32
    %dma_wait3A_187 = tpu.memref_slice %arg8[%dma_wait3A_185, %dma_wait3A_186] : memref<512x48xf32, #tpu.memory_space<vmem>> -> memref<128x48xf32, #tpu.memory_space<vmem>>
    %dma_wait3A_188 = arith.constant 0 : i32
    %dma_wait3A_189 = tpu.memref_slice %arg6[%dma_wait3A_184, %dma_wait3A_188] : memref<81x128xi32, #tpu.memory_space<vmem>> -> memref<1x128xi32, #tpu.memory_space<vmem>>
    %dma_wait3A_190 = tpu.memref_squeeze %dma_wait3A_189 : memref<1x128xi32, #tpu.memory_space<vmem>> -> memref<128xi32, #tpu.memory_space<vmem>>
    %dma_wait3A_191 = arith.constant 0 : i32
    %dma_wait3A_192 = arith.constant 0 : i32
    %dma_wait3A_193 = tpu.memref_slice %arg2[%dma_wait3A_191, %dma_wait3A_192] : memref<10240x48xf32, #tpu.memory_space<hbm>> -> memref<10240x48xf32, #tpu.memory_space<hbm>>
    tpu.wait_indirect_dma semaphore(%arg10 : memref<!tpu.dma_semaphore, #tpu.memory_space<semaphore_mem>>) src(%dma_wait3A_193 : memref<10240x48xf32, #tpu.memory_space<hbm>>) dst(%dma_wait3A_187 : memref<128x48xf32, #tpu.memory_space<vmem>>)
    %dma_start3A_194 = arith.constant 80 : i32
    %dma_start3A_195 = arith.constant 0 : i32
    %dma_start3A_196 = arith.constant 0 : i32
    %dma_start3A_197 = tpu.memref_slice %arg8[%dma_start3A_195, %dma_start3A_196] : memref<512x48xf32, #tpu.memory_space<vmem>> -> memref<128x48xf32, #tpu.memory_space<vmem>>
    %dma_start3A_198 = arith.constant 0 : i32
    %dma_start3A_199 = tpu.memref_slice %arg7[%dma_start3A_194, %dma_start3A_198] : memref<81x128xi32, #tpu.memory_space<vmem>> -> memref<1x128xi32, #tpu.memory_space<vmem>>
    %dma_start3A_200 = tpu.memref_squeeze %dma_start3A_199 : memref<1x128xi32, #tpu.memory_space<vmem>> -> memref<128xi32, #tpu.memory_space<vmem>>
    %dma_start3A_201 = arith.constant 0 : i32
    %dma_start3A_202 = arith.constant 0 : i32
    %dma_start3A_203 = tpu.memref_slice %arg9[%dma_start3A_201, %dma_start3A_202] : memref<10240x48xf32, #tpu.memory_space<vmem_shared>> -> memref<10240x48xf32, #tpu.memory_space<vmem_shared>>
    tpu.enqueue_indirect_dma source(%dma_start3A_197 : memref<128x48xf32, #tpu.memory_space<vmem>>) target(%dma_start3A_203 : memref<10240x48xf32, #tpu.memory_space<vmem_shared>>) offsets(%dma_start3A_200 : memref<128xi32, #tpu.memory_space<vmem>>) semaphore(%arg14 : memref<!tpu.dma_semaphore, #tpu.memory_space<semaphore_mem>>) {add = true}
    %dma_wait3A_204 = arith.constant 79 : i32
    %dma_wait3A_205 = arith.constant 384 : i32
    %dma_wait3A_206 = arith.constant 0 : i32
    %dma_wait3A_207 = tpu.memref_slice %arg8[%dma_wait3A_205, %dma_wait3A_206] : memref<512x48xf32, #tpu.memory_space<vmem>> -> memref<128x48xf32, #tpu.memory_space<vmem>>
    %dma_wait3A_208 = arith.constant 0 : i32
    %dma_wait3A_209 = tpu.memref_slice %arg7[%dma_wait3A_204, %dma_wait3A_208] : memref<81x128xi32, #tpu.memory_space<vmem>> -> memref<1x128xi32, #tpu.memory_space<vmem>>
    %dma_wait3A_210 = tpu.memref_squeeze %dma_wait3A_209 : memref<1x128xi32, #tpu.memory_space<vmem>> -> memref<128xi32, #tpu.memory_space<vmem>>
    %dma_wait3A_211 = arith.constant 0 : i32
    %dma_wait3A_212 = arith.constant 0 : i32
    %dma_wait3A_213 = tpu.memref_slice %arg9[%dma_wait3A_211, %dma_wait3A_212] : memref<10240x48xf32, #tpu.memory_space<vmem_shared>> -> memref<10240x48xf32, #tpu.memory_space<vmem_shared>>
    tpu.wait_indirect_dma semaphore(%arg17 : memref<!tpu.dma_semaphore, #tpu.memory_space<semaphore_mem>>) src(%dma_wait3A_207 : memref<128x48xf32, #tpu.memory_space<vmem>>) dst(%dma_wait3A_213 : memref<10240x48xf32, #tpu.memory_space<vmem_shared>>)
    %dma_wait3A_214 = arith.constant 80 : i32
    %dma_wait3A_215 = arith.constant 0 : i32
    %dma_wait3A_216 = arith.constant 0 : i32
    %dma_wait3A_217 = tpu.memref_slice %arg8[%dma_wait3A_215, %dma_wait3A_216] : memref<512x48xf32, #tpu.memory_space<vmem>> -> memref<128x48xf32, #tpu.memory_space<vmem>>
    %dma_wait3A_218 = arith.constant 0 : i32
    %dma_wait3A_219 = tpu.memref_slice %arg7[%dma_wait3A_214, %dma_wait3A_218] : memref<81x128xi32, #tpu.memory_space<vmem>> -> memref<1x128xi32, #tpu.memory_space<vmem>>
    %dma_wait3A_220 = tpu.memref_squeeze %dma_wait3A_219 : memref<1x128xi32, #tpu.memory_space<vmem>> -> memref<128xi32, #tpu.memory_space<vmem>>
    %dma_wait3A_221 = arith.constant 0 : i32
    %dma_wait3A_222 = arith.constant 0 : i32
    %dma_wait3A_223 = tpu.memref_slice %arg9[%dma_wait3A_221, %dma_wait3A_222] : memref<10240x48xf32, #tpu.memory_space<vmem_shared>> -> memref<10240x48xf32, #tpu.memory_space<vmem_shared>>
    tpu.wait_indirect_dma semaphore(%arg14 : memref<!tpu.dma_semaphore, #tpu.memory_space<semaphore_mem>>) src(%dma_wait3A_217 : memref<128x48xf32, #tpu.memory_space<vmem>>) dst(%dma_wait3A_223 : memref<10240x48xf32, #tpu.memory_space<vmem_shared>>)
    %barrier3A_224 = arith.constant 0 : index
    tpu.barrier barrier_id(%barrier3A_224)
    %add3A_225 = arith.constant 0 : i32
    %add3A_226 = arith.addi %mul3A_8, %add3A_225 : i32
    "tpu.region"() ({
      %run_scoped3A = tpu.sem_alloc : memref<!tpu.dma_semaphore, #tpu.memory_space<semaphore_mem>>
      %dma_start3A_245 = arith.constant 0 : i32
      %dma_start3A_246 = arith.constant 0 : i32
      %dma_start3A_247 = tpu.memref_slice %arg8[%dma_start3A_245, %dma_start3A_246] : memref<512x48xf32, #tpu.memory_space<vmem>> -> memref<128x48xf32, #tpu.memory_space<vmem>>
      %dma_start3A_248 = arith.constant 0 : i32
      %dma_start3A_249 = tpu.memref_slice %arg9[%add3A_226, %dma_start3A_248] : memref<10240x48xf32, #tpu.memory_space<vmem_shared>> -> memref<128x48xf32, #tpu.memory_space<vmem_shared>>
      %dma_start3A_250 = arith.constant 0 : i32
      %dma_start3A_251 = arith.constant 0 : i32
      %dma_start3A_252 = tpu.memref_slice %arg8[%dma_start3A_250, %dma_start3A_251] : memref<512x48xf32, #tpu.memory_space<vmem>> -> memref<128x48xf32, #tpu.memory_space<vmem>>
      %dma_start3A_253 = arith.constant 0 : i32
      %dma_start3A_254 = tpu.memref_slice %arg9[%add3A_226, %dma_start3A_253] : memref<10240x48xf32, #tpu.memory_space<vmem_shared>> -> memref<128x48xf32, #tpu.memory_space<vmem_shared>>
      tpu.enqueue_dma source(%dma_start3A_254 : memref<128x48xf32, #tpu.memory_space<vmem_shared>>) target(%dma_start3A_252 : memref<128x48xf32, #tpu.memory_space<vmem>>) target_semaphore(%run_scoped3A : memref<!tpu.dma_semaphore, #tpu.memory_space<semaphore_mem>>)
      %dma_wait3A_255 = arith.constant 0 : i32
      %dma_wait3A_256 = arith.constant 0 : i32
      %dma_wait3A_257 = tpu.memref_slice %arg8[%dma_wait3A_255, %dma_wait3A_256] : memref<512x48xf32, #tpu.memory_space<vmem>> -> memref<128x48xf32, #tpu.memory_space<vmem>>
      %dma_wait3A_258 = arith.constant 0 : i32
      %dma_wait3A_259 = tpu.memref_slice %arg9[%add3A_226, %dma_wait3A_258] : memref<10240x48xf32, #tpu.memory_space<vmem_shared>> -> memref<128x48xf32, #tpu.memory_space<vmem_shared>>
      %dma_wait3A_260 = arith.constant 0 : i32
      %dma_wait3A_261 = arith.constant 0 : i32
      %dma_wait3A_262 = tpu.memref_slice %arg8[%dma_wait3A_260, %dma_wait3A_261] : memref<512x48xf32, #tpu.memory_space<vmem>> -> memref<128x48xf32, #tpu.memory_space<vmem>>
      %dma_wait3A_263 = arith.constant 0 : i32
      %dma_wait3A_264 = tpu.memref_slice %arg9[%add3A_226, %dma_wait3A_263] : memref<10240x48xf32, #tpu.memory_space<vmem_shared>> -> memref<128x48xf32, #tpu.memory_space<vmem_shared>>
      tpu.wait_dma2 semaphore(%run_scoped3A : memref<!tpu.dma_semaphore, #tpu.memory_space<semaphore_mem>>) src(%dma_wait3A_264 : memref<128x48xf32, #tpu.memory_space<vmem_shared>>) dst(%dma_wait3A_262 : memref<128x48xf32, #tpu.memory_space<vmem>>)
      tpu.yield
    }) : () -> ()
    %add3A_227 = arith.constant 0 : i32
    %add3A_228 = arith.addi %mul3A_8, %add3A_227 : i32
    "tpu.region"() ({
      %run_scoped3A = tpu.sem_alloc : memref<!tpu.dma_semaphore, #tpu.memory_space<semaphore_mem>>
      %dma_start3A_245 = arith.constant 0 : i32
      %dma_start3A_246 = arith.constant 0 : i32
      %dma_start3A_247 = tpu.memref_slice %arg8[%dma_start3A_245, %dma_start3A_246] : memref<512x48xf32, #tpu.memory_space<vmem>> -> memref<128x48xf32, #tpu.memory_space<vmem>>
      %dma_start3A_248 = arith.constant 0 : i32
      %dma_start3A_249 = tpu.memref_slice %arg5[%arg0, %add3A_228, %dma_start3A_248] : memref<2x10240x48xf32, #tpu.memory_space<hbm>> -> memref<1x128x48xf32, #tpu.memory_space<hbm>>
      %dma_start3A_250 = tpu.memref_squeeze %dma_start3A_249 : memref<1x128x48xf32, #tpu.memory_space<hbm>> -> memref<128x48xf32, #tpu.memory_space<hbm>>
      %dma_start3A_251 = arith.constant 0 : i32
      %dma_start3A_252 = tpu.memref_slice %arg5[%arg0, %add3A_228, %dma_start3A_251] : memref<2x10240x48xf32, #tpu.memory_space<hbm>> -> memref<1x128x48xf32, #tpu.memory_space<hbm>>
      %dma_start3A_253 = tpu.memref_squeeze %dma_start3A_252 : memref<1x128x48xf32, #tpu.memory_space<hbm>> -> memref<128x48xf32, #tpu.memory_space<hbm>>
      %dma_start3A_254 = arith.constant 0 : i32
      %dma_start3A_255 = arith.constant 0 : i32
      %dma_start3A_256 = tpu.memref_slice %arg8[%dma_start3A_254, %dma_start3A_255] : memref<512x48xf32, #tpu.memory_space<vmem>> -> memref<128x48xf32, #tpu.memory_space<vmem>>
      tpu.enqueue_dma source(%dma_start3A_256 : memref<128x48xf32, #tpu.memory_space<vmem>>) target(%dma_start3A_253 : memref<128x48xf32, #tpu.memory_space<hbm>>) target_semaphore(%run_scoped3A : memref<!tpu.dma_semaphore, #tpu.memory_space<semaphore_mem>>)
      %dma_wait3A_257 = arith.constant 0 : i32
      %dma_wait3A_258 = arith.constant 0 : i32
      %dma_wait3A_259 = tpu.memref_slice %arg8[%dma_wait3A_257, %dma_wait3A_258] : memref<512x48xf32, #tpu.memory_space<vmem>> -> memref<128x48xf32, #tpu.memory_space<vmem>>
      %dma_wait3A_260 = arith.constant 0 : i32
      %dma_wait3A_261 = tpu.memref_slice %arg5[%arg0, %add3A_228, %dma_wait3A_260] : memref<2x10240x48xf32, #tpu.memory_space<hbm>> -> memref<1x128x48xf32, #tpu.memory_space<hbm>>
      %dma_wait3A_262 = tpu.memref_squeeze %dma_wait3A_261 : memref<1x128x48xf32, #tpu.memory_space<hbm>> -> memref<128x48xf32, #tpu.memory_space<hbm>>
      %dma_wait3A_263 = arith.constant 0 : i32
      %dma_wait3A_264 = tpu.memref_slice %arg5[%arg0, %add3A_228, %dma_wait3A_263] : memref<2x10240x48xf32, #tpu.memory_space<hbm>> -> memref<1x128x48xf32, #tpu.memory_space<hbm>>
      %dma_wait3A_265 = tpu.memref_squeeze %dma_wait3A_264 : memref<1x128x48xf32, #tpu.memory_space<hbm>> -> memref<128x48xf32, #tpu.memory_space<hbm>>
      %dma_wait3A_266 = arith.constant 0 : i32
      %dma_wait3A_267 = arith.constant 0 : i32
      %dma_wait3A_268 = tpu.memref_slice %arg8[%dma_wait3A_266, %dma_wait3A_267] : memref<512x48xf32, #tpu.memory_space<vmem>> -> memref<128x48xf32, #tpu.memory_space<vmem>>
      tpu.wait_dma2 semaphore(%run_scoped3A : memref<!tpu.dma_semaphore, #tpu.memory_space<semaphore_mem>>) src(%dma_wait3A_268 : memref<128x48xf32, #tpu.memory_space<vmem>>) dst(%dma_wait3A_265 : memref<128x48xf32, #tpu.memory_space<hbm>>)
      tpu.yield
    }) : () -> ()
    %add3A_229 = arith.constant 128 : i32
    %add3A_230 = arith.addi %mul3A_8, %add3A_229 : i32
    "tpu.region"() ({
      %run_scoped3A = tpu.sem_alloc : memref<!tpu.dma_semaphore, #tpu.memory_space<semaphore_mem>>
      %dma_start3A_245 = arith.constant 0 : i32
      %dma_start3A_246 = arith.constant 0 : i32
      %dma_start3A_247 = tpu.memref_slice %arg8[%dma_start3A_245, %dma_start3A_246] : memref<512x48xf32, #tpu.memory_space<vmem>> -> memref<128x48xf32, #tpu.memory_space<vmem>>
      %dma_start3A_248 = arith.constant 0 : i32
      %dma_start3A_249 = tpu.memref_slice %arg9[%add3A_230, %dma_start3A_248] : memref<10240x48xf32, #tpu.memory_space<vmem_shared>> -> memref<128x48xf32, #tpu.memory_space<vmem_shared>>
      %dma_start3A_250 = arith.constant 0 : i32
      %dma_start3A_251 = arith.constant 0 : i32
      %dma_start3A_252 = tpu.memref_slice %arg8[%dma_start3A_250, %dma_start3A_251] : memref<512x48xf32, #tpu.memory_space<vmem>> -> memref<128x48xf32, #tpu.memory_space<vmem>>
      %dma_start3A_253 = arith.constant 0 : i32
      %dma_start3A_254 = tpu.memref_slice %arg9[%add3A_230, %dma_start3A_253] : memref<10240x48xf32, #tpu.memory_space<vmem_shared>> -> memref<128x48xf32, #tpu.memory_space<vmem_shared>>
      tpu.enqueue_dma source(%dma_start3A_254 : memref<128x48xf32, #tpu.memory_space<vmem_shared>>) target(%dma_start3A_252 : memref<128x48xf32, #tpu.memory_space<vmem>>) target_semaphore(%run_scoped3A : memref<!tpu.dma_semaphore, #tpu.memory_space<semaphore_mem>>)
      %dma_wait3A_255 = arith.constant 0 : i32
      %dma_wait3A_256 = arith.constant 0 : i32
      %dma_wait3A_257 = tpu.memref_slice %arg8[%dma_wait3A_255, %dma_wait3A_256] : memref<512x48xf32, #tpu.memory_space<vmem>> -> memref<128x48xf32, #tpu.memory_space<vmem>>
      %dma_wait3A_258 = arith.constant 0 : i32
      %dma_wait3A_259 = tpu.memref_slice %arg9[%add3A_230, %dma_wait3A_258] : memref<10240x48xf32, #tpu.memory_space<vmem_shared>> -> memref<128x48xf32, #tpu.memory_space<vmem_shared>>
      %dma_wait3A_260 = arith.constant 0 : i32
      %dma_wait3A_261 = arith.constant 0 : i32
      %dma_wait3A_262 = tpu.memref_slice %arg8[%dma_wait3A_260, %dma_wait3A_261] : memref<512x48xf32, #tpu.memory_space<vmem>> -> memref<128x48xf32, #tpu.memory_space<vmem>>
      %dma_wait3A_263 = arith.constant 0 : i32
      %dma_wait3A_264 = tpu.memref_slice %arg9[%add3A_230, %dma_wait3A_263] : memref<10240x48xf32, #tpu.memory_space<vmem_shared>> -> memref<128x48xf32, #tpu.memory_space<vmem_shared>>
      tpu.wait_dma2 semaphore(%run_scoped3A : memref<!tpu.dma_semaphore, #tpu.memory_space<semaphore_mem>>) src(%dma_wait3A_264 : memref<128x48xf32, #tpu.memory_space<vmem_shared>>) dst(%dma_wait3A_262 : memref<128x48xf32, #tpu.memory_space<vmem>>)
      tpu.yield
    }) : () -> ()
    %add3A_231 = arith.constant 128 : i32
    %add3A_232 = arith.addi %mul3A_8, %add3A_231 : i32
    "tpu.region"() ({
      %run_scoped3A = tpu.sem_alloc : memref<!tpu.dma_semaphore, #tpu.memory_space<semaphore_mem>>
      %dma_start3A_245 = arith.constant 0 : i32
      %dma_start3A_246 = arith.constant 0 : i32
      %dma_start3A_247 = tpu.memref_slice %arg8[%dma_start3A_245, %dma_start3A_246] : memref<512x48xf32, #tpu.memory_space<vmem>> -> memref<128x48xf32, #tpu.memory_space<vmem>>
      %dma_start3A_248 = arith.constant 0 : i32
      %dma_start3A_249 = tpu.memref_slice %arg5[%arg0, %add3A_232, %dma_start3A_248] : memref<2x10240x48xf32, #tpu.memory_space<hbm>> -> memref<1x128x48xf32, #tpu.memory_space<hbm>>
      %dma_start3A_250 = tpu.memref_squeeze %dma_start3A_249 : memref<1x128x48xf32, #tpu.memory_space<hbm>> -> memref<128x48xf32, #tpu.memory_space<hbm>>
      %dma_start3A_251 = arith.constant 0 : i32
      %dma_start3A_252 = tpu.memref_slice %arg5[%arg0, %add3A_232, %dma_start3A_251] : memref<2x10240x48xf32, #tpu.memory_space<hbm>> -> memref<1x128x48xf32, #tpu.memory_space<hbm>>
      %dma_start3A_253 = tpu.memref_squeeze %dma_start3A_252 : memref<1x128x48xf32, #tpu.memory_space<hbm>> -> memref<128x48xf32, #tpu.memory_space<hbm>>
      %dma_start3A_254 = arith.constant 0 : i32
      %dma_start3A_255 = arith.constant 0 : i32
      %dma_start3A_256 = tpu.memref_slice %arg8[%dma_start3A_254, %dma_start3A_255] : memref<512x48xf32, #tpu.memory_space<vmem>> -> memref<128x48xf32, #tpu.memory_space<vmem>>
      tpu.enqueue_dma source(%dma_start3A_256 : memref<128x48xf32, #tpu.memory_space<vmem>>) target(%dma_start3A_253 : memref<128x48xf32, #tpu.memory_space<hbm>>) target_semaphore(%run_scoped3A : memref<!tpu.dma_semaphore, #tpu.memory_space<semaphore_mem>>)
      %dma_wait3A_257 = arith.constant 0 : i32
      %dma_wait3A_258 = arith.constant 0 : i32
      %dma_wait3A_259 = tpu.memref_slice %arg8[%dma_wait3A_257, %dma_wait3A_258] : memref<512x48xf32, #tpu.memory_space<vmem>> -> memref<128x48xf32, #tpu.memory_space<vmem>>
      %dma_wait3A_260 = arith.constant 0 : i32
      %dma_wait3A_261 = tpu.memref_slice %arg5[%arg0, %add3A_232, %dma_wait3A_260] : memref<2x10240x48xf32, #tpu.memory_space<hbm>> -> memref<1x128x48xf32, #tpu.memory_space<hbm>>
      %dma_wait3A_262 = tpu.memref_squeeze %dma_wait3A_261 : memref<1x128x48xf32, #tpu.memory_space<hbm>> -> memref<128x48xf32, #tpu.memory_space<hbm>>
      %dma_wait3A_263 = arith.constant 0 : i32
      %dma_wait3A_264 = tpu.memref_slice %arg5[%arg0, %add3A_232, %dma_wait3A_263] : memref<2x10240x48xf32, #tpu.memory_space<hbm>> -> memref<1x128x48xf32, #tpu.memory_space<hbm>>
      %dma_wait3A_265 = tpu.memref_squeeze %dma_wait3A_264 : memref<1x128x48xf32, #tpu.memory_space<hbm>> -> memref<128x48xf32, #tpu.memory_space<hbm>>
      %dma_wait3A_266 = arith.constant 0 : i32
      %dma_wait3A_267 = arith.constant 0 : i32
      %dma_wait3A_268 = tpu.memref_slice %arg8[%dma_wait3A_266, %dma_wait3A_267] : memref<512x48xf32, #tpu.memory_space<vmem>> -> memref<128x48xf32, #tpu.memory_space<vmem>>
      tpu.wait_dma2 semaphore(%run_scoped3A : memref<!tpu.dma_semaphore, #tpu.memory_space<semaphore_mem>>) src(%dma_wait3A_268 : memref<128x48xf32, #tpu.memory_space<vmem>>) dst(%dma_wait3A_265 : memref<128x48xf32, #tpu.memory_space<hbm>>)
      tpu.yield
    }) : () -> ()
    %add3A_233 = arith.constant 256 : i32
    %add3A_234 = arith.addi %mul3A_8, %add3A_233 : i32
    "tpu.region"() ({
      %run_scoped3A = tpu.sem_alloc : memref<!tpu.dma_semaphore, #tpu.memory_space<semaphore_mem>>
      %dma_start3A_245 = arith.constant 0 : i32
      %dma_start3A_246 = arith.constant 0 : i32
      %dma_start3A_247 = tpu.memref_slice %arg8[%dma_start3A_245, %dma_start3A_246] : memref<512x48xf32, #tpu.memory_space<vmem>> -> memref<128x48xf32, #tpu.memory_space<vmem>>
      %dma_start3A_248 = arith.constant 0 : i32
      %dma_start3A_249 = tpu.memref_slice %arg9[%add3A_234, %dma_start3A_248] : memref<10240x48xf32, #tpu.memory_space<vmem_shared>> -> memref<128x48xf32, #tpu.memory_space<vmem_shared>>
      %dma_start3A_250 = arith.constant 0 : i32
      %dma_start3A_251 = arith.constant 0 : i32
      %dma_start3A_252 = tpu.memref_slice %arg8[%dma_start3A_250, %dma_start3A_251] : memref<512x48xf32, #tpu.memory_space<vmem>> -> memref<128x48xf32, #tpu.memory_space<vmem>>
      %dma_start3A_253 = arith.constant 0 : i32
      %dma_start3A_254 = tpu.memref_slice %arg9[%add3A_234, %dma_start3A_253] : memref<10240x48xf32, #tpu.memory_space<vmem_shared>> -> memref<128x48xf32, #tpu.memory_space<vmem_shared>>
      tpu.enqueue_dma source(%dma_start3A_254 : memref<128x48xf32, #tpu.memory_space<vmem_shared>>) target(%dma_start3A_252 : memref<128x48xf32, #tpu.memory_space<vmem>>) target_semaphore(%run_scoped3A : memref<!tpu.dma_semaphore, #tpu.memory_space<semaphore_mem>>)
      %dma_wait3A_255 = arith.constant 0 : i32
      %dma_wait3A_256 = arith.constant 0 : i32
      %dma_wait3A_257 = tpu.memref_slice %arg8[%dma_wait3A_255, %dma_wait3A_256] : memref<512x48xf32, #tpu.memory_space<vmem>> -> memref<128x48xf32, #tpu.memory_space<vmem>>
      %dma_wait3A_258 = arith.constant 0 : i32
      %dma_wait3A_259 = tpu.memref_slice %arg9[%add3A_234, %dma_wait3A_258] : memref<10240x48xf32, #tpu.memory_space<vmem_shared>> -> memref<128x48xf32, #tpu.memory_space<vmem_shared>>
      %dma_wait3A_260 = arith.constant 0 : i32
      %dma_wait3A_261 = arith.constant 0 : i32
      %dma_wait3A_262 = tpu.memref_slice %arg8[%dma_wait3A_260, %dma_wait3A_261] : memref<512x48xf32, #tpu.memory_space<vmem>> -> memref<128x48xf32, #tpu.memory_space<vmem>>
      %dma_wait3A_263 = arith.constant 0 : i32
      %dma_wait3A_264 = tpu.memref_slice %arg9[%add3A_234, %dma_wait3A_263] : memref<10240x48xf32, #tpu.memory_space<vmem_shared>> -> memref<128x48xf32, #tpu.memory_space<vmem_shared>>
      tpu.wait_dma2 semaphore(%run_scoped3A : memref<!tpu.dma_semaphore, #tpu.memory_space<semaphore_mem>>) src(%dma_wait3A_264 : memref<128x48xf32, #tpu.memory_space<vmem_shared>>) dst(%dma_wait3A_262 : memref<128x48xf32, #tpu.memory_space<vmem>>)
      tpu.yield
    }) : () -> ()
    %add3A_235 = arith.constant 256 : i32
    %add3A_236 = arith.addi %mul3A_8, %add3A_235 : i32
    "tpu.region"() ({
      %run_scoped3A = tpu.sem_alloc : memref<!tpu.dma_semaphore, #tpu.memory_space<semaphore_mem>>
      %dma_start3A_245 = arith.constant 0 : i32
      %dma_start3A_246 = arith.constant 0 : i32
      %dma_start3A_247 = tpu.memref_slice %arg8[%dma_start3A_245, %dma_start3A_246] : memref<512x48xf32, #tpu.memory_space<vmem>> -> memref<128x48xf32, #tpu.memory_space<vmem>>
      %dma_start3A_248 = arith.constant 0 : i32
      %dma_start3A_249 = tpu.memref_slice %arg5[%arg0, %add3A_236, %dma_start3A_248] : memref<2x10240x48xf32, #tpu.memory_space<hbm>> -> memref<1x128x48xf32, #tpu.memory_space<hbm>>
      %dma_start3A_250 = tpu.memref_squeeze %dma_start3A_249 : memref<1x128x48xf32, #tpu.memory_space<hbm>> -> memref<128x48xf32, #tpu.memory_space<hbm>>
      %dma_start3A_251 = arith.constant 0 : i32
      %dma_start3A_252 = tpu.memref_slice %arg5[%arg0, %add3A_236, %dma_start3A_251] : memref<2x10240x48xf32, #tpu.memory_space<hbm>> -> memref<1x128x48xf32, #tpu.memory_space<hbm>>
      %dma_start3A_253 = tpu.memref_squeeze %dma_start3A_252 : memref<1x128x48xf32, #tpu.memory_space<hbm>> -> memref<128x48xf32, #tpu.memory_space<hbm>>
      %dma_start3A_254 = arith.constant 0 : i32
      %dma_start3A_255 = arith.constant 0 : i32
      %dma_start3A_256 = tpu.memref_slice %arg8[%dma_start3A_254, %dma_start3A_255] : memref<512x48xf32, #tpu.memory_space<vmem>> -> memref<128x48xf32, #tpu.memory_space<vmem>>
      tpu.enqueue_dma source(%dma_start3A_256 : memref<128x48xf32, #tpu.memory_space<vmem>>) target(%dma_start3A_253 : memref<128x48xf32, #tpu.memory_space<hbm>>) target_semaphore(%run_scoped3A : memref<!tpu.dma_semaphore, #tpu.memory_space<semaphore_mem>>)
      %dma_wait3A_257 = arith.constant 0 : i32
      %dma_wait3A_258 = arith.constant 0 : i32
      %dma_wait3A_259 = tpu.memref_slice %arg8[%dma_wait3A_257, %dma_wait3A_258] : memref<512x48xf32, #tpu.memory_space<vmem>> -> memref<128x48xf32, #tpu.memory_space<vmem>>
      %dma_wait3A_260 = arith.constant 0 : i32
      %dma_wait3A_261 = tpu.memref_slice %arg5[%arg0, %add3A_236, %dma_wait3A_260] : memref<2x10240x48xf32, #tpu.memory_space<hbm>> -> memref<1x128x48xf32, #tpu.memory_space<hbm>>
      %dma_wait3A_262 = tpu.memref_squeeze %dma_wait3A_261 : memref<1x128x48xf32, #tpu.memory_space<hbm>> -> memref<128x48xf32, #tpu.memory_space<hbm>>
      %dma_wait3A_263 = arith.constant 0 : i32
      %dma_wait3A_264 = tpu.memref_slice %arg5[%arg0, %add3A_236, %dma_wait3A_263] : memref<2x10240x48xf32, #tpu.memory_space<hbm>> -> memref<1x128x48xf32, #tpu.memory_space<hbm>>
      %dma_wait3A_265 = tpu.memref_squeeze %dma_wait3A_264 : memref<1x128x48xf32, #tpu.memory_space<hbm>> -> memref<128x48xf32, #tpu.memory_space<hbm>>
      %dma_wait3A_266 = arith.constant 0 : i32
      %dma_wait3A_267 = arith.constant 0 : i32
      %dma_wait3A_268 = tpu.memref_slice %arg8[%dma_wait3A_266, %dma_wait3A_267] : memref<512x48xf32, #tpu.memory_space<vmem>> -> memref<128x48xf32, #tpu.memory_space<vmem>>
      tpu.wait_dma2 semaphore(%run_scoped3A : memref<!tpu.dma_semaphore, #tpu.memory_space<semaphore_mem>>) src(%dma_wait3A_268 : memref<128x48xf32, #tpu.memory_space<vmem>>) dst(%dma_wait3A_265 : memref<128x48xf32, #tpu.memory_space<hbm>>)
      tpu.yield
    }) : () -> ()
    %add3A_237 = arith.constant 384 : i32
    %add3A_238 = arith.addi %mul3A_8, %add3A_237 : i32
    "tpu.region"() ({
      %run_scoped3A = tpu.sem_alloc : memref<!tpu.dma_semaphore, #tpu.memory_space<semaphore_mem>>
      %dma_start3A_245 = arith.constant 0 : i32
      %dma_start3A_246 = arith.constant 0 : i32
      %dma_start3A_247 = tpu.memref_slice %arg8[%dma_start3A_245, %dma_start3A_246] : memref<512x48xf32, #tpu.memory_space<vmem>> -> memref<128x48xf32, #tpu.memory_space<vmem>>
      %dma_start3A_248 = arith.constant 0 : i32
      %dma_start3A_249 = tpu.memref_slice %arg9[%add3A_238, %dma_start3A_248] : memref<10240x48xf32, #tpu.memory_space<vmem_shared>> -> memref<128x48xf32, #tpu.memory_space<vmem_shared>>
      %dma_start3A_250 = arith.constant 0 : i32
      %dma_start3A_251 = arith.constant 0 : i32
      %dma_start3A_252 = tpu.memref_slice %arg8[%dma_start3A_250, %dma_start3A_251] : memref<512x48xf32, #tpu.memory_space<vmem>> -> memref<128x48xf32, #tpu.memory_space<vmem>>
      %dma_start3A_253 = arith.constant 0 : i32
      %dma_start3A_254 = tpu.memref_slice %arg9[%add3A_238, %dma_start3A_253] : memref<10240x48xf32, #tpu.memory_space<vmem_shared>> -> memref<128x48xf32, #tpu.memory_space<vmem_shared>>
      tpu.enqueue_dma source(%dma_start3A_254 : memref<128x48xf32, #tpu.memory_space<vmem_shared>>) target(%dma_start3A_252 : memref<128x48xf32, #tpu.memory_space<vmem>>) target_semaphore(%run_scoped3A : memref<!tpu.dma_semaphore, #tpu.memory_space<semaphore_mem>>)
      %dma_wait3A_255 = arith.constant 0 : i32
      %dma_wait3A_256 = arith.constant 0 : i32
      %dma_wait3A_257 = tpu.memref_slice %arg8[%dma_wait3A_255, %dma_wait3A_256] : memref<512x48xf32, #tpu.memory_space<vmem>> -> memref<128x48xf32, #tpu.memory_space<vmem>>
      %dma_wait3A_258 = arith.constant 0 : i32
      %dma_wait3A_259 = tpu.memref_slice %arg9[%add3A_238, %dma_wait3A_258] : memref<10240x48xf32, #tpu.memory_space<vmem_shared>> -> memref<128x48xf32, #tpu.memory_space<vmem_shared>>
      %dma_wait3A_260 = arith.constant 0 : i32
      %dma_wait3A_261 = arith.constant 0 : i32
      %dma_wait3A_262 = tpu.memref_slice %arg8[%dma_wait3A_260, %dma_wait3A_261] : memref<512x48xf32, #tpu.memory_space<vmem>> -> memref<128x48xf32, #tpu.memory_space<vmem>>
      %dma_wait3A_263 = arith.constant 0 : i32
      %dma_wait3A_264 = tpu.memref_slice %arg9[%add3A_238, %dma_wait3A_263] : memref<10240x48xf32, #tpu.memory_space<vmem_shared>> -> memref<128x48xf32, #tpu.memory_space<vmem_shared>>
      tpu.wait_dma2 semaphore(%run_scoped3A : memref<!tpu.dma_semaphore, #tpu.memory_space<semaphore_mem>>) src(%dma_wait3A_264 : memref<128x48xf32, #tpu.memory_space<vmem_shared>>) dst(%dma_wait3A_262 : memref<128x48xf32, #tpu.memory_space<vmem>>)
      tpu.yield
    }) : () -> ()
    %add3A_239 = arith.constant 384 : i32
    %add3A_240 = arith.addi %mul3A_8, %add3A_239 : i32
    "tpu.region"() ({
      %run_scoped3A = tpu.sem_alloc : memref<!tpu.dma_semaphore, #tpu.memory_space<semaphore_mem>>
      %dma_start3A_245 = arith.constant 0 : i32
      %dma_start3A_246 = arith.constant 0 : i32
      %dma_start3A_247 = tpu.memref_slice %arg8[%dma_start3A_245, %dma_start3A_246] : memref<512x48xf32, #tpu.memory_space<vmem>> -> memref<128x48xf32, #tpu.memory_space<vmem>>
      %dma_start3A_248 = arith.constant 0 : i32
      %dma_start3A_249 = tpu.memref_slice %arg5[%arg0, %add3A_240, %dma_start3A_248] : memref<2x10240x48xf32, #tpu.memory_space<hbm>> -> memref<1x128x48xf32, #tpu.memory_space<hbm>>
      %dma_start3A_250 = tpu.memref_squeeze %dma_start3A_249 : memref<1x128x48xf32, #tpu.memory_space<hbm>> -> memref<128x48xf32, #tpu.memory_space<hbm>>
      %dma_start3A_251 = arith.constant 0 : i32
      %dma_start3A_252 = tpu.memref_slice %arg5[%arg0, %add3A_240, %dma_start3A_251] : memref<2x10240x48xf32, #tpu.memory_space<hbm>> -> memref<1x128x48xf32, #tpu.memory_space<hbm>>
      %dma_start3A_253 = tpu.memref_squeeze %dma_start3A_252 : memref<1x128x48xf32, #tpu.memory_space<hbm>> -> memref<128x48xf32, #tpu.memory_space<hbm>>
      %dma_start3A_254 = arith.constant 0 : i32
      %dma_start3A_255 = arith.constant 0 : i32
      %dma_start3A_256 = tpu.memref_slice %arg8[%dma_start3A_254, %dma_start3A_255] : memref<512x48xf32, #tpu.memory_space<vmem>> -> memref<128x48xf32, #tpu.memory_space<vmem>>
      tpu.enqueue_dma source(%dma_start3A_256 : memref<128x48xf32, #tpu.memory_space<vmem>>) target(%dma_start3A_253 : memref<128x48xf32, #tpu.memory_space<hbm>>) target_semaphore(%run_scoped3A : memref<!tpu.dma_semaphore, #tpu.memory_space<semaphore_mem>>)
      %dma_wait3A_257 = arith.constant 0 : i32
      %dma_wait3A_258 = arith.constant 0 : i32
      %dma_wait3A_259 = tpu.memref_slice %arg8[%dma_wait3A_257, %dma_wait3A_258] : memref<512x48xf32, #tpu.memory_space<vmem>> -> memref<128x48xf32, #tpu.memory_space<vmem>>
      %dma_wait3A_260 = arith.constant 0 : i32
      %dma_wait3A_261 = tpu.memref_slice %arg5[%arg0, %add3A_240, %dma_wait3A_260] : memref<2x10240x48xf32, #tpu.memory_space<hbm>> -> memref<1x128x48xf32, #tpu.memory_space<hbm>>
      %dma_wait3A_262 = tpu.memref_squeeze %dma_wait3A_261 : memref<1x128x48xf32, #tpu.memory_space<hbm>> -> memref<128x48xf32, #tpu.memory_space<hbm>>
      %dma_wait3A_263 = arith.constant 0 : i32
      %dma_wait3A_264 = tpu.memref_slice %arg5[%arg0, %add3A_240, %dma_wait3A_263] : memref<2x10240x48xf32, #tpu.memory_space<hbm>> -> memref<1x128x48xf32, #tpu.memory_space<hbm>>
      %dma_wait3A_265 = tpu.memref_squeeze %dma_wait3A_264 : memref<1x128x48xf32, #tpu.memory_space<hbm>> -> memref<128x48xf32, #tpu.memory_space<hbm>>
      %dma_wait3A_266 = arith.constant 0 : i32
      %dma_wait3A_267 = arith.constant 0 : i32
      %dma_wait3A_268 = tpu.memref_slice %arg8[%dma_wait3A_266, %dma_wait3A_267] : memref<512x48xf32, #tpu.memory_space<vmem>> -> memref<128x48xf32, #tpu.memory_space<vmem>>
      tpu.wait_dma2 semaphore(%run_scoped3A : memref<!tpu.dma_semaphore, #tpu.memory_space<semaphore_mem>>) src(%dma_wait3A_268 : memref<128x48xf32, #tpu.memory_space<vmem>>) dst(%dma_wait3A_265 : memref<128x48xf32, #tpu.memory_space<hbm>>)
      tpu.yield
    }) : () -> ()
    %add3A_241 = arith.constant 512 : i32
    %add3A_242 = arith.addi %mul3A_8, %add3A_241 : i32
    "tpu.region"() ({
      %run_scoped3A = tpu.sem_alloc : memref<!tpu.dma_semaphore, #tpu.memory_space<semaphore_mem>>
      %dma_start3A_245 = arith.constant 0 : i32
      %dma_start3A_246 = arith.constant 0 : i32
      %dma_start3A_247 = tpu.memref_slice %arg8[%dma_start3A_245, %dma_start3A_246] : memref<512x48xf32, #tpu.memory_space<vmem>> -> memref<128x48xf32, #tpu.memory_space<vmem>>
      %dma_start3A_248 = arith.constant 0 : i32
      %dma_start3A_249 = tpu.memref_slice %arg9[%add3A_242, %dma_start3A_248] : memref<10240x48xf32, #tpu.memory_space<vmem_shared>> -> memref<128x48xf32, #tpu.memory_space<vmem_shared>>
      %dma_start3A_250 = arith.constant 0 : i32
      %dma_start3A_251 = arith.constant 0 : i32
      %dma_start3A_252 = tpu.memref_slice %arg8[%dma_start3A_250, %dma_start3A_251] : memref<512x48xf32, #tpu.memory_space<vmem>> -> memref<128x48xf32, #tpu.memory_space<vmem>>
      %dma_start3A_253 = arith.constant 0 : i32
      %dma_start3A_254 = tpu.memref_slice %arg9[%add3A_242, %dma_start3A_253] : memref<10240x48xf32, #tpu.memory_space<vmem_shared>> -> memref<128x48xf32, #tpu.memory_space<vmem_shared>>
      tpu.enqueue_dma source(%dma_start3A_254 : memref<128x48xf32, #tpu.memory_space<vmem_shared>>) target(%dma_start3A_252 : memref<128x48xf32, #tpu.memory_space<vmem>>) target_semaphore(%run_scoped3A : memref<!tpu.dma_semaphore, #tpu.memory_space<semaphore_mem>>)
      %dma_wait3A_255 = arith.constant 0 : i32
      %dma_wait3A_256 = arith.constant 0 : i32
      %dma_wait3A_257 = tpu.memref_slice %arg8[%dma_wait3A_255, %dma_wait3A_256] : memref<512x48xf32, #tpu.memory_space<vmem>> -> memref<128x48xf32, #tpu.memory_space<vmem>>
      %dma_wait3A_258 = arith.constant 0 : i32
      %dma_wait3A_259 = tpu.memref_slice %arg9[%add3A_242, %dma_wait3A_258] : memref<10240x48xf32, #tpu.memory_space<vmem_shared>> -> memref<128x48xf32, #tpu.memory_space<vmem_shared>>
      %dma_wait3A_260 = arith.constant 0 : i32
      %dma_wait3A_261 = arith.constant 0 : i32
      %dma_wait3A_262 = tpu.memref_slice %arg8[%dma_wait3A_260, %dma_wait3A_261] : memref<512x48xf32, #tpu.memory_space<vmem>> -> memref<128x48xf32, #tpu.memory_space<vmem>>
      %dma_wait3A_263 = arith.constant 0 : i32
      %dma_wait3A_264 = tpu.memref_slice %arg9[%add3A_242, %dma_wait3A_263] : memref<10240x48xf32, #tpu.memory_space<vmem_shared>> -> memref<128x48xf32, #tpu.memory_space<vmem_shared>>
      tpu.wait_dma2 semaphore(%run_scoped3A : memref<!tpu.dma_semaphore, #tpu.memory_space<semaphore_mem>>) src(%dma_wait3A_264 : memref<128x48xf32, #tpu.memory_space<vmem_shared>>) dst(%dma_wait3A_262 : memref<128x48xf32, #tpu.memory_space<vmem>>)
      tpu.yield
    }) : () -> ()
    %add3A_243 = arith.constant 512 : i32
    %add3A_244 = arith.addi %mul3A_8, %add3A_243 : i32
    "tpu.region"() ({
      %run_scoped3A = tpu.sem_alloc : memref<!tpu.dma_semaphore, #tpu.memory_space<semaphore_mem>>
      %dma_start3A_245 = arith.constant 0 : i32
      %dma_start3A_246 = arith.constant 0 : i32
      %dma_start3A_247 = tpu.memref_slice %arg8[%dma_start3A_245, %dma_start3A_246] : memref<512x48xf32, #tpu.memory_space<vmem>> -> memref<128x48xf32, #tpu.memory_space<vmem>>
      %dma_start3A_248 = arith.constant 0 : i32
      %dma_start3A_249 = tpu.memref_slice %arg5[%arg0, %add3A_244, %dma_start3A_248] : memref<2x10240x48xf32, #tpu.memory_space<hbm>> -> memref<1x128x48xf32, #tpu.memory_space<hbm>>
      %dma_start3A_250 = tpu.memref_squeeze %dma_start3A_249 : memref<1x128x48xf32, #tpu.memory_space<hbm>> -> memref<128x48xf32, #tpu.memory_space<hbm>>
      %dma_start3A_251 = arith.constant 0 : i32
      %dma_start3A_252 = tpu.memref_slice %arg5[%arg0, %add3A_244, %dma_start3A_251] : memref<2x10240x48xf32, #tpu.memory_space<hbm>> -> memref<1x128x48xf32, #tpu.memory_space<hbm>>
      %dma_start3A_253 = tpu.memref_squeeze %dma_start3A_252 : memref<1x128x48xf32, #tpu.memory_space<hbm>> -> memref<128x48xf32, #tpu.memory_space<hbm>>
      %dma_start3A_254 = arith.constant 0 : i32
      %dma_start3A_255 = arith.constant 0 : i32
      %dma_start3A_256 = tpu.memref_slice %arg8[%dma_start3A_254, %dma_start3A_255] : memref<512x48xf32, #tpu.memory_space<vmem>> -> memref<128x48xf32, #tpu.memory_space<vmem>>
      tpu.enqueue_dma source(%dma_start3A_256 : memref<128x48xf32, #tpu.memory_space<vmem>>) target(%dma_start3A_253 : memref<128x48xf32, #tpu.memory_space<hbm>>) target_semaphore(%run_scoped3A : memref<!tpu.dma_semaphore, #tpu.memory_space<semaphore_mem>>)
      %dma_wait3A_257 = arith.constant 0 : i32
      %dma_wait3A_258 = arith.constant 0 : i32
      %dma_wait3A_259 = tpu.memref_slice %arg8[%dma_wait3A_257, %dma_wait3A_258] : memref<512x48xf32, #tpu.memory_space<vmem>> -> memref<128x48xf32, #tpu.memory_space<vmem>>
      %dma_wait3A_260 = arith.constant 0 : i32
      %dma_wait3A_261 = tpu.memref_slice %arg5[%arg0, %add3A_244, %dma_wait3A_260] : memref<2x10240x48xf32, #tpu.memory_space<hbm>> -> memref<1x128x48xf32, #tpu.memory_space<hbm>>
      %dma_wait3A_262 = tpu.memref_squeeze %dma_wait3A_261 : memref<1x128x48xf32, #tpu.memory_space<hbm>> -> memref<128x48xf32, #tpu.memory_space<hbm>>
      %dma_wait3A_263 = arith.constant 0 : i32
      %dma_wait3A_264 = tpu.memref_slice %arg5[%arg0, %add3A_244, %dma_wait3A_263] : memref<2x10240x48xf32, #tpu.memory_space<hbm>> -> memref<1x128x48xf32, #tpu.memory_space<hbm>>
      %dma_wait3A_265 = tpu.memref_squeeze %dma_wait3A_264 : memref<1x128x48xf32, #tpu.memory_space<hbm>> -> memref<128x48xf32, #tpu.memory_space<hbm>>
      %dma_wait3A_266 = arith.constant 0 : i32
      %dma_wait3A_267 = arith.constant 0 : i32
      %dma_wait3A_268 = tpu.memref_slice %arg8[%dma_wait3A_266, %dma_wait3A_267] : memref<512x48xf32, #tpu.memory_space<vmem>> -> memref<128x48xf32, #tpu.memory_space<vmem>>
      tpu.wait_dma2 semaphore(%run_scoped3A : memref<!tpu.dma_semaphore, #tpu.memory_space<semaphore_mem>>) src(%dma_wait3A_268 : memref<128x48xf32, #tpu.memory_space<vmem>>) dst(%dma_wait3A_265 : memref<128x48xf32, #tpu.memory_space<hbm>>)
      tpu.yield
    }) : () -> ()
    return
  }
}

module attributes {stable_mosaic.version = 14 : i64} {
  func.func @_tc1a_body(%arg0: i32, %arg1: memref<256x128xf32, #tpu.memory_space<vmem>>, %arg2: memref<128x64xf32, #tpu.memory_space<vmem>>, %arg3: memref<256x64xf32, #tpu.memory_space<vmem>>) attributes {dimension_semantics = [#tpu.dimension_semantics<arbitrary>], iteration_bounds = array<i64: 40>, scalar_prefetch = 0 : i64, scratch_operands = 0 : i64, tpu.core_type = #tpu.core_type<tc>, window_params = [{transform_indices = @transform_0, window_bounds = array<i64: 256, 128>}, {pipeline_mode = #tpu.pipeline_mode<synchronous>, transform_indices = @transform_1, window_bounds = array<i64: 128, 64>}, {transform_indices = @transform_2, window_bounds = array<i64: 256, 64>}]} {
    %get3A = arith.constant 0 : index
    %get3A_0 = arith.constant 0 : index
    %get3A_1 = vector.load %arg1[%get3A, %get3A_0] : memref<256x128xf32, #tpu.memory_space<vmem>>, vector<256x128xf32>
    %get3A_2 = arith.constant 0 : index
    %get3A_3 = arith.constant 0 : index
    %get3A_4 = vector.load %arg2[%get3A_2, %get3A_3] : memref<128x64xf32, #tpu.memory_space<vmem>>, vector<128x64xf32>
    %dot_general3A = arith.constant dense<0.000000e+00> : vector<256x64xf32>
    %dot_general3A_5 = tpu.matmul %get3A_1, %get3A_4, %dot_general3A {dimension_numbers = #tpu.dot_dimension_numbers<[1], [0], [0], [1], [0, 0, 1, 1], [], []>, transpose_lhs_hint = false} : vector<256x128xf32>, vector<128x64xf32>, vector<256x64xf32> -> vector<256x64xf32>
    %swap3A = arith.constant 0 : index
    %swap3A_6 = arith.constant 0 : index
    %swap3A_7 = vector.load %arg3[%swap3A, %swap3A_6] : memref<256x64xf32, #tpu.memory_space<vmem>>, vector<256x64xf32>
    tpu.vector_store %arg3[%swap3A, %swap3A_6], %dot_general3A_5 {strides = array<i32>} : memref<256x64xf32, #tpu.memory_space<vmem>>, vector<256x64xf32>,
    return
  }
  func.func @transform_0(%arg0: i32) -> (i32, i32) {
    %c0_i32 = arith.constant 0 : i32
    %c0_i32_0 = arith.constant 0 : i32
    return %arg0, %c0_i32 : i32, i32
  }
  func.func @transform_1(%arg0: i32) -> (i32, i32) {
    %c0_i32 = arith.constant 0 : i32
    %c0_i32_0 = arith.constant 0 : i32
    %c0_i32_1 = arith.constant 0 : i32
    return %c0_i32, %c0_i32_0 : i32, i32
  }
  func.func @transform_2(%arg0: i32) -> (i32, i32) {
    %c0_i32 = arith.constant 0 : i32
    %c0_i32_0 = arith.constant 0 : i32
    return %arg0, %c0_i32 : i32, i32
  }
}

module attributes {stable_mosaic.version = 14 : i64} {
  func.func @_tc1b_body(%arg0: i32, %arg1: memref<2x256x16xf32, #tpu.memory_space<vmem>>, %arg2: memref<256x64xf32, #tpu.memory_space<vmem>>, %arg3: memref<256x64xf32, #tpu.memory_space<vmem>>, %arg4: memref<256x1xf32, #tpu.memory_space<vmem>>) attributes {dimension_semantics = [#tpu.dimension_semantics<arbitrary>], iteration_bounds = array<i64: 40>, scalar_prefetch = 0 : i64, scratch_operands = 0 : i64, tpu.core_type = #tpu.core_type<tc>, window_params = [{transform_indices = @transform_0, window_bounds = array<i64: 2, 256, 16>}, {transform_indices = @transform_1, window_bounds = array<i64: 256, 64>}, {transform_indices = @transform_2, window_bounds = array<i64: 256, 64>}, {transform_indices = @transform_3, window_bounds = array<i64: 256, 1>}]} {
    %get3A = arith.constant 0 : index
    %get3A_0 = arith.constant 0 : index
    %get3A_1 = arith.constant 0 : index
    %get3A_2 = vector.load %arg1[%get3A, %get3A_0, %get3A_1] : memref<2x256x16xf32, #tpu.memory_space<vmem>>, vector<1x256x16xf32>
    %get3A_3 = vector.shape_cast %get3A_2 : vector<1x256x16xf32> to vector<256x16xf32>
    %get3A_4 = arith.constant 1 : index
    %get3A_5 = arith.constant 0 : index
    %get3A_6 = arith.constant 0 : index
    %get3A_7 = vector.load %arg1[%get3A_4, %get3A_5, %get3A_6] : memref<2x256x16xf32, #tpu.memory_space<vmem>>, vector<1x256x16xf32>
    %get3A_8 = vector.shape_cast %get3A_7 : vector<1x256x16xf32> to vector<256x16xf32>
    %add3A = arith.addf %get3A_3, %get3A_8 : vector<256x16xf32>
    %slice3A = vector.extract_strided_slice %add3A {offsets = [0, 0], sizes = [256, 1], strides = [1, 1]} : vector<256x16xf32> to vector<256x1xf32>
    %gt3A = arith.constant 0.000000e+00 : f32
    %gt3A_9 = vector.broadcast %gt3A : f32 to vector<256x1xf32>
    %gt3A_10 = arith.cmpf ogt, %slice3A, %gt3A_9 : vector<256x1xf32>
    %rsqrt3A = math.rsqrt %slice3A : vector<256x1xf32>
    %jit3A = arith.constant 0.000000e+00 : f32
    %broadcast_in_dim3A = vector.broadcast %jit3A : f32 to vector<256x1xf32>
    %select_n3A = arith.select %gt3A_10, %rsqrt3A, %broadcast_in_dim3A : vector<256x1xi1>, vector<256x1xf32>
    %get3A_11 = arith.constant 0 : index
    %get3A_12 = arith.constant 0 : index
    %get3A_13 = vector.load %arg2[%get3A_11, %get3A_12] : memref<256x64xf32, #tpu.memory_space<vmem>>, vector<256x64xf32>
    %mul3A = vector.broadcast %select_n3A : vector<256x1xf32> to vector<256x64xf32>
    %mul3A_14 = arith.mulf %get3A_13, %mul3A : vector<256x64xf32>
    %swap3A = arith.constant 0 : index
    %swap3A_15 = arith.constant 0 : index
    %swap3A_16 = vector.load %arg3[%swap3A, %swap3A_15] : memref<256x64xf32, #tpu.memory_space<vmem>>, vector<256x64xf32>
    tpu.vector_store %arg3[%swap3A, %swap3A_15], %mul3A_14 {strides = array<i32>} : memref<256x64xf32, #tpu.memory_space<vmem>>, vector<256x64xf32>,
    %swap3A_17 = arith.constant 0 : index
    %swap3A_18 = arith.constant 0 : index
    %swap3A_19 = vector.load %arg4[%swap3A_17, %swap3A_18] : memref<256x1xf32, #tpu.memory_space<vmem>>, vector<256x1xf32>
    tpu.vector_store %arg4[%swap3A_17, %swap3A_18], %select_n3A {strides = array<i32>} : memref<256x1xf32, #tpu.memory_space<vmem>>, vector<256x1xf32>,
    return
  }
  func.func @transform_0(%arg0: i32) -> (i32, i32, i32) {
    %c0_i32 = arith.constant 0 : i32
    %c0_i32_0 = arith.constant 0 : i32
    %c0_i32_1 = arith.constant 0 : i32
    return %c0_i32, %arg0, %c0_i32_0 : i32, i32, i32
  }
  func.func @transform_1(%arg0: i32) -> (i32, i32) {
    %c0_i32 = arith.constant 0 : i32
    %c0_i32_0 = arith.constant 0 : i32
    return %arg0, %c0_i32 : i32, i32
  }
  func.func @transform_2(%arg0: i32) -> (i32, i32) {
    %c0_i32 = arith.constant 0 : i32
    %c0_i32_0 = arith.constant 0 : i32
    return %arg0, %c0_i32 : i32, i32
  }
  func.func @transform_3(%arg0: i32) -> (i32, i32) {
    %c0_i32 = arith.constant 0 : i32
    %c0_i32_0 = arith.constant 0 : i32
    return %arg0, %c0_i32 : i32, i32
  }
}

module attributes {stable_mosaic.version = 14 : i64} {
  func.func @_tc2_body(%arg0: i32, %arg1: memref<2x256x64xf32, #tpu.memory_space<vmem>>, %arg2: memref<256x1xf32, #tpu.memory_space<vmem>>, %arg3: memref<1x64xf32, #tpu.memory_space<vmem>>, %arg4: memref<64x48xf32, #tpu.memory_space<vmem>>, %arg5: memref<256x48xf32, #tpu.memory_space<vmem>>) attributes {dimension_semantics = [#tpu.dimension_semantics<arbitrary>], iteration_bounds = array<i64: 40>, scalar_prefetch = 0 : i64, scratch_operands = 0 : i64, tpu.core_type = #tpu.core_type<tc>, window_params = [{transform_indices = @transform_0, window_bounds = array<i64: 2, 256, 64>}, {transform_indices = @transform_1, window_bounds = array<i64: 256, 1>}, {pipeline_mode = #tpu.pipeline_mode<synchronous>, transform_indices = @transform_2, window_bounds = array<i64: 1, 64>}, {pipeline_mode = #tpu.pipeline_mode<synchronous>, transform_indices = @transform_3, window_bounds = array<i64: 64, 48>}, {transform_indices = @transform_4, window_bounds = array<i64: 256, 48>}]} {
    %get3A = arith.constant 0 : index
    %get3A_0 = arith.constant 0 : index
    %get3A_1 = vector.load %arg2[%get3A, %get3A_0] : memref<256x1xf32, #tpu.memory_space<vmem>>, vector<256x1xf32>
    %get3A_2 = arith.constant 0 : index
    %get3A_3 = arith.constant 0 : index
    %get3A_4 = arith.constant 0 : index
    %get3A_5 = vector.load %arg1[%get3A_2, %get3A_3, %get3A_4] : memref<2x256x64xf32, #tpu.memory_space<vmem>>, vector<1x256x64xf32>
    %get3A_6 = vector.shape_cast %get3A_5 : vector<1x256x64xf32> to vector<256x64xf32>
    %get3A_7 = arith.constant 1 : index
    %get3A_8 = arith.constant 0 : index
    %get3A_9 = arith.constant 0 : index
    %get3A_10 = vector.load %arg1[%get3A_7, %get3A_8, %get3A_9] : memref<2x256x64xf32, #tpu.memory_space<vmem>>, vector<1x256x64xf32>
    %get3A_11 = vector.shape_cast %get3A_10 : vector<1x256x64xf32> to vector<256x64xf32>
    %add3A = arith.addf %get3A_6, %get3A_11 : vector<256x64xf32>
    %mul3A = vector.broadcast %get3A_1 : vector<256x1xf32> to vector<256x64xf32>
    %mul3A_12 = arith.mulf %add3A, %mul3A : vector<256x64xf32>
    %get3A_13 = arith.constant 0 : index
    %get3A_14 = arith.constant 0 : index
    %get3A_15 = vector.load %arg3[%get3A_13, %get3A_14] : memref<1x64xf32, #tpu.memory_space<vmem>>, vector<1x64xf32>
    %add3A_16 = vector.broadcast %get3A_15 : vector<1x64xf32> to vector<256x64xf32>
    %add3A_17 = arith.addf %mul3A_12, %add3A_16 : vector<256x64xf32>
    %max3A = arith.constant 0.000000e+00 : f32
    %max3A_18 = vector.broadcast %max3A : f32 to vector<256x64xf32>
    %max3A_19 = arith.maximumf %add3A_17, %max3A_18 : vector<256x64xf32>
    %get3A_20 = arith.constant 0 : index
    %get3A_21 = arith.constant 0 : index
    %get3A_22 = vector.load %arg4[%get3A_20, %get3A_21] : memref<64x48xf32, #tpu.memory_space<vmem>>, vector<64x48xf32>
    %dot_general3A = arith.constant dense<0.000000e+00> : vector<256x48xf32>
    %dot_general3A_23 = tpu.matmul %max3A_19, %get3A_22, %dot_general3A {dimension_numbers = #tpu.dot_dimension_numbers<[1], [0], [0], [1], [0, 0, 1, 1], [], []>, transpose_lhs_hint = false} : vector<256x64xf32>, vector<64x48xf32>, vector<256x48xf32> -> vector<256x48xf32>
    %mul3A_24 = vector.broadcast %get3A_1 : vector<256x1xf32> to vector<256x48xf32>
    %mul3A_25 = arith.mulf %dot_general3A_23, %mul3A_24 : vector<256x48xf32>
    %swap3A = arith.constant 0 : index
    %swap3A_26 = arith.constant 0 : index
    %swap3A_27 = vector.load %arg5[%swap3A, %swap3A_26] : memref<256x48xf32, #tpu.memory_space<vmem>>, vector<256x48xf32>
    tpu.vector_store %arg5[%swap3A, %swap3A_26], %mul3A_25 {strides = array<i32>} : memref<256x48xf32, #tpu.memory_space<vmem>>, vector<256x48xf32>,
    return
  }
  func.func @transform_0(%arg0: i32) -> (i32, i32, i32) {
    %c0_i32 = arith.constant 0 : i32
    %c0_i32_0 = arith.constant 0 : i32
    %c0_i32_1 = arith.constant 0 : i32
    return %c0_i32, %arg0, %c0_i32_0 : i32, i32, i32
  }
  func.func @transform_1(%arg0: i32) -> (i32, i32) {
    %c0_i32 = arith.constant 0 : i32
    %c0_i32_0 = arith.constant 0 : i32
    return %arg0, %c0_i32 : i32, i32
  }
  func.func @transform_2(%arg0: i32) -> (i32, i32) {
    %c0_i32 = arith.constant 0 : i32
    %c0_i32_0 = arith.constant 0 : i32
    %c0_i32_1 = arith.constant 0 : i32
    return %c0_i32, %c0_i32_0 : i32, i32
  }
  func.func @transform_3(%arg0: i32) -> (i32, i32) {
    %c0_i32 = arith.constant 0 : i32
    %c0_i32_0 = arith.constant 0 : i32
    %c0_i32_1 = arith.constant 0 : i32
    return %c0_i32, %c0_i32_0 : i32, i32
  }
  func.func @transform_4(%arg0: i32) -> (i32, i32) {
    %c0_i32 = arith.constant 0 : i32
    %c0_i32_0 = arith.constant 0 : i32
    return %arg0, %c0_i32 : i32, i32
  }
}

module attributes {stable_mosaic.version = 14 : i64} {
  func.func @_tc3_body(%arg0: i32, %arg1: memref<2x256x48xf32, #tpu.memory_space<vmem>>, %arg2: memref<256x1xf32, #tpu.memory_space<vmem>>, %arg3: memref<1x48xf32, #tpu.memory_space<vmem>>, %arg4: memref<256x48xf32, #tpu.memory_space<vmem>>, %arg5: memref<256x48xf32, #tpu.memory_space<vmem>>) attributes {dimension_semantics = [#tpu.dimension_semantics<arbitrary>], iteration_bounds = array<i64: 40>, scalar_prefetch = 0 : i64, scratch_operands = 0 : i64, tpu.core_type = #tpu.core_type<tc>, window_params = [{transform_indices = @transform_0, window_bounds = array<i64: 2, 256, 48>}, {transform_indices = @transform_1, window_bounds = array<i64: 256, 1>}, {pipeline_mode = #tpu.pipeline_mode<synchronous>, transform_indices = @transform_2, window_bounds = array<i64: 1, 48>}, {transform_indices = @transform_3, window_bounds = array<i64: 256, 48>}, {transform_indices = @transform_4, window_bounds = array<i64: 256, 48>}]} {
    %get3A = arith.constant 0 : index
    %get3A_0 = arith.constant 0 : index
    %get3A_1 = arith.constant 0 : index
    %get3A_2 = vector.load %arg1[%get3A, %get3A_0, %get3A_1] : memref<2x256x48xf32, #tpu.memory_space<vmem>>, vector<1x256x48xf32>
    %get3A_3 = vector.shape_cast %get3A_2 : vector<1x256x48xf32> to vector<256x48xf32>
    %get3A_4 = arith.constant 1 : index
    %get3A_5 = arith.constant 0 : index
    %get3A_6 = arith.constant 0 : index
    %get3A_7 = vector.load %arg1[%get3A_4, %get3A_5, %get3A_6] : memref<2x256x48xf32, #tpu.memory_space<vmem>>, vector<1x256x48xf32>
    %get3A_8 = vector.shape_cast %get3A_7 : vector<1x256x48xf32> to vector<256x48xf32>
    %add3A = arith.addf %get3A_3, %get3A_8 : vector<256x48xf32>
    %get3A_9 = arith.constant 0 : index
    %get3A_10 = arith.constant 0 : index
    %get3A_11 = vector.load %arg2[%get3A_9, %get3A_10] : memref<256x1xf32, #tpu.memory_space<vmem>>, vector<256x1xf32>
    %mul3A = vector.broadcast %get3A_11 : vector<256x1xf32> to vector<256x48xf32>
    %mul3A_12 = arith.mulf %add3A, %mul3A : vector<256x48xf32>
    %get3A_13 = arith.constant 0 : index
    %get3A_14 = arith.constant 0 : index
    %get3A_15 = vector.load %arg3[%get3A_13, %get3A_14] : memref<1x48xf32, #tpu.memory_space<vmem>>, vector<1x48xf32>
    %add3A_16 = vector.broadcast %get3A_15 : vector<1x48xf32> to vector<256x48xf32>
    %add3A_17 = arith.addf %mul3A_12, %add3A_16 : vector<256x48xf32>
    %iota3A = tpu.iota {dimensions = array<i32: 1>} : vector<256x48xi32>
    %lt3A = arith.constant 40 : i32
    %lt3A_18 = vector.broadcast %lt3A : i32 to vector<256x48xi32>
    %lt3A_19 = arith.cmpi slt, %iota3A, %lt3A_18 : vector<256x48xi32>
    %jit3A = arith.constant 0xFF800000 : f32
    %broadcast_in_dim3A = vector.broadcast %jit3A : f32 to vector<256x48xf32>
    %select_n3A = arith.select %lt3A_19, %add3A_17, %broadcast_in_dim3A : vector<256x48xi1>, vector<256x48xf32>
    %reduce_max3A = arith.constant dense<0xFF800000> : vector<256xf32>
    %reduce_max3A_20 = vector.multi_reduction <maximumf>, %select_n3A, %reduce_max3A [1] : vector<256x48xf32> to vector<256xf32>
    %broadcast_in_dim3A_21 = vector.shape_cast %reduce_max3A_20 : vector<256xf32> to vector<256x1xf32>
    %sub3A = vector.broadcast %broadcast_in_dim3A_21 : vector<256x1xf32> to vector<256x48xf32>
    %sub3A_22 = arith.subf %add3A_17, %sub3A : vector<256x48xf32>
    %exp3A = math.exp %sub3A_22 : vector<256x48xf32>
    %jit3A_23 = arith.constant 0.000000e+00 : f32
    %broadcast_in_dim3A_24 = vector.broadcast %jit3A_23 : f32 to vector<256x48xf32>
    %select_n3A_25 = arith.select %lt3A_19, %exp3A, %broadcast_in_dim3A_24 : vector<256x48xi1>, vector<256x48xf32>
    %reduce_sum3A = arith.constant dense<0.000000e+00> : vector<256xf32>
    %reduce_sum3A_26 = vector.multi_reduction <add>, %select_n3A_25, %reduce_sum3A [1] : vector<256x48xf32> to vector<256xf32>
    %broadcast_in_dim3A_27 = vector.shape_cast %reduce_sum3A_26 : vector<256xf32> to vector<256x1xf32>
    %sub3A_28 = vector.broadcast %broadcast_in_dim3A_21 : vector<256x1xf32> to vector<256x48xf32>
    %sub3A_29 = arith.subf %add3A_17, %sub3A_28 : vector<256x48xf32>
    %log3A = math.log %broadcast_in_dim3A_27 : vector<256x1xf32>
    %sub3A_30 = vector.broadcast %log3A : vector<256x1xf32> to vector<256x48xf32>
    %sub3A_31 = arith.subf %sub3A_29, %sub3A_30 : vector<256x48xf32>
    %swap3A = arith.constant 0 : index
    %swap3A_32 = arith.constant 0 : index
    %swap3A_33 = vector.load %arg4[%swap3A, %swap3A_32] : memref<256x48xf32, #tpu.memory_space<vmem>>, vector<256x48xf32>
    tpu.vector_store %arg4[%swap3A, %swap3A_32], %sub3A_31 {strides = array<i32>} : memref<256x48xf32, #tpu.memory_space<vmem>>, vector<256x48xf32>,
    %swap3A_34 = arith.constant 0 : index
    %swap3A_35 = arith.constant 0 : index
    %swap3A_36 = vector.load %arg5[%swap3A_34, %swap3A_35] : memref<256x48xf32, #tpu.memory_space<vmem>>, vector<256x48xf32>
    tpu.vector_store %arg5[%swap3A_34, %swap3A_35], %add3A_17 {strides = array<i32>} : memref<256x48xf32, #tpu.memory_space<vmem>>, vector<256x48xf32>,
    return
  }
  func.func @transform_0(%arg0: i32) -> (i32, i32, i32) {
    %c0_i32 = arith.constant 0 : i32
    %c0_i32_0 = arith.constant 0 : i32
    %c0_i32_1 = arith.constant 0 : i32
    return %c0_i32, %arg0, %c0_i32_0 : i32, i32, i32
  }
  func.func @transform_1(%arg0: i32) -> (i32, i32) {
    %c0_i32 = arith.constant 0 : i32
    %c0_i32_0 = arith.constant 0 : i32
    return %arg0, %c0_i32 : i32, i32
  }
  func.func @transform_2(%arg0: i32) -> (i32, i32) {
    %c0_i32 = arith.constant 0 : i32
    %c0_i32_0 = arith.constant 0 : i32
    %c0_i32_1 = arith.constant 0 : i32
    return %c0_i32, %c0_i32_0 : i32, i32
  }
  func.func @transform_3(%arg0: i32) -> (i32, i32) {
    %c0_i32 = arith.constant 0 : i32
    %c0_i32_0 = arith.constant 0 : i32
    return %arg0, %c0_i32 : i32, i32
  }
  func.func @transform_4(%arg0: i32) -> (i32, i32) {
    %c0_i32 = arith.constant 0 : i32
    %c0_i32_0 = arith.constant 0 : i32
    return %arg0, %c0_i32 : i32, i32
  }
}

</mosaic_0001>

<sc_bundles>
// kernel: kernel.12.cloned.1.call-start
scs
__scs_entry_jumppad:
0x0: {  	(pc) =	sbr.rel $0x88, $3  }
0x1: {  	(tag) =	ssettag $0x0;
	lr =	simm.s32 $0x1  }
0x2: {  	[smem:$0x3F9B] =	sst lr;
	_ =	strace $0xD0000000  }
0x3: {  	_ = 	snop  }
0x4: {  	_ = 	snop  }
0x5: {  	_ = 	snop  }
0x6: {  	_ = 	snop  }
0x7: {  	_ = 	snop  }
__scs_overlays_trampoline_lowered:
0x8: {  	[smem:$0x3FAA] =	sst s0  }
0x9: {  	[smem:$0x3FAB] =	sst s1  }
0xa: {  	[smem:$0x3FAC] =	sst s2  }
0xb: {  	[smem:$0x3FAD] =	sst s3  }
0xc: {  	[smem:$0x3FAE] =	sst s4  }
0xd: {  	[smem:$0x3FAF] =	sst s5  }
0xe: {  	[smem:$0x3FB0] =	sst s6  }
0xf: {  	[smem:$0x3FB1] =	sst s7  }
0x10: {  	[smem:$0x3FB2] =	sst s8  }
0x11: {  	[smem:$0x3FB3] =	sst s9;
	s0 =	simm.s32 @!p0 $0x0  }
0x12: {  	s1 =	sld [smem:$0x3F99];
	s0 =	simm.s32 @p0 $0x1  }
0x13: {  	[smem:$0x3FB4] =	sst s0;
	s0 =	simm.s32 @!p1 $0x0  }
0x14: {  	s2 =	sld [smem:$0x3F98];
	s0 =	simm.s32 @p1 $0x1  }
0x15: {  	[smem:$0x3FB5] =	sst s0;
	s0 =	simm.s32 @!p2 $0x0  }
0x16: {  	s3 =	sld [smem:$0x3FDB];
	s0 =	simm.s32 @p2 $0x1  }
0x17: {  	s4 =	simm.s32 $0x1BF5;
	[smem:$0x3FB7] =	sst s0  }
0x18: {  	s0 =	sld [smem:$0x3F9A];
	_ =	swait.ge [sflag:s4], $0x0  }
0x19: {  	s7 =	sld [smem:$0x3F9B]  }
0x1a: {  	s8 =	sadd.s32 $0xFFFFE003, lr  }
0x1b: {  	s9 =	sadd.s32 $0xFFFFFEF7, lr;
	s5 =	simm.s32 $0xFFFFFFFF;
	p2 =	slt.u32 s8, $0xFFFFF086  }
0x1c: {  	p1 =	slt.u32 s9, $0xF7A;
	s5 =	simm.s32 @!p2 $0x0  }
0x1d: {  	s5 =	simm.s32 @p1 $0x1;
	p0 =	seq.s32 s7, s2  }
0x1e: {  	s7 =	smul.u32 @!p0 $0xF7A, s2;
	p2 =	seq.s32 @!p0 s5, $0x0  }
0x1f: {  	s9 =	smul.u32 $0xF7A, s1;
	s8 =	simm.s32 @!p0 $0x1BF5;
	p2 =	por !p2, p0  }
0x20: {  	[sflag:s8] =	ssyncset.s32 @!p0 $0xFFFFF086;
	s6 =	sadd.s32 @!p0 s3, s7;
	s7 =	simm.s32 @!p0 $0x108  }
0x21: {  	s3 =	sadd.s32 s3, s9;
	s6 =	sadd.s32 @!p0 $0x88, s6;
	s7 =	simm.s32 @p2 $0x1082  }
0x22: {  	[simem:s7], [sflag:s8] =	dma.local @!p0 [hbm:s6], $0xF7A  }
0x23: {  	s9 =	sor.u32 $0xD0000000, s2;
	s6 =	simm.s32 $0x108;
	_ =	swait.ge @!p0 [sflag:s8], $0x0  }
0x24: {  	s3 =	sadd.s32 $0x88, s3;
	s6 =	simm.s32 @!p1 $0x1082;
	[sflag:s4] =	ssyncset.s32 $0xFFFFF086  }
0x25: {  	[simem:s6], [sflag:s4] =	dma.local [hbm:s3], $0xF7A  }
0x26: {  	[smem:$0x3F9B] =	sst s1;
	(tag) =	ssettag s2;
	_ =	strace s9  }
0x27: {  	s1 =	sld [smem:$0x3FAB]  }
0x28: {  	s2 =	sld [smem:$0x3FAC]  }
0x29: {  	s4 =	sld [smem:$0x3FAE]  }
0x2a: {  	p0 =	seq.s32 s5, $0x0;
	s5 =	sld [smem:$0x3FAF]  }
0x2b: {  	s6 =	sld [smem:$0x3FB0]  }
0x2c: {  	s7 =	sld [smem:$0x3FB1]  }
0x2d: {  	s3 =	simm.s32 $0x108;
	s8 =	sld [smem:$0x3FB2]  }
0x2e: {  	s3 =	simm.s32 @!p0 $0x1082;
	s9 =	sld [smem:$0x3FB3]  }
0x2f: {  	lr =	sadd.s32 s0, s3;
	s0 =	sld [smem:$0x3FAA]  }
0x30: {  	s3 =	sld [smem:$0x3FAD]  }
0x31: {  	[smem:$0x3FB6] =	sst s10  }
0x32: {  	s10 =	sld [smem:$0x3FB4];
	_ =	sdelay $0x3  }
0x33: {  	p0 =	seq.s32 s10, $0x1;
	s10 =	sld [smem:$0x3FB6];
	_ =	sdelay $0x3  }
0x34: {  	[smem:$0x3FB6] =	sst s10  }
0x35: {  	s10 =	sld [smem:$0x3FB5];
	_ =	sdelay $0x3  }
0x36: {  	p1 =	seq.s32 s10, $0x1;
	s10 =	sld [smem:$0x3FB6];
	_ =	sdelay $0x3  }
0x37: {  	[smem:$0x3FB6] =	sst s10  }
0x38: {  	s10 =	sld [smem:$0x3FB7]  }
0x39: {  	_ = 	snop;
	(pc) =	sbr.ind lr, $3  }
0x3a: {  	_ = 	snop  }
0x3b: {  	_ = 	snop  }
0x3c: {  	p2 =	seq.s32 s10, $0x1;
	s10 =	sld [smem:$0x3FB6]  }
0x3d: {  	_ =	shalt  }
0x3e: {  	_ =	shalt  }
0x3f: {  	_ =	shalt  }
0x40: {  	_ =	shalt  }
0x41: {  	_ =	shalt  }
0x42: {  	_ =	shalt  }
0x43: {  	_ =	shalt  }
0x44: {  	_ =	shalt  }
0x45: {  	_ =	shalt  }
0x46: {  	_ =	shalt  }
0x47: {  	_ =	shalt  }
0x48: {  	_ =	shalt  }
0x49: {  	_ =	shalt  }
0x4a: {  	_ =	shalt  }
0x4b: {  	_ =	shalt  }
0x4c: {  	_ =	shalt  }
0x4d: {  	_ =	shalt  }
0x4e: {  	_ =	shalt  }
0x4f: {  	_ =	shalt  }
0x50: {  	_ =	shalt  }
0x51: {  	_ =	shalt  }
0x52: {  	_ =	shalt  }
0x53: {  	_ =	shalt  }
0x54: {  	_ =	shalt  }
0x55: {  	_ =	shalt  }
0x56: {  	_ =	shalt  }
0x57: {  	_ =	shalt  }
0x58: {  	_ =	shalt  }
0x59: {  	_ =	shalt  }
0x5a: {  	_ =	shalt  }
0x5b: {  	_ =	shalt  }
0x5c: {  	_ =	shalt  }
0x5d: {  	_ =	shalt  }
0x5e: {  	_ =	shalt  }
0x5f: {  	_ =	shalt  }
0x60: {  	_ =	shalt  }
0x61: {  	_ =	shalt  }
0x62: {  	_ =	shalt  }
0x63: {  	_ =	shalt  }
0x64: {  	_ =	shalt  }
0x65: {  	_ =	shalt  }
0x66: {  	_ =	shalt  }
0x67: {  	_ =	shalt  }
0x68: {  	_ =	shalt  }
0x69: {  	_ =	shalt  }
0x6a: {  	_ =	shalt  }
0x6b: {  	_ =	shalt  }
0x6c: {  	_ =	shalt  }
0x6d: {  	_ =	shalt  }
0x6e: {  	_ =	shalt  }
0x6f: {  	_ =	shalt  }
0x70: {  	_ =	shalt  }
0x71: {  	_ =	shalt  }
0x72: {  	_ =	shalt  }
0x73: {  	_ =	shalt  }
0x74: {  	_ =	shalt  }
0x75: {  	_ =	shalt  }
0x76: {  	_ =	shalt  }
0x77: {  	_ =	shalt  }
0x78: {  	_ =	shalt  }
0x79: {  	_ =	shalt  }
0x7a: {  	_ =	shalt  }
0x7b: {  	_ =	shalt  }
0x7c: {  	_ =	shalt  }
0x7d: {  	_ =	shalt  }
0x7e: {  	_ =	shalt  }
0x7f: {  	_ =	shalt  }
0x80: {  	_ =	shalt  }
0x81: {  	_ =	shalt  }
0x82: {  	_ =	shalt  }
0x83: {  	_ =	shalt  }
0x84: {  	_ =	shalt  }
0x85: {  	_ =	shalt  }
0x86: {  	_ =	shalt  }
0x87: {  	_ =	shalt  }
.Lfunc_end0:
.L_simem_size_0:
called_computation.1_lowered:
.L_overlay_start_0:
0x88: {  	s2 =	sld [smem:$0x3FD9]  }
0x89: {  	s3 =	sld [smem:$0x3FFE];
	_ =	sdelay $0x1  }
0x8a: {  	s1 =	srdreg.scid  }
0x8b: {  	s0 =	sand.u32 $0x1, s1  }
0x8c: {  	s14 =	sshll.u32 s0, $0xA;
	s2 =	sadd.s32 s3, s2  }
0x8d: {  	s2 =	sadd.s32 s2, s14  }
0x8e: {  	[smem:$0x3FC2] =	sst s2  }
0x8f: {  	_ = 	snop  }
0x90: {  	s2 =	sld [smem:$0x3FD0];
	_ =	sdelay $0x2  }
0x91: {  	s15 =	simm.s32 $0xA;
	s4 =	simm.s32 $0x10  }
0x92: {  	[smem:s4], [sflag:s15] =	dma.local [hbm:s2], $0x1  }
0x93: {  	_ =	swait.eq [sflag:s15], $0x1  }
0x94: {  	[sflag:s15] =	ssyncset.done $0x0  }
0x95: {  	s16 =	sld [smem:$0x10];
	[sflag:s15] =	ssyncadd.s32 $0xFFFFFFFF  }
0x96: {  	s17 =	sld [smem:$0x11];
	(tm) =	ssettm $0x1  }
0x97: {  	s18 =	sld [smem:$0x3FFB];
	_ =	sdelay $0x3  }
0x98: {  	_ =	strace s18  }
0x99: {  	s4 =	sld [smem:$0x3FFC];
	_ =	sdelay $0x3  }
0x9a: {  	_ =	strace s4  }
0x9b: {  	s4 =	sld [smem:$0x3FFD];
	_ =	sdelay $0x3  }
0x9c: {  	_ =	strace s4  }
0x9d: {  	_ =	strace $0x8FFFFFFF  }
0x9e: {  	s19 =	sld [smem:$0x3FDB];
	_ =	sdelay $0x1  }
0x9f: {  	s5 =	simm.s32 $_scs_section_size  }
0xa0: {  	s6 =	simm.s32 $_size__tile_overlayer_lowered;
	s7 =	simm.s32 $_tile_overlayer_lowered  }
0xa1: {  	s22 =	simm.s32 $0x1BFF;
	s21 =	sshll.u32 s7, $0x1;
	s4 =	sadd.s32 s5, s19  }
0xa2: {  	s8 =	simm.s32 $0x0;
	s20 =	sshll.u32 s6, $0x1;
	s6 =	sadd.s32 s21, s4  }
0xa3: {  	[timem:s8], [sflag:s22] =	dma.local [hbm:s6], s20  }
0xa4: {  	_ =	swait.ge [sflag:s22], s20  }
0xa5: {  	s5 =	ssub.s32 $0x0, s20;
	[sflag:s22] =	ssyncset.done $0x0  }
0xa6: {  	[sflag:s22] =	ssyncadd.s32 s5;
	_ =	sdelay $0x1  }
0xa7: {  	s23 =	simm.s32 $0x1B8B  }
0xa8: {  	_ =	swait.ge [sflag:s23], $0x1  }
0xa9: {  	[sflag:s23] =	ssyncset.done $0x0  }
0xaa: {  	s25 =	simm.s32 $0x1B8E;
	s24 =	sld [smem:$0x3FFE];
	[sflag:s23] =	ssyncadd.s32 $0xFFFFFFFF  }
0xab: {  	s26 =	simm.s32 $execute0_lowered;
	[smem:$0x3FD2] =	sst s25  }
0xac: {  	s6 =	sshll.u32 s26, $0x1;
	_ =	strace $0x80000049;
	[dreg:$0x1] =	wrdreg $0xFFFFFFFF  }
0xad: {  	s28 =	simm.s32 $_size_execute0_lowered;
	s4 =	sadd.s32 s4, s6;
	[dreg:$0x0] =	wrdreg $0x0  }
0xae: {  	s6 =	sshll.u32 s28, $0x1;
	[dreg:$0x2] =	wrdreg s4  }
0xaf: {  	[dreg:$0x3] =	wrdreg s6  }
0xb0: {  	[dreg:$0x4] =	wrdreg $0xC0  }
0xb1: {  	_ =	task [dreg:s8], $0x5FFFF  }
0xb2: {  	[dreg:$0x1] =	wrdreg $0xFFFFFFFF  }
0xb3: {  	[dreg:$0x0] =	wrdreg $0x60  }
0xb4: {  	[dreg:$0x2] =	wrdreg s24  }
0xb5: {  	[dreg:$0x3] =	wrdreg s16  }
0xb6: {  	[dreg:$0x4] =	wrdreg s17  }
0xb7: {  	[dreg:$0x5] =	wrdreg $0xD1000  }
0xb8: {  	[dreg:$0x6] =	wrdreg $0x9  }
0xb9: {  	_ =	task.clear_ibuf [dreg:s8], $0x7FFFF;
	_ =	strace $0x90000049  }
0xba: {  	s29 =	simm.s32 $0x9;
	_ =	strace $0x8000004B  }
0xbb: {  	_ =	swait.ge [sflag:s29], $0x1  }
0xbc: {  	[sflag:s29] =	ssyncadd.s32 $0xFFFFFFFF  }
0xbd: {  	_ =	strace $0x9000004B  }
0xbe: {  	_ =	sfence  }
0xbf: {  	s30 =	sld [smem:$0x0];
	_ =	sdelay $0x2  }
0xc0: {  	s31 =	sshll.u32 s1, $0xD;
	s1 =	sshrl.u32 s1, $0x2  }
0xc1: {  	s3 =	sand.u32 $0x4000, s31;
	s1 =	sadd.s32 s1, s30  }
0xc2: {  	s0 =	sor.u32 s3, s0;
	s1 =	sshll.u32 s1, $0x11  }
0xc3: {  	s0 =	sor.u32 s1, s0  }
0xc4: {  	s0 =	sadd.s32 $0x8F2B, s0  }
0xc5: {  	[sflag:s0] =	ssyncadd.remote.s32 $0x1  }
0xc6: {  	_ =	sfence.sel $0xFFFF  }
0xc7: {  	[dreg:$0x0] =	wrdreg $0xFFFFFFFF;
	(pc) =	sbr.abs _section_cstart, $3  }
0xc8: {  	[dreg:$0x1] =	wrdreg $0xFFFFFFFF  }
0xc9: {  	_ =	task.clear_ibuf [dreg:s8], $0x2FFFF;
	_ =	strace $0x9FFFFFFF  }
0xca: {  	(tm) =	ssettm $0x7FFFFFFF  }
0xcb: {  	_ =	shalt  }
tec
execute0_lowered:
.L_overlay_start_1:
0x0: {  	(tag) =	ssettag $0x1  }
0x1: {  	s0 =	rddreg [dreg:$0x0]  }
0x2: {  	s2 =	rddreg [dreg:$0x1]  }
0x3: {  	s10 =	rddreg [dreg:$0x2]  }
0x4: {  	s1 =	rddreg [dreg:$0x3]  }
0x5: {  	s3 =	simm.s32 $0x0;
	s4 =	srdreg.scid;
	s7 =	stileid.u32  }
0x6: {  	s19 =	simm.s32 $0x9;
	s20 =	simm.s32 $0x2880;
	s28 =	simm.s32 $0xB100  }
0x7: {  	s29 =	simm.s32 $0x2;
	s31 =	simm.s32 $0x5;
	s30 =	simm.s32 $0x8  }
0x8: {  	[smem:$0x7FF] =	sst s3;
	s8 =	sand.u32 $0x1, s4;
	s4 =	sadd.s32 $0x1800, s0  }
0x9: {  	s11 =	smul.u32 $0xA000, s7;
	s0 =	sadd.s32 $0x15800, s0;
	s7 =	sshll.u32 s7, $0x1  }
0xa: {  	_ =	strace $0x8000004A;
	s5 =	ssub.s32 $0x2, s8;
	s9 =	sor.u32 s8, s7  }
0xb: {  	s16 =	smul.u32 $0xA0000, s8;
	s6 =	sshrl.u32 s5, $0x1;
	s13 =	sadd.s32 $0x2000, s11  }
0xc: {  	s14 =	sadd.s32 $0x4000, s11;
	s15 =	sadd.s32 $0x6000, s11;
	s17 =	sadd.s32 $0x8000, s11  }
0xd: {  	s18 =	smul.u32 $0x510, s9;
	s12 =	ssub.s32 s5, s6;
	s5 =	sadd.s32 s11, s1  }
0xe: {  	s6 =	sadd.s32 s13, s1;
	s7 =	sadd.s32 s14, s1;
	s8 =	sadd.s32 s15, s1  }
0xf: {  	s9 =	sadd.s32 s17, s1;
	s11 =	sadd.s32 s11, s16;
	s13 =	sadd.s32 s16, s13  }
0x10: {  	s24 =	sadd.s32 s16, s14;
	s25 =	sadd.s32 s16, s15;
	s26 =	sadd.s32 s16, s17  }
0x11: {  	s2 =	sadd.s32 s2, s18;
	s21 =	sshrl.u32 s11, $0x3;
	s22 =	sshrl.u32 s13, $0x3  }
0x12: {  	s10 =	sadd.s32 s10, s18;
	s11 =	sshrl.u32 s26, $0x3;
	s17 =	smax.u32 s12, $0x1  }
0x13: {  	s18 =	simm.s32 $0x5100;
	s26 =	simm.s32 $0x7;
	[dreg:$0x5] =	wrdreg s2  }
0x14: {  	[dreg:$0x6] =	wrdreg s10;
	s2 =	sadd.s32 s0, s21;
	s23 =	sadd.s32 s0, s22  }
0x15: {  	s10 =	sshrl.u32 s25, $0x3;
	s16 =	sadd.s32 s0, s11;
	s21 =	simm.s32 $0x80  }
0x16: {  	s22 =	simm.s32 $0x7100;
	s25 =	simm.s32 $0x1;
	[dreg:$0x7] =	wrdreg s2  }
0x17: {  	[dreg:$0x8] =	wrdreg s23;
	s2 =	sshrl.u32 s24, $0x3;
	s15 =	sadd.s32 s0, s10  }
0x18: {  	s24 =	simm.s32 $0x9100;
	s23 =	simm.s32 $0x4;
	s10 =	simm.s32 $0x0  }
0x19: {  	v0 =	vimm.f32 $0.0e+00;
	s14 =	sadd.s32 s0, s2;
	s0 =	simm.s32 $0x3;
	s2 =	simm.s32 $0x6  }
.LBB2_1:
0x1a: {  	s12 =	simm.s32 $0x100;
	s11 =	simm.s32 $0x0  }
.LBB2_2:
0x1b: {  	p0 =	sne.s32 s12, $0x7F00;
	[tilespmem:s11+$0x5130] =	vst v0;
	s13 =	smov.u32 s12;
	s12 =	sadd.s32 $0x100, s12  }
.Ltmp0:
0x1c: {  	[tilespmem:s11+$0x5120] =	vst v0;
	(pc) =	sbr.rel @p0 .LBB2_2-.Ltmp0, $3  }
0x1d: {  	[tilespmem:s11+$0x5100] =	vst v0  }
0x1e: {  	[tilespmem:s11+$0x5110] =	vst v0;
	_ =	sdelay $0x1  }
0x1f: {  	s11 =	sshra.s32 s13, $0x2  }
0x20: {  	[tilespmem:s11+$0x5130] =	vst v0  }
0x21: {  	[tilespmem:s11+$0x5120] =	vst v0  }
0x22: {  	[tilespmem:s11+$0x5100] =	vst v0  }
0x23: {  	[tilespmem:s11+$0x5110] =	vst v0  }
0x24: {  	[spmem:s5] =	stream.linear.scatter [tilespmem:s18], [sflag:$0x9], $0x2000, $0x38;
	[tilespmem:$0x17100] =	vst v63  }
0x25: {  	_ =	swait.ge [sflag:s19], $0x2000  }
0x26: {  	[sflag:s19] =	ssyncset.done $0x0  }
0x27: {  	[sflag:s19] =	ssyncadd.s32 $0xFFFFE000  }
0x28: {  	[spmem:s6] =	stream.linear.scatter [tilespmem:s18], [sflag:$0x9], $0x2000, $0x38;
	[tilespmem:$0x17100] =	vst v63  }
0x29: {  	_ =	swait.ge [sflag:s19], $0x2000  }
0x2a: {  	[sflag:s19] =	ssyncset.done $0x0  }
0x2b: {  	[sflag:s19] =	ssyncadd.s32 $0xFFFFE000  }
0x2c: {  	[spmem:s7] =	stream.linear.scatter [tilespmem:s18], [sflag:$0x9], $0x2000, $0x38;
	[tilespmem:$0x17100] =	vst v63  }
0x2d: {  	_ =	swait.ge [sflag:s19], $0x2000  }
0x2e: {  	[sflag:s19] =	ssyncset.done $0x0  }
0x2f: {  	[sflag:s19] =	ssyncadd.s32 $0xFFFFE000  }
0x30: {  	[spmem:s8] =	stream.linear.scatter [tilespmem:s18], [sflag:$0x9], $0x2000, $0x38;
	[tilespmem:$0x17100] =	vst v63  }
0x31: {  	_ =	swait.ge [sflag:s19], $0x2000  }
0x32: {  	[sflag:s19] =	ssyncset.done $0x0  }
0x33: {  	[sflag:s19] =	ssyncadd.s32 $0xFFFFE000  }
0x34: {  	[spmem:s9] =	stream.linear.scatter [tilespmem:s18], [sflag:$0x9], $0x2000, $0x38;
	[tilespmem:$0x17100] =	vst v63  }
0x35: {  	_ =	swait.ge [sflag:s19], $0x2000  }
0x36: {  	[sflag:s19] =	ssyncset.done $0x0  }
0x37: {  	[sflag:s19] =	ssyncadd.s32 $0xFFFFE000  }
0x38: {  	[bflag:$0x0] =	sbarrier.arrive $0xFFFF  }
0x39: {  	s11 =	simm.s32 $0x0;
	s12 =	rddreg [dreg:$0x5]  }
0x3a: {  	[tilespmem:s11], [sflag:$0x9] =	stream.linear.gather [hbm4b:s12+s11], $0x2880, $0x38;
	[tilespmem:$0x17100] =	vst v63  }
0x3b: {  	_ =	swait.ge [sflag:s19], $0x2880  }
0x3c: {  	[sflag:s19] =	ssyncset.done $0x0  }
0x3d: {  	s13 =	rddreg [dreg:$0x6];
	[sflag:s19] =	ssyncadd.s32 $0xFFFFD780  }
0x3e: {  	[tilespmem:s20], [sflag:$0x9] =	stream.linear.gather [hbm4b:s13+s11], $0x2880, $0x38;
	[tilespmem:$0x17100] =	vst v63  }
0x3f: {  	_ =	swait.ge [sflag:s19], $0x2880  }
0x40: {  	[sflag:s19] =	ssyncset.done $0x0  }
0x41: {  	[sflag:s19] =	ssyncadd.s32 $0xFFFFD780  }
0x42: {  	[tilespmem:s18], [sflag:$0x1] =	stream.indirect.gather [hbm4b:s4+s21], $0x40, s11, s21, $0xb8;
	[tilespmem:$0x17100] =	vst v63  }
0x43: {  	_ = 	snop  }
0x44: {  	[tilespmem:s22], [sflag:$0x2] =	stream.indirect.gather [hbm4b:s4+s21], $0x40, s21, s21, $0xb8;
	[tilespmem:$0x17100] =	vst v63  }
0x45: {  	s12 =	simm.s32 $0x100  }
0x46: {  	[tilespmem:s24], [sflag:$0x3] =	stream.indirect.gather [hbm4b:s4+s21], $0x40, s12, s21, $0xb8;
	[tilespmem:$0x17100] =	vst v63  }
0x47: {  	_ =	swait.ge [sflag:s25], $0x2000  }
0x48: {  	[sflag:s25] =	ssyncset.done $0x0  }
0x49: {  	[sflag:s25] =	ssyncadd.s32 $0xFFFFE000  }
0x4a: {  	[spmem:s1] =	stream.indirect.scatter.add.f32 [tilespmem:s18], [sflag:$0x5], $0x40, s20, s21, $0xb8;
	[tilespmem:$0x17100] =	vst v63  }
0x4b: {  	s13 =	simm.s32 $0x180  }
0x4c: {  	[tilespmem:s28], [sflag:$0x4] =	stream.indirect.gather [hbm4b:s4+s21], $0x40, s13, s21, $0xb8;
	[tilespmem:$0x17100] =	vst v63  }
0x4d: {  	_ =	swait.ge [sflag:s29], $0x2000  }
0x4e: {  	[sflag:s29] =	ssyncset.done $0x0  }
0x4f: {  	s12 =	simm.s32 $0x2900;
	[sflag:s29] =	ssyncadd.s32 $0xFFFFE000  }
0x50: {  	[spmem:s1] =	stream.indirect.scatter.add.f32 [tilespmem:s22], [sflag:$0x6], $0x40, s12, s21, $0xb8;
	[tilespmem:$0x17100] =	vst v63  }
0x51: {  	_ =	swait.ge [sflag:s31], $0x2000  }
0x52: {  	[sflag:s31] =	ssyncset.done $0x0  }
0x53: {  	s13 =	simm.s32 $0x200;
	[sflag:s31] =	ssyncadd.s32 $0xFFFFE000  }
0x54: {  	[tilespmem:s18], [sflag:$0x1] =	stream.indirect.gather [hbm4b:s4+s21], $0x40, s13, s21, $0xb8;
	[tilespmem:$0x17100] =	vst v63  }
0x55: {  	_ =	swait.ge [sflag:s0], $0x2000  }
0x56: {  	[sflag:s0] =	ssyncset.done $0x0  }
0x57: {  	s12 =	simm.s32 $0x2980;
	[sflag:s0] =	ssyncadd.s32 $0xFFFFE000  }
0x58: {  	[spmem:s1] =	stream.indirect.scatter.add.f32 [tilespmem:s24], [sflag:$0x7], $0x40, s12, s21, $0xb8;
	[tilespmem:$0x17100] =	vst v63  }
0x59: {  	_ =	swait.ge [sflag:s2], $0x2000  }
0x5a: {  	[sflag:s2] =	ssyncset.done $0x0  }
0x5b: {  	s13 =	simm.s32 $0x280;
	[sflag:s2] =	ssyncadd.s32 $0xFFFFE000  }
0x5c: {  	[tilespmem:s22], [sflag:$0x2] =	stream.indirect.gather [hbm4b:s4+s21], $0x40, s13, s21, $0xb8;
	[tilespmem:$0x17100] =	vst v63  }
0x5d: {  	_ =	swait.ge [sflag:s23], $0x2000  }
0x5e: {  	[sflag:s23] =	ssyncset.done $0x0  }
0x5f: {  	s12 =	simm.s32 $0x2A00;
	[sflag:s23] =	ssyncadd.s32 $0xFFFFE000  }
0x60: {  	[spmem:s1] =	stream.indirect.scatter.add.f32 [tilespmem:s28], [sflag:$0x8], $0x40, s12, s21, $0xb8;
	[tilespmem:$0x17100] =	vst v63  }
0x61: {  	_ =	swait.ge [sflag:s26], $0x2000  }
0x62: {  	[sflag:s26] =	ssyncset.done $0x0  }
0x63: {  	s13 =	simm.s32 $0x300;
	[sflag:s26] =	ssyncadd.s32 $0xFFFFE000  }
0x64: {  	[tilespmem:s24], [sflag:$0x3] =	stream.indirect.gather [hbm4b:s4+s21], $0x40, s13, s21, $0xb8;
	[tilespmem:$0x17100] =	vst v63  }
0x65: {  	_ =	swait.ge [sflag:s25], $0x2000  }
0x66: {  	[sflag:s25] =	ssyncset.done $0x0  }
0x67: {  	s12 =	simm.s32 $0x2A80;
	[sflag:s25] =	ssyncadd.s32 $0xFFFFE000  }
0x68: {  	[spmem:s1] =	stream.indirect.scatter.add.f32 [tilespmem:s18], [sflag:$0x5], $0x40, s12, s21, $0xb8;
	[tilespmem:$0x17100] =	vst v63  }
0x69: {  	_ =	swait.ge [sflag:s30], $0x2000  }
0x6a: {  	[sflag:s30] =	ssyncset.done $0x0  }
0x6b: {  	s13 =	simm.s32 $0x380;
	[sflag:s30] =	ssyncadd.s32 $0xFFFFE000  }
0x6c: {  	[tilespmem:s28], [sflag:$0x4] =	stream.indirect.gather [hbm4b:s4+s21], $0x40, s13, s21, $0xb8;
	[tilespmem:$0x17100] =	vst v63  }
0x6d: {  	_ =	swait.ge [sflag:s29], $0x2000  }
0x6e: {  	[sflag:s29] =	ssyncset.done $0x0  }
0x6f: {  	s11 =	simm.s32 $0x800;
	s12 =	simm.s32 $0x2B00;
	[sflag:s29] =	ssyncadd.s32 $0xFFFFE000  }
.LBB2_4:
0x70: {  	[spmem:s1] =	stream.indirect.scatter.add.f32 [tilespmem:s22], [sflag:$0x6], $0x40, s12, s21, $0xb8;
	[tilespmem:$0x17100] =	vst v63  }
0x71: {  	s12 =	smov.u32 s11  }
0x72: {  	p0 =	sne.s32 s11, $0x9000;
	s11 =	sadd.s32 $0x800, s11;
	_ =	swait.ge [sflag:s31], $0x2000  }
0x73: {  	s12 =	sshra.s32 s12, $0x2;
	[sflag:s31] =	ssyncset.done $0x0  }
0x74: {  	s13 =	sadd.s32 $0x200, s12;
	[sflag:s31] =	ssyncadd.s32 $0xFFFFE000  }
0x75: {  	[tilespmem:s18], [sflag:$0x1] =	stream.indirect.gather [hbm4b:s4+s21], $0x40, s13, s21, $0xb8;
	[tilespmem:$0x17100] =	vst v63  }
0x76: {  	_ =	swait.ge [sflag:s0], $0x2000  }
0x77: {  	[sflag:s0] =	ssyncset.done $0x0  }
0x78: {  	s13 =	sadd.s32 $0x2980, s12;
	[sflag:s0] =	ssyncadd.s32 $0xFFFFE000  }
0x79: {  	[spmem:s1] =	stream.indirect.scatter.add.f32 [tilespmem:s24], [sflag:$0x7], $0x40, s13, s21, $0xb8;
	[tilespmem:$0x17100] =	vst v63  }
0x7a: {  	_ =	swait.ge [sflag:s2], $0x2000  }
0x7b: {  	[sflag:s2] =	ssyncset.done $0x0  }
0x7c: {  	s13 =	sadd.s32 $0x280, s12;
	[sflag:s2] =	ssyncadd.s32 $0xFFFFE000  }
0x7d: {  	[tilespmem:s22], [sflag:$0x2] =	stream.indirect.gather [hbm4b:s4+s21], $0x40, s13, s21, $0xb8;
	[tilespmem:$0x17100] =	vst v63  }
0x7e: {  	_ =	swait.ge [sflag:s23], $0x2000  }
0x7f: {  	[sflag:s23] =	ssyncset.done $0x0  }
0x80: {  	s13 =	sadd.s32 $0x2A00, s12;
	[sflag:s23] =	ssyncadd.s32 $0xFFFFE000  }
0x81: {  	[spmem:s1] =	stream.indirect.scatter.add.f32 [tilespmem:s28], [sflag:$0x8], $0x40, s13, s21, $0xb8;
	[tilespmem:$0x17100] =	vst v63  }
0x82: {  	_ =	swait.ge [sflag:s26], $0x2000  }
0x83: {  	[sflag:s26] =	ssyncset.done $0x0  }
0x84: {  	s13 =	sadd.s32 $0x300, s12;
	[sflag:s26] =	ssyncadd.s32 $0xFFFFE000  }
0x85: {  	[tilespmem:s24], [sflag:$0x3] =	stream.indirect.gather [hbm4b:s4+s21], $0x40, s13, s21, $0xb8;
	[tilespmem:$0x17100] =	vst v63  }
0x86: {  	_ =	swait.ge [sflag:s25], $0x2000  }
0x87: {  	[sflag:s25] =	ssyncset.done $0x0  }
0x88: {  	s13 =	sadd.s32 $0x2A80, s12;
	[sflag:s25] =	ssyncadd.s32 $0xFFFFE000  }
0x89: {  	[spmem:s1] =	stream.indirect.scatter.add.f32 [tilespmem:s18], [sflag:$0x5], $0x40, s13, s21, $0xb8;
	[tilespmem:$0x17100] =	vst v63  }
0x8a: {  	_ =	swait.ge [sflag:s30], $0x2000  }
0x8b: {  	[sflag:s30] =	ssyncset.done $0x0  }
.Ltmp1:
0x8c: {  	s13 =	sadd.s32 $0x380, s12;
	[sflag:s30] =	ssyncadd.s32 $0xFFFFE000;
	(pc) =	sbr.rel @p0 .LBB2_4-.Ltmp1, $4  }
0x8d: {  	[tilespmem:s28], [sflag:$0x4] =	stream.indirect.gather [hbm4b:s4+s21], $0x40, s13, s21, $0xb8;
	[tilespmem:$0x17100] =	vst v63  }
0x8e: {  	_ =	swait.ge [sflag:s29], $0x2000  }
0x8f: {  	[sflag:s29] =	ssyncset.done $0x0  }
0x90: {  	s12 =	sadd.s32 $0x2B00, s12;
	[sflag:s29] =	ssyncadd.s32 $0xFFFFE000  }
0x91: {  	[spmem:s1] =	stream.indirect.scatter.add.f32 [tilespmem:s22], [sflag:$0x6], $0x40, s12, s21, $0xb8;
	[tilespmem:$0x17100] =	vst v63  }
0x92: {  	_ =	swait.ge [sflag:s31], $0x2000  }
0x93: {  	[sflag:s31] =	ssyncset.done $0x0  }
0x94: {  	s11 =	simm.s32 $0x2800;
	[sflag:s31] =	ssyncadd.s32 $0xFFFFE000  }
0x95: {  	[tilespmem:s18], [sflag:$0x1] =	stream.indirect.gather [hbm4b:s4+s21], $0x40, s11, s21, $0xb8;
	[tilespmem:$0x17100] =	vst v63  }
0x96: {  	_ =	swait.ge [sflag:s0], $0x2000  }
0x97: {  	[sflag:s0] =	ssyncset.done $0x0  }
0x98: {  	s13 =	simm.s32 $0x4F80;
	[sflag:s0] =	ssyncadd.s32 $0xFFFFE000  }
0x99: {  	[spmem:s1] =	stream.indirect.scatter.add.f32 [tilespmem:s24], [sflag:$0x7], $0x40, s13, s21, $0xb8;
	[tilespmem:$0x17100] =	vst v63  }
0x9a: {  	_ =	swait.ge [sflag:s2], $0x2000  }
0x9b: {  	[sflag:s2] =	ssyncset.done $0x0  }
0x9c: {  	[sflag:s2] =	ssyncadd.s32 $0xFFFFE000  }
0x9d: {  	_ =	swait.ge [sflag:s23], $0x2000  }
0x9e: {  	[sflag:s23] =	ssyncset.done $0x0  }
0x9f: {  	s12 =	simm.s32 $0x5000;
	[sflag:s23] =	ssyncadd.s32 $0xFFFFE000  }
0xa0: {  	[spmem:s1] =	stream.indirect.scatter.add.f32 [tilespmem:s28], [sflag:$0x8], $0x40, s12, s21, $0xb8;
	[tilespmem:$0x17100] =	vst v63  }
0xa1: {  	_ =	swait.ge [sflag:s26], $0x2000  }
0xa2: {  	[sflag:s26] =	ssyncset.done $0x0  }
0xa3: {  	[sflag:s26] =	ssyncadd.s32 $0xFFFFE000  }
0xa4: {  	_ =	swait.ge [sflag:s25], $0x2000  }
0xa5: {  	[sflag:s25] =	ssyncset.done $0x0  }
0xa6: {  	s13 =	simm.s32 $0x5080;
	[sflag:s25] =	ssyncadd.s32 $0xFFFFE000  }
0xa7: {  	[spmem:s1] =	stream.indirect.scatter.add.f32 [tilespmem:s18], [sflag:$0x5], $0x40, s13, s21, $0xb8;
	[tilespmem:$0x17100] =	vst v63  }
0xa8: {  	_ =	swait.ge [sflag:s30], $0x2000  }
0xa9: {  	[sflag:s30] =	ssyncset.done $0x0  }
0xaa: {  	[sflag:s30] =	ssyncadd.s32 $0xFFFFE000  }
0xab: {  	_ =	swait.ge [sflag:s31], $0x2000  }
0xac: {  	[sflag:s31] =	ssyncset.done $0x0  }
0xad: {  	[sflag:s31] =	ssyncadd.s32 $0xFFFFE000  }
0xae: {  	[bflag:$0x0] =	sbarrier.arrive $0xFFFF  }
0xaf: {  	[tilespmem:s18], [sflag:$0x9] =	stream.linear.gather [spmem:s5], $0x2000, $0x38;
	[tilespmem:$0x17100] =	vst v63  }
0xb0: {  	_ =	swait.ge [sflag:s19], $0x2000  }
0xb1: {  	[sflag:s19] =	ssyncset.done $0x0  }
0xb2: {  	s12 =	rddreg [dreg:$0x7];
	[sflag:s19] =	ssyncadd.s32 $0xFFFFE000  }
0xb3: {  	[hbm4b:s12+s3] =	stream.linear.scatter [tilespmem:s18], [sflag:$0x9], $0x2000, $0x38;
	[tilespmem:$0x17100] =	vst v63  }
0xb4: {  	_ =	swait.ge [sflag:s19], $0x2000  }
0xb5: {  	[sflag:s19] =	ssyncset.done $0x0  }
0xb6: {  	[sflag:s19] =	ssyncadd.s32 $0xFFFFE000  }
0xb7: {  	[tilespmem:s18], [sflag:$0x9] =	stream.linear.gather [spmem:s6], $0x2000, $0x38;
	[tilespmem:$0x17100] =	vst v63  }
0xb8: {  	_ =	swait.ge [sflag:s19], $0x2000  }
0xb9: {  	[sflag:s19] =	ssyncset.done $0x0  }
0xba: {  	s13 =	rddreg [dreg:$0x8];
	[sflag:s19] =	ssyncadd.s32 $0xFFFFE000  }
0xbb: {  	[hbm4b:s13+s3] =	stream.linear.scatter [tilespmem:s18], [sflag:$0x9], $0x2000, $0x38;
	[tilespmem:$0x17100] =	vst v63  }
0xbc: {  	_ =	swait.ge [sflag:s19], $0x2000  }
0xbd: {  	[sflag:s19] =	ssyncset.done $0x0  }
0xbe: {  	[sflag:s19] =	ssyncadd.s32 $0xFFFFE000  }
0xbf: {  	[tilespmem:s18], [sflag:$0x9] =	stream.linear.gather [spmem:s7], $0x2000, $0x38;
	[tilespmem:$0x17100] =	vst v63  }
0xc0: {  	_ =	swait.ge [sflag:s19], $0x2000  }
0xc1: {  	[sflag:s19] =	ssyncset.done $0x0  }
0xc2: {  	[sflag:s19] =	ssyncadd.s32 $0xFFFFE000  }
0xc3: {  	[hbm4b:s14+s3] =	stream.linear.scatter [tilespmem:s18], [sflag:$0x9], $0x2000, $0x38;
	[tilespmem:$0x17100] =	vst v63  }
0xc4: {  	_ =	swait.ge [sflag:s19], $0x2000  }
0xc5: {  	[sflag:s19] =	ssyncset.done $0x0  }
0xc6: {  	[sflag:s19] =	ssyncadd.s32 $0xFFFFE000  }
0xc7: {  	[tilespmem:s18], [sflag:$0x9] =	stream.linear.gather [spmem:s8], $0x2000, $0x38;
	[tilespmem:$0x17100] =	vst v63  }
0xc8: {  	_ =	swait.ge [sflag:s19], $0x2000  }
0xc9: {  	[sflag:s19] =	ssyncset.done $0x0  }
0xca: {  	[sflag:s19] =	ssyncadd.s32 $0xFFFFE000  }
0xcb: {  	[hbm4b:s15+s3] =	stream.linear.scatter [tilespmem:s18], [sflag:$0x9], $0x2000, $0x38;
	[tilespmem:$0x17100] =	vst v63  }
0xcc: {  	_ =	swait.ge [sflag:s19], $0x2000  }
0xcd: {  	[sflag:s19] =	ssyncset.done $0x0  }
0xce: {  	[sflag:s19] =	ssyncadd.s32 $0xFFFFE000  }
0xcf: {  	[tilespmem:s18], [sflag:$0x9] =	stream.linear.gather [spmem:s9], $0x2000, $0x38;
	[tilespmem:$0x17100] =	vst v63  }
0xd0: {  	s10 =	sadd.s32 $0x1, s10;
	_ =	swait.ge [sflag:s19], $0x2000  }
0xd1: {  	p0 =	sne.s32 s10, s17;
	[sflag:s19] =	ssyncset.done $0x0  }
.Ltmp2:
0xd2: {  	[sflag:s19] =	ssyncadd.s32 $0xFFFFE000;
	(pc) =	sbr.rel @p0 .LBB2_1-.Ltmp2, $4  }
0xd3: {  	[hbm4b:s16+s3] =	stream.linear.scatter [tilespmem:s18], [sflag:$0x9], $0x2000, $0x38;
	[tilespmem:$0x17100] =	vst v63  }
0xd4: {  	_ =	swait.ge [sflag:s19], $0x2000  }
0xd5: {  	[sflag:s19] =	ssyncset.done $0x0  }
0xd6: {  	[sflag:s19] =	ssyncadd.s32 $0xFFFFE000  }
0xd7: {  	_ =	sfence.sel $0x180000  }
0xd8: {  	[bflag:$0x0] =	sbarrier.arrive $0xFFFF  }
0xd9: {  	_ =	strace $0x9000004A  }
0xda: {  	s0 =	stileid.u32;
	[bflag:$0x2] =	sbarrier.arrive $0xFFFF  }
0xdb: {  	p0 =	sne.s32 s0, $0x0;
	s0 =	rddreg [dreg:$0x4]  }
0xdc: {  	s0 =	sadd.s32 @!p0 $0x100000, s0  }
0xdd: {  	[sflag:s0] =	ssyncadd.tile.s32 @!p0 $0x1;
	_ =	shalt  }
.Lfunc_end2:
_tile_overlayer_lowered:
.L_overlay_start_2:
0xde: {  	(tag) =	ssettag $0x2  }
0xdf: {  	s0 =	rddreg [dreg:$0x0];
	s2 =	stileid.u32  }
0xe0: {  	s1 =	rddreg [dreg:$0x1];
	p0 =	sne.s32 s2, $0x0  }
0xe1: {  	s3 =	rddreg [dreg:$0x2];
	[bflag:$0x3] =	sbarrier.arrive $0xFFFF;
	s2 =	simm.s32 @!p0 $0x1C09  }
0xe2: {  	[timem:s3], [sflag:s2] =	dma.local @!p0 [hbm:s0], s1  }
0xe3: {  	s0 =	simm.s32 @!p0 $0x9  }
0xe4: {  	_ =	swait.ge @!p0 [sflag:s0], s1  }
0xe5: {  	s1 =	ssub.s32 @!p0 $0x0, s1;
	[sflag:s0] =	ssyncset.done @!p0 $0x0  }
0xe6: {  	[sflag:s0] =	ssyncadd.s32 @!p0 s1  }
0xe7: {  	[bflag:$0x3] =	sbarrier.arrive $0xFFFF  }
0xe8: {  	_ =	shalt  }

// kernel: kernel.15.cloned.1.call-start
scs
__scs_entry_jumppad:
0x0: {  	(pc) =	sbr.rel $0x88, $3  }
0x1: {  	(tag) =	ssettag $0x0;
	lr =	simm.s32 $0x1  }
0x2: {  	[smem:$0x3F9B] =	sst lr;
	_ =	strace $0xD0000000  }
0x3: {  	_ = 	snop  }
0x4: {  	_ = 	snop  }
0x5: {  	_ = 	snop  }
0x6: {  	_ = 	snop  }
0x7: {  	_ = 	snop  }
__scs_overlays_trampoline_lowered:
0x8: {  	[smem:$0x3FAA] =	sst s0  }
0x9: {  	[smem:$0x3FAB] =	sst s1  }
0xa: {  	[smem:$0x3FAC] =	sst s2  }
0xb: {  	[smem:$0x3FAD] =	sst s3  }
0xc: {  	[smem:$0x3FAE] =	sst s4  }
0xd: {  	[smem:$0x3FAF] =	sst s5  }
0xe: {  	[smem:$0x3FB0] =	sst s6  }
0xf: {  	[smem:$0x3FB1] =	sst s7  }
0x10: {  	[smem:$0x3FB2] =	sst s8  }
0x11: {  	[smem:$0x3FB3] =	sst s9;
	s0 =	simm.s32 @!p0 $0x0  }
0x12: {  	s1 =	sld [smem:$0x3F99];
	s0 =	simm.s32 @p0 $0x1  }
0x13: {  	[smem:$0x3FB4] =	sst s0;
	s0 =	simm.s32 @!p1 $0x0  }
0x14: {  	s2 =	sld [smem:$0x3F98];
	s0 =	simm.s32 @p1 $0x1  }
0x15: {  	[smem:$0x3FB5] =	sst s0;
	s0 =	simm.s32 @!p2 $0x0  }
0x16: {  	s3 =	sld [smem:$0x3FDB];
	s0 =	simm.s32 @p2 $0x1  }
0x17: {  	s4 =	simm.s32 $0x1BF5;
	[smem:$0x3FB7] =	sst s0  }
0x18: {  	s0 =	sld [smem:$0x3F9A];
	_ =	swait.ge [sflag:s4], $0x0  }
0x19: {  	s7 =	sld [smem:$0x3F9B]  }
0x1a: {  	s8 =	sadd.s32 $0xFFFFE003, lr  }
0x1b: {  	s9 =	sadd.s32 $0xFFFFFEF7, lr;
	s5 =	simm.s32 $0xFFFFFFFF;
	p2 =	slt.u32 s8, $0xFFFFF086  }
0x1c: {  	p1 =	slt.u32 s9, $0xF7A;
	s5 =	simm.s32 @!p2 $0x0  }
0x1d: {  	s5 =	simm.s32 @p1 $0x1;
	p0 =	seq.s32 s7, s2  }
0x1e: {  	s7 =	smul.u32 @!p0 $0xF7A, s2;
	p2 =	seq.s32 @!p0 s5, $0x0  }
0x1f: {  	s9 =	smul.u32 $0xF7A, s1;
	s8 =	simm.s32 @!p0 $0x1BF5;
	p2 =	por !p2, p0  }
0x20: {  	[sflag:s8] =	ssyncset.s32 @!p0 $0xFFFFF086;
	s6 =	sadd.s32 @!p0 s3, s7;
	s7 =	simm.s32 @!p0 $0x108  }
0x21: {  	s3 =	sadd.s32 s3, s9;
	s6 =	sadd.s32 @!p0 $0x88, s6;
	s7 =	simm.s32 @p2 $0x1082  }
0x22: {  	[simem:s7], [sflag:s8] =	dma.local @!p0 [hbm:s6], $0xF7A  }
0x23: {  	s9 =	sor.u32 $0xD0000000, s2;
	s6 =	simm.s32 $0x108;
	_ =	swait.ge @!p0 [sflag:s8], $0x0  }
0x24: {  	s3 =	sadd.s32 $0x88, s3;
	s6 =	simm.s32 @!p1 $0x1082;
	[sflag:s4] =	ssyncset.s32 $0xFFFFF086  }
0x25: {  	[simem:s6], [sflag:s4] =	dma.local [hbm:s3], $0xF7A  }
0x26: {  	[smem:$0x3F9B] =	sst s1;
	(tag) =	ssettag s2;
	_ =	strace s9  }
0x27: {  	s1 =	sld [smem:$0x3FAB]  }
0x28: {  	s2 =	sld [smem:$0x3FAC]  }
0x29: {  	s4 =	sld [smem:$0x3FAE]  }
0x2a: {  	p0 =	seq.s32 s5, $0x0;
	s5 =	sld [smem:$0x3FAF]  }
0x2b: {  	s6 =	sld [smem:$0x3FB0]  }
0x2c: {  	s7 =	sld [smem:$0x3FB1]  }
0x2d: {  	s3 =	simm.s32 $0x108;
	s8 =	sld [smem:$0x3FB2]  }
0x2e: {  	s3 =	simm.s32 @!p0 $0x1082;
	s9 =	sld [smem:$0x3FB3]  }
0x2f: {  	lr =	sadd.s32 s0, s3;
	s0 =	sld [smem:$0x3FAA]  }
0x30: {  	s3 =	sld [smem:$0x3FAD]  }
0x31: {  	[smem:$0x3FB6] =	sst s10  }
0x32: {  	s10 =	sld [smem:$0x3FB4];
	_ =	sdelay $0x3  }
0x33: {  	p0 =	seq.s32 s10, $0x1;
	s10 =	sld [smem:$0x3FB6];
	_ =	sdelay $0x3  }
0x34: {  	[smem:$0x3FB6] =	sst s10  }
0x35: {  	s10 =	sld [smem:$0x3FB5];
	_ =	sdelay $0x3  }
0x36: {  	p1 =	seq.s32 s10, $0x1;
	s10 =	sld [smem:$0x3FB6];
	_ =	sdelay $0x3  }
0x37: {  	[smem:$0x3FB6] =	sst s10  }
0x38: {  	s10 =	sld [smem:$0x3FB7]  }
0x39: {  	_ = 	snop;
	(pc) =	sbr.ind lr, $3  }
0x3a: {  	_ = 	snop  }
0x3b: {  	_ = 	snop  }
0x3c: {  	p2 =	seq.s32 s10, $0x1;
	s10 =	sld [smem:$0x3FB6]  }
0x3d: {  	_ =	shalt  }
0x3e: {  	_ =	shalt  }
0x3f: {  	_ =	shalt  }
0x40: {  	_ =	shalt  }
0x41: {  	_ =	shalt  }
0x42: {  	_ =	shalt  }
0x43: {  	_ =	shalt  }
0x44: {  	_ =	shalt  }
0x45: {  	_ =	shalt  }
0x46: {  	_ =	shalt  }
0x47: {  	_ =	shalt  }
0x48: {  	_ =	shalt  }
0x49: {  	_ =	shalt  }
0x4a: {  	_ =	shalt  }
0x4b: {  	_ =	shalt  }
0x4c: {  	_ =	shalt  }
0x4d: {  	_ =	shalt  }
0x4e: {  	_ =	shalt  }
0x4f: {  	_ =	shalt  }
0x50: {  	_ =	shalt  }
0x51: {  	_ =	shalt  }
0x52: {  	_ =	shalt  }
0x53: {  	_ =	shalt  }
0x54: {  	_ =	shalt  }
0x55: {  	_ =	shalt  }
0x56: {  	_ =	shalt  }
0x57: {  	_ =	shalt  }
0x58: {  	_ =	shalt  }
0x59: {  	_ =	shalt  }
0x5a: {  	_ =	shalt  }
0x5b: {  	_ =	shalt  }
0x5c: {  	_ =	shalt  }
0x5d: {  	_ =	shalt  }
0x5e: {  	_ =	shalt  }
0x5f: {  	_ =	shalt  }
0x60: {  	_ =	shalt  }
0x61: {  	_ =	shalt  }
0x62: {  	_ =	shalt  }
0x63: {  	_ =	shalt  }
0x64: {  	_ =	shalt  }
0x65: {  	_ =	shalt  }
0x66: {  	_ =	shalt  }
0x67: {  	_ =	shalt  }
0x68: {  	_ =	shalt  }
0x69: {  	_ =	shalt  }
0x6a: {  	_ =	shalt  }
0x6b: {  	_ =	shalt  }
0x6c: {  	_ =	shalt  }
0x6d: {  	_ =	shalt  }
0x6e: {  	_ =	shalt  }
0x6f: {  	_ =	shalt  }
0x70: {  	_ =	shalt  }
0x71: {  	_ =	shalt  }
0x72: {  	_ =	shalt  }
0x73: {  	_ =	shalt  }
0x74: {  	_ =	shalt  }
0x75: {  	_ =	shalt  }
0x76: {  	_ =	shalt  }
0x77: {  	_ =	shalt  }
0x78: {  	_ =	shalt  }
0x79: {  	_ =	shalt  }
0x7a: {  	_ =	shalt  }
0x7b: {  	_ =	shalt  }
0x7c: {  	_ =	shalt  }
0x7d: {  	_ =	shalt  }
0x7e: {  	_ =	shalt  }
0x7f: {  	_ =	shalt  }
0x80: {  	_ =	shalt  }
0x81: {  	_ =	shalt  }
0x82: {  	_ =	shalt  }
0x83: {  	_ =	shalt  }
0x84: {  	_ =	shalt  }
0x85: {  	_ =	shalt  }
0x86: {  	_ =	shalt  }
0x87: {  	_ =	shalt  }
.Lfunc_end0:
.L_simem_size_0:
called_computation.2_lowered:
.L_overlay_start_0:
0x88: {  	s2 =	sld [smem:$0x3FD9]  }
0x89: {  	s3 =	sld [smem:$0x3FFE];
	_ =	sdelay $0x1  }
0x8a: {  	s1 =	srdreg.scid  }
0x8b: {  	s0 =	sand.u32 $0x1, s1  }
0x8c: {  	s14 =	sshll.u32 s0, $0xA;
	s2 =	sadd.s32 s3, s2  }
0x8d: {  	s2 =	sadd.s32 s2, s14  }
0x8e: {  	[smem:$0x3FC2] =	sst s2  }
0x8f: {  	_ = 	snop  }
0x90: {  	s2 =	sld [smem:$0x3FD0];
	_ =	sdelay $0x2  }
0x91: {  	s15 =	simm.s32 $0xA;
	s4 =	simm.s32 $0x10  }
0x92: {  	[smem:s4], [sflag:s15] =	dma.local [hbm:s2], $0x1  }
0x93: {  	_ =	swait.eq [sflag:s15], $0x1  }
0x94: {  	[sflag:s15] =	ssyncset.done $0x0  }
0x95: {  	s16 =	sld [smem:$0x10];
	[sflag:s15] =	ssyncadd.s32 $0xFFFFFFFF  }
0x96: {  	s17 =	sld [smem:$0x11];
	(tm) =	ssettm $0x1  }
0x97: {  	s18 =	sld [smem:$0x3FFB];
	_ =	sdelay $0x3  }
0x98: {  	_ =	strace s18  }
0x99: {  	s4 =	sld [smem:$0x3FFC];
	_ =	sdelay $0x3  }
0x9a: {  	_ =	strace s4  }
0x9b: {  	s4 =	sld [smem:$0x3FFD];
	_ =	sdelay $0x3  }
0x9c: {  	_ =	strace s4  }
0x9d: {  	_ =	strace $0x8FFFFFFF  }
0x9e: {  	s19 =	sld [smem:$0x3FDB];
	_ =	sdelay $0x1  }
0x9f: {  	s5 =	simm.s32 $_scs_section_size  }
0xa0: {  	s6 =	simm.s32 $_size__tile_overlayer_lowered;
	s7 =	simm.s32 $_tile_overlayer_lowered  }
0xa1: {  	s22 =	simm.s32 $0x1BFF;
	s21 =	sshll.u32 s7, $0x1;
	s4 =	sadd.s32 s5, s19  }
0xa2: {  	s8 =	simm.s32 $0x0;
	s20 =	sshll.u32 s6, $0x1;
	s6 =	sadd.s32 s21, s4  }
0xa3: {  	[timem:s8], [sflag:s22] =	dma.local [hbm:s6], s20  }
0xa4: {  	_ =	swait.ge [sflag:s22], s20  }
0xa5: {  	s5 =	ssub.s32 $0x0, s20;
	[sflag:s22] =	ssyncset.done $0x0  }
0xa6: {  	[sflag:s22] =	ssyncadd.s32 s5;
	_ =	sdelay $0x1  }
0xa7: {  	s23 =	simm.s32 $0x1B8B  }
0xa8: {  	_ =	swait.ge [sflag:s23], $0x1  }
0xa9: {  	[sflag:s23] =	ssyncset.done $0x0  }
0xaa: {  	s25 =	simm.s32 $0x1B8E;
	s24 =	sld [smem:$0x3FFE];
	[sflag:s23] =	ssyncadd.s32 $0xFFFFFFFF  }
0xab: {  	s26 =	simm.s32 $execute0_lowered;
	[smem:$0x3FD2] =	sst s25  }
0xac: {  	s6 =	sshll.u32 s26, $0x1;
	_ =	strace $0x8000004C;
	[dreg:$0x1] =	wrdreg $0xFFFFFFFF  }
0xad: {  	s28 =	simm.s32 $_size_execute0_lowered;
	s4 =	sadd.s32 s4, s6;
	[dreg:$0x0] =	wrdreg $0x0  }
0xae: {  	s6 =	sshll.u32 s28, $0x1;
	[dreg:$0x2] =	wrdreg s4  }
0xaf: {  	[dreg:$0x3] =	wrdreg s6  }
0xb0: {  	[dreg:$0x4] =	wrdreg $0xC0  }
0xb1: {  	_ =	task [dreg:s8], $0x5FFFF  }
0xb2: {  	[dreg:$0x1] =	wrdreg $0xFFFFFFFF  }
0xb3: {  	[dreg:$0x0] =	wrdreg $0x60  }
0xb4: {  	[dreg:$0x2] =	wrdreg s24  }
0xb5: {  	[dreg:$0x3] =	wrdreg s16  }
0xb6: {  	[dreg:$0x4] =	wrdreg s17  }
0xb7: {  	[dreg:$0x5] =	wrdreg $0xB1000  }
0xb8: {  	[dreg:$0x6] =	wrdreg $0x9  }
0xb9: {  	_ =	task.clear_ibuf [dreg:s8], $0x7FFFF;
	_ =	strace $0x9000004C  }
0xba: {  	s29 =	simm.s32 $0x9;
	_ =	strace $0x8000004E  }
0xbb: {  	_ =	swait.ge [sflag:s29], $0x1  }
0xbc: {  	[sflag:s29] =	ssyncadd.s32 $0xFFFFFFFF  }
0xbd: {  	_ =	strace $0x9000004E  }
0xbe: {  	_ =	sfence  }
0xbf: {  	s30 =	sld [smem:$0x0];
	_ =	sdelay $0x2  }
0xc0: {  	s31 =	sshll.u32 s1, $0xD;
	s1 =	sshrl.u32 s1, $0x2  }
0xc1: {  	s3 =	sand.u32 $0x4000, s31;
	s1 =	sadd.s32 s1, s30  }
0xc2: {  	s0 =	sor.u32 s3, s0;
	s1 =	sshll.u32 s1, $0x11  }
0xc3: {  	s0 =	sor.u32 s1, s0  }
0xc4: {  	s0 =	sadd.s32 $0x8F2B, s0  }
0xc5: {  	[sflag:s0] =	ssyncadd.remote.s32 $0x1  }
0xc6: {  	_ =	sfence.sel $0xFFFF  }
0xc7: {  	[dreg:$0x0] =	wrdreg $0xFFFFFFFF;
	(pc) =	sbr.abs _section_cstart, $3  }
0xc8: {  	[dreg:$0x1] =	wrdreg $0xFFFFFFFF  }
0xc9: {  	_ =	task.clear_ibuf [dreg:s8], $0x2FFFF;
	_ =	strace $0x9FFFFFFF  }
0xca: {  	(tm) =	ssettm $0x7FFFFFFF  }
0xcb: {  	_ =	shalt  }
tec
execute0_lowered:
.L_overlay_start_1:
0x0: {  	(tag) =	ssettag $0x1  }
0x1: {  	s0 =	rddreg [dreg:$0x0]  }
0x2: {  	s2 =	rddreg [dreg:$0x1]  }
0x3: {  	s10 =	rddreg [dreg:$0x2]  }
0x4: {  	s1 =	rddreg [dreg:$0x3]  }
0x5: {  	s3 =	simm.s32 $0x0;
	s4 =	srdreg.scid;
	s7 =	stileid.u32  }
0x6: {  	s19 =	simm.s32 $0x9;
	s20 =	simm.s32 $0x2880;
	s28 =	simm.s32 $0x9900  }
0x7: {  	s29 =	simm.s32 $0x2;
	s31 =	simm.s32 $0x5;
	s30 =	simm.s32 $0x8  }
0x8: {  	[smem:$0x7FF] =	sst s3;
	s8 =	sand.u32 $0x1, s4;
	s4 =	sadd.s32 $0x1800, s0  }
0x9: {  	s11 =	smul.u32 $0x7800, s7;
	s0 =	sadd.s32 $0x10800, s0;
	s7 =	sshll.u32 s7, $0x1  }
0xa: {  	_ =	strace $0x8000004D;
	s5 =	ssub.s32 $0x2, s8;
	s9 =	sor.u32 s8, s7  }
0xb: {  	s16 =	smul.u32 $0x78000, s8;
	s6 =	sshrl.u32 s5, $0x1;
	s13 =	sadd.s32 $0x1800, s11  }
0xc: {  	s14 =	sadd.s32 $0x3000, s11;
	s15 =	sadd.s32 $0x4800, s11;
	s17 =	sadd.s32 $0x6000, s11  }
0xd: {  	s18 =	smul.u32 $0x510, s9;
	s12 =	ssub.s32 s5, s6;
	s5 =	sadd.s32 s11, s1  }
0xe: {  	s6 =	sadd.s32 s13, s1;
	s7 =	sadd.s32 s14, s1;
	s8 =	sadd.s32 s15, s1  }
0xf: {  	s9 =	sadd.s32 s17, s1;
	s11 =	sadd.s32 s11, s16;
	s13 =	sadd.s32 s16, s13  }
0x10: {  	s24 =	sadd.s32 s16, s14;
	s25 =	sadd.s32 s16, s15;
	s26 =	sadd.s32 s16, s17  }
0x11: {  	s2 =	sadd.s32 s2, s18;
	s21 =	sshrl.u32 s11, $0x3;
	s22 =	sshrl.u32 s13, $0x3  }
0x12: {  	s10 =	sadd.s32 s10, s18;
	s11 =	sshrl.u32 s26, $0x3;
	s17 =	smax.u32 s12, $0x1  }
0x13: {  	s18 =	simm.s32 $0x5100;
	s26 =	simm.s32 $0x7;
	[dreg:$0x5] =	wrdreg s2  }
0x14: {  	[dreg:$0x6] =	wrdreg s10;
	s2 =	sadd.s32 s0, s21;
	s23 =	sadd.s32 s0, s22  }
0x15: {  	s10 =	sshrl.u32 s25, $0x3;
	s16 =	sadd.s32 s0, s11;
	s21 =	simm.s32 $0x80  }
0x16: {  	s22 =	simm.s32 $0x6900;
	s25 =	simm.s32 $0x1;
	[dreg:$0x7] =	wrdreg s2  }
0x17: {  	[dreg:$0x8] =	wrdreg s23;
	s2 =	sshrl.u32 s24, $0x3;
	s15 =	sadd.s32 s0, s10  }
0x18: {  	s24 =	simm.s32 $0x8100;
	s23 =	simm.s32 $0x4;
	s10 =	simm.s32 $0x0  }
0x19: {  	v0 =	vimm.f32 $0.0e+00;
	s14 =	sadd.s32 s0, s2;
	s0 =	simm.s32 $0x3;
	s2 =	simm.s32 $0x6  }
.LBB2_1:
0x1a: {  	s11 =	simm.s32 $0xC0;
	s12 =	simm.s32 $0x0  }
.LBB2_2:
0x1b: {  	p0 =	sne.s32 s11, $0x5F40;
	[tilespmem:s12+$0x5120] =	vst v0;
	s13 =	smov.u32 s11;
	s11 =	sadd.s32 $0xC0, s11  }
.Ltmp0:
0x1c: {  	[tilespmem:s12+$0x5100] =	vst v0;
	(pc) =	sbr.rel @p0 .LBB2_2-.Ltmp0, $2  }
0x1d: {  	[tilespmem:s12+$0x5110] =	vst v0;
	_ =	sdelay $0x2  }
0x1e: {  	s12 =	sshra.s32 s13, $0x2  }
0x1f: {  	[tilespmem:s12+$0x5120] =	vst v0  }
0x20: {  	[tilespmem:s12+$0x5100] =	vst v0  }
0x21: {  	[tilespmem:s12+$0x5110] =	vst v0  }
0x22: {  	[spmem:s5] =	stream.linear.scatter [tilespmem:s18], [sflag:$0x9], $0x1800, $0x38;
	[tilespmem:$0x12900] =	vst v63  }
0x23: {  	_ =	swait.ge [sflag:s19], $0x1800  }
0x24: {  	[sflag:s19] =	ssyncset.done $0x0  }
0x25: {  	[sflag:s19] =	ssyncadd.s32 $0xFFFFE800  }
0x26: {  	[spmem:s6] =	stream.linear.scatter [tilespmem:s18], [sflag:$0x9], $0x1800, $0x38;
	[tilespmem:$0x12900] =	vst v63  }
0x27: {  	_ =	swait.ge [sflag:s19], $0x1800  }
0x28: {  	[sflag:s19] =	ssyncset.done $0x0  }
0x29: {  	[sflag:s19] =	ssyncadd.s32 $0xFFFFE800  }
0x2a: {  	[spmem:s7] =	stream.linear.scatter [tilespmem:s18], [sflag:$0x9], $0x1800, $0x38;
	[tilespmem:$0x12900] =	vst v63  }
0x2b: {  	_ =	swait.ge [sflag:s19], $0x1800  }
0x2c: {  	[sflag:s19] =	ssyncset.done $0x0  }
0x2d: {  	[sflag:s19] =	ssyncadd.s32 $0xFFFFE800  }
0x2e: {  	[spmem:s8] =	stream.linear.scatter [tilespmem:s18], [sflag:$0x9], $0x1800, $0x38;
	[tilespmem:$0x12900] =	vst v63  }
0x2f: {  	_ =	swait.ge [sflag:s19], $0x1800  }
0x30: {  	[sflag:s19] =	ssyncset.done $0x0  }
0x31: {  	[sflag:s19] =	ssyncadd.s32 $0xFFFFE800  }
0x32: {  	[spmem:s9] =	stream.linear.scatter [tilespmem:s18], [sflag:$0x9], $0x1800, $0x38;
	[tilespmem:$0x12900] =	vst v63  }
0x33: {  	_ =	swait.ge [sflag:s19], $0x1800  }
0x34: {  	[sflag:s19] =	ssyncset.done $0x0  }
0x35: {  	[sflag:s19] =	ssyncadd.s32 $0xFFFFE800  }
0x36: {  	[bflag:$0x0] =	sbarrier.arrive $0xFFFF  }
0x37: {  	s11 =	simm.s32 $0x0;
	s13 =	rddreg [dreg:$0x5]  }
0x38: {  	[tilespmem:s11], [sflag:$0x9] =	stream.linear.gather [hbm4b:s13+s11], $0x2880, $0x38;
	[tilespmem:$0x12900] =	vst v63  }
0x39: {  	_ =	swait.ge [sflag:s19], $0x2880  }
0x3a: {  	[sflag:s19] =	ssyncset.done $0x0  }
0x3b: {  	s13 =	rddreg [dreg:$0x6];
	[sflag:s19] =	ssyncadd.s32 $0xFFFFD780  }
0x3c: {  	[tilespmem:s20], [sflag:$0x9] =	stream.linear.gather [hbm4b:s13+s11], $0x2880, $0x38;
	[tilespmem:$0x12900] =	vst v63  }
0x3d: {  	_ =	swait.ge [sflag:s19], $0x2880  }
0x3e: {  	[sflag:s19] =	ssyncset.done $0x0  }
0x3f: {  	[sflag:s19] =	ssyncadd.s32 $0xFFFFD780  }
0x40: {  	[tilespmem:s18], [sflag:$0x1] =	stream.indirect.gather [hbm4b:s4+s21], $0x30, s11, s21, $0xb8;
	[tilespmem:$0x12900] =	vst v63  }
0x41: {  	_ = 	snop  }
0x42: {  	[tilespmem:s22], [sflag:$0x2] =	stream.indirect.gather [hbm4b:s4+s21], $0x30, s21, s21, $0xb8;
	[tilespmem:$0x12900] =	vst v63  }
0x43: {  	s12 =	simm.s32 $0x100  }
0x44: {  	[tilespmem:s24], [sflag:$0x3] =	stream.indirect.gather [hbm4b:s4+s21], $0x30, s12, s21, $0xb8;
	[tilespmem:$0x12900] =	vst v63  }
0x45: {  	_ =	swait.ge [sflag:s25], $0x1800  }
0x46: {  	[sflag:s25] =	ssyncset.done $0x0  }
0x47: {  	[sflag:s25] =	ssyncadd.s32 $0xFFFFE800  }
0x48: {  	[spmem:s1] =	stream.indirect.scatter.add.f32 [tilespmem:s18], [sflag:$0x5], $0x30, s20, s21, $0xb8;
	[tilespmem:$0x12900] =	vst v63  }
0x49: {  	s13 =	simm.s32 $0x180  }
0x4a: {  	[tilespmem:s28], [sflag:$0x4] =	stream.indirect.gather [hbm4b:s4+s21], $0x30, s13, s21, $0xb8;
	[tilespmem:$0x12900] =	vst v63  }
0x4b: {  	_ =	swait.ge [sflag:s29], $0x1800  }
0x4c: {  	[sflag:s29] =	ssyncset.done $0x0  }
0x4d: {  	s12 =	simm.s32 $0x2900;
	[sflag:s29] =	ssyncadd.s32 $0xFFFFE800  }
0x4e: {  	[spmem:s1] =	stream.indirect.scatter.add.f32 [tilespmem:s22], [sflag:$0x6], $0x30, s12, s21, $0xb8;
	[tilespmem:$0x12900] =	vst v63  }
0x4f: {  	_ =	swait.ge [sflag:s31], $0x1800  }
0x50: {  	[sflag:s31] =	ssyncset.done $0x0  }
0x51: {  	s13 =	simm.s32 $0x200;
	[sflag:s31] =	ssyncadd.s32 $0xFFFFE800  }
0x52: {  	[tilespmem:s18], [sflag:$0x1] =	stream.indirect.gather [hbm4b:s4+s21], $0x30, s13, s21, $0xb8;
	[tilespmem:$0x12900] =	vst v63  }
0x53: {  	_ =	swait.ge [sflag:s0], $0x1800  }
0x54: {  	[sflag:s0] =	ssyncset.done $0x0  }
0x55: {  	s12 =	simm.s32 $0x2980;
	[sflag:s0] =	ssyncadd.s32 $0xFFFFE800  }
0x56: {  	[spmem:s1] =	stream.indirect.scatter.add.f32 [tilespmem:s24], [sflag:$0x7], $0x30, s12, s21, $0xb8;
	[tilespmem:$0x12900] =	vst v63  }
0x57: {  	_ =	swait.ge [sflag:s2], $0x1800  }
0x58: {  	[sflag:s2] =	ssyncset.done $0x0  }
0x59: {  	s13 =	simm.s32 $0x280;
	[sflag:s2] =	ssyncadd.s32 $0xFFFFE800  }
0x5a: {  	[tilespmem:s22], [sflag:$0x2] =	stream.indirect.gather [hbm4b:s4+s21], $0x30, s13, s21, $0xb8;
	[tilespmem:$0x12900] =	vst v63  }
0x5b: {  	_ =	swait.ge [sflag:s23], $0x1800  }
0x5c: {  	[sflag:s23] =	ssyncset.done $0x0  }
0x5d: {  	s12 =	simm.s32 $0x2A00;
	[sflag:s23] =	ssyncadd.s32 $0xFFFFE800  }
0x5e: {  	[spmem:s1] =	stream.indirect.scatter.add.f32 [tilespmem:s28], [sflag:$0x8], $0x30, s12, s21, $0xb8;
	[tilespmem:$0x12900] =	vst v63  }
0x5f: {  	_ =	swait.ge [sflag:s26], $0x1800  }
0x60: {  	[sflag:s26] =	ssyncset.done $0x0  }
0x61: {  	s13 =	simm.s32 $0x300;
	[sflag:s26] =	ssyncadd.s32 $0xFFFFE800  }
0x62: {  	[tilespmem:s24], [sflag:$0x3] =	stream.indirect.gather [hbm4b:s4+s21], $0x30, s13, s21, $0xb8;
	[tilespmem:$0x12900] =	vst v63  }
0x63: {  	_ =	swait.ge [sflag:s25], $0x1800  }
0x64: {  	[sflag:s25] =	ssyncset.done $0x0  }
0x65: {  	s12 =	simm.s32 $0x2A80;
	[sflag:s25] =	ssyncadd.s32 $0xFFFFE800  }
0x66: {  	[spmem:s1] =	stream.indirect.scatter.add.f32 [tilespmem:s18], [sflag:$0x5], $0x30, s12, s21, $0xb8;
	[tilespmem:$0x12900] =	vst v63  }
0x67: {  	_ =	swait.ge [sflag:s30], $0x1800  }
0x68: {  	[sflag:s30] =	ssyncset.done $0x0  }
0x69: {  	s13 =	simm.s32 $0x380;
	[sflag:s30] =	ssyncadd.s32 $0xFFFFE800  }
0x6a: {  	[tilespmem:s28], [sflag:$0x4] =	stream.indirect.gather [hbm4b:s4+s21], $0x30, s13, s21, $0xb8;
	[tilespmem:$0x12900] =	vst v63  }
0x6b: {  	_ =	swait.ge [sflag:s29], $0x1800  }
0x6c: {  	[sflag:s29] =	ssyncset.done $0x0  }
0x6d: {  	s11 =	simm.s32 $0x800;
	s12 =	simm.s32 $0x2B00;
	[sflag:s29] =	ssyncadd.s32 $0xFFFFE800  }
.LBB2_4:
0x6e: {  	[spmem:s1] =	stream.indirect.scatter.add.f32 [tilespmem:s22], [sflag:$0x6], $0x30, s12, s21, $0xb8;
	[tilespmem:$0x12900] =	vst v63  }
0x6f: {  	s12 =	smov.u32 s11  }
0x70: {  	p0 =	sne.s32 s11, $0x9000;
	s11 =	sadd.s32 $0x800, s11;
	_ =	swait.ge [sflag:s31], $0x1800  }
0x71: {  	s12 =	sshra.s32 s12, $0x2;
	[sflag:s31] =	ssyncset.done $0x0  }
0x72: {  	s13 =	sadd.s32 $0x200, s12;
	[sflag:s31] =	ssyncadd.s32 $0xFFFFE800  }
0x73: {  	[tilespmem:s18], [sflag:$0x1] =	stream.indirect.gather [hbm4b:s4+s21], $0x30, s13, s21, $0xb8;
	[tilespmem:$0x12900] =	vst v63  }
0x74: {  	_ =	swait.ge [sflag:s0], $0x1800  }
0x75: {  	[sflag:s0] =	ssyncset.done $0x0  }
0x76: {  	s13 =	sadd.s32 $0x2980, s12;
	[sflag:s0] =	ssyncadd.s32 $0xFFFFE800  }
0x77: {  	[spmem:s1] =	stream.indirect.scatter.add.f32 [tilespmem:s24], [sflag:$0x7], $0x30, s13, s21, $0xb8;
	[tilespmem:$0x12900] =	vst v63  }
0x78: {  	_ =	swait.ge [sflag:s2], $0x1800  }
0x79: {  	[sflag:s2] =	ssyncset.done $0x0  }
0x7a: {  	s13 =	sadd.s32 $0x280, s12;
	[sflag:s2] =	ssyncadd.s32 $0xFFFFE800  }
0x7b: {  	[tilespmem:s22], [sflag:$0x2] =	stream.indirect.gather [hbm4b:s4+s21], $0x30, s13, s21, $0xb8;
	[tilespmem:$0x12900] =	vst v63  }
0x7c: {  	_ =	swait.ge [sflag:s23], $0x1800  }
0x7d: {  	[sflag:s23] =	ssyncset.done $0x0  }
0x7e: {  	s13 =	sadd.s32 $0x2A00, s12;
	[sflag:s23] =	ssyncadd.s32 $0xFFFFE800  }
0x7f: {  	[spmem:s1] =	stream.indirect.scatter.add.f32 [tilespmem:s28], [sflag:$0x8], $0x30, s13, s21, $0xb8;
	[tilespmem:$0x12900] =	vst v63  }
0x80: {  	_ =	swait.ge [sflag:s26], $0x1800  }
0x81: {  	[sflag:s26] =	ssyncset.done $0x0  }
0x82: {  	s13 =	sadd.s32 $0x300, s12;
	[sflag:s26] =	ssyncadd.s32 $0xFFFFE800  }
0x83: {  	[tilespmem:s24], [sflag:$0x3] =	stream.indirect.gather [hbm4b:s4+s21], $0x30, s13, s21, $0xb8;
	[tilespmem:$0x12900] =	vst v63  }
0x84: {  	_ =	swait.ge [sflag:s25], $0x1800  }
0x85: {  	[sflag:s25] =	ssyncset.done $0x0  }
0x86: {  	s13 =	sadd.s32 $0x2A80, s12;
	[sflag:s25] =	ssyncadd.s32 $0xFFFFE800  }
0x87: {  	[spmem:s1] =	stream.indirect.scatter.add.f32 [tilespmem:s18], [sflag:$0x5], $0x30, s13, s21, $0xb8;
	[tilespmem:$0x12900] =	vst v63  }
0x88: {  	_ =	swait.ge [sflag:s30], $0x1800  }
0x89: {  	[sflag:s30] =	ssyncset.done $0x0  }
.Ltmp1:
0x8a: {  	s13 =	sadd.s32 $0x380, s12;
	[sflag:s30] =	ssyncadd.s32 $0xFFFFE800;
	(pc) =	sbr.rel @p0 .LBB2_4-.Ltmp1, $4  }
0x8b: {  	[tilespmem:s28], [sflag:$0x4] =	stream.indirect.gather [hbm4b:s4+s21], $0x30, s13, s21, $0xb8;
	[tilespmem:$0x12900] =	vst v63  }
0x8c: {  	_ =	swait.ge [sflag:s29], $0x1800  }
0x8d: {  	[sflag:s29] =	ssyncset.done $0x0  }
0x8e: {  	s12 =	sadd.s32 $0x2B00, s12;
	[sflag:s29] =	ssyncadd.s32 $0xFFFFE800  }
0x8f: {  	[spmem:s1] =	stream.indirect.scatter.add.f32 [tilespmem:s22], [sflag:$0x6], $0x30, s12, s21, $0xb8;
	[tilespmem:$0x12900] =	vst v63  }
0x90: {  	_ =	swait.ge [sflag:s31], $0x1800  }
0x91: {  	[sflag:s31] =	ssyncset.done $0x0  }
0x92: {  	s11 =	simm.s32 $0x2800;
	[sflag:s31] =	ssyncadd.s32 $0xFFFFE800  }
0x93: {  	[tilespmem:s18], [sflag:$0x1] =	stream.indirect.gather [hbm4b:s4+s21], $0x30, s11, s21, $0xb8;
	[tilespmem:$0x12900] =	vst v63  }
0x94: {  	_ =	swait.ge [sflag:s0], $0x1800  }
0x95: {  	[sflag:s0] =	ssyncset.done $0x0  }
0x96: {  	s13 =	simm.s32 $0x4F80;
	[sflag:s0] =	ssyncadd.s32 $0xFFFFE800  }
0x97: {  	[spmem:s1] =	stream.indirect.scatter.add.f32 [tilespmem:s24], [sflag:$0x7], $0x30, s13, s21, $0xb8;
	[tilespmem:$0x12900] =	vst v63  }
0x98: {  	_ =	swait.ge [sflag:s2], $0x1800  }
0x99: {  	[sflag:s2] =	ssyncset.done $0x0  }
0x9a: {  	[sflag:s2] =	ssyncadd.s32 $0xFFFFE800  }
0x9b: {  	_ =	swait.ge [sflag:s23], $0x1800  }
0x9c: {  	[sflag:s23] =	ssyncset.done $0x0  }
0x9d: {  	s12 =	simm.s32 $0x5000;
	[sflag:s23] =	ssyncadd.s32 $0xFFFFE800  }
0x9e: {  	[spmem:s1] =	stream.indirect.scatter.add.f32 [tilespmem:s28], [sflag:$0x8], $0x30, s12, s21, $0xb8;
	[tilespmem:$0x12900] =	vst v63  }
0x9f: {  	_ =	swait.ge [sflag:s26], $0x1800  }
0xa0: {  	[sflag:s26] =	ssyncset.done $0x0  }
0xa1: {  	[sflag:s26] =	ssyncadd.s32 $0xFFFFE800  }
0xa2: {  	_ =	swait.ge [sflag:s25], $0x1800  }
0xa3: {  	[sflag:s25] =	ssyncset.done $0x0  }
0xa4: {  	s13 =	simm.s32 $0x5080;
	[sflag:s25] =	ssyncadd.s32 $0xFFFFE800  }
0xa5: {  	[spmem:s1] =	stream.indirect.scatter.add.f32 [tilespmem:s18], [sflag:$0x5], $0x30, s13, s21, $0xb8;
	[tilespmem:$0x12900] =	vst v63  }
0xa6: {  	_ =	swait.ge [sflag:s30], $0x1800  }
0xa7: {  	[sflag:s30] =	ssyncset.done $0x0  }
0xa8: {  	[sflag:s30] =	ssyncadd.s32 $0xFFFFE800  }
0xa9: {  	_ =	swait.ge [sflag:s31], $0x1800  }
0xaa: {  	[sflag:s31] =	ssyncset.done $0x0  }
0xab: {  	[sflag:s31] =	ssyncadd.s32 $0xFFFFE800  }
0xac: {  	[bflag:$0x0] =	sbarrier.arrive $0xFFFF  }
0xad: {  	[tilespmem:s18], [sflag:$0x9] =	stream.linear.gather [spmem:s5], $0x1800, $0x38;
	[tilespmem:$0x12900] =	vst v63  }
0xae: {  	_ =	swait.ge [sflag:s19], $0x1800  }
0xaf: {  	[sflag:s19] =	ssyncset.done $0x0  }
0xb0: {  	s12 =	rddreg [dreg:$0x7];
	[sflag:s19] =	ssyncadd.s32 $0xFFFFE800  }
0xb1: {  	[hbm4b:s12+s3] =	stream.linear.scatter [tilespmem:s18], [sflag:$0x9], $0x1800, $0x38;
	[tilespmem:$0x12900] =	vst v63  }
0xb2: {  	_ =	swait.ge [sflag:s19], $0x1800  }
0xb3: {  	[sflag:s19] =	ssyncset.done $0x0  }
0xb4: {  	[sflag:s19] =	ssyncadd.s32 $0xFFFFE800  }
0xb5: {  	[tilespmem:s18], [sflag:$0x9] =	stream.linear.gather [spmem:s6], $0x1800, $0x38;
	[tilespmem:$0x12900] =	vst v63  }
0xb6: {  	_ =	swait.ge [sflag:s19], $0x1800  }
0xb7: {  	[sflag:s19] =	ssyncset.done $0x0  }
0xb8: {  	s13 =	rddreg [dreg:$0x8];
	[sflag:s19] =	ssyncadd.s32 $0xFFFFE800  }
0xb9: {  	[hbm4b:s13+s3] =	stream.linear.scatter [tilespmem:s18], [sflag:$0x9], $0x1800, $0x38;
	[tilespmem:$0x12900] =	vst v63  }
0xba: {  	_ =	swait.ge [sflag:s19], $0x1800  }
0xbb: {  	[sflag:s19] =	ssyncset.done $0x0  }
0xbc: {  	[sflag:s19] =	ssyncadd.s32 $0xFFFFE800  }
0xbd: {  	[tilespmem:s18], [sflag:$0x9] =	stream.linear.gather [spmem:s7], $0x1800, $0x38;
	[tilespmem:$0x12900] =	vst v63  }
0xbe: {  	_ =	swait.ge [sflag:s19], $0x1800  }
0xbf: {  	[sflag:s19] =	ssyncset.done $0x0  }
0xc0: {  	[sflag:s19] =	ssyncadd.s32 $0xFFFFE800  }
0xc1: {  	[hbm4b:s14+s3] =	stream.linear.scatter [tilespmem:s18], [sflag:$0x9], $0x1800, $0x38;
	[tilespmem:$0x12900] =	vst v63  }
0xc2: {  	_ =	swait.ge [sflag:s19], $0x1800  }
0xc3: {  	[sflag:s19] =	ssyncset.done $0x0  }
0xc4: {  	[sflag:s19] =	ssyncadd.s32 $0xFFFFE800  }
0xc5: {  	[tilespmem:s18], [sflag:$0x9] =	stream.linear.gather [spmem:s8], $0x1800, $0x38;
	[tilespmem:$0x12900] =	vst v63  }
0xc6: {  	_ =	swait.ge [sflag:s19], $0x1800  }
0xc7: {  	[sflag:s19] =	ssyncset.done $0x0  }
0xc8: {  	[sflag:s19] =	ssyncadd.s32 $0xFFFFE800  }
0xc9: {  	[hbm4b:s15+s3] =	stream.linear.scatter [tilespmem:s18], [sflag:$0x9], $0x1800, $0x38;
	[tilespmem:$0x12900] =	vst v63  }
0xca: {  	_ =	swait.ge [sflag:s19], $0x1800  }
0xcb: {  	[sflag:s19] =	ssyncset.done $0x0  }
0xcc: {  	[sflag:s19] =	ssyncadd.s32 $0xFFFFE800  }
0xcd: {  	[tilespmem:s18], [sflag:$0x9] =	stream.linear.gather [spmem:s9], $0x1800, $0x38;
	[tilespmem:$0x12900] =	vst v63  }
0xce: {  	s10 =	sadd.s32 $0x1, s10;
	_ =	swait.ge [sflag:s19], $0x1800  }
0xcf: {  	p0 =	sne.s32 s10, s17;
	[sflag:s19] =	ssyncset.done $0x0  }
.Ltmp2:
0xd0: {  	[sflag:s19] =	ssyncadd.s32 $0xFFFFE800;
	(pc) =	sbr.rel @p0 .LBB2_1-.Ltmp2, $4  }
0xd1: {  	[hbm4b:s16+s3] =	stream.linear.scatter [tilespmem:s18], [sflag:$0x9], $0x1800, $0x38;
	[tilespmem:$0x12900] =	vst v63  }
0xd2: {  	_ =	swait.ge [sflag:s19], $0x1800  }
0xd3: {  	[sflag:s19] =	ssyncset.done $0x0  }
0xd4: {  	[sflag:s19] =	ssyncadd.s32 $0xFFFFE800  }
0xd5: {  	_ =	sfence.sel $0x180000  }
0xd6: {  	[bflag:$0x0] =	sbarrier.arrive $0xFFFF  }
0xd7: {  	_ =	strace $0x9000004D  }
0xd8: {  	s0 =	stileid.u32;
	[bflag:$0x2] =	sbarrier.arrive $0xFFFF  }
0xd9: {  	p0 =	sne.s32 s0, $0x0;
	s0 =	rddreg [dreg:$0x4]  }
0xda: {  	s0 =	sadd.s32 @!p0 $0x100000, s0  }
0xdb: {  	[sflag:s0] =	ssyncadd.tile.s32 @!p0 $0x1;
	_ =	shalt  }
.Lfunc_end2:
_tile_overlayer_lowered:
.L_overlay_start_2:
0xdc: {  	(tag) =	ssettag $0x2  }
0xdd: {  	s0 =	rddreg [dreg:$0x0];
	s2 =	stileid.u32  }
0xde: {  	s1 =	rddreg [dreg:$0x1];
	p0 =	sne.s32 s2, $0x0  }
0xdf: {  	s3 =	rddreg [dreg:$0x2];
	[bflag:$0x3] =	sbarrier.arrive $0xFFFF;
	s2 =	simm.s32 @!p0 $0x1C09  }
0xe0: {  	[timem:s3], [sflag:s2] =	dma.local @!p0 [hbm:s0], s1  }
0xe1: {  	s0 =	simm.s32 @!p0 $0x9  }
0xe2: {  	_ =	swait.ge @!p0 [sflag:s0], s1  }
0xe3: {  	s1 =	ssub.s32 @!p0 $0x0, s1;
	[sflag:s0] =	ssyncset.done @!p0 $0x0  }
0xe4: {  	[sflag:s0] =	ssyncadd.s32 @!p0 s1  }
0xe5: {  	[bflag:$0x3] =	sbarrier.arrive $0xFFFF  }
0xe6: {  	_ =	shalt  }

// kernel: kernel.9.cloned.1.call-start
scs
__scs_entry_jumppad:
0x0: {  	(pc) =	sbr.rel $0x88, $3  }
0x1: {  	(tag) =	ssettag $0x0;
	lr =	simm.s32 $0x1  }
0x2: {  	[smem:$0x3F9B] =	sst lr;
	_ =	strace $0xD0000000  }
0x3: {  	_ = 	snop  }
0x4: {  	_ = 	snop  }
0x5: {  	_ = 	snop  }
0x6: {  	_ = 	snop  }
0x7: {  	_ = 	snop  }
__scs_overlays_trampoline_lowered:
0x8: {  	[smem:$0x3FAA] =	sst s0  }
0x9: {  	[smem:$0x3FAB] =	sst s1  }
0xa: {  	[smem:$0x3FAC] =	sst s2  }
0xb: {  	[smem:$0x3FAD] =	sst s3  }
0xc: {  	[smem:$0x3FAE] =	sst s4  }
0xd: {  	[smem:$0x3FAF] =	sst s5  }
0xe: {  	[smem:$0x3FB0] =	sst s6  }
0xf: {  	[smem:$0x3FB1] =	sst s7  }
0x10: {  	[smem:$0x3FB2] =	sst s8  }
0x11: {  	[smem:$0x3FB3] =	sst s9;
	s0 =	simm.s32 @!p0 $0x0  }
0x12: {  	s1 =	sld [smem:$0x3F99];
	s0 =	simm.s32 @p0 $0x1  }
0x13: {  	[smem:$0x3FB4] =	sst s0;
	s0 =	simm.s32 @!p1 $0x0  }
0x14: {  	s2 =	sld [smem:$0x3F98];
	s0 =	simm.s32 @p1 $0x1  }
0x15: {  	[smem:$0x3FB5] =	sst s0;
	s0 =	simm.s32 @!p2 $0x0  }
0x16: {  	s3 =	sld [smem:$0x3FDB];
	s0 =	simm.s32 @p2 $0x1  }
0x17: {  	s4 =	simm.s32 $0x1BF5;
	[smem:$0x3FB7] =	sst s0  }
0x18: {  	s0 =	sld [smem:$0x3F9A];
	_ =	swait.ge [sflag:s4], $0x0  }
0x19: {  	s7 =	sld [smem:$0x3F9B]  }
0x1a: {  	s8 =	sadd.s32 $0xFFFFE003, lr  }
0x1b: {  	s9 =	sadd.s32 $0xFFFFFEF7, lr;
	s5 =	simm.s32 $0xFFFFFFFF;
	p2 =	slt.u32 s8, $0xFFFFF086  }
0x1c: {  	p1 =	slt.u32 s9, $0xF7A;
	s5 =	simm.s32 @!p2 $0x0  }
0x1d: {  	s5 =	simm.s32 @p1 $0x1;
	p0 =	seq.s32 s7, s2  }
0x1e: {  	s7 =	smul.u32 @!p0 $0xF7A, s2;
	p2 =	seq.s32 @!p0 s5, $0x0  }
0x1f: {  	s9 =	smul.u32 $0xF7A, s1;
	s8 =	simm.s32 @!p0 $0x1BF5;
	p2 =	por !p2, p0  }
0x20: {  	[sflag:s8] =	ssyncset.s32 @!p0 $0xFFFFF086;
	s6 =	sadd.s32 @!p0 s3, s7;
	s7 =	simm.s32 @!p0 $0x108  }
0x21: {  	s3 =	sadd.s32 s3, s9;
	s6 =	sadd.s32 @!p0 $0x88, s6;
	s7 =	simm.s32 @p2 $0x1082  }
0x22: {  	[simem:s7], [sflag:s8] =	dma.local @!p0 [hbm:s6], $0xF7A  }
0x23: {  	s9 =	sor.u32 $0xD0000000, s2;
	s6 =	simm.s32 $0x108;
	_ =	swait.ge @!p0 [sflag:s8], $0x0  }
0x24: {  	s3 =	sadd.s32 $0x88, s3;
	s6 =	simm.s32 @!p1 $0x1082;
	[sflag:s4] =	ssyncset.s32 $0xFFFFF086  }
0x25: {  	[simem:s6], [sflag:s4] =	dma.local [hbm:s3], $0xF7A  }
0x26: {  	[smem:$0x3F9B] =	sst s1;
	(tag) =	ssettag s2;
	_ =	strace s9  }
0x27: {  	s1 =	sld [smem:$0x3FAB]  }
0x28: {  	s2 =	sld [smem:$0x3FAC]  }
0x29: {  	s4 =	sld [smem:$0x3FAE]  }
0x2a: {  	p0 =	seq.s32 s5, $0x0;
	s5 =	sld [smem:$0x3FAF]  }
0x2b: {  	s6 =	sld [smem:$0x3FB0]  }
0x2c: {  	s7 =	sld [smem:$0x3FB1]  }
0x2d: {  	s3 =	simm.s32 $0x108;
	s8 =	sld [smem:$0x3FB2]  }
0x2e: {  	s3 =	simm.s32 @!p0 $0x1082;
	s9 =	sld [smem:$0x3FB3]  }
0x2f: {  	lr =	sadd.s32 s0, s3;
	s0 =	sld [smem:$0x3FAA]  }
0x30: {  	s3 =	sld [smem:$0x3FAD]  }
0x31: {  	[smem:$0x3FB6] =	sst s10  }
0x32: {  	s10 =	sld [smem:$0x3FB4];
	_ =	sdelay $0x3  }
0x33: {  	p0 =	seq.s32 s10, $0x1;
	s10 =	sld [smem:$0x3FB6];
	_ =	sdelay $0x3  }
0x34: {  	[smem:$0x3FB6] =	sst s10  }
0x35: {  	s10 =	sld [smem:$0x3FB5];
	_ =	sdelay $0x3  }
0x36: {  	p1 =	seq.s32 s10, $0x1;
	s10 =	sld [smem:$0x3FB6];
	_ =	sdelay $0x3  }
0x37: {  	[smem:$0x3FB6] =	sst s10  }
0x38: {  	s10 =	sld [smem:$0x3FB7]  }
0x39: {  	_ = 	snop;
	(pc) =	sbr.ind lr, $3  }
0x3a: {  	_ = 	snop  }
0x3b: {  	_ = 	snop  }
0x3c: {  	p2 =	seq.s32 s10, $0x1;
	s10 =	sld [smem:$0x3FB6]  }
0x3d: {  	_ =	shalt  }
0x3e: {  	_ =	shalt  }
0x3f: {  	_ =	shalt  }
0x40: {  	_ =	shalt  }
0x41: {  	_ =	shalt  }
0x42: {  	_ =	shalt  }
0x43: {  	_ =	shalt  }
0x44: {  	_ =	shalt  }
0x45: {  	_ =	shalt  }
0x46: {  	_ =	shalt  }
0x47: {  	_ =	shalt  }
0x48: {  	_ =	shalt  }
0x49: {  	_ =	shalt  }
0x4a: {  	_ =	shalt  }
0x4b: {  	_ =	shalt  }
0x4c: {  	_ =	shalt  }
0x4d: {  	_ =	shalt  }
0x4e: {  	_ =	shalt  }
0x4f: {  	_ =	shalt  }
0x50: {  	_ =	shalt  }
0x51: {  	_ =	shalt  }
0x52: {  	_ =	shalt  }
0x53: {  	_ =	shalt  }
0x54: {  	_ =	shalt  }
0x55: {  	_ =	shalt  }
0x56: {  	_ =	shalt  }
0x57: {  	_ =	shalt  }
0x58: {  	_ =	shalt  }
0x59: {  	_ =	shalt  }
0x5a: {  	_ =	shalt  }
0x5b: {  	_ =	shalt  }
0x5c: {  	_ =	shalt  }
0x5d: {  	_ =	shalt  }
0x5e: {  	_ =	shalt  }
0x5f: {  	_ =	shalt  }
0x60: {  	_ =	shalt  }
0x61: {  	_ =	shalt  }
0x62: {  	_ =	shalt  }
0x63: {  	_ =	shalt  }
0x64: {  	_ =	shalt  }
0x65: {  	_ =	shalt  }
0x66: {  	_ =	shalt  }
0x67: {  	_ =	shalt  }
0x68: {  	_ =	shalt  }
0x69: {  	_ =	shalt  }
0x6a: {  	_ =	shalt  }
0x6b: {  	_ =	shalt  }
0x6c: {  	_ =	shalt  }
0x6d: {  	_ =	shalt  }
0x6e: {  	_ =	shalt  }
0x6f: {  	_ =	shalt  }
0x70: {  	_ =	shalt  }
0x71: {  	_ =	shalt  }
0x72: {  	_ =	shalt  }
0x73: {  	_ =	shalt  }
0x74: {  	_ =	shalt  }
0x75: {  	_ =	shalt  }
0x76: {  	_ =	shalt  }
0x77: {  	_ =	shalt  }
0x78: {  	_ =	shalt  }
0x79: {  	_ =	shalt  }
0x7a: {  	_ =	shalt  }
0x7b: {  	_ =	shalt  }
0x7c: {  	_ =	shalt  }
0x7d: {  	_ =	shalt  }
0x7e: {  	_ =	shalt  }
0x7f: {  	_ =	shalt  }
0x80: {  	_ =	shalt  }
0x81: {  	_ =	shalt  }
0x82: {  	_ =	shalt  }
0x83: {  	_ =	shalt  }
0x84: {  	_ =	shalt  }
0x85: {  	_ =	shalt  }
0x86: {  	_ =	shalt  }
0x87: {  	_ =	shalt  }
.Lfunc_end0:
.L_simem_size_0:
called_computation_lowered:
.L_overlay_start_0:
0x88: {  	s2 =	sld [smem:$0x3FD9]  }
0x89: {  	s3 =	sld [smem:$0x3FFE];
	_ =	sdelay $0x1  }
0x8a: {  	s1 =	srdreg.scid  }
0x8b: {  	s0 =	sand.u32 $0x1, s1  }
0x8c: {  	s14 =	sshll.u32 s0, $0xA;
	s2 =	sadd.s32 s3, s2  }
0x8d: {  	s2 =	sadd.s32 s2, s14  }
0x8e: {  	[smem:$0x3FC2] =	sst s2  }
0x8f: {  	_ = 	snop  }
0x90: {  	s2 =	sld [smem:$0x3FD0];
	_ =	sdelay $0x2  }
0x91: {  	s15 =	simm.s32 $0xA;
	s4 =	simm.s32 $0x10  }
0x92: {  	[smem:s4], [sflag:s15] =	dma.local [hbm:s2], $0x1  }
0x93: {  	_ =	swait.eq [sflag:s15], $0x1  }
0x94: {  	[sflag:s15] =	ssyncset.done $0x0  }
0x95: {  	[sflag:s15] =	ssyncadd.s32 $0xFFFFFFFF  }
0x96: {  	s16 =	sld [smem:$0x11];
	(tm) =	ssettm $0x1  }
0x97: {  	s17 =	sld [smem:$0x3FFB];
	_ =	sdelay $0x3  }
0x98: {  	_ =	strace s17  }
0x99: {  	s3 =	sld [smem:$0x3FFC];
	_ =	sdelay $0x3  }
0x9a: {  	_ =	strace s3  }
0x9b: {  	s3 =	sld [smem:$0x3FFD];
	_ =	sdelay $0x3  }
0x9c: {  	_ =	strace s3  }
0x9d: {  	_ =	strace $0x8FFFFFFF  }
0x9e: {  	s18 =	sld [smem:$0x3FDB];
	_ =	sdelay $0x1  }
0x9f: {  	s19 =	simm.s32 $_scs_section_size  }
0xa0: {  	s5 =	simm.s32 $_size__tile_overlayer_lowered;
	s6 =	simm.s32 $_tile_overlayer_lowered  }
0xa1: {  	s22 =	simm.s32 $0x1BFF;
	s21 =	sshll.u32 s6, $0x1;
	s3 =	sadd.s32 s19, s18  }
0xa2: {  	s7 =	simm.s32 $0x0;
	s20 =	sshll.u32 s5, $0x1;
	s5 =	sadd.s32 s21, s3  }
0xa3: {  	[timem:s7], [sflag:s22] =	dma.local [hbm:s5], s20  }
0xa4: {  	_ =	swait.ge [sflag:s22], s20  }
0xa5: {  	s4 =	ssub.s32 $0x0, s20;
	[sflag:s22] =	ssyncset.done $0x0  }
0xa6: {  	[sflag:s22] =	ssyncadd.s32 s4;
	_ =	sdelay $0x1  }
0xa7: {  	s23 =	simm.s32 $0x1B8B  }
0xa8: {  	_ =	swait.ge [sflag:s23], $0x1  }
0xa9: {  	[sflag:s23] =	ssyncset.done $0x0  }
0xaa: {  	s25 =	simm.s32 $0x1B8E;
	s24 =	sld [smem:$0x3FFE];
	[sflag:s23] =	ssyncadd.s32 $0xFFFFFFFF  }
0xab: {  	s26 =	simm.s32 $execute0_lowered;
	[smem:$0x3FD2] =	sst s25  }
0xac: {  	s5 =	sshll.u32 s26, $0x1;
	_ =	strace $0x80000046;
	[dreg:$0x1] =	wrdreg $0xFFFFFFFF  }
0xad: {  	s28 =	simm.s32 $_size_execute0_lowered;
	s3 =	sadd.s32 s3, s5;
	[dreg:$0x0] =	wrdreg $0x0  }
0xae: {  	s5 =	sshll.u32 s28, $0x1;
	[dreg:$0x2] =	wrdreg s3  }
0xaf: {  	[dreg:$0x3] =	wrdreg s5  }
0xb0: {  	[dreg:$0x4] =	wrdreg $0xC0  }
0xb1: {  	_ =	task [dreg:s7], $0x5FFFF  }
0xb2: {  	[dreg:$0x1] =	wrdreg $0xFFFFFFFF  }
0xb3: {  	[dreg:$0x0] =	wrdreg $0x60  }
0xb4: {  	[dreg:$0x2] =	wrdreg s16  }
0xb5: {  	[dreg:$0x3] =	wrdreg s24  }
0xb6: {  	[dreg:$0x4] =	wrdreg $0x38800  }
0xb7: {  	[dreg:$0x5] =	wrdreg $0x9  }
0xb8: {  	_ =	task.clear_ibuf [dreg:s7], $0x6FFFF;
	_ =	strace $0x90000046  }
0xb9: {  	s29 =	simm.s32 $0x9;
	_ =	strace $0x80000048  }
0xba: {  	_ =	swait.ge [sflag:s29], $0x1  }
0xbb: {  	[sflag:s29] =	ssyncadd.s32 $0xFFFFFFFF  }
0xbc: {  	_ =	strace $0x90000048  }
0xbd: {  	_ =	sfence  }
0xbe: {  	s30 =	sld [smem:$0x0];
	_ =	sdelay $0x2  }
0xbf: {  	s31 =	sshll.u32 s1, $0xD;
	s1 =	sshrl.u32 s1, $0x2  }
0xc0: {  	s3 =	sand.u32 $0x4000, s31;
	s1 =	sadd.s32 s1, s30  }
0xc1: {  	s0 =	sor.u32 s3, s0;
	s1 =	sshll.u32 s1, $0x11  }
0xc2: {  	s0 =	sor.u32 s1, s0  }
0xc3: {  	s0 =	sadd.s32 $0x8F2B, s0  }
0xc4: {  	[sflag:s0] =	ssyncadd.remote.s32 $0x1  }
0xc5: {  	_ =	sfence.sel $0xFFFF  }
0xc6: {  	[dreg:$0x0] =	wrdreg $0xFFFFFFFF;
	(pc) =	sbr.abs _section_cstart, $3  }
0xc7: {  	[dreg:$0x1] =	wrdreg $0xFFFFFFFF  }
0xc8: {  	_ =	task.clear_ibuf [dreg:s7], $0x2FFFF;
	_ =	strace $0x9FFFFFFF  }
0xc9: {  	(tm) =	ssettm $0x7FFFFFFF  }
tec
execute0_lowered:
.L_overlay_start_1:
0x0: {  	(tag) =	ssettag $0x1  }
0x1: {  	s9 =	rddreg [dreg:$0x0]  }
0x2: {  	s4 =	rddreg [dreg:$0x1]  }
0x3: {  	s1 =	rddreg [dreg:$0x2]  }
0x4: {  	s0 =	rddreg [dreg:$0x3];
	s3 =	simm.s32 $0x0;
	s5 =	srdreg.scid  }
0x5: {  	s2 =	stileid.u32;
	s19 =	simm.s32 $0x2880;
	s20 =	simm.s32 $0x1  }
0x6: {  	s21 =	simm.s32 $0x0;
	[smem:$0x7FF] =	sst s3;
	s7 =	sand.u32 $0x1, s5  }
0x7: {  	s10 =	smul.u32 $0x2800, s2;
	s14 =	sadd.s32 $0x1800, s4;
	s6 =	sshll.u32 s2, $0x1  }
0x8: {  	_ =	strace $0x80000047;
	s5 =	ssub.s32 $0x2, s7;
	s8 =	sor.u32 s7, s6  }
0x9: {  	s16 =	smul.u32 $0x28000, s7;
	s31 =	sshrl.u32 s5, $0x1;
	s11 =	sadd.s32 $0x800, s10  }
0xa: {  	s4 =	sadd.s32 s10, s1;
	s12 =	sadd.s32 $0x1000, s10;
	s13 =	sadd.s32 $0x1800, s10  }
0xb: {  	s17 =	sadd.s32 $0x2000, s10;
	s18 =	smul.u32 $0x510, s8;
	s15 =	ssub.s32 s5, s31  }
0xc: {  	s5 =	sadd.s32 s11, s1;
	s6 =	sadd.s32 s12, s1;
	s7 =	sadd.s32 s13, s1  }
0xd: {  	s8 =	sadd.s32 s17, s1;
	s10 =	sadd.s32 s10, s16;
	s11 =	sadd.s32 s16, s11  }
0xe: {  	s12 =	sadd.s32 s16, s12;
	s13 =	sadd.s32 s16, s13;
	s16 =	sadd.s32 s16, s17  }
0xf: {  	s17 =	simm.s32 $0x2;
	s9 =	sadd.s32 s9, s18;
	s10 =	sshrl.u32 s10, $0x3  }
0x10: {  	s11 =	sshrl.u32 s11, $0x3;
	s12 =	sshrl.u32 s12, $0x3;
	s13 =	sshrl.u32 s13, $0x3  }
0x11: {  	s16 =	sshrl.u32 s16, $0x3;
	s15 =	smax.u32 s15, $0x1;
	s18 =	simm.s32 $0x80  }
0x12: {  	s10 =	sadd.s32 s14, s10;
	s11 =	sadd.s32 s14, s11;
	s12 =	sadd.s32 s14, s12  }
0x13: {  	v0 =	vimm.f32 $1.000000000e+00;
	v1 =	vimm.f32 $0.0e+00;
	s13 =	sadd.s32 s14, s13;
	s14 =	sadd.s32 s14, s16;
	s16 =	simm.s32 $0x3080  }
.LBB2_1:
0x14: {  	s22 =	simm.s32 $0x0  }
.LBB2_2:
0x15: {  	p0 =	sne.s32 s22, $0x1FC0  }
.Ltmp0:
0x16: {  	_ = 	snop;
	(pc) =	sbr.rel @p0 .LBB2_2-.Ltmp0, $3  }
0x17: {  	_ =	sdelay $0x1  }
0x18: {  	s23 =	sshra.s32 s22, $0x2  }
0x19: {  	s22 =	sadd.s32 $0x40, s22;
	[tilespmem:s23+$0x2880] =	vst v0  }
0x1a: {  	s22 =	simm.s32 $0x40;
	s23 =	simm.s32 $0x0  }
.LBB2_4:
0x1b: {  	p0 =	sne.s32 s22, $0x1FC0;
	[tilespmem:s23+$0x3080] =	vst v1;
	s23 =	smov.u32 s22;
	s22 =	sadd.s32 $0x40, s22  }
.Ltmp1:
0x1c: {  	(pc) =	sbr.rel @p0 .LBB2_4-.Ltmp1, $2  }
0x1d: {  	_ =	sdelay $0x2  }
0x1e: {  	s23 =	sshra.s32 s23, $0x2  }
0x1f: {  	[tilespmem:s23+$0x3080] =	vst v1  }
0x20: {  	[spmem:s4] =	stream.linear.scatter [tilespmem:s16], [sflag:$0x2], $0x800, $0x38;
	[tilespmem:$0x6080] =	vst v63  }
0x21: {  	_ =	swait.ge [sflag:s17], $0x800  }
0x22: {  	[sflag:s17] =	ssyncset.done $0x0  }
0x23: {  	[sflag:s17] =	ssyncadd.s32 $0xFFFFF800  }
0x24: {  	[spmem:s5] =	stream.linear.scatter [tilespmem:s16], [sflag:$0x2], $0x800, $0x38;
	[tilespmem:$0x6080] =	vst v63  }
0x25: {  	_ =	swait.ge [sflag:s17], $0x800  }
0x26: {  	[sflag:s17] =	ssyncset.done $0x0  }
0x27: {  	[sflag:s17] =	ssyncadd.s32 $0xFFFFF800  }
0x28: {  	[spmem:s6] =	stream.linear.scatter [tilespmem:s16], [sflag:$0x2], $0x800, $0x38;
	[tilespmem:$0x6080] =	vst v63  }
0x29: {  	_ =	swait.ge [sflag:s17], $0x800  }
0x2a: {  	[sflag:s17] =	ssyncset.done $0x0  }
0x2b: {  	[sflag:s17] =	ssyncadd.s32 $0xFFFFF800  }
0x2c: {  	[spmem:s7] =	stream.linear.scatter [tilespmem:s16], [sflag:$0x2], $0x800, $0x38;
	[tilespmem:$0x6080] =	vst v63  }
0x2d: {  	_ =	swait.ge [sflag:s17], $0x800  }
0x2e: {  	[sflag:s17] =	ssyncset.done $0x0  }
0x2f: {  	[sflag:s17] =	ssyncadd.s32 $0xFFFFF800  }
0x30: {  	[spmem:s8] =	stream.linear.scatter [tilespmem:s16], [sflag:$0x2], $0x800, $0x38;
	[tilespmem:$0x6080] =	vst v63  }
0x31: {  	_ =	swait.ge [sflag:s17], $0x800  }
0x32: {  	[sflag:s17] =	ssyncset.done $0x0  }
0x33: {  	[sflag:s17] =	ssyncadd.s32 $0xFFFFF800  }
0x34: {  	s22 =	simm.s32 $0x0;
	[bflag:$0x0] =	sbarrier.arrive $0xFFFF  }
0x35: {  	[tilespmem:s22], [sflag:$0x2] =	stream.linear.gather [hbm4b:s9+s22], $0x2880, $0x38;
	[tilespmem:$0x6080] =	vst v63  }
0x36: {  	_ =	swait.ge [sflag:s17], $0x2880  }
0x37: {  	[sflag:s17] =	ssyncset.done $0x0  }
0x38: {  	[sflag:s17] =	ssyncadd.s32 $0xFFFFD780  }
.LBB2_6:
0x39: {  	p0 =	sne.s32 s22, $0xA000  }
.Ltmp2:
0x3a: {  	_ = 	snop;
	(pc) =	sbr.rel @p0 .LBB2_6-.Ltmp2, $3  }
0x3b: {  	_ =	sdelay $0x1  }
0x3c: {  	s23 =	sshra.s32 s22, $0x2;
	s22 =	sadd.s32 $0x200, s22  }
0x3d: {  	[spmem:s1] =	stream.indirect.scatter.add.f32 [tilespmem:s19], [sflag:$0x1], $0x10, s23, s18, $0xb8;
	[tilespmem:$0x6080] =	vst v63  }
0x3e: {  	_ =	swait.ge [sflag:s20], $0x800  }
0x3f: {  	s22 =	simm.s32 $0x50;
	[sflag:s20] =	ssyncset.done $0x0  }
.LBB2_8:
0x40: {  	p0 =	sne.s32 s22, $0x1;
	s22 =	sadd.s32 $0xFFFFFFFF, s22;
	[sflag:s20] =	ssyncadd.s32 $0xFFFFF800  }
.Ltmp3:
0x41: {  	(pc) =	sbr.rel @p0 .LBB2_8-.Ltmp3, $3  }
0x42: {  	_ =	sdelay $0x1  }
0x43: {  	_ =	swait.ge [sflag:s20], $0x800  }
0x44: {  	[sflag:s20] =	ssyncset.done $0x0  }
0x45: {  	[sflag:s20] =	ssyncadd.s32 $0xFFFFF800  }
0x46: {  	[bflag:$0x0] =	sbarrier.arrive $0xFFFF  }
0x47: {  	[tilespmem:s16], [sflag:$0x2] =	stream.linear.gather [spmem:s4], $0x800, $0x38;
	[tilespmem:$0x6080] =	vst v63  }
0x48: {  	_ =	swait.ge [sflag:s17], $0x800  }
0x49: {  	[sflag:s17] =	ssyncset.done $0x0  }
0x4a: {  	[sflag:s17] =	ssyncadd.s32 $0xFFFFF800  }
0x4b: {  	[hbm4b:s10+s3] =	stream.linear.scatter [tilespmem:s16], [sflag:$0x2], $0x800, $0x38;
	[tilespmem:$0x6080] =	vst v63  }
0x4c: {  	_ =	swait.ge [sflag:s17], $0x800  }
0x4d: {  	[sflag:s17] =	ssyncset.done $0x0  }
0x4e: {  	[sflag:s17] =	ssyncadd.s32 $0xFFFFF800  }
0x4f: {  	[tilespmem:s16], [sflag:$0x2] =	stream.linear.gather [spmem:s5], $0x800, $0x38;
	[tilespmem:$0x6080] =	vst v63  }
0x50: {  	_ =	swait.ge [sflag:s17], $0x800  }
0x51: {  	[sflag:s17] =	ssyncset.done $0x0  }
0x52: {  	[sflag:s17] =	ssyncadd.s32 $0xFFFFF800  }
0x53: {  	[hbm4b:s11+s3] =	stream.linear.scatter [tilespmem:s16], [sflag:$0x2], $0x800, $0x38;
	[tilespmem:$0x6080] =	vst v63  }
0x54: {  	_ =	swait.ge [sflag:s17], $0x800  }
0x55: {  	[sflag:s17] =	ssyncset.done $0x0  }
0x56: {  	[sflag:s17] =	ssyncadd.s32 $0xFFFFF800  }
0x57: {  	[tilespmem:s16], [sflag:$0x2] =	stream.linear.gather [spmem:s6], $0x800, $0x38;
	[tilespmem:$0x6080] =	vst v63  }
0x58: {  	_ =	swait.ge [sflag:s17], $0x800  }
0x59: {  	[sflag:s17] =	ssyncset.done $0x0  }
0x5a: {  	[sflag:s17] =	ssyncadd.s32 $0xFFFFF800  }
0x5b: {  	[hbm4b:s12+s3] =	stream.linear.scatter [tilespmem:s16], [sflag:$0x2], $0x800, $0x38;
	[tilespmem:$0x6080] =	vst v63  }
0x5c: {  	_ =	swait.ge [sflag:s17], $0x800  }
0x5d: {  	[sflag:s17] =	ssyncset.done $0x0  }
0x5e: {  	[sflag:s17] =	ssyncadd.s32 $0xFFFFF800  }
0x5f: {  	[tilespmem:s16], [sflag:$0x2] =	stream.linear.gather [spmem:s7], $0x800, $0x38;
	[tilespmem:$0x6080] =	vst v63  }
0x60: {  	_ =	swait.ge [sflag:s17], $0x800  }
0x61: {  	[sflag:s17] =	ssyncset.done $0x0  }
0x62: {  	[sflag:s17] =	ssyncadd.s32 $0xFFFFF800  }
0x63: {  	[hbm4b:s13+s3] =	stream.linear.scatter [tilespmem:s16], [sflag:$0x2], $0x800, $0x38;
	[tilespmem:$0x6080] =	vst v63  }
0x64: {  	_ =	swait.ge [sflag:s17], $0x800  }
0x65: {  	[sflag:s17] =	ssyncset.done $0x0  }
0x66: {  	[sflag:s17] =	ssyncadd.s32 $0xFFFFF800  }
0x67: {  	[tilespmem:s16], [sflag:$0x2] =	stream.linear.gather [spmem:s8], $0x800, $0x38;
	[tilespmem:$0x6080] =	vst v63  }
0x68: {  	s21 =	sadd.s32 $0x1, s21;
	_ =	swait.ge [sflag:s17], $0x800  }
0x69: {  	p0 =	sne.s32 s21, s15;
	[sflag:s17] =	ssyncset.done $0x0  }
.Ltmp4:
0x6a: {  	[sflag:s17] =	ssyncadd.s32 $0xFFFFF800;
	(pc) =	sbr.rel @p0 .LBB2_1-.Ltmp4, $4  }
0x6b: {  	[hbm4b:s14+s3] =	stream.linear.scatter [tilespmem:s16], [sflag:$0x2], $0x800, $0x38;
	[tilespmem:$0x6080] =	vst v63  }
0x6c: {  	_ =	swait.ge [sflag:s17], $0x800  }
0x6d: {  	[sflag:s17] =	ssyncset.done $0x0  }
0x6e: {  	[sflag:s17] =	ssyncadd.s32 $0xFFFFF800  }
0x6f: {  	_ =	sfence.sel $0x180000  }
0x70: {  	[bflag:$0x0] =	sbarrier.arrive $0xFFFF  }
0x71: {  	p0 =	sne.s32 s2, $0x0;
	_ =	strace $0x90000047  }
0x72: {  	s0 =	sadd.s32 @!p0 $0x100000, s0;
	[bflag:$0x2] =	sbarrier.arrive $0xFFFF  }
0x73: {  	[sflag:s0] =	ssyncadd.tile.s32 @!p0 $0x1;
	_ =	shalt  }
.Lfunc_end2:
_tile_overlayer_lowered:
.L_overlay_start_2:
0x74: {  	(tag) =	ssettag $0x2  }
0x75: {  	s0 =	rddreg [dreg:$0x0];
	s2 =	stileid.u32  }
0x76: {  	s1 =	rddreg [dreg:$0x1];
	p0 =	sne.s32 s2, $0x0  }
0x77: {  	s3 =	rddreg [dreg:$0x2];
	[bflag:$0x3] =	sbarrier.arrive $0xFFFF;
	s2 =	simm.s32 @!p0 $0x1C02  }
0x78: {  	[timem:s3], [sflag:s2] =	dma.local @!p0 [hbm:s0], s1  }
0x79: {  	s0 =	simm.s32 @!p0 $0x2  }
0x7a: {  	_ =	swait.ge @!p0 [sflag:s0], s1  }
0x7b: {  	s1 =	ssub.s32 @!p0 $0x0, s1;
	[sflag:s0] =	ssyncset.done @!p0 $0x0  }
0x7c: {  	[sflag:s0] =	ssyncadd.s32 @!p0 s1  }
0x7d: {  	[bflag:$0x3] =	sbarrier.arrive $0xFFFF  }
0x7e: {  	_ =	shalt  }

</sc_bundles>
